<compile_context>
chip_gen: v7x
topology: tpu7x:2x2x1
jax: 0.10.2.dev20260603
libtpu: 0.0.44.dev20260713+nightly
codegen_flags: <defaults>
</compile_context>

<pallas_src>
import functools
import math

import jax
import jax.numpy as jnp
from jax import lax
from jax.experimental import pallas as pl
from jax.experimental.pallas import tpu as pltpu
from jax.experimental.pallas import tpu_sc as plsc

N = 10000
E = 320000
D = 128
NSH = 15
NTP = 8
DMSG = D + NTP * NSH
DOUT = 192
NSPECIES = 5
NBASIS = 8
HID = 64
AVG = 32.0

NC = 2
NS = 16
NW = NC * NS
NH = 2
EH = E // NH
EW = EH // NW
CHG = 100
KC = EW // CHG
SPT = N // NS
C1W = DOUT - D
ET = EH // NS
CHS = 40
KC2 = ET // CHS

GKG = 5
GKS = 2
RS = 4


def _gather_body(tab_hbm, idx_hbm, out_hbm, idx_r, rows_v, isem, gsem, wsem):
    c = lax.axis_index("c")
    s = lax.axis_index("s")
    wid = c * NS + s
    ngroups = KC // GKG

    def grp(g, carry):
        p = lax.rem(g, 2) * GKG

        @pl.when(g >= 2)
        def _():
            for b in range(GKG):
                pltpu.make_async_copy(
                    rows_v.at[p + b], out_hbm.at[pl.ds(0, CHG)], wsem).wait()

        for b in range(GKG):
            i = g * GKG + b
            pltpu.async_copy(idx_hbm.at[wid, i], idx_r.at[p + b], isem)
        for b in range(GKG):
            i = g * GKG + b
            pltpu.make_async_copy(
                idx_hbm.at[wid, i], idx_r.at[p + b], isem).wait()
            pltpu.async_copy(tab_hbm.at[idx_r.at[p + b]], rows_v.at[p + b],
                             gsem)
        for b in range(GKG):
            pltpu.make_async_copy(
                tab_hbm.at[idx_r.at[p + b]], rows_v.at[p + b], gsem).wait()
        for b in range(GKG):
            i = g * GKG + b
            pltpu.async_copy(rows_v.at[p + b],
                             out_hbm.at[pl.ds(wid * EW + i * CHG, CHG)], wsem)
        return carry

    lax.fori_loop(0, ngroups, grp, 0)
    for b in range(2 * GKG):
        pltpu.make_async_copy(
            rows_v.at[b], out_hbm.at[pl.ds(0, CHG)], wsem).wait()


@functools.cache
def _sc_kernels():
    mesh = plsc.VectorSubcoreMesh(core_axis_name="c", subcore_axis_name="s")
    gather = pl.kernel(
        _gather_body,
        out_type=jax.ShapeDtypeStruct((EH, D), jnp.float32),
        mesh=mesh,
        compiler_params=pltpu.CompilerParams(use_tc_tiling_on_sc=False),
        scratch_types=[
            pltpu.VMEM((2 * GKG, CHG), jnp.int32),
            pltpu.VMEM((2 * GKG, CHG, D), jnp.float32),
            pltpu.SemaphoreType.DMA,
            pltpu.SemaphoreType.DMA,
            pltpu.SemaphoreType.DMA,
        ],
    )
    scatter = pl.kernel(
        _scatter_body,
        out_type=jax.ShapeDtypeStruct((NC * N, D), jnp.float32),
        mesh=mesh,
        compiler_params=pltpu.CompilerParams(use_tc_tiling_on_sc=False),
        scratch_types=[
            pltpu.VMEM((RS * GKS, CHS), jnp.int32),
            pltpu.VMEM((RS * GKS, CHS, D), jnp.float32),
            pltpu.VMEM_SHARED((N, D), jnp.float32),
            pltpu.SemaphoreType.DMA,
            pltpu.SemaphoreType.DMA,
            pltpu.SemaphoreType.DMA,
        ],
    )
    return gather, scatter


def _scatter_body(y0_hbm, y1_hbm, idx_hbm, zeros_hbm, out_hbm, idx_r, rows_v,
                  acc_sh, isem, rsem, asem):
    c = lax.axis_index("c")
    s = lax.axis_index("s")
    pltpu.sync_copy(zeros_hbm, acc_sh.at[pl.ds(s * SPT, SPT)])
    plsc.subcore_barrier()

    ngroups = KC2 // GKS

    def grp(g, carry):
        p = lax.rem(g, RS) * GKS

        @pl.when(g >= RS)
        def _():
            for b in range(GKS):
                pltpu.make_async_copy(
                    rows_v.at[p + b], acc_sh.at[idx_r.at[0]], asem).wait()

        for b in range(GKS):
            i = g * GKS + b
            pltpu.async_copy(idx_hbm.at[s, i], idx_r.at[p + b], isem)

            @pl.when(c == 0)
            def _():
                pltpu.async_copy(y0_hbm.at[pl.ds(s * ET + i * CHS, CHS)],
                                 rows_v.at[p + b], rsem)

            @pl.when(c == 1)
            def _():
                pltpu.async_copy(y1_hbm.at[pl.ds(s * ET + i * CHS, CHS)],
                                 rows_v.at[p + b], rsem)
        for b in range(GKS):
            i = g * GKS + b
            pltpu.make_async_copy(
                idx_hbm.at[s, i], idx_r.at[p + b], isem).wait()
            pltpu.make_async_copy(
                y0_hbm.at[pl.ds(s * ET + i * CHS, CHS)],
                rows_v.at[p + b], rsem).wait()
        for b in range(GKS):
            pltpu.async_copy(rows_v.at[p + b], acc_sh.at[idx_r.at[p + b]],
                             asem, add=True)
        return carry

    lax.fori_loop(0, ngroups, grp, 0)
    for b in range(RS * GKS):
        pltpu.make_async_copy(
            rows_v.at[b], acc_sh.at[idx_r.at[0]], asem).wait()
    plsc.subcore_barrier()
    pltpu.sync_copy(
        acc_sh.at[pl.ds(s * SPT, SPT)],
        out_hbm.at[pl.ds(c * N + s * SPT, SPT)],
    )


_EB = 6400


def _edge_kernel(vtref, gref, w1, w2, w3, wd0, wd1, y0ref, y1ref):
    vt = vtref[...]
    x = vt[0:1, :]
    y = vt[1:2, :]
    z = vt[2:3, :]
    length = jnp.sqrt(x * x + y * y + z * z)
    safe = jnp.where(length == 0.0, 1.0, length)
    inv = 1.0 / safe
    ux, uy, uz = x * inv, y * inv, z * inv

    s3 = math.sqrt(3.0)
    s15 = math.sqrt(15.0)
    s5h = math.sqrt(5.0) / 2.0
    c1 = math.sqrt(35.0 / 8.0)
    c2 = math.sqrt(105.0)
    c3 = math.sqrt(21.0 / 8.0)
    c4 = math.sqrt(7.0) / 2.0
    zz = uz * uz
    shT = jnp.concatenate([
        s3 * ux, s3 * uy, s3 * uz,
        s15 * ux * uy,
        s15 * uy * uz,
        s5h * (3.0 * zz - 1.0),
        s15 * ux * uz,
        (s15 / 2.0) * (ux * ux - uy * uy),
        c1 * uy * (3.0 * ux * ux - uy * uy),
        c2 * ux * uy * uz,
        c3 * uy * (5.0 * zz - 1.0),
        c4 * uz * (5.0 * zz - 3.0),
        c3 * ux * (5.0 * zz - 1.0),
        (c2 / 2.0) * uz * (ux * ux - uy * uy),
        c1 * ux * (ux * ux - 3.0 * uy * uy),
    ], axis=0)

    kcol = (lax.broadcasted_iota(jnp.int32, (NBASIS, 1), 0) + 1).astype(jnp.float32)
    basisT = math.sqrt(2.0) * jnp.sin(jnp.pi * kcol * length) * inv
    stackT = jnp.concatenate(
        [shT, basisT, jnp.zeros((1, _EB), jnp.float32)], axis=0)
    st = stackT.T
    sh = st[:, :NSH]
    basis = st[:, NSH:NSH + NBASIS]

    h = jax.nn.silu(jnp.dot(basis, w1[...], preferred_element_type=jnp.float32))
    h = jax.nn.silu(jnp.dot(h, w2[...], preferred_element_type=jnp.float32))
    mix = jnp.dot(h.astype(jnp.bfloat16), w3[...].astype(jnp.bfloat16),
                  preferred_element_type=jnp.float32)

    msg = gref[...]
    rr = lax.broadcasted_iota(jnp.int32, (NTP, NTP * NSH), 0)
    rc = lax.broadcasted_iota(jnp.int32, (NTP, NTP * NSH), 1)
    Rm = (rc // NSH == rr).astype(jnp.float32)
    sr = lax.broadcasted_iota(jnp.int32, (NSH, NTP * NSH), 0)
    sc = lax.broadcasted_iota(jnp.int32, (NSH, NTP * NSH), 1)
    Sm = (sc % NSH == sr).astype(jnp.float32)
    tp = (jnp.dot(msg[:, :NTP], Rm, preferred_element_type=jnp.float32)
          * jnp.dot(sh, Sm, preferred_element_type=jnp.float32))

    messages = (jnp.concatenate([msg, tp], axis=1) * mix).astype(jnp.bfloat16)
    sc = 1.0 / math.sqrt(AVG)
    y0ref[...] = jnp.dot(messages, wd0[...].astype(jnp.bfloat16),
                         preferred_element_type=jnp.float32) * sc
    y1ref[...] = jnp.dot(messages, wd1[...].astype(jnp.bfloat16),
                         preferred_element_type=jnp.float32) * sc


def _make_edge_call(h):
    off = h * (EH // _EB)
    return pl.pallas_call(
        _edge_kernel,
        grid=(EH // _EB,),
        in_specs=[
            pl.BlockSpec((3, _EB), lambda i: (0, i + off)),
            pl.BlockSpec((_EB, D), lambda i: (i, 0)),
            pl.BlockSpec((NBASIS, HID), lambda i: (0, 0)),
            pl.BlockSpec((HID, HID), lambda i: (0, 0)),
            pl.BlockSpec((HID, DMSG), lambda i: (0, 0)),
            pl.BlockSpec((DMSG, D), lambda i: (0, 0)),
            pl.BlockSpec((DMSG, D), lambda i: (0, 0)),
        ],
        out_specs=[
            pl.BlockSpec((_EB, D), lambda i: (i, 0)),
            pl.BlockSpec((_EB, D), lambda i: (i, 0)),
        ],
        out_shape=[
            jax.ShapeDtypeStruct((EH, D), jnp.float32),
            jax.ShapeDtypeStruct((EH, D), jnp.float32),
        ],
    )


_edge_calls = [_make_edge_call(0), _make_edge_call(1)]


def _up_kernel(nfr, wup, outr):
    outr[...] = jnp.dot(nfr[...], wup[...], preferred_element_type=jnp.float32)


_up_call = pl.pallas_call(
    _up_kernel,
    grid=(10,),
    in_specs=[
        pl.BlockSpec((1000, D), lambda i: (i, 0)),
        pl.BlockSpec((D, D), lambda i: (0, 0)),
    ],
    out_specs=pl.BlockSpec((1000, D), lambda i: (i, 0)),
    out_shape=jax.ShapeDtypeStruct((N, D), jnp.float32),
)


_NB = 1000


def _node_kernel(a0a, a1a, a0b, a1b, nfr, spr, wsk, outr):
    nf = nfr[...]
    sp = spr[...]
    skip = jnp.zeros((_NB, DOUT), jnp.float32)
    for sidx in range(NSPECIES):
        m = (sp == sidx).astype(jnp.float32)
        skip = skip + m * jnp.dot(nf, wsk[sidx],
                                  preferred_element_type=jnp.float32)
    a0 = a0a[...] + a0b[...]
    a1 = a1a[...] + a1b[...]
    acc = jnp.concatenate([a0, a1[:, :C1W]], axis=1) + skip
    scal = jax.nn.silu(acc[:, :HID])
    gates = jax.nn.silu(acc[:, HID:2 * HID])
    vec = acc[:, 2 * HID:] * gates
    outr[...] = jnp.concatenate([scal, vec], axis=1)


_node_call = pl.pallas_call(
    _node_kernel,
    grid=(N // _NB,),
    in_specs=[
        pl.BlockSpec((_NB, D), lambda i: (i, 0)),
        pl.BlockSpec((_NB, D), lambda i: (i + N // _NB, 0)),
        pl.BlockSpec((_NB, D), lambda i: (i, 0)),
        pl.BlockSpec((_NB, D), lambda i: (i + N // _NB, 0)),
        pl.BlockSpec((_NB, D), lambda i: (i, 0)),
        pl.BlockSpec((_NB, 1), lambda i: (i, 0)),
        pl.BlockSpec((NSPECIES, D, DOUT), lambda i: (0, 0, 0)),
    ],
    out_specs=pl.BlockSpec((_NB, D), lambda i: (i, 0)),
    out_shape=jax.ShapeDtypeStruct((N, D), jnp.float32),
)


def kernel(vectors, node_feats, node_specie, senders, receivers,
           W_up, W1, W2, W3, W_skip, W_down):
    senders2 = senders.astype(jnp.int32).reshape(NH, NW, KC, CHG)
    receivers2 = receivers.astype(jnp.int32).reshape(NH, NS, KC2, CHS)

    _gather, _scatter = _sc_kernels()
    up = _up_call(node_feats, W_up)
    wd0 = W_down[:, :D]
    wd1p = jnp.concatenate(
        [W_down[:, D:], jnp.zeros((DMSG, D - C1W), jnp.float32)], axis=1)
    zeros = jnp.zeros((SPT, D), jnp.float32)
    vt = vectors.T

    accs = []
    for h in range(NH):
        gathered = _gather(up, senders2[h])
        y0, y1 = _edge_calls[h](vt, gathered, W1, W2, W3, wd0, wd1p)
        accs.append(_scatter(y0, y1, receivers2[h], zeros))
    out = _node_call(accs[0], accs[0], accs[1], accs[1], node_feats,
                     node_specie.astype(jnp.int32).reshape(N, 1), W_skip)
    return out

# --- scband reference (transcript-rebuilt; emitter-appended) ---
"""Pipeline reference for scband-nequiplayer-flax-40175124086945 (READ-ONLY COPY).

The authoritative reference and input builder live on the scoring server;
editing this copy changes nothing except your own understanding.
"""

import jax, jax.numpy as jnp
import numpy as np

N = 10000
E = 320000
D = 128
NSH = 15
NTP = 8
DMSG = D + NTP * NSH
DOUT = 192
NSPECIES = 5
NBASIS = 8
HID = 64
AVG = 32.0

def _spherical_harmonics(u):
    x, y, z = u[:, 0], u[:, 1], u[:, 2]
    sh1 = jnp.sqrt(3.0) * jnp.stack([x, y, z], axis=-1)
    sh2 = jnp.stack([
        jnp.sqrt(15.0) * x * y,
        jnp.sqrt(15.0) * y * z,
        (jnp.sqrt(5.0) / 2.0) * (3.0 * z * z - 1.0),
        jnp.sqrt(15.0) * x * z,
        (jnp.sqrt(15.0) / 2.0) * (x * x - y * y),
    ], axis=-1)
    c1 = jnp.sqrt(35.0 / 8.0)
    c2 = jnp.sqrt(105.0)
    c3 = jnp.sqrt(21.0 / 8.0)
    c4 = jnp.sqrt(7.0) / 2.0
    sh3 = jnp.stack([
        c1 * y * (3.0 * x * x - y * y),
        c2 * x * y * z,
        c3 * y * (5.0 * z * z - 1.0),
        c4 * z * (5.0 * z * z - 3.0),
        c3 * x * (5.0 * z * z - 1.0),
        (c2 / 2.0) * z * (x * x - y * y),
        c1 * x * (x * x - 3.0 * y * y),
    ], axis=-1)
    return jnp.concatenate([sh1, sh2, sh3], axis=-1)

def setup_inputs(seed: int = 0):
    key = jax.random.key(seed)
    ks = jax.random.split(key, 11)
    return {
        'vectors': jax.random.normal(ks[0], (E, 3), jnp.float32),
        'node_feats': jax.random.normal(ks[1], (N, D), jnp.float32),
        'node_specie': jax.random.randint(ks[2], (N,), 0, NSPECIES),
        'senders': jax.random.randint(ks[3], (E,), 0, N),
        'receivers': jax.random.randint(ks[4], (E,), 0, N),
        'W_up': jax.random.normal(ks[5], (D, D), jnp.float32) / np.sqrt(D),
        'W1': jax.random.normal(ks[6], (NBASIS, HID), jnp.float32) / np.sqrt(NBASIS),
        'W2': jax.random.normal(ks[7], (HID, HID), jnp.float32) / np.sqrt(HID),
        'W3': jax.random.normal(ks[8], (HID, DMSG), jnp.float32) / np.sqrt(HID),
        'W_skip': jax.random.normal(ks[9], (NSPECIES, D, DOUT), jnp.float32) / np.sqrt(D),
        'W_down': jax.random.normal(ks[10], (DMSG, DOUT), jnp.float32) / np.sqrt(DMSG),
    }

def _forward(vectors, node_feats, W_up, W1, W2, W3, W_skip, W_down, node_specie, senders, receivers):
    lengths = jnp.linalg.norm(vectors, axis=1, keepdims=True)
    safe_len = jnp.where(lengths == 0.0, 1.0, lengths)
    u = vectors / safe_len
    sh = _spherical_harmonics(u)
    # linear_up then gather messages to edges by sender
    msg = (node_feats @ W_up)[senders]
    # simplified tensor product of messages with spherical harmonics (l=1..3)
    tp = (msg[:, :NTP, None] * sh[:, None, :]).reshape(E, NTP * NSH)
    messages = jnp.concatenate([msg, tp], axis=1)
    # radial basis (bessel-like) + MLP producing per-irrep mixing weights
    k = jnp.arange(1, NBASIS + 1, dtype=jnp.float32)
    basis = jnp.sqrt(2.0) * jnp.sin(jnp.pi * k[None, :] * lengths) / safe_len
    h = jax.nn.silu(basis @ W1)
    h = jax.nn.silu(h @ W2)
    mix = h @ W3
    mix = jnp.where(lengths == 0.0, 0.0, mix)
    messages = messages * mix
    # species-indexed skip connection (indexed linear weights)
    skip = jnp.einsum('nd,ndo->no', node_feats, W_skip[node_specie])
    # scatter-sum messages to receiver nodes
    agg = jnp.zeros((N, DMSG), dtype=messages.dtype).at[receivers].add(messages)
    agg = agg / jnp.sqrt(AVG)
    nf = agg @ W_down + skip
    # gate: even scalars via silu, nonscalar channels gated by silu(gate scalars)
    scal = jax.nn.silu(nf[:, :64])
    gates = jax.nn.silu(nf[:, 64:128])
    vec = nf[:, 128:192] * gates
    return jnp.concatenate([scal, vec], axis=1)

def reference(vectors, node_feats, node_specie, senders, receivers, W_up, W1, W2, W3, W_skip, W_down):
    return _forward(vectors, node_feats, W_up, W1, W2, W3, W_skip, W_down, node_specie, senders, receivers)

if __name__ == "__main__":
    import jax
    _d = setup_inputs()
    print(jax.jit(kernel)(*tuple(_d.values())))

</pallas_src>

<mosaic_0001>
#map = affine_map<(d0, d1) -> (0, 0)>
#map1 = affine_map<(d0, d1) -> (0, 0, 0)>
module attributes {stable_mosaic.version = 14 : i64} {
  func.func @_scatter_body(%arg0: i32, %arg1: i32, %arg2: memref<160000x128xf32, #tpu.memory_space<hbm>>, %arg3: memref<160000x128xf32, #tpu.memory_space<hbm>>, %arg4: memref<16x250x40xi32, #tpu.memory_space<hbm>>, %arg5: memref<625x128xf32, #tpu.memory_space<hbm>>, %arg6: memref<20000x128xf32, #tpu.memory_space<hbm>>, %arg7: memref<8x40xi32, #tpu.memory_space<vmem>>, %arg8: memref<8x40x128xf32, #tpu.memory_space<vmem>>, %arg9: memref<10000x128xf32, #tpu.memory_space<vmem_shared>>, %arg10: memref<!tpu.dma_semaphore, #tpu.memory_space<semaphore_mem>>, %arg11: memref<!tpu.dma_semaphore, #tpu.memory_space<semaphore_mem>>, %arg12: memref<!tpu.dma_semaphore, #tpu.memory_space<semaphore_mem>>) attributes {dimension_semantics = [#tpu.dimension_semantics<core_parallel>, #tpu.dimension_semantics<subcore_parallel>], iteration_bounds = array<i64: 2, 16>, scalar_prefetch = 0 : i64, scratch_operands = 6 : i64, tpu.core_type = #tpu.core_type<sc_vector_subcore>, window_params = [{transform_indices = #map}, {transform_indices = #map}, {transform_indices = #map1}, {transform_indices = #map}, {transform_indices = #map}]} {
    %mul3A = arith.constant 625 : i32
    %mul3A_0 = arith.muli %arg1, %mul3A : i32
    "tpu.region"() ({
      %run_scoped3A = tpu.sem_alloc : memref<!tpu.dma_semaphore, #tpu.memory_space<semaphore_mem>>
      %dma_start3A = arith.constant 0 : i32
      %dma_start3A_108 = tpu.memref_slice %arg9[%mul3A_0, %dma_start3A] : memref<10000x128xf32, #tpu.memory_space<vmem_shared>> -> memref<625x128xf32, #tpu.memory_space<vmem_shared>>
      tpu.enqueue_dma source(%arg5 : memref<625x128xf32, #tpu.memory_space<hbm>>) target(%dma_start3A_108 : memref<625x128xf32, #tpu.memory_space<vmem_shared>>) target_semaphore(%run_scoped3A : memref<!tpu.dma_semaphore, #tpu.memory_space<semaphore_mem>>)
      %dma_wait3A_109 = arith.constant 0 : i32
      %dma_wait3A_110 = tpu.memref_slice %arg9[%mul3A_0, %dma_wait3A_109] : memref<10000x128xf32, #tpu.memory_space<vmem_shared>> -> memref<625x128xf32, #tpu.memory_space<vmem_shared>>
      tpu.wait_dma2 semaphore(%run_scoped3A : memref<!tpu.dma_semaphore, #tpu.memory_space<semaphore_mem>>) src(%arg5 : memref<625x128xf32, #tpu.memory_space<hbm>>) dst(%dma_wait3A_110 : memref<625x128xf32, #tpu.memory_space<vmem_shared>>)
      tpu.yield
    }) : () -> ()
    %barrier3A = arith.constant 0 : index
    tpu.barrier barrier_id(%barrier3A)
    %scan3A = arith.constant 0 : i32
    %scan3A_1 = arith.constant 0 : i32
    %scan3A_2 = arith.constant 125 : i32
    %scan3A_3 = arith.addi %scan3A_1, %scan3A_2 : i32
    %scan3A_4 = arith.constant 1 : i32
    scf.for %scan3A_108 = %scan3A_1 to %scan3A_3 step %scan3A_4  : i32 {
      %rem3A = arith.constant 4 : i32
      %rem3A_109 = arith.remsi %scan3A_108, %rem3A : i32
      %mul3A_110 = arith.constant 2 : i32
      %mul3A_111 = arith.muli %rem3A_109, %mul3A_110 : i32
      %ge3A = arith.constant 4 : i32
      %ge3A_112 = arith.cmpi sge, %scan3A_108, %ge3A : i32
      %convert_element_type3A = arith.extui %ge3A_112 : i1 to i32
      %cond3A = arith.constant 0 : i32
      %cond3A_113 = arith.cmpi ne, %convert_element_type3A, %cond3A : i32
      scf.if %cond3A_113 {
        %add3A_270 = arith.constant 0 : i32
        %add3A_271 = arith.addi %mul3A_111, %add3A_270 : i32
        %dma_wait3A_272 = arith.constant 0 : i32
        %dma_wait3A_273 = arith.constant 0 : i32
        %dma_wait3A_274 = arith.constant 0 : i32
        %dma_wait3A_275 = tpu.memref_slice %arg8[%add3A_271, %dma_wait3A_273, %dma_wait3A_274] : memref<8x40x128xf32, #tpu.memory_space<vmem>> -> memref<1x40x128xf32, #tpu.memory_space<vmem>>
        %dma_wait3A_276 = tpu.memref_squeeze %dma_wait3A_275 : memref<1x40x128xf32, #tpu.memory_space<vmem>> -> memref<40x128xf32, #tpu.memory_space<vmem>>
        %dma_wait3A_277 = arith.constant 0 : i32
        %dma_wait3A_278 = tpu.memref_slice %arg7[%dma_wait3A_272, %dma_wait3A_277] : memref<8x40xi32, #tpu.memory_space<vmem>> -> memref<1x40xi32, #tpu.memory_space<vmem>>
        %dma_wait3A_279 = tpu.memref_squeeze %dma_wait3A_278 : memref<1x40xi32, #tpu.memory_space<vmem>> -> memref<40xi32, #tpu.memory_space<vmem>>
        %dma_wait3A_280 = arith.constant 0 : i32
        %dma_wait3A_281 = arith.constant 0 : i32
        %dma_wait3A_282 = tpu.memref_slice %arg9[%dma_wait3A_280, %dma_wait3A_281] : memref<10000x128xf32, #tpu.memory_space<vmem_shared>> -> memref<10000x128xf32, #tpu.memory_space<vmem_shared>>
        tpu.wait_indirect_dma semaphore(%arg12 : memref<!tpu.dma_semaphore, #tpu.memory_space<semaphore_mem>>) src(%dma_wait3A_276 : memref<40x128xf32, #tpu.memory_space<vmem>>) dst(%dma_wait3A_282 : memref<10000x128xf32, #tpu.memory_space<vmem_shared>>)
        %add3A_283 = arith.constant 1 : i32
        %add3A_284 = arith.addi %mul3A_111, %add3A_283 : i32
        %dma_wait3A_285 = arith.constant 0 : i32
        %dma_wait3A_286 = arith.constant 0 : i32
        %dma_wait3A_287 = arith.constant 0 : i32
        %dma_wait3A_288 = tpu.memref_slice %arg8[%add3A_284, %dma_wait3A_286, %dma_wait3A_287] : memref<8x40x128xf32, #tpu.memory_space<vmem>> -> memref<1x40x128xf32, #tpu.memory_space<vmem>>
        %dma_wait3A_289 = tpu.memref_squeeze %dma_wait3A_288 : memref<1x40x128xf32, #tpu.memory_space<vmem>> -> memref<40x128xf32, #tpu.memory_space<vmem>>
        %dma_wait3A_290 = arith.constant 0 : i32
        %dma_wait3A_291 = tpu.memref_slice %arg7[%dma_wait3A_285, %dma_wait3A_290] : memref<8x40xi32, #tpu.memory_space<vmem>> -> memref<1x40xi32, #tpu.memory_space<vmem>>
        %dma_wait3A_292 = tpu.memref_squeeze %dma_wait3A_291 : memref<1x40xi32, #tpu.memory_space<vmem>> -> memref<40xi32, #tpu.memory_space<vmem>>
        %dma_wait3A_293 = arith.constant 0 : i32
        %dma_wait3A_294 = arith.constant 0 : i32
        %dma_wait3A_295 = tpu.memref_slice %arg9[%dma_wait3A_293, %dma_wait3A_294] : memref<10000x128xf32, #tpu.memory_space<vmem_shared>> -> memref<10000x128xf32, #tpu.memory_space<vmem_shared>>
        tpu.wait_indirect_dma semaphore(%arg12 : memref<!tpu.dma_semaphore, #tpu.memory_space<semaphore_mem>>) src(%dma_wait3A_289 : memref<40x128xf32, #tpu.memory_space<vmem>>) dst(%dma_wait3A_295 : memref<10000x128xf32, #tpu.memory_space<vmem_shared>>)
      } else {
      }
      %mul3A_114 = arith.constant 2 : i32
      %mul3A_115 = arith.muli %scan3A_108, %mul3A_114 : i32
      %add3A_116 = arith.constant 0 : i32
      %add3A_117 = arith.addi %mul3A_115, %add3A_116 : i32
      %add3A_118 = arith.constant 0 : i32
      %add3A_119 = arith.addi %mul3A_111, %add3A_118 : i32
      %dma_start3A = arith.constant 0 : i32
      %dma_start3A_120 = tpu.memref_slice %arg7[%add3A_119, %dma_start3A] : memref<8x40xi32, #tpu.memory_space<vmem>> -> memref<1x40xi32, #tpu.memory_space<vmem>>
      %dma_start3A_121 = tpu.memref_squeeze %dma_start3A_120 : memref<1x40xi32, #tpu.memory_space<vmem>> -> memref<40xi32, #tpu.memory_space<vmem>>
      %dma_start3A_122 = arith.constant 0 : i32
      %dma_start3A_123 = tpu.memref_slice %arg4[%arg1, %add3A_117, %dma_start3A_122] : memref<16x250x40xi32, #tpu.memory_space<hbm>> -> memref<1x1x40xi32, #tpu.memory_space<hbm>>
      %dma_start3A_124 = tpu.memref_squeeze %dma_start3A_123 : memref<1x1x40xi32, #tpu.memory_space<hbm>> -> memref<40xi32, #tpu.memory_space<hbm>>
      %dma_start3A_125 = arith.constant 0 : i32
      %dma_start3A_126 = tpu.memref_slice %arg7[%add3A_119, %dma_start3A_125] : memref<8x40xi32, #tpu.memory_space<vmem>> -> memref<1x40xi32, #tpu.memory_space<vmem>>
      %dma_start3A_127 = tpu.memref_squeeze %dma_start3A_126 : memref<1x40xi32, #tpu.memory_space<vmem>> -> memref<40xi32, #tpu.memory_space<vmem>>
      %dma_start3A_128 = arith.constant 0 : i32
      %dma_start3A_129 = tpu.memref_slice %arg4[%arg1, %add3A_117, %dma_start3A_128] : memref<16x250x40xi32, #tpu.memory_space<hbm>> -> memref<1x1x40xi32, #tpu.memory_space<hbm>>
      %dma_start3A_130 = tpu.memref_squeeze %dma_start3A_129 : memref<1x1x40xi32, #tpu.memory_space<hbm>> -> memref<40xi32, #tpu.memory_space<hbm>>
      tpu.enqueue_dma source(%dma_start3A_130 : memref<40xi32, #tpu.memory_space<hbm>>) target(%dma_start3A_127 : memref<40xi32, #tpu.memory_space<vmem>>) target_semaphore(%arg10 : memref<!tpu.dma_semaphore, #tpu.memory_space<semaphore_mem>>)
      %eq3A = arith.constant 0 : i32
      %eq3A_131 = arith.cmpi eq, %arg0, %eq3A : i32
      %convert_element_type3A_132 = arith.extui %eq3A_131 : i1 to i32
      %cond3A_133 = arith.constant 0 : i32
      %cond3A_134 = arith.cmpi ne, %convert_element_type3A_132, %cond3A_133 : i32
      scf.if %cond3A_134 {
        %mul3A_270 = arith.constant 10000 : i32
        %mul3A_271 = arith.muli %arg1, %mul3A_270 : i32
        %mul3A_272 = arith.constant 40 : i32
        %mul3A_273 = arith.muli %add3A_117, %mul3A_272 : i32
        %add3A_274 = arith.addi %mul3A_271, %mul3A_273 : i32
        %add3A_275 = arith.constant 0 : i32
        %add3A_276 = arith.addi %mul3A_111, %add3A_275 : i32
        %dma_start3A_277 = arith.constant 0 : i32
        %dma_start3A_278 = arith.constant 0 : i32
        %dma_start3A_279 = tpu.memref_slice %arg8[%add3A_276, %dma_start3A_277, %dma_start3A_278] : memref<8x40x128xf32, #tpu.memory_space<vmem>> -> memref<1x40x128xf32, #tpu.memory_space<vmem>>
        %dma_start3A_280 = tpu.memref_squeeze %dma_start3A_279 : memref<1x40x128xf32, #tpu.memory_space<vmem>> -> memref<40x128xf32, #tpu.memory_space<vmem>>
        %dma_start3A_281 = arith.constant 0 : i32
        %dma_start3A_282 = tpu.memref_slice %arg2[%add3A_274, %dma_start3A_281] : memref<160000x128xf32, #tpu.memory_space<hbm>> -> memref<40x128xf32, #tpu.memory_space<hbm>>
        %dma_start3A_283 = arith.constant 0 : i32
        %dma_start3A_284 = arith.constant 0 : i32
        %dma_start3A_285 = tpu.memref_slice %arg8[%add3A_276, %dma_start3A_283, %dma_start3A_284] : memref<8x40x128xf32, #tpu.memory_space<vmem>> -> memref<1x40x128xf32, #tpu.memory_space<vmem>>
        %dma_start3A_286 = tpu.memref_squeeze %dma_start3A_285 : memref<1x40x128xf32, #tpu.memory_space<vmem>> -> memref<40x128xf32, #tpu.memory_space<vmem>>
        %dma_start3A_287 = arith.constant 0 : i32
        %dma_start3A_288 = tpu.memref_slice %arg2[%add3A_274, %dma_start3A_287] : memref<160000x128xf32, #tpu.memory_space<hbm>> -> memref<40x128xf32, #tpu.memory_space<hbm>>
        tpu.enqueue_dma source(%dma_start3A_288 : memref<40x128xf32, #tpu.memory_space<hbm>>) target(%dma_start3A_286 : memref<40x128xf32, #tpu.memory_space<vmem>>) target_semaphore(%arg11 : memref<!tpu.dma_semaphore, #tpu.memory_space<semaphore_mem>>)
      } else {
      }
      %eq3A_135 = arith.constant 1 : i32
      %eq3A_136 = arith.cmpi eq, %arg0, %eq3A_135 : i32
      %convert_element_type3A_137 = arith.extui %eq3A_136 : i1 to i32
      %cond3A_138 = arith.constant 0 : i32
      %cond3A_139 = arith.cmpi ne, %convert_element_type3A_137, %cond3A_138 : i32
      scf.if %cond3A_139 {
        %mul3A_270 = arith.constant 10000 : i32
        %mul3A_271 = arith.muli %arg1, %mul3A_270 : i32
        %mul3A_272 = arith.constant 40 : i32
        %mul3A_273 = arith.muli %add3A_117, %mul3A_272 : i32
        %add3A_274 = arith.addi %mul3A_271, %mul3A_273 : i32
        %add3A_275 = arith.constant 0 : i32
        %add3A_276 = arith.addi %mul3A_111, %add3A_275 : i32
        %dma_start3A_277 = arith.constant 0 : i32
        %dma_start3A_278 = arith.constant 0 : i32
        %dma_start3A_279 = tpu.memref_slice %arg8[%add3A_276, %dma_start3A_277, %dma_start3A_278] : memref<8x40x128xf32, #tpu.memory_space<vmem>> -> memref<1x40x128xf32, #tpu.memory_space<vmem>>
        %dma_start3A_280 = tpu.memref_squeeze %dma_start3A_279 : memref<1x40x128xf32, #tpu.memory_space<vmem>> -> memref<40x128xf32, #tpu.memory_space<vmem>>
        %dma_start3A_281 = arith.constant 0 : i32
        %dma_start3A_282 = tpu.memref_slice %arg3[%add3A_274, %dma_start3A_281] : memref<160000x128xf32, #tpu.memory_space<hbm>> -> memref<40x128xf32, #tpu.memory_space<hbm>>
        %dma_start3A_283 = arith.constant 0 : i32
        %dma_start3A_284 = arith.constant 0 : i32
        %dma_start3A_285 = tpu.memref_slice %arg8[%add3A_276, %dma_start3A_283, %dma_start3A_284] : memref<8x40x128xf32, #tpu.memory_space<vmem>> -> memref<1x40x128xf32, #tpu.memory_space<vmem>>
        %dma_start3A_286 = tpu.memref_squeeze %dma_start3A_285 : memref<1x40x128xf32, #tpu.memory_space<vmem>> -> memref<40x128xf32, #tpu.memory_space<vmem>>
        %dma_start3A_287 = arith.constant 0 : i32
        %dma_start3A_288 = tpu.memref_slice %arg3[%add3A_274, %dma_start3A_287] : memref<160000x128xf32, #tpu.memory_space<hbm>> -> memref<40x128xf32, #tpu.memory_space<hbm>>
        tpu.enqueue_dma source(%dma_start3A_288 : memref<40x128xf32, #tpu.memory_space<hbm>>) target(%dma_start3A_286 : memref<40x128xf32, #tpu.memory_space<vmem>>) target_semaphore(%arg11 : memref<!tpu.dma_semaphore, #tpu.memory_space<semaphore_mem>>)
      } else {
      }
      %mul3A_140 = arith.constant 2 : i32
      %mul3A_141 = arith.muli %scan3A_108, %mul3A_140 : i32
      %add3A_142 = arith.constant 1 : i32
      %add3A_143 = arith.addi %mul3A_141, %add3A_142 : i32
      %add3A_144 = arith.constant 1 : i32
      %add3A_145 = arith.addi %mul3A_111, %add3A_144 : i32
      %dma_start3A_146 = arith.constant 0 : i32
      %dma_start3A_147 = tpu.memref_slice %arg7[%add3A_145, %dma_start3A_146] : memref<8x40xi32, #tpu.memory_space<vmem>> -> memref<1x40xi32, #tpu.memory_space<vmem>>
      %dma_start3A_148 = tpu.memref_squeeze %dma_start3A_147 : memref<1x40xi32, #tpu.memory_space<vmem>> -> memref<40xi32, #tpu.memory_space<vmem>>
      %dma_start3A_149 = arith.constant 0 : i32
      %dma_start3A_150 = tpu.memref_slice %arg4[%arg1, %add3A_143, %dma_start3A_149] : memref<16x250x40xi32, #tpu.memory_space<hbm>> -> memref<1x1x40xi32, #tpu.memory_space<hbm>>
      %dma_start3A_151 = tpu.memref_squeeze %dma_start3A_150 : memref<1x1x40xi32, #tpu.memory_space<hbm>> -> memref<40xi32, #tpu.memory_space<hbm>>
      %dma_start3A_152 = arith.constant 0 : i32
      %dma_start3A_153 = tpu.memref_slice %arg7[%add3A_145, %dma_start3A_152] : memref<8x40xi32, #tpu.memory_space<vmem>> -> memref<1x40xi32, #tpu.memory_space<vmem>>
      %dma_start3A_154 = tpu.memref_squeeze %dma_start3A_153 : memref<1x40xi32, #tpu.memory_space<vmem>> -> memref<40xi32, #tpu.memory_space<vmem>>
      %dma_start3A_155 = arith.constant 0 : i32
      %dma_start3A_156 = tpu.memref_slice %arg4[%arg1, %add3A_143, %dma_start3A_155] : memref<16x250x40xi32, #tpu.memory_space<hbm>> -> memref<1x1x40xi32, #tpu.memory_space<hbm>>
      %dma_start3A_157 = tpu.memref_squeeze %dma_start3A_156 : memref<1x1x40xi32, #tpu.memory_space<hbm>> -> memref<40xi32, #tpu.memory_space<hbm>>
      tpu.enqueue_dma source(%dma_start3A_157 : memref<40xi32, #tpu.memory_space<hbm>>) target(%dma_start3A_154 : memref<40xi32, #tpu.memory_space<vmem>>) target_semaphore(%arg10 : memref<!tpu.dma_semaphore, #tpu.memory_space<semaphore_mem>>)
      %eq3A_158 = arith.constant 0 : i32
      %eq3A_159 = arith.cmpi eq, %arg0, %eq3A_158 : i32
      %convert_element_type3A_160 = arith.extui %eq3A_159 : i1 to i32
      %cond3A_161 = arith.constant 0 : i32
      %cond3A_162 = arith.cmpi ne, %convert_element_type3A_160, %cond3A_161 : i32
      scf.if %cond3A_162 {
        %mul3A_270 = arith.constant 10000 : i32
        %mul3A_271 = arith.muli %arg1, %mul3A_270 : i32
        %mul3A_272 = arith.constant 40 : i32
        %mul3A_273 = arith.muli %add3A_143, %mul3A_272 : i32
        %add3A_274 = arith.addi %mul3A_271, %mul3A_273 : i32
        %add3A_275 = arith.constant 1 : i32
        %add3A_276 = arith.addi %mul3A_111, %add3A_275 : i32
        %dma_start3A_277 = arith.constant 0 : i32
        %dma_start3A_278 = arith.constant 0 : i32
        %dma_start3A_279 = tpu.memref_slice %arg8[%add3A_276, %dma_start3A_277, %dma_start3A_278] : memref<8x40x128xf32, #tpu.memory_space<vmem>> -> memref<1x40x128xf32, #tpu.memory_space<vmem>>
        %dma_start3A_280 = tpu.memref_squeeze %dma_start3A_279 : memref<1x40x128xf32, #tpu.memory_space<vmem>> -> memref<40x128xf32, #tpu.memory_space<vmem>>
        %dma_start3A_281 = arith.constant 0 : i32
        %dma_start3A_282 = tpu.memref_slice %arg2[%add3A_274, %dma_start3A_281] : memref<160000x128xf32, #tpu.memory_space<hbm>> -> memref<40x128xf32, #tpu.memory_space<hbm>>
        %dma_start3A_283 = arith.constant 0 : i32
        %dma_start3A_284 = arith.constant 0 : i32
        %dma_start3A_285 = tpu.memref_slice %arg8[%add3A_276, %dma_start3A_283, %dma_start3A_284] : memref<8x40x128xf32, #tpu.memory_space<vmem>> -> memref<1x40x128xf32, #tpu.memory_space<vmem>>
        %dma_start3A_286 = tpu.memref_squeeze %dma_start3A_285 : memref<1x40x128xf32, #tpu.memory_space<vmem>> -> memref<40x128xf32, #tpu.memory_space<vmem>>
        %dma_start3A_287 = arith.constant 0 : i32
        %dma_start3A_288 = tpu.memref_slice %arg2[%add3A_274, %dma_start3A_287] : memref<160000x128xf32, #tpu.memory_space<hbm>> -> memref<40x128xf32, #tpu.memory_space<hbm>>
        tpu.enqueue_dma source(%dma_start3A_288 : memref<40x128xf32, #tpu.memory_space<hbm>>) target(%dma_start3A_286 : memref<40x128xf32, #tpu.memory_space<vmem>>) target_semaphore(%arg11 : memref<!tpu.dma_semaphore, #tpu.memory_space<semaphore_mem>>)
      } else {
      }
      %eq3A_163 = arith.constant 1 : i32
      %eq3A_164 = arith.cmpi eq, %arg0, %eq3A_163 : i32
      %convert_element_type3A_165 = arith.extui %eq3A_164 : i1 to i32
      %cond3A_166 = arith.constant 0 : i32
      %cond3A_167 = arith.cmpi ne, %convert_element_type3A_165, %cond3A_166 : i32
      scf.if %cond3A_167 {
        %mul3A_270 = arith.constant 10000 : i32
        %mul3A_271 = arith.muli %arg1, %mul3A_270 : i32
        %mul3A_272 = arith.constant 40 : i32
        %mul3A_273 = arith.muli %add3A_143, %mul3A_272 : i32
        %add3A_274 = arith.addi %mul3A_271, %mul3A_273 : i32
        %add3A_275 = arith.constant 1 : i32
        %add3A_276 = arith.addi %mul3A_111, %add3A_275 : i32
        %dma_start3A_277 = arith.constant 0 : i32
        %dma_start3A_278 = arith.constant 0 : i32
        %dma_start3A_279 = tpu.memref_slice %arg8[%add3A_276, %dma_start3A_277, %dma_start3A_278] : memref<8x40x128xf32, #tpu.memory_space<vmem>> -> memref<1x40x128xf32, #tpu.memory_space<vmem>>
        %dma_start3A_280 = tpu.memref_squeeze %dma_start3A_279 : memref<1x40x128xf32, #tpu.memory_space<vmem>> -> memref<40x128xf32, #tpu.memory_space<vmem>>
        %dma_start3A_281 = arith.constant 0 : i32
        %dma_start3A_282 = tpu.memref_slice %arg3[%add3A_274, %dma_start3A_281] : memref<160000x128xf32, #tpu.memory_space<hbm>> -> memref<40x128xf32, #tpu.memory_space<hbm>>
        %dma_start3A_283 = arith.constant 0 : i32
        %dma_start3A_284 = arith.constant 0 : i32
        %dma_start3A_285 = tpu.memref_slice %arg8[%add3A_276, %dma_start3A_283, %dma_start3A_284] : memref<8x40x128xf32, #tpu.memory_space<vmem>> -> memref<1x40x128xf32, #tpu.memory_space<vmem>>
        %dma_start3A_286 = tpu.memref_squeeze %dma_start3A_285 : memref<1x40x128xf32, #tpu.memory_space<vmem>> -> memref<40x128xf32, #tpu.memory_space<vmem>>
        %dma_start3A_287 = arith.constant 0 : i32
        %dma_start3A_288 = tpu.memref_slice %arg3[%add3A_274, %dma_start3A_287] : memref<160000x128xf32, #tpu.memory_space<hbm>> -> memref<40x128xf32, #tpu.memory_space<hbm>>
        tpu.enqueue_dma source(%dma_start3A_288 : memref<40x128xf32, #tpu.memory_space<hbm>>) target(%dma_start3A_286 : memref<40x128xf32, #tpu.memory_space<vmem>>) target_semaphore(%arg11 : memref<!tpu.dma_semaphore, #tpu.memory_space<semaphore_mem>>)
      } else {
      }
      %mul3A_168 = arith.constant 2 : i32
      %mul3A_169 = arith.muli %scan3A_108, %mul3A_168 : i32
      %add3A_170 = arith.constant 0 : i32
      %add3A_171 = arith.addi %mul3A_169, %add3A_170 : i32
      %add3A_172 = arith.constant 0 : i32
      %add3A_173 = arith.addi %mul3A_111, %add3A_172 : i32
      %dma_wait3A_174 = arith.constant 0 : i32
      %dma_wait3A_175 = tpu.memref_slice %arg7[%add3A_173, %dma_wait3A_174] : memref<8x40xi32, #tpu.memory_space<vmem>> -> memref<1x40xi32, #tpu.memory_space<vmem>>
      %dma_wait3A_176 = tpu.memref_squeeze %dma_wait3A_175 : memref<1x40xi32, #tpu.memory_space<vmem>> -> memref<40xi32, #tpu.memory_space<vmem>>
      %dma_wait3A_177 = arith.constant 0 : i32
      %dma_wait3A_178 = tpu.memref_slice %arg4[%arg1, %add3A_171, %dma_wait3A_177] : memref<16x250x40xi32, #tpu.memory_space<hbm>> -> memref<1x1x40xi32, #tpu.memory_space<hbm>>
      %dma_wait3A_179 = tpu.memref_squeeze %dma_wait3A_178 : memref<1x1x40xi32, #tpu.memory_space<hbm>> -> memref<40xi32, #tpu.memory_space<hbm>>
      %dma_wait3A_180 = arith.constant 0 : i32
      %dma_wait3A_181 = tpu.memref_slice %arg7[%add3A_173, %dma_wait3A_180] : memref<8x40xi32, #tpu.memory_space<vmem>> -> memref<1x40xi32, #tpu.memory_space<vmem>>
      %dma_wait3A_182 = tpu.memref_squeeze %dma_wait3A_181 : memref<1x40xi32, #tpu.memory_space<vmem>> -> memref<40xi32, #tpu.memory_space<vmem>>
      %dma_wait3A_183 = arith.constant 0 : i32
      %dma_wait3A_184 = tpu.memref_slice %arg4[%arg1, %add3A_171, %dma_wait3A_183] : memref<16x250x40xi32, #tpu.memory_space<hbm>> -> memref<1x1x40xi32, #tpu.memory_space<hbm>>
      %dma_wait3A_185 = tpu.memref_squeeze %dma_wait3A_184 : memref<1x1x40xi32, #tpu.memory_space<hbm>> -> memref<40xi32, #tpu.memory_space<hbm>>
      tpu.wait_dma2 semaphore(%arg10 : memref<!tpu.dma_semaphore, #tpu.memory_space<semaphore_mem>>) src(%dma_wait3A_185 : memref<40xi32, #tpu.memory_space<hbm>>) dst(%dma_wait3A_182 : memref<40xi32, #tpu.memory_space<vmem>>)
      %mul3A_186 = arith.constant 10000 : i32
      %mul3A_187 = arith.muli %arg1, %mul3A_186 : i32
      %mul3A_188 = arith.constant 40 : i32
      %mul3A_189 = arith.muli %add3A_171, %mul3A_188 : i32
      %add3A_190 = arith.addi %mul3A_187, %mul3A_189 : i32
      %add3A_191 = arith.constant 0 : i32
      %add3A_192 = arith.addi %mul3A_111, %add3A_191 : i32
      %dma_wait3A_193 = arith.constant 0 : i32
      %dma_wait3A_194 = arith.constant 0 : i32
      %dma_wait3A_195 = tpu.memref_slice %arg8[%add3A_192, %dma_wait3A_193, %dma_wait3A_194] : memref<8x40x128xf32, #tpu.memory_space<vmem>> -> memref<1x40x128xf32, #tpu.memory_space<vmem>>
      %dma_wait3A_196 = tpu.memref_squeeze %dma_wait3A_195 : memref<1x40x128xf32, #tpu.memory_space<vmem>> -> memref<40x128xf32, #tpu.memory_space<vmem>>
      %dma_wait3A_197 = arith.constant 0 : i32
      %dma_wait3A_198 = tpu.memref_slice %arg2[%add3A_190, %dma_wait3A_197] : memref<160000x128xf32, #tpu.memory_space<hbm>> -> memref<40x128xf32, #tpu.memory_space<hbm>>
      %dma_wait3A_199 = arith.constant 0 : i32
      %dma_wait3A_200 = arith.constant 0 : i32
      %dma_wait3A_201 = tpu.memref_slice %arg8[%add3A_192, %dma_wait3A_199, %dma_wait3A_200] : memref<8x40x128xf32, #tpu.memory_space<vmem>> -> memref<1x40x128xf32, #tpu.memory_space<vmem>>
      %dma_wait3A_202 = tpu.memref_squeeze %dma_wait3A_201 : memref<1x40x128xf32, #tpu.memory_space<vmem>> -> memref<40x128xf32, #tpu.memory_space<vmem>>
      %dma_wait3A_203 = arith.constant 0 : i32
      %dma_wait3A_204 = tpu.memref_slice %arg2[%add3A_190, %dma_wait3A_203] : memref<160000x128xf32, #tpu.memory_space<hbm>> -> memref<40x128xf32, #tpu.memory_space<hbm>>
      tpu.wait_dma2 semaphore(%arg11 : memref<!tpu.dma_semaphore, #tpu.memory_space<semaphore_mem>>) src(%dma_wait3A_204 : memref<40x128xf32, #tpu.memory_space<hbm>>) dst(%dma_wait3A_202 : memref<40x128xf32, #tpu.memory_space<vmem>>)
      %mul3A_205 = arith.constant 2 : i32
      %mul3A_206 = arith.muli %scan3A_108, %mul3A_205 : i32
      %add3A_207 = arith.constant 1 : i32
      %add3A_208 = arith.addi %mul3A_206, %add3A_207 : i32
      %add3A_209 = arith.constant 1 : i32
      %add3A_210 = arith.addi %mul3A_111, %add3A_209 : i32
      %dma_wait3A_211 = arith.constant 0 : i32
      %dma_wait3A_212 = tpu.memref_slice %arg7[%add3A_210, %dma_wait3A_211] : memref<8x40xi32, #tpu.memory_space<vmem>> -> memref<1x40xi32, #tpu.memory_space<vmem>>
      %dma_wait3A_213 = tpu.memref_squeeze %dma_wait3A_212 : memref<1x40xi32, #tpu.memory_space<vmem>> -> memref<40xi32, #tpu.memory_space<vmem>>
      %dma_wait3A_214 = arith.constant 0 : i32
      %dma_wait3A_215 = tpu.memref_slice %arg4[%arg1, %add3A_208, %dma_wait3A_214] : memref<16x250x40xi32, #tpu.memory_space<hbm>> -> memref<1x1x40xi32, #tpu.memory_space<hbm>>
      %dma_wait3A_216 = tpu.memref_squeeze %dma_wait3A_215 : memref<1x1x40xi32, #tpu.memory_space<hbm>> -> memref<40xi32, #tpu.memory_space<hbm>>
      %dma_wait3A_217 = arith.constant 0 : i32
      %dma_wait3A_218 = tpu.memref_slice %arg7[%add3A_210, %dma_wait3A_217] : memref<8x40xi32, #tpu.memory_space<vmem>> -> memref<1x40xi32, #tpu.memory_space<vmem>>
      %dma_wait3A_219 = tpu.memref_squeeze %dma_wait3A_218 : memref<1x40xi32, #tpu.memory_space<vmem>> -> memref<40xi32, #tpu.memory_space<vmem>>
      %dma_wait3A_220 = arith.constant 0 : i32
      %dma_wait3A_221 = tpu.memref_slice %arg4[%arg1, %add3A_208, %dma_wait3A_220] : memref<16x250x40xi32, #tpu.memory_space<hbm>> -> memref<1x1x40xi32, #tpu.memory_space<hbm>>
      %dma_wait3A_222 = tpu.memref_squeeze %dma_wait3A_221 : memref<1x1x40xi32, #tpu.memory_space<hbm>> -> memref<40xi32, #tpu.memory_space<hbm>>
      tpu.wait_dma2 semaphore(%arg10 : memref<!tpu.dma_semaphore, #tpu.memory_space<semaphore_mem>>) src(%dma_wait3A_222 : memref<40xi32, #tpu.memory_space<hbm>>) dst(%dma_wait3A_219 : memref<40xi32, #tpu.memory_space<vmem>>)
      %mul3A_223 = arith.constant 10000 : i32
      %mul3A_224 = arith.muli %arg1, %mul3A_223 : i32
      %mul3A_225 = arith.constant 40 : i32
      %mul3A_226 = arith.muli %add3A_208, %mul3A_225 : i32
      %add3A_227 = arith.addi %mul3A_224, %mul3A_226 : i32
      %add3A_228 = arith.constant 1 : i32
      %add3A_229 = arith.addi %mul3A_111, %add3A_228 : i32
      %dma_wait3A_230 = arith.constant 0 : i32
      %dma_wait3A_231 = arith.constant 0 : i32
      %dma_wait3A_232 = tpu.memref_slice %arg8[%add3A_229, %dma_wait3A_230, %dma_wait3A_231] : memref<8x40x128xf32, #tpu.memory_space<vmem>> -> memref<1x40x128xf32, #tpu.memory_space<vmem>>
      %dma_wait3A_233 = tpu.memref_squeeze %dma_wait3A_232 : memref<1x40x128xf32, #tpu.memory_space<vmem>> -> memref<40x128xf32, #tpu.memory_space<vmem>>
      %dma_wait3A_234 = arith.constant 0 : i32
      %dma_wait3A_235 = tpu.memref_slice %arg2[%add3A_227, %dma_wait3A_234] : memref<160000x128xf32, #tpu.memory_space<hbm>> -> memref<40x128xf32, #tpu.memory_space<hbm>>
      %dma_wait3A_236 = arith.constant 0 : i32
      %dma_wait3A_237 = arith.constant 0 : i32
      %dma_wait3A_238 = tpu.memref_slice %arg8[%add3A_229, %dma_wait3A_236, %dma_wait3A_237] : memref<8x40x128xf32, #tpu.memory_space<vmem>> -> memref<1x40x128xf32, #tpu.memory_space<vmem>>
      %dma_wait3A_239 = tpu.memref_squeeze %dma_wait3A_238 : memref<1x40x128xf32, #tpu.memory_space<vmem>> -> memref<40x128xf32, #tpu.memory_space<vmem>>
      %dma_wait3A_240 = arith.constant 0 : i32
      %dma_wait3A_241 = tpu.memref_slice %arg2[%add3A_227, %dma_wait3A_240] : memref<160000x128xf32, #tpu.memory_space<hbm>> -> memref<40x128xf32, #tpu.memory_space<hbm>>
      tpu.wait_dma2 semaphore(%arg11 : memref<!tpu.dma_semaphore, #tpu.memory_space<semaphore_mem>>) src(%dma_wait3A_241 : memref<40x128xf32, #tpu.memory_space<hbm>>) dst(%dma_wait3A_239 : memref<40x128xf32, #tpu.memory_space<vmem>>)
      %add3A_242 = arith.constant 0 : i32
      %add3A_243 = arith.addi %mul3A_111, %add3A_242 : i32
      %add3A_244 = arith.constant 0 : i32
      %add3A_245 = arith.addi %mul3A_111, %add3A_244 : i32
      %dma_start3A_246 = arith.constant 0 : i32
      %dma_start3A_247 = arith.constant 0 : i32
      %dma_start3A_248 = tpu.memref_slice %arg8[%add3A_243, %dma_start3A_246, %dma_start3A_247] : memref<8x40x128xf32, #tpu.memory_space<vmem>> -> memref<1x40x128xf32, #tpu.memory_space<vmem>>
      %dma_start3A_249 = tpu.memref_squeeze %dma_start3A_248 : memref<1x40x128xf32, #tpu.memory_space<vmem>> -> memref<40x128xf32, #tpu.memory_space<vmem>>
      %dma_start3A_250 = arith.constant 0 : i32
      %dma_start3A_251 = tpu.memref_slice %arg7[%add3A_245, %dma_start3A_250] : memref<8x40xi32, #tpu.memory_space<vmem>> -> memref<1x40xi32, #tpu.memory_space<vmem>>
      %dma_start3A_252 = tpu.memref_squeeze %dma_start3A_251 : memref<1x40xi32, #tpu.memory_space<vmem>> -> memref<40xi32, #tpu.memory_space<vmem>>
      %dma_start3A_253 = arith.constant 0 : i32
      %dma_start3A_254 = arith.constant 0 : i32
      %dma_start3A_255 = tpu.memref_slice %arg9[%dma_start3A_253, %dma_start3A_254] : memref<10000x128xf32, #tpu.memory_space<vmem_shared>> -> memref<10000x128xf32, #tpu.memory_space<vmem_shared>>
      tpu.enqueue_indirect_dma source(%dma_start3A_249 : memref<40x128xf32, #tpu.memory_space<vmem>>) target(%dma_start3A_255 : memref<10000x128xf32, #tpu.memory_space<vmem_shared>>) offsets(%dma_start3A_252 : memref<40xi32, #tpu.memory_space<vmem>>) semaphore(%arg12 : memref<!tpu.dma_semaphore, #tpu.memory_space<semaphore_mem>>) {add = true}
      %add3A_256 = arith.constant 1 : i32
      %add3A_257 = arith.addi %mul3A_111, %add3A_256 : i32
      %add3A_258 = arith.constant 1 : i32
      %add3A_259 = arith.addi %mul3A_111, %add3A_258 : i32
      %dma_start3A_260 = arith.constant 0 : i32
      %dma_start3A_261 = arith.constant 0 : i32
      %dma_start3A_262 = tpu.memref_slice %arg8[%add3A_257, %dma_start3A_260, %dma_start3A_261] : memref<8x40x128xf32, #tpu.memory_space<vmem>> -> memref<1x40x128xf32, #tpu.memory_space<vmem>>
      %dma_start3A_263 = tpu.memref_squeeze %dma_start3A_262 : memref<1x40x128xf32, #tpu.memory_space<vmem>> -> memref<40x128xf32, #tpu.memory_space<vmem>>
      %dma_start3A_264 = arith.constant 0 : i32
      %dma_start3A_265 = tpu.memref_slice %arg7[%add3A_259, %dma_start3A_264] : memref<8x40xi32, #tpu.memory_space<vmem>> -> memref<1x40xi32, #tpu.memory_space<vmem>>
      %dma_start3A_266 = tpu.memref_squeeze %dma_start3A_265 : memref<1x40xi32, #tpu.memory_space<vmem>> -> memref<40xi32, #tpu.memory_space<vmem>>
      %dma_start3A_267 = arith.constant 0 : i32
      %dma_start3A_268 = arith.constant 0 : i32
      %dma_start3A_269 = tpu.memref_slice %arg9[%dma_start3A_267, %dma_start3A_268] : memref<10000x128xf32, #tpu.memory_space<vmem_shared>> -> memref<10000x128xf32, #tpu.memory_space<vmem_shared>>
      tpu.enqueue_indirect_dma source(%dma_start3A_263 : memref<40x128xf32, #tpu.memory_space<vmem>>) target(%dma_start3A_269 : memref<10000x128xf32, #tpu.memory_space<vmem_shared>>) offsets(%dma_start3A_266 : memref<40xi32, #tpu.memory_space<vmem>>) semaphore(%arg12 : memref<!tpu.dma_semaphore, #tpu.memory_space<semaphore_mem>>) {add = true}
    }
    %scan3A_5 = arith.constant 125 : i32
    %dma_wait3A = arith.constant 0 : i32
    %dma_wait3A_6 = arith.constant 0 : i32
    %dma_wait3A_7 = arith.constant 0 : i32
    %dma_wait3A_8 = arith.constant 0 : i32
    %dma_wait3A_9 = tpu.memref_slice %arg8[%dma_wait3A, %dma_wait3A_7, %dma_wait3A_8] : memref<8x40x128xf32, #tpu.memory_space<vmem>> -> memref<1x40x128xf32, #tpu.memory_space<vmem>>
    %dma_wait3A_10 = tpu.memref_squeeze %dma_wait3A_9 : memref<1x40x128xf32, #tpu.memory_space<vmem>> -> memref<40x128xf32, #tpu.memory_space<vmem>>
    %dma_wait3A_11 = arith.constant 0 : i32
    %dma_wait3A_12 = tpu.memref_slice %arg7[%dma_wait3A_6, %dma_wait3A_11] : memref<8x40xi32, #tpu.memory_space<vmem>> -> memref<1x40xi32, #tpu.memory_space<vmem>>
    %dma_wait3A_13 = tpu.memref_squeeze %dma_wait3A_12 : memref<1x40xi32, #tpu.memory_space<vmem>> -> memref<40xi32, #tpu.memory_space<vmem>>
    %dma_wait3A_14 = arith.constant 0 : i32
    %dma_wait3A_15 = arith.constant 0 : i32
    %dma_wait3A_16 = tpu.memref_slice %arg9[%dma_wait3A_14, %dma_wait3A_15] : memref<10000x128xf32, #tpu.memory_space<vmem_shared>> -> memref<10000x128xf32, #tpu.memory_space<vmem_shared>>
    tpu.wait_indirect_dma semaphore(%arg12 : memref<!tpu.dma_semaphore, #tpu.memory_space<semaphore_mem>>) src(%dma_wait3A_10 : memref<40x128xf32, #tpu.memory_space<vmem>>) dst(%dma_wait3A_16 : memref<10000x128xf32, #tpu.memory_space<vmem_shared>>)
    %dma_wait3A_17 = arith.constant 1 : i32
    %dma_wait3A_18 = arith.constant 0 : i32
    %dma_wait3A_19 = arith.constant 0 : i32
    %dma_wait3A_20 = arith.constant 0 : i32
    %dma_wait3A_21 = tpu.memref_slice %arg8[%dma_wait3A_17, %dma_wait3A_19, %dma_wait3A_20] : memref<8x40x128xf32, #tpu.memory_space<vmem>> -> memref<1x40x128xf32, #tpu.memory_space<vmem>>
    %dma_wait3A_22 = tpu.memref_squeeze %dma_wait3A_21 : memref<1x40x128xf32, #tpu.memory_space<vmem>> -> memref<40x128xf32, #tpu.memory_space<vmem>>
    %dma_wait3A_23 = arith.constant 0 : i32
    %dma_wait3A_24 = tpu.memref_slice %arg7[%dma_wait3A_18, %dma_wait3A_23] : memref<8x40xi32, #tpu.memory_space<vmem>> -> memref<1x40xi32, #tpu.memory_space<vmem>>
    %dma_wait3A_25 = tpu.memref_squeeze %dma_wait3A_24 : memref<1x40xi32, #tpu.memory_space<vmem>> -> memref<40xi32, #tpu.memory_space<vmem>>
    %dma_wait3A_26 = arith.constant 0 : i32
    %dma_wait3A_27 = arith.constant 0 : i32
    %dma_wait3A_28 = tpu.memref_slice %arg9[%dma_wait3A_26, %dma_wait3A_27] : memref<10000x128xf32, #tpu.memory_space<vmem_shared>> -> memref<10000x128xf32, #tpu.memory_space<vmem_shared>>
    tpu.wait_indirect_dma semaphore(%arg12 : memref<!tpu.dma_semaphore, #tpu.memory_space<semaphore_mem>>) src(%dma_wait3A_22 : memref<40x128xf32, #tpu.memory_space<vmem>>) dst(%dma_wait3A_28 : memref<10000x128xf32, #tpu.memory_space<vmem_shared>>)
    %dma_wait3A_29 = arith.constant 2 : i32
    %dma_wait3A_30 = arith.constant 0 : i32
    %dma_wait3A_31 = arith.constant 0 : i32
    %dma_wait3A_32 = arith.constant 0 : i32
    %dma_wait3A_33 = tpu.memref_slice %arg8[%dma_wait3A_29, %dma_wait3A_31, %dma_wait3A_32] : memref<8x40x128xf32, #tpu.memory_space<vmem>> -> memref<1x40x128xf32, #tpu.memory_space<vmem>>
    %dma_wait3A_34 = tpu.memref_squeeze %dma_wait3A_33 : memref<1x40x128xf32, #tpu.memory_space<vmem>> -> memref<40x128xf32, #tpu.memory_space<vmem>>
    %dma_wait3A_35 = arith.constant 0 : i32
    %dma_wait3A_36 = tpu.memref_slice %arg7[%dma_wait3A_30, %dma_wait3A_35] : memref<8x40xi32, #tpu.memory_space<vmem>> -> memref<1x40xi32, #tpu.memory_space<vmem>>
    %dma_wait3A_37 = tpu.memref_squeeze %dma_wait3A_36 : memref<1x40xi32, #tpu.memory_space<vmem>> -> memref<40xi32, #tpu.memory_space<vmem>>
    %dma_wait3A_38 = arith.constant 0 : i32
    %dma_wait3A_39 = arith.constant 0 : i32
    %dma_wait3A_40 = tpu.memref_slice %arg9[%dma_wait3A_38, %dma_wait3A_39] : memref<10000x128xf32, #tpu.memory_space<vmem_shared>> -> memref<10000x128xf32, #tpu.memory_space<vmem_shared>>
    tpu.wait_indirect_dma semaphore(%arg12 : memref<!tpu.dma_semaphore, #tpu.memory_space<semaphore_mem>>) src(%dma_wait3A_34 : memref<40x128xf32, #tpu.memory_space<vmem>>) dst(%dma_wait3A_40 : memref<10000x128xf32, #tpu.memory_space<vmem_shared>>)
    %dma_wait3A_41 = arith.constant 3 : i32
    %dma_wait3A_42 = arith.constant 0 : i32
    %dma_wait3A_43 = arith.constant 0 : i32
    %dma_wait3A_44 = arith.constant 0 : i32
    %dma_wait3A_45 = tpu.memref_slice %arg8[%dma_wait3A_41, %dma_wait3A_43, %dma_wait3A_44] : memref<8x40x128xf32, #tpu.memory_space<vmem>> -> memref<1x40x128xf32, #tpu.memory_space<vmem>>
    %dma_wait3A_46 = tpu.memref_squeeze %dma_wait3A_45 : memref<1x40x128xf32, #tpu.memory_space<vmem>> -> memref<40x128xf32, #tpu.memory_space<vmem>>
    %dma_wait3A_47 = arith.constant 0 : i32
    %dma_wait3A_48 = tpu.memref_slice %arg7[%dma_wait3A_42, %dma_wait3A_47] : memref<8x40xi32, #tpu.memory_space<vmem>> -> memref<1x40xi32, #tpu.memory_space<vmem>>
    %dma_wait3A_49 = tpu.memref_squeeze %dma_wait3A_48 : memref<1x40xi32, #tpu.memory_space<vmem>> -> memref<40xi32, #tpu.memory_space<vmem>>
    %dma_wait3A_50 = arith.constant 0 : i32
    %dma_wait3A_51 = arith.constant 0 : i32
    %dma_wait3A_52 = tpu.memref_slice %arg9[%dma_wait3A_50, %dma_wait3A_51] : memref<10000x128xf32, #tpu.memory_space<vmem_shared>> -> memref<10000x128xf32, #tpu.memory_space<vmem_shared>>
    tpu.wait_indirect_dma semaphore(%arg12 : memref<!tpu.dma_semaphore, #tpu.memory_space<semaphore_mem>>) src(%dma_wait3A_46 : memref<40x128xf32, #tpu.memory_space<vmem>>) dst(%dma_wait3A_52 : memref<10000x128xf32, #tpu.memory_space<vmem_shared>>)
    %dma_wait3A_53 = arith.constant 4 : i32
    %dma_wait3A_54 = arith.constant 0 : i32
    %dma_wait3A_55 = arith.constant 0 : i32
    %dma_wait3A_56 = arith.constant 0 : i32
    %dma_wait3A_57 = tpu.memref_slice %arg8[%dma_wait3A_53, %dma_wait3A_55, %dma_wait3A_56] : memref<8x40x128xf32, #tpu.memory_space<vmem>> -> memref<1x40x128xf32, #tpu.memory_space<vmem>>
    %dma_wait3A_58 = tpu.memref_squeeze %dma_wait3A_57 : memref<1x40x128xf32, #tpu.memory_space<vmem>> -> memref<40x128xf32, #tpu.memory_space<vmem>>
    %dma_wait3A_59 = arith.constant 0 : i32
    %dma_wait3A_60 = tpu.memref_slice %arg7[%dma_wait3A_54, %dma_wait3A_59] : memref<8x40xi32, #tpu.memory_space<vmem>> -> memref<1x40xi32, #tpu.memory_space<vmem>>
    %dma_wait3A_61 = tpu.memref_squeeze %dma_wait3A_60 : memref<1x40xi32, #tpu.memory_space<vmem>> -> memref<40xi32, #tpu.memory_space<vmem>>
    %dma_wait3A_62 = arith.constant 0 : i32
    %dma_wait3A_63 = arith.constant 0 : i32
    %dma_wait3A_64 = tpu.memref_slice %arg9[%dma_wait3A_62, %dma_wait3A_63] : memref<10000x128xf32, #tpu.memory_space<vmem_shared>> -> memref<10000x128xf32, #tpu.memory_space<vmem_shared>>
    tpu.wait_indirect_dma semaphore(%arg12 : memref<!tpu.dma_semaphore, #tpu.memory_space<semaphore_mem>>) src(%dma_wait3A_58 : memref<40x128xf32, #tpu.memory_space<vmem>>) dst(%dma_wait3A_64 : memref<10000x128xf32, #tpu.memory_space<vmem_shared>>)
    %dma_wait3A_65 = arith.constant 5 : i32
    %dma_wait3A_66 = arith.constant 0 : i32
    %dma_wait3A_67 = arith.constant 0 : i32
    %dma_wait3A_68 = arith.constant 0 : i32
    %dma_wait3A_69 = tpu.memref_slice %arg8[%dma_wait3A_65, %dma_wait3A_67, %dma_wait3A_68] : memref<8x40x128xf32, #tpu.memory_space<vmem>> -> memref<1x40x128xf32, #tpu.memory_space<vmem>>
    %dma_wait3A_70 = tpu.memref_squeeze %dma_wait3A_69 : memref<1x40x128xf32, #tpu.memory_space<vmem>> -> memref<40x128xf32, #tpu.memory_space<vmem>>
    %dma_wait3A_71 = arith.constant 0 : i32
    %dma_wait3A_72 = tpu.memref_slice %arg7[%dma_wait3A_66, %dma_wait3A_71] : memref<8x40xi32, #tpu.memory_space<vmem>> -> memref<1x40xi32, #tpu.memory_space<vmem>>
    %dma_wait3A_73 = tpu.memref_squeeze %dma_wait3A_72 : memref<1x40xi32, #tpu.memory_space<vmem>> -> memref<40xi32, #tpu.memory_space<vmem>>
    %dma_wait3A_74 = arith.constant 0 : i32
    %dma_wait3A_75 = arith.constant 0 : i32
    %dma_wait3A_76 = tpu.memref_slice %arg9[%dma_wait3A_74, %dma_wait3A_75] : memref<10000x128xf32, #tpu.memory_space<vmem_shared>> -> memref<10000x128xf32, #tpu.memory_space<vmem_shared>>
    tpu.wait_indirect_dma semaphore(%arg12 : memref<!tpu.dma_semaphore, #tpu.memory_space<semaphore_mem>>) src(%dma_wait3A_70 : memref<40x128xf32, #tpu.memory_space<vmem>>) dst(%dma_wait3A_76 : memref<10000x128xf32, #tpu.memory_space<vmem_shared>>)
    %dma_wait3A_77 = arith.constant 6 : i32
    %dma_wait3A_78 = arith.constant 0 : i32
    %dma_wait3A_79 = arith.constant 0 : i32
    %dma_wait3A_80 = arith.constant 0 : i32
    %dma_wait3A_81 = tpu.memref_slice %arg8[%dma_wait3A_77, %dma_wait3A_79, %dma_wait3A_80] : memref<8x40x128xf32, #tpu.memory_space<vmem>> -> memref<1x40x128xf32, #tpu.memory_space<vmem>>
    %dma_wait3A_82 = tpu.memref_squeeze %dma_wait3A_81 : memref<1x40x128xf32, #tpu.memory_space<vmem>> -> memref<40x128xf32, #tpu.memory_space<vmem>>
    %dma_wait3A_83 = arith.constant 0 : i32
    %dma_wait3A_84 = tpu.memref_slice %arg7[%dma_wait3A_78, %dma_wait3A_83] : memref<8x40xi32, #tpu.memory_space<vmem>> -> memref<1x40xi32, #tpu.memory_space<vmem>>
    %dma_wait3A_85 = tpu.memref_squeeze %dma_wait3A_84 : memref<1x40xi32, #tpu.memory_space<vmem>> -> memref<40xi32, #tpu.memory_space<vmem>>
    %dma_wait3A_86 = arith.constant 0 : i32
    %dma_wait3A_87 = arith.constant 0 : i32
    %dma_wait3A_88 = tpu.memref_slice %arg9[%dma_wait3A_86, %dma_wait3A_87] : memref<10000x128xf32, #tpu.memory_space<vmem_shared>> -> memref<10000x128xf32, #tpu.memory_space<vmem_shared>>
    tpu.wait_indirect_dma semaphore(%arg12 : memref<!tpu.dma_semaphore, #tpu.memory_space<semaphore_mem>>) src(%dma_wait3A_82 : memref<40x128xf32, #tpu.memory_space<vmem>>) dst(%dma_wait3A_88 : memref<10000x128xf32, #tpu.memory_space<vmem_shared>>)
    %dma_wait3A_89 = arith.constant 7 : i32
    %dma_wait3A_90 = arith.constant 0 : i32
    %dma_wait3A_91 = arith.constant 0 : i32
    %dma_wait3A_92 = arith.constant 0 : i32
    %dma_wait3A_93 = tpu.memref_slice %arg8[%dma_wait3A_89, %dma_wait3A_91, %dma_wait3A_92] : memref<8x40x128xf32, #tpu.memory_space<vmem>> -> memref<1x40x128xf32, #tpu.memory_space<vmem>>
    %dma_wait3A_94 = tpu.memref_squeeze %dma_wait3A_93 : memref<1x40x128xf32, #tpu.memory_space<vmem>> -> memref<40x128xf32, #tpu.memory_space<vmem>>
    %dma_wait3A_95 = arith.constant 0 : i32
    %dma_wait3A_96 = tpu.memref_slice %arg7[%dma_wait3A_90, %dma_wait3A_95] : memref<8x40xi32, #tpu.memory_space<vmem>> -> memref<1x40xi32, #tpu.memory_space<vmem>>
    %dma_wait3A_97 = tpu.memref_squeeze %dma_wait3A_96 : memref<1x40xi32, #tpu.memory_space<vmem>> -> memref<40xi32, #tpu.memory_space<vmem>>
    %dma_wait3A_98 = arith.constant 0 : i32
    %dma_wait3A_99 = arith.constant 0 : i32
    %dma_wait3A_100 = tpu.memref_slice %arg9[%dma_wait3A_98, %dma_wait3A_99] : memref<10000x128xf32, #tpu.memory_space<vmem_shared>> -> memref<10000x128xf32, #tpu.memory_space<vmem_shared>>
    tpu.wait_indirect_dma semaphore(%arg12 : memref<!tpu.dma_semaphore, #tpu.memory_space<semaphore_mem>>) src(%dma_wait3A_94 : memref<40x128xf32, #tpu.memory_space<vmem>>) dst(%dma_wait3A_100 : memref<10000x128xf32, #tpu.memory_space<vmem_shared>>)
    %barrier3A_101 = arith.constant 0 : index
    tpu.barrier barrier_id(%barrier3A_101)
    %mul3A_102 = arith.constant 625 : i32
    %mul3A_103 = arith.muli %arg1, %mul3A_102 : i32
    %mul3A_104 = arith.constant 10000 : i32
    %mul3A_105 = arith.muli %arg0, %mul3A_104 : i32
    %mul3A_106 = arith.constant 625 : i32
    %mul3A_107 = arith.muli %arg1, %mul3A_106 : i32
    %add3A = arith.addi %mul3A_105, %mul3A_107 : i32
    "tpu.region"() ({
      %run_scoped3A = tpu.sem_alloc : memref<!tpu.dma_semaphore, #tpu.memory_space<semaphore_mem>>
      %dma_start3A = arith.constant 0 : i32
      %dma_start3A_108 = tpu.memref_slice %arg6[%add3A, %dma_start3A] : memref<20000x128xf32, #tpu.memory_space<hbm>> -> memref<625x128xf32, #tpu.memory_space<hbm>>
      %dma_start3A_109 = arith.constant 0 : i32
      %dma_start3A_110 = tpu.memref_slice %arg9[%mul3A_103, %dma_start3A_109] : memref<10000x128xf32, #tpu.memory_space<vmem_shared>> -> memref<625x128xf32, #tpu.memory_space<vmem_shared>>
      tpu.enqueue_dma source(%dma_start3A_110 : memref<625x128xf32, #tpu.memory_space<vmem_shared>>) target(%dma_start3A_108 : memref<625x128xf32, #tpu.memory_space<hbm>>) target_semaphore(%run_scoped3A : memref<!tpu.dma_semaphore, #tpu.memory_space<semaphore_mem>>)
      %dma_wait3A_111 = arith.constant 0 : i32
      %dma_wait3A_112 = tpu.memref_slice %arg6[%add3A, %dma_wait3A_111] : memref<20000x128xf32, #tpu.memory_space<hbm>> -> memref<625x128xf32, #tpu.memory_space<hbm>>
      %dma_wait3A_113 = arith.constant 0 : i32
      %dma_wait3A_114 = tpu.memref_slice %arg9[%mul3A_103, %dma_wait3A_113] : memref<10000x128xf32, #tpu.memory_space<vmem_shared>> -> memref<625x128xf32, #tpu.memory_space<vmem_shared>>
      tpu.wait_dma2 semaphore(%run_scoped3A : memref<!tpu.dma_semaphore, #tpu.memory_space<semaphore_mem>>) src(%dma_wait3A_114 : memref<625x128xf32, #tpu.memory_space<vmem_shared>>) dst(%dma_wait3A_112 : memref<625x128xf32, #tpu.memory_space<hbm>>)
      tpu.yield
    }) : () -> ()
    return
  }
}

#map = affine_map<(d0, d1) -> (0, 0)>
#map1 = affine_map<(d0, d1) -> (0, 0, 0)>
module attributes {stable_mosaic.version = 14 : i64} {
  func.func @_gather_body(%arg0: i32, %arg1: i32, %arg2: memref<10000x128xf32, #tpu.memory_space<hbm>>, %arg3: memref<32x50x100xi32, #tpu.memory_space<hbm>>, %arg4: memref<160000x128xf32, #tpu.memory_space<hbm>>, %arg5: memref<10x100xi32, #tpu.memory_space<vmem>>, %arg6: memref<10x100x128xf32, #tpu.memory_space<vmem>>, %arg7: memref<!tpu.dma_semaphore, #tpu.memory_space<semaphore_mem>>, %arg8: memref<!tpu.dma_semaphore, #tpu.memory_space<semaphore_mem>>, %arg9: memref<!tpu.dma_semaphore, #tpu.memory_space<semaphore_mem>>) attributes {dimension_semantics = [#tpu.dimension_semantics<core_parallel>, #tpu.dimension_semantics<subcore_parallel>], iteration_bounds = array<i64: 2, 16>, scalar_prefetch = 0 : i64, scratch_operands = 5 : i64, tpu.core_type = #tpu.core_type<sc_vector_subcore>, window_params = [{transform_indices = #map}, {transform_indices = #map1}, {transform_indices = #map}]} {
    %mul3A = arith.constant 16 : i32
    %mul3A_0 = arith.muli %arg0, %mul3A : i32
    %add3A = arith.addi %mul3A_0, %arg1 : i32
    %scan3A = arith.constant 0 : i32
    %scan3A_1 = arith.constant 0 : i32
    %scan3A_2 = arith.constant 10 : i32
    %scan3A_3 = arith.addi %scan3A_1, %scan3A_2 : i32
    %scan3A_4 = arith.constant 1 : i32
    scf.for %scan3A_155 = %scan3A_1 to %scan3A_3 step %scan3A_4  : i32 {
      %rem3A = arith.constant 2 : i32
      %rem3A_156 = arith.remsi %scan3A_155, %rem3A : i32
      %mul3A_157 = arith.constant 5 : i32
      %mul3A_158 = arith.muli %rem3A_156, %mul3A_157 : i32
      %ge3A = arith.constant 2 : i32
      %ge3A_159 = arith.cmpi sge, %scan3A_155, %ge3A : i32
      %convert_element_type3A = arith.extui %ge3A_159 : i1 to i32
      %cond3A = arith.constant 0 : i32
      %cond3A_160 = arith.cmpi ne, %convert_element_type3A, %cond3A : i32
      scf.if %cond3A_160 {
        %add3A_595 = arith.constant 0 : i32
        %add3A_596 = arith.addi %mul3A_158, %add3A_595 : i32
        %dma_wait3A_597 = arith.constant 0 : i32
        %dma_wait3A_598 = arith.constant 0 : i32
        %dma_wait3A_599 = tpu.memref_slice %arg6[%add3A_596, %dma_wait3A_597, %dma_wait3A_598] : memref<10x100x128xf32, #tpu.memory_space<vmem>> -> memref<1x100x128xf32, #tpu.memory_space<vmem>>
        %dma_wait3A_600 = tpu.memref_squeeze %dma_wait3A_599 : memref<1x100x128xf32, #tpu.memory_space<vmem>> -> memref<100x128xf32, #tpu.memory_space<vmem>>
        %dma_wait3A_601 = arith.constant 0 : i32
        %dma_wait3A_602 = arith.constant 0 : i32
        %dma_wait3A_603 = tpu.memref_slice %arg4[%dma_wait3A_601, %dma_wait3A_602] : memref<160000x128xf32, #tpu.memory_space<hbm>> -> memref<100x128xf32, #tpu.memory_space<hbm>>
        %dma_wait3A_604 = arith.constant 0 : i32
        %dma_wait3A_605 = arith.constant 0 : i32
        %dma_wait3A_606 = tpu.memref_slice %arg4[%dma_wait3A_604, %dma_wait3A_605] : memref<160000x128xf32, #tpu.memory_space<hbm>> -> memref<100x128xf32, #tpu.memory_space<hbm>>
        %dma_wait3A_607 = arith.constant 0 : i32
        %dma_wait3A_608 = arith.constant 0 : i32
        %dma_wait3A_609 = tpu.memref_slice %arg6[%add3A_596, %dma_wait3A_607, %dma_wait3A_608] : memref<10x100x128xf32, #tpu.memory_space<vmem>> -> memref<1x100x128xf32, #tpu.memory_space<vmem>>
        %dma_wait3A_610 = tpu.memref_squeeze %dma_wait3A_609 : memref<1x100x128xf32, #tpu.memory_space<vmem>> -> memref<100x128xf32, #tpu.memory_space<vmem>>
        tpu.wait_dma2 semaphore(%arg9 : memref<!tpu.dma_semaphore, #tpu.memory_space<semaphore_mem>>) src(%dma_wait3A_610 : memref<100x128xf32, #tpu.memory_space<vmem>>) dst(%dma_wait3A_606 : memref<100x128xf32, #tpu.memory_space<hbm>>)
        %add3A_611 = arith.constant 1 : i32
        %add3A_612 = arith.addi %mul3A_158, %add3A_611 : i32
        %dma_wait3A_613 = arith.constant 0 : i32
        %dma_wait3A_614 = arith.constant 0 : i32
        %dma_wait3A_615 = tpu.memref_slice %arg6[%add3A_612, %dma_wait3A_613, %dma_wait3A_614] : memref<10x100x128xf32, #tpu.memory_space<vmem>> -> memref<1x100x128xf32, #tpu.memory_space<vmem>>
        %dma_wait3A_616 = tpu.memref_squeeze %dma_wait3A_615 : memref<1x100x128xf32, #tpu.memory_space<vmem>> -> memref<100x128xf32, #tpu.memory_space<vmem>>
        %dma_wait3A_617 = arith.constant 0 : i32
        %dma_wait3A_618 = arith.constant 0 : i32
        %dma_wait3A_619 = tpu.memref_slice %arg4[%dma_wait3A_617, %dma_wait3A_618] : memref<160000x128xf32, #tpu.memory_space<hbm>> -> memref<100x128xf32, #tpu.memory_space<hbm>>
        %dma_wait3A_620 = arith.constant 0 : i32
        %dma_wait3A_621 = arith.constant 0 : i32
        %dma_wait3A_622 = tpu.memref_slice %arg4[%dma_wait3A_620, %dma_wait3A_621] : memref<160000x128xf32, #tpu.memory_space<hbm>> -> memref<100x128xf32, #tpu.memory_space<hbm>>
        %dma_wait3A_623 = arith.constant 0 : i32
        %dma_wait3A_624 = arith.constant 0 : i32
        %dma_wait3A_625 = tpu.memref_slice %arg6[%add3A_612, %dma_wait3A_623, %dma_wait3A_624] : memref<10x100x128xf32, #tpu.memory_space<vmem>> -> memref<1x100x128xf32, #tpu.memory_space<vmem>>
        %dma_wait3A_626 = tpu.memref_squeeze %dma_wait3A_625 : memref<1x100x128xf32, #tpu.memory_space<vmem>> -> memref<100x128xf32, #tpu.memory_space<vmem>>
        tpu.wait_dma2 semaphore(%arg9 : memref<!tpu.dma_semaphore, #tpu.memory_space<semaphore_mem>>) src(%dma_wait3A_626 : memref<100x128xf32, #tpu.memory_space<vmem>>) dst(%dma_wait3A_622 : memref<100x128xf32, #tpu.memory_space<hbm>>)
        %add3A_627 = arith.constant 2 : i32
        %add3A_628 = arith.addi %mul3A_158, %add3A_627 : i32
        %dma_wait3A_629 = arith.constant 0 : i32
        %dma_wait3A_630 = arith.constant 0 : i32
        %dma_wait3A_631 = tpu.memref_slice %arg6[%add3A_628, %dma_wait3A_629, %dma_wait3A_630] : memref<10x100x128xf32, #tpu.memory_space<vmem>> -> memref<1x100x128xf32, #tpu.memory_space<vmem>>
        %dma_wait3A_632 = tpu.memref_squeeze %dma_wait3A_631 : memref<1x100x128xf32, #tpu.memory_space<vmem>> -> memref<100x128xf32, #tpu.memory_space<vmem>>
        %dma_wait3A_633 = arith.constant 0 : i32
        %dma_wait3A_634 = arith.constant 0 : i32
        %dma_wait3A_635 = tpu.memref_slice %arg4[%dma_wait3A_633, %dma_wait3A_634] : memref<160000x128xf32, #tpu.memory_space<hbm>> -> memref<100x128xf32, #tpu.memory_space<hbm>>
        %dma_wait3A_636 = arith.constant 0 : i32
        %dma_wait3A_637 = arith.constant 0 : i32
        %dma_wait3A_638 = tpu.memref_slice %arg4[%dma_wait3A_636, %dma_wait3A_637] : memref<160000x128xf32, #tpu.memory_space<hbm>> -> memref<100x128xf32, #tpu.memory_space<hbm>>
        %dma_wait3A_639 = arith.constant 0 : i32
        %dma_wait3A_640 = arith.constant 0 : i32
        %dma_wait3A_641 = tpu.memref_slice %arg6[%add3A_628, %dma_wait3A_639, %dma_wait3A_640] : memref<10x100x128xf32, #tpu.memory_space<vmem>> -> memref<1x100x128xf32, #tpu.memory_space<vmem>>
        %dma_wait3A_642 = tpu.memref_squeeze %dma_wait3A_641 : memref<1x100x128xf32, #tpu.memory_space<vmem>> -> memref<100x128xf32, #tpu.memory_space<vmem>>
        tpu.wait_dma2 semaphore(%arg9 : memref<!tpu.dma_semaphore, #tpu.memory_space<semaphore_mem>>) src(%dma_wait3A_642 : memref<100x128xf32, #tpu.memory_space<vmem>>) dst(%dma_wait3A_638 : memref<100x128xf32, #tpu.memory_space<hbm>>)
        %add3A_643 = arith.constant 3 : i32
        %add3A_644 = arith.addi %mul3A_158, %add3A_643 : i32
        %dma_wait3A_645 = arith.constant 0 : i32
        %dma_wait3A_646 = arith.constant 0 : i32
        %dma_wait3A_647 = tpu.memref_slice %arg6[%add3A_644, %dma_wait3A_645, %dma_wait3A_646] : memref<10x100x128xf32, #tpu.memory_space<vmem>> -> memref<1x100x128xf32, #tpu.memory_space<vmem>>
        %dma_wait3A_648 = tpu.memref_squeeze %dma_wait3A_647 : memref<1x100x128xf32, #tpu.memory_space<vmem>> -> memref<100x128xf32, #tpu.memory_space<vmem>>
        %dma_wait3A_649 = arith.constant 0 : i32
        %dma_wait3A_650 = arith.constant 0 : i32
        %dma_wait3A_651 = tpu.memref_slice %arg4[%dma_wait3A_649, %dma_wait3A_650] : memref<160000x128xf32, #tpu.memory_space<hbm>> -> memref<100x128xf32, #tpu.memory_space<hbm>>
        %dma_wait3A_652 = arith.constant 0 : i32
        %dma_wait3A_653 = arith.constant 0 : i32
        %dma_wait3A_654 = tpu.memref_slice %arg4[%dma_wait3A_652, %dma_wait3A_653] : memref<160000x128xf32, #tpu.memory_space<hbm>> -> memref<100x128xf32, #tpu.memory_space<hbm>>
        %dma_wait3A_655 = arith.constant 0 : i32
        %dma_wait3A_656 = arith.constant 0 : i32
        %dma_wait3A_657 = tpu.memref_slice %arg6[%add3A_644, %dma_wait3A_655, %dma_wait3A_656] : memref<10x100x128xf32, #tpu.memory_space<vmem>> -> memref<1x100x128xf32, #tpu.memory_space<vmem>>
        %dma_wait3A_658 = tpu.memref_squeeze %dma_wait3A_657 : memref<1x100x128xf32, #tpu.memory_space<vmem>> -> memref<100x128xf32, #tpu.memory_space<vmem>>
        tpu.wait_dma2 semaphore(%arg9 : memref<!tpu.dma_semaphore, #tpu.memory_space<semaphore_mem>>) src(%dma_wait3A_658 : memref<100x128xf32, #tpu.memory_space<vmem>>) dst(%dma_wait3A_654 : memref<100x128xf32, #tpu.memory_space<hbm>>)
        %add3A_659 = arith.constant 4 : i32
        %add3A_660 = arith.addi %mul3A_158, %add3A_659 : i32
        %dma_wait3A_661 = arith.constant 0 : i32
        %dma_wait3A_662 = arith.constant 0 : i32
        %dma_wait3A_663 = tpu.memref_slice %arg6[%add3A_660, %dma_wait3A_661, %dma_wait3A_662] : memref<10x100x128xf32, #tpu.memory_space<vmem>> -> memref<1x100x128xf32, #tpu.memory_space<vmem>>
        %dma_wait3A_664 = tpu.memref_squeeze %dma_wait3A_663 : memref<1x100x128xf32, #tpu.memory_space<vmem>> -> memref<100x128xf32, #tpu.memory_space<vmem>>
        %dma_wait3A_665 = arith.constant 0 : i32
        %dma_wait3A_666 = arith.constant 0 : i32
        %dma_wait3A_667 = tpu.memref_slice %arg4[%dma_wait3A_665, %dma_wait3A_666] : memref<160000x128xf32, #tpu.memory_space<hbm>> -> memref<100x128xf32, #tpu.memory_space<hbm>>
        %dma_wait3A_668 = arith.constant 0 : i32
        %dma_wait3A_669 = arith.constant 0 : i32
        %dma_wait3A_670 = tpu.memref_slice %arg4[%dma_wait3A_668, %dma_wait3A_669] : memref<160000x128xf32, #tpu.memory_space<hbm>> -> memref<100x128xf32, #tpu.memory_space<hbm>>
        %dma_wait3A_671 = arith.constant 0 : i32
        %dma_wait3A_672 = arith.constant 0 : i32
        %dma_wait3A_673 = tpu.memref_slice %arg6[%add3A_660, %dma_wait3A_671, %dma_wait3A_672] : memref<10x100x128xf32, #tpu.memory_space<vmem>> -> memref<1x100x128xf32, #tpu.memory_space<vmem>>
        %dma_wait3A_674 = tpu.memref_squeeze %dma_wait3A_673 : memref<1x100x128xf32, #tpu.memory_space<vmem>> -> memref<100x128xf32, #tpu.memory_space<vmem>>
        tpu.wait_dma2 semaphore(%arg9 : memref<!tpu.dma_semaphore, #tpu.memory_space<semaphore_mem>>) src(%dma_wait3A_674 : memref<100x128xf32, #tpu.memory_space<vmem>>) dst(%dma_wait3A_670 : memref<100x128xf32, #tpu.memory_space<hbm>>)
      } else {
      }
      %mul3A_161 = arith.constant 5 : i32
      %mul3A_162 = arith.muli %scan3A_155, %mul3A_161 : i32
      %add3A_163 = arith.constant 0 : i32
      %add3A_164 = arith.addi %mul3A_162, %add3A_163 : i32
      %add3A_165 = arith.constant 0 : i32
      %add3A_166 = arith.addi %mul3A_158, %add3A_165 : i32
      %dma_start3A = arith.constant 0 : i32
      %dma_start3A_167 = tpu.memref_slice %arg5[%add3A_166, %dma_start3A] : memref<10x100xi32, #tpu.memory_space<vmem>> -> memref<1x100xi32, #tpu.memory_space<vmem>>
      %dma_start3A_168 = tpu.memref_squeeze %dma_start3A_167 : memref<1x100xi32, #tpu.memory_space<vmem>> -> memref<100xi32, #tpu.memory_space<vmem>>
      %dma_start3A_169 = arith.constant 0 : i32
      %dma_start3A_170 = tpu.memref_slice %arg3[%add3A, %add3A_164, %dma_start3A_169] : memref<32x50x100xi32, #tpu.memory_space<hbm>> -> memref<1x1x100xi32, #tpu.memory_space<hbm>>
      %dma_start3A_171 = tpu.memref_squeeze %dma_start3A_170 : memref<1x1x100xi32, #tpu.memory_space<hbm>> -> memref<100xi32, #tpu.memory_space<hbm>>
      %dma_start3A_172 = arith.constant 0 : i32
      %dma_start3A_173 = tpu.memref_slice %arg5[%add3A_166, %dma_start3A_172] : memref<10x100xi32, #tpu.memory_space<vmem>> -> memref<1x100xi32, #tpu.memory_space<vmem>>
      %dma_start3A_174 = tpu.memref_squeeze %dma_start3A_173 : memref<1x100xi32, #tpu.memory_space<vmem>> -> memref<100xi32, #tpu.memory_space<vmem>>
      %dma_start3A_175 = arith.constant 0 : i32
      %dma_start3A_176 = tpu.memref_slice %arg3[%add3A, %add3A_164, %dma_start3A_175] : memref<32x50x100xi32, #tpu.memory_space<hbm>> -> memref<1x1x100xi32, #tpu.memory_space<hbm>>
      %dma_start3A_177 = tpu.memref_squeeze %dma_start3A_176 : memref<1x1x100xi32, #tpu.memory_space<hbm>> -> memref<100xi32, #tpu.memory_space<hbm>>
      tpu.enqueue_dma source(%dma_start3A_177 : memref<100xi32, #tpu.memory_space<hbm>>) target(%dma_start3A_174 : memref<100xi32, #tpu.memory_space<vmem>>) target_semaphore(%arg7 : memref<!tpu.dma_semaphore, #tpu.memory_space<semaphore_mem>>)
      %mul3A_178 = arith.constant 5 : i32
      %mul3A_179 = arith.muli %scan3A_155, %mul3A_178 : i32
      %add3A_180 = arith.constant 1 : i32
      %add3A_181 = arith.addi %mul3A_179, %add3A_180 : i32
      %add3A_182 = arith.constant 1 : i32
      %add3A_183 = arith.addi %mul3A_158, %add3A_182 : i32
      %dma_start3A_184 = arith.constant 0 : i32
      %dma_start3A_185 = tpu.memref_slice %arg5[%add3A_183, %dma_start3A_184] : memref<10x100xi32, #tpu.memory_space<vmem>> -> memref<1x100xi32, #tpu.memory_space<vmem>>
      %dma_start3A_186 = tpu.memref_squeeze %dma_start3A_185 : memref<1x100xi32, #tpu.memory_space<vmem>> -> memref<100xi32, #tpu.memory_space<vmem>>
      %dma_start3A_187 = arith.constant 0 : i32
      %dma_start3A_188 = tpu.memref_slice %arg3[%add3A, %add3A_181, %dma_start3A_187] : memref<32x50x100xi32, #tpu.memory_space<hbm>> -> memref<1x1x100xi32, #tpu.memory_space<hbm>>
      %dma_start3A_189 = tpu.memref_squeeze %dma_start3A_188 : memref<1x1x100xi32, #tpu.memory_space<hbm>> -> memref<100xi32, #tpu.memory_space<hbm>>
      %dma_start3A_190 = arith.constant 0 : i32
      %dma_start3A_191 = tpu.memref_slice %arg5[%add3A_183, %dma_start3A_190] : memref<10x100xi32, #tpu.memory_space<vmem>> -> memref<1x100xi32, #tpu.memory_space<vmem>>
      %dma_start3A_192 = tpu.memref_squeeze %dma_start3A_191 : memref<1x100xi32, #tpu.memory_space<vmem>> -> memref<100xi32, #tpu.memory_space<vmem>>
      %dma_start3A_193 = arith.constant 0 : i32
      %dma_start3A_194 = tpu.memref_slice %arg3[%add3A, %add3A_181, %dma_start3A_193] : memref<32x50x100xi32, #tpu.memory_space<hbm>> -> memref<1x1x100xi32, #tpu.memory_space<hbm>>
      %dma_start3A_195 = tpu.memref_squeeze %dma_start3A_194 : memref<1x1x100xi32, #tpu.memory_space<hbm>> -> memref<100xi32, #tpu.memory_space<hbm>>
      tpu.enqueue_dma source(%dma_start3A_195 : memref<100xi32, #tpu.memory_space<hbm>>) target(%dma_start3A_192 : memref<100xi32, #tpu.memory_space<vmem>>) target_semaphore(%arg7 : memref<!tpu.dma_semaphore, #tpu.memory_space<semaphore_mem>>)
      %mul3A_196 = arith.constant 5 : i32
      %mul3A_197 = arith.muli %scan3A_155, %mul3A_196 : i32
      %add3A_198 = arith.constant 2 : i32
      %add3A_199 = arith.addi %mul3A_197, %add3A_198 : i32
      %add3A_200 = arith.constant 2 : i32
      %add3A_201 = arith.addi %mul3A_158, %add3A_200 : i32
      %dma_start3A_202 = arith.constant 0 : i32
      %dma_start3A_203 = tpu.memref_slice %arg5[%add3A_201, %dma_start3A_202] : memref<10x100xi32, #tpu.memory_space<vmem>> -> memref<1x100xi32, #tpu.memory_space<vmem>>
      %dma_start3A_204 = tpu.memref_squeeze %dma_start3A_203 : memref<1x100xi32, #tpu.memory_space<vmem>> -> memref<100xi32, #tpu.memory_space<vmem>>
      %dma_start3A_205 = arith.constant 0 : i32
      %dma_start3A_206 = tpu.memref_slice %arg3[%add3A, %add3A_199, %dma_start3A_205] : memref<32x50x100xi32, #tpu.memory_space<hbm>> -> memref<1x1x100xi32, #tpu.memory_space<hbm>>
      %dma_start3A_207 = tpu.memref_squeeze %dma_start3A_206 : memref<1x1x100xi32, #tpu.memory_space<hbm>> -> memref<100xi32, #tpu.memory_space<hbm>>
      %dma_start3A_208 = arith.constant 0 : i32
      %dma_start3A_209 = tpu.memref_slice %arg5[%add3A_201, %dma_start3A_208] : memref<10x100xi32, #tpu.memory_space<vmem>> -> memref<1x100xi32, #tpu.memory_space<vmem>>
      %dma_start3A_210 = tpu.memref_squeeze %dma_start3A_209 : memref<1x100xi32, #tpu.memory_space<vmem>> -> memref<100xi32, #tpu.memory_space<vmem>>
      %dma_start3A_211 = arith.constant 0 : i32
      %dma_start3A_212 = tpu.memref_slice %arg3[%add3A, %add3A_199, %dma_start3A_211] : memref<32x50x100xi32, #tpu.memory_space<hbm>> -> memref<1x1x100xi32, #tpu.memory_space<hbm>>
      %dma_start3A_213 = tpu.memref_squeeze %dma_start3A_212 : memref<1x1x100xi32, #tpu.memory_space<hbm>> -> memref<100xi32, #tpu.memory_space<hbm>>
      tpu.enqueue_dma source(%dma_start3A_213 : memref<100xi32, #tpu.memory_space<hbm>>) target(%dma_start3A_210 : memref<100xi32, #tpu.memory_space<vmem>>) target_semaphore(%arg7 : memref<!tpu.dma_semaphore, #tpu.memory_space<semaphore_mem>>)
      %mul3A_214 = arith.constant 5 : i32
      %mul3A_215 = arith.muli %scan3A_155, %mul3A_214 : i32
      %add3A_216 = arith.constant 3 : i32
      %add3A_217 = arith.addi %mul3A_215, %add3A_216 : i32
      %add3A_218 = arith.constant 3 : i32
      %add3A_219 = arith.addi %mul3A_158, %add3A_218 : i32
      %dma_start3A_220 = arith.constant 0 : i32
      %dma_start3A_221 = tpu.memref_slice %arg5[%add3A_219, %dma_start3A_220] : memref<10x100xi32, #tpu.memory_space<vmem>> -> memref<1x100xi32, #tpu.memory_space<vmem>>
      %dma_start3A_222 = tpu.memref_squeeze %dma_start3A_221 : memref<1x100xi32, #tpu.memory_space<vmem>> -> memref<100xi32, #tpu.memory_space<vmem>>
      %dma_start3A_223 = arith.constant 0 : i32
      %dma_start3A_224 = tpu.memref_slice %arg3[%add3A, %add3A_217, %dma_start3A_223] : memref<32x50x100xi32, #tpu.memory_space<hbm>> -> memref<1x1x100xi32, #tpu.memory_space<hbm>>
      %dma_start3A_225 = tpu.memref_squeeze %dma_start3A_224 : memref<1x1x100xi32, #tpu.memory_space<hbm>> -> memref<100xi32, #tpu.memory_space<hbm>>
      %dma_start3A_226 = arith.constant 0 : i32
      %dma_start3A_227 = tpu.memref_slice %arg5[%add3A_219, %dma_start3A_226] : memref<10x100xi32, #tpu.memory_space<vmem>> -> memref<1x100xi32, #tpu.memory_space<vmem>>
      %dma_start3A_228 = tpu.memref_squeeze %dma_start3A_227 : memref<1x100xi32, #tpu.memory_space<vmem>> -> memref<100xi32, #tpu.memory_space<vmem>>
      %dma_start3A_229 = arith.constant 0 : i32
      %dma_start3A_230 = tpu.memref_slice %arg3[%add3A, %add3A_217, %dma_start3A_229] : memref<32x50x100xi32, #tpu.memory_space<hbm>> -> memref<1x1x100xi32, #tpu.memory_space<hbm>>
      %dma_start3A_231 = tpu.memref_squeeze %dma_start3A_230 : memref<1x1x100xi32, #tpu.memory_space<hbm>> -> memref<100xi32, #tpu.memory_space<hbm>>
      tpu.enqueue_dma source(%dma_start3A_231 : memref<100xi32, #tpu.memory_space<hbm>>) target(%dma_start3A_228 : memref<100xi32, #tpu.memory_space<vmem>>) target_semaphore(%arg7 : memref<!tpu.dma_semaphore, #tpu.memory_space<semaphore_mem>>)
      %mul3A_232 = arith.constant 5 : i32
      %mul3A_233 = arith.muli %scan3A_155, %mul3A_232 : i32
      %add3A_234 = arith.constant 4 : i32
      %add3A_235 = arith.addi %mul3A_233, %add3A_234 : i32
      %add3A_236 = arith.constant 4 : i32
      %add3A_237 = arith.addi %mul3A_158, %add3A_236 : i32
      %dma_start3A_238 = arith.constant 0 : i32
      %dma_start3A_239 = tpu.memref_slice %arg5[%add3A_237, %dma_start3A_238] : memref<10x100xi32, #tpu.memory_space<vmem>> -> memref<1x100xi32, #tpu.memory_space<vmem>>
      %dma_start3A_240 = tpu.memref_squeeze %dma_start3A_239 : memref<1x100xi32, #tpu.memory_space<vmem>> -> memref<100xi32, #tpu.memory_space<vmem>>
      %dma_start3A_241 = arith.constant 0 : i32
      %dma_start3A_242 = tpu.memref_slice %arg3[%add3A, %add3A_235, %dma_start3A_241] : memref<32x50x100xi32, #tpu.memory_space<hbm>> -> memref<1x1x100xi32, #tpu.memory_space<hbm>>
      %dma_start3A_243 = tpu.memref_squeeze %dma_start3A_242 : memref<1x1x100xi32, #tpu.memory_space<hbm>> -> memref<100xi32, #tpu.memory_space<hbm>>
      %dma_start3A_244 = arith.constant 0 : i32
      %dma_start3A_245 = tpu.memref_slice %arg5[%add3A_237, %dma_start3A_244] : memref<10x100xi32, #tpu.memory_space<vmem>> -> memref<1x100xi32, #tpu.memory_space<vmem>>
      %dma_start3A_246 = tpu.memref_squeeze %dma_start3A_245 : memref<1x100xi32, #tpu.memory_space<vmem>> -> memref<100xi32, #tpu.memory_space<vmem>>
      %dma_start3A_247 = arith.constant 0 : i32
      %dma_start3A_248 = tpu.memref_slice %arg3[%add3A, %add3A_235, %dma_start3A_247] : memref<32x50x100xi32, #tpu.memory_space<hbm>> -> memref<1x1x100xi32, #tpu.memory_space<hbm>>
      %dma_start3A_249 = tpu.memref_squeeze %dma_start3A_248 : memref<1x1x100xi32, #tpu.memory_space<hbm>> -> memref<100xi32, #tpu.memory_space<hbm>>
      tpu.enqueue_dma source(%dma_start3A_249 : memref<100xi32, #tpu.memory_space<hbm>>) target(%dma_start3A_246 : memref<100xi32, #tpu.memory_space<vmem>>) target_semaphore(%arg7 : memref<!tpu.dma_semaphore, #tpu.memory_space<semaphore_mem>>)
      %mul3A_250 = arith.constant 5 : i32
      %mul3A_251 = arith.muli %scan3A_155, %mul3A_250 : i32
      %add3A_252 = arith.constant 0 : i32
      %add3A_253 = arith.addi %mul3A_251, %add3A_252 : i32
      %add3A_254 = arith.constant 0 : i32
      %add3A_255 = arith.addi %mul3A_158, %add3A_254 : i32
      %dma_wait3A_256 = arith.constant 0 : i32
      %dma_wait3A_257 = tpu.memref_slice %arg5[%add3A_255, %dma_wait3A_256] : memref<10x100xi32, #tpu.memory_space<vmem>> -> memref<1x100xi32, #tpu.memory_space<vmem>>
      %dma_wait3A_258 = tpu.memref_squeeze %dma_wait3A_257 : memref<1x100xi32, #tpu.memory_space<vmem>> -> memref<100xi32, #tpu.memory_space<vmem>>
      %dma_wait3A_259 = arith.constant 0 : i32
      %dma_wait3A_260 = tpu.memref_slice %arg3[%add3A, %add3A_253, %dma_wait3A_259] : memref<32x50x100xi32, #tpu.memory_space<hbm>> -> memref<1x1x100xi32, #tpu.memory_space<hbm>>
      %dma_wait3A_261 = tpu.memref_squeeze %dma_wait3A_260 : memref<1x1x100xi32, #tpu.memory_space<hbm>> -> memref<100xi32, #tpu.memory_space<hbm>>
      %dma_wait3A_262 = arith.constant 0 : i32
      %dma_wait3A_263 = tpu.memref_slice %arg5[%add3A_255, %dma_wait3A_262] : memref<10x100xi32, #tpu.memory_space<vmem>> -> memref<1x100xi32, #tpu.memory_space<vmem>>
      %dma_wait3A_264 = tpu.memref_squeeze %dma_wait3A_263 : memref<1x100xi32, #tpu.memory_space<vmem>> -> memref<100xi32, #tpu.memory_space<vmem>>
      %dma_wait3A_265 = arith.constant 0 : i32
      %dma_wait3A_266 = tpu.memref_slice %arg3[%add3A, %add3A_253, %dma_wait3A_265] : memref<32x50x100xi32, #tpu.memory_space<hbm>> -> memref<1x1x100xi32, #tpu.memory_space<hbm>>
      %dma_wait3A_267 = tpu.memref_squeeze %dma_wait3A_266 : memref<1x1x100xi32, #tpu.memory_space<hbm>> -> memref<100xi32, #tpu.memory_space<hbm>>
      tpu.wait_dma2 semaphore(%arg7 : memref<!tpu.dma_semaphore, #tpu.memory_space<semaphore_mem>>) src(%dma_wait3A_267 : memref<100xi32, #tpu.memory_space<hbm>>) dst(%dma_wait3A_264 : memref<100xi32, #tpu.memory_space<vmem>>)
      %add3A_268 = arith.constant 0 : i32
      %add3A_269 = arith.addi %mul3A_158, %add3A_268 : i32
      %add3A_270 = arith.constant 0 : i32
      %add3A_271 = arith.addi %mul3A_158, %add3A_270 : i32
      %dma_start3A_272 = arith.constant 0 : i32
      %dma_start3A_273 = arith.constant 0 : i32
      %dma_start3A_274 = tpu.memref_slice %arg6[%add3A_271, %dma_start3A_272, %dma_start3A_273] : memref<10x100x128xf32, #tpu.memory_space<vmem>> -> memref<1x100x128xf32, #tpu.memory_space<vmem>>
      %dma_start3A_275 = tpu.memref_squeeze %dma_start3A_274 : memref<1x100x128xf32, #tpu.memory_space<vmem>> -> memref<100x128xf32, #tpu.memory_space<vmem>>
      %dma_start3A_276 = arith.constant 0 : i32
      %dma_start3A_277 = tpu.memref_slice %arg5[%add3A_269, %dma_start3A_276] : memref<10x100xi32, #tpu.memory_space<vmem>> -> memref<1x100xi32, #tpu.memory_space<vmem>>
      %dma_start3A_278 = tpu.memref_squeeze %dma_start3A_277 : memref<1x100xi32, #tpu.memory_space<vmem>> -> memref<100xi32, #tpu.memory_space<vmem>>
      %dma_start3A_279 = arith.constant 0 : i32
      %dma_start3A_280 = arith.constant 0 : i32
      %dma_start3A_281 = tpu.memref_slice %arg2[%dma_start3A_279, %dma_start3A_280] : memref<10000x128xf32, #tpu.memory_space<hbm>> -> memref<10000x128xf32, #tpu.memory_space<hbm>>
      tpu.enqueue_indirect_dma source(%dma_start3A_281 : memref<10000x128xf32, #tpu.memory_space<hbm>>) target(%dma_start3A_275 : memref<100x128xf32, #tpu.memory_space<vmem>>) offsets(%dma_start3A_278 : memref<100xi32, #tpu.memory_space<vmem>>) semaphore(%arg8 : memref<!tpu.dma_semaphore, #tpu.memory_space<semaphore_mem>>)
      %mul3A_282 = arith.constant 5 : i32
      %mul3A_283 = arith.muli %scan3A_155, %mul3A_282 : i32
      %add3A_284 = arith.constant 1 : i32
      %add3A_285 = arith.addi %mul3A_283, %add3A_284 : i32
      %add3A_286 = arith.constant 1 : i32
      %add3A_287 = arith.addi %mul3A_158, %add3A_286 : i32
      %dma_wait3A_288 = arith.constant 0 : i32
      %dma_wait3A_289 = tpu.memref_slice %arg5[%add3A_287, %dma_wait3A_288] : memref<10x100xi32, #tpu.memory_space<vmem>> -> memref<1x100xi32, #tpu.memory_space<vmem>>
      %dma_wait3A_290 = tpu.memref_squeeze %dma_wait3A_289 : memref<1x100xi32, #tpu.memory_space<vmem>> -> memref<100xi32, #tpu.memory_space<vmem>>
      %dma_wait3A_291 = arith.constant 0 : i32
      %dma_wait3A_292 = tpu.memref_slice %arg3[%add3A, %add3A_285, %dma_wait3A_291] : memref<32x50x100xi32, #tpu.memory_space<hbm>> -> memref<1x1x100xi32, #tpu.memory_space<hbm>>
      %dma_wait3A_293 = tpu.memref_squeeze %dma_wait3A_292 : memref<1x1x100xi32, #tpu.memory_space<hbm>> -> memref<100xi32, #tpu.memory_space<hbm>>
      %dma_wait3A_294 = arith.constant 0 : i32
      %dma_wait3A_295 = tpu.memref_slice %arg5[%add3A_287, %dma_wait3A_294] : memref<10x100xi32, #tpu.memory_space<vmem>> -> memref<1x100xi32, #tpu.memory_space<vmem>>
      %dma_wait3A_296 = tpu.memref_squeeze %dma_wait3A_295 : memref<1x100xi32, #tpu.memory_space<vmem>> -> memref<100xi32, #tpu.memory_space<vmem>>
      %dma_wait3A_297 = arith.constant 0 : i32
      %dma_wait3A_298 = tpu.memref_slice %arg3[%add3A, %add3A_285, %dma_wait3A_297] : memref<32x50x100xi32, #tpu.memory_space<hbm>> -> memref<1x1x100xi32, #tpu.memory_space<hbm>>
      %dma_wait3A_299 = tpu.memref_squeeze %dma_wait3A_298 : memref<1x1x100xi32, #tpu.memory_space<hbm>> -> memref<100xi32, #tpu.memory_space<hbm>>
      tpu.wait_dma2 semaphore(%arg7 : memref<!tpu.dma_semaphore, #tpu.memory_space<semaphore_mem>>) src(%dma_wait3A_299 : memref<100xi32, #tpu.memory_space<hbm>>) dst(%dma_wait3A_296 : memref<100xi32, #tpu.memory_space<vmem>>)
      %add3A_300 = arith.constant 1 : i32
      %add3A_301 = arith.addi %mul3A_158, %add3A_300 : i32
      %add3A_302 = arith.constant 1 : i32
      %add3A_303 = arith.addi %mul3A_158, %add3A_302 : i32
      %dma_start3A_304 = arith.constant 0 : i32
      %dma_start3A_305 = arith.constant 0 : i32
      %dma_start3A_306 = tpu.memref_slice %arg6[%add3A_303, %dma_start3A_304, %dma_start3A_305] : memref<10x100x128xf32, #tpu.memory_space<vmem>> -> memref<1x100x128xf32, #tpu.memory_space<vmem>>
      %dma_start3A_307 = tpu.memref_squeeze %dma_start3A_306 : memref<1x100x128xf32, #tpu.memory_space<vmem>> -> memref<100x128xf32, #tpu.memory_space<vmem>>
      %dma_start3A_308 = arith.constant 0 : i32
      %dma_start3A_309 = tpu.memref_slice %arg5[%add3A_301, %dma_start3A_308] : memref<10x100xi32, #tpu.memory_space<vmem>> -> memref<1x100xi32, #tpu.memory_space<vmem>>
      %dma_start3A_310 = tpu.memref_squeeze %dma_start3A_309 : memref<1x100xi32, #tpu.memory_space<vmem>> -> memref<100xi32, #tpu.memory_space<vmem>>
      %dma_start3A_311 = arith.constant 0 : i32
      %dma_start3A_312 = arith.constant 0 : i32
      %dma_start3A_313 = tpu.memref_slice %arg2[%dma_start3A_311, %dma_start3A_312] : memref<10000x128xf32, #tpu.memory_space<hbm>> -> memref<10000x128xf32, #tpu.memory_space<hbm>>
      tpu.enqueue_indirect_dma source(%dma_start3A_313 : memref<10000x128xf32, #tpu.memory_space<hbm>>) target(%dma_start3A_307 : memref<100x128xf32, #tpu.memory_space<vmem>>) offsets(%dma_start3A_310 : memref<100xi32, #tpu.memory_space<vmem>>) semaphore(%arg8 : memref<!tpu.dma_semaphore, #tpu.memory_space<semaphore_mem>>)
      %mul3A_314 = arith.constant 5 : i32
      %mul3A_315 = arith.muli %scan3A_155, %mul3A_314 : i32
      %add3A_316 = arith.constant 2 : i32
      %add3A_317 = arith.addi %mul3A_315, %add3A_316 : i32
      %add3A_318 = arith.constant 2 : i32
      %add3A_319 = arith.addi %mul3A_158, %add3A_318 : i32
      %dma_wait3A_320 = arith.constant 0 : i32
      %dma_wait3A_321 = tpu.memref_slice %arg5[%add3A_319, %dma_wait3A_320] : memref<10x100xi32, #tpu.memory_space<vmem>> -> memref<1x100xi32, #tpu.memory_space<vmem>>
      %dma_wait3A_322 = tpu.memref_squeeze %dma_wait3A_321 : memref<1x100xi32, #tpu.memory_space<vmem>> -> memref<100xi32, #tpu.memory_space<vmem>>
      %dma_wait3A_323 = arith.constant 0 : i32
      %dma_wait3A_324 = tpu.memref_slice %arg3[%add3A, %add3A_317, %dma_wait3A_323] : memref<32x50x100xi32, #tpu.memory_space<hbm>> -> memref<1x1x100xi32, #tpu.memory_space<hbm>>
      %dma_wait3A_325 = tpu.memref_squeeze %dma_wait3A_324 : memref<1x1x100xi32, #tpu.memory_space<hbm>> -> memref<100xi32, #tpu.memory_space<hbm>>
      %dma_wait3A_326 = arith.constant 0 : i32
      %dma_wait3A_327 = tpu.memref_slice %arg5[%add3A_319, %dma_wait3A_326] : memref<10x100xi32, #tpu.memory_space<vmem>> -> memref<1x100xi32, #tpu.memory_space<vmem>>
      %dma_wait3A_328 = tpu.memref_squeeze %dma_wait3A_327 : memref<1x100xi32, #tpu.memory_space<vmem>> -> memref<100xi32, #tpu.memory_space<vmem>>
      %dma_wait3A_329 = arith.constant 0 : i32
      %dma_wait3A_330 = tpu.memref_slice %arg3[%add3A, %add3A_317, %dma_wait3A_329] : memref<32x50x100xi32, #tpu.memory_space<hbm>> -> memref<1x1x100xi32, #tpu.memory_space<hbm>>
      %dma_wait3A_331 = tpu.memref_squeeze %dma_wait3A_330 : memref<1x1x100xi32, #tpu.memory_space<hbm>> -> memref<100xi32, #tpu.memory_space<hbm>>
      tpu.wait_dma2 semaphore(%arg7 : memref<!tpu.dma_semaphore, #tpu.memory_space<semaphore_mem>>) src(%dma_wait3A_331 : memref<100xi32, #tpu.memory_space<hbm>>) dst(%dma_wait3A_328 : memref<100xi32, #tpu.memory_space<vmem>>)
      %add3A_332 = arith.constant 2 : i32
      %add3A_333 = arith.addi %mul3A_158, %add3A_332 : i32
      %add3A_334 = arith.constant 2 : i32
      %add3A_335 = arith.addi %mul3A_158, %add3A_334 : i32
      %dma_start3A_336 = arith.constant 0 : i32
      %dma_start3A_337 = arith.constant 0 : i32
      %dma_start3A_338 = tpu.memref_slice %arg6[%add3A_335, %dma_start3A_336, %dma_start3A_337] : memref<10x100x128xf32, #tpu.memory_space<vmem>> -> memref<1x100x128xf32, #tpu.memory_space<vmem>>
      %dma_start3A_339 = tpu.memref_squeeze %dma_start3A_338 : memref<1x100x128xf32, #tpu.memory_space<vmem>> -> memref<100x128xf32, #tpu.memory_space<vmem>>
      %dma_start3A_340 = arith.constant 0 : i32
      %dma_start3A_341 = tpu.memref_slice %arg5[%add3A_333, %dma_start3A_340] : memref<10x100xi32, #tpu.memory_space<vmem>> -> memref<1x100xi32, #tpu.memory_space<vmem>>
      %dma_start3A_342 = tpu.memref_squeeze %dma_start3A_341 : memref<1x100xi32, #tpu.memory_space<vmem>> -> memref<100xi32, #tpu.memory_space<vmem>>
      %dma_start3A_343 = arith.constant 0 : i32
      %dma_start3A_344 = arith.constant 0 : i32
      %dma_start3A_345 = tpu.memref_slice %arg2[%dma_start3A_343, %dma_start3A_344] : memref<10000x128xf32, #tpu.memory_space<hbm>> -> memref<10000x128xf32, #tpu.memory_space<hbm>>
      tpu.enqueue_indirect_dma source(%dma_start3A_345 : memref<10000x128xf32, #tpu.memory_space<hbm>>) target(%dma_start3A_339 : memref<100x128xf32, #tpu.memory_space<vmem>>) offsets(%dma_start3A_342 : memref<100xi32, #tpu.memory_space<vmem>>) semaphore(%arg8 : memref<!tpu.dma_semaphore, #tpu.memory_space<semaphore_mem>>)
      %mul3A_346 = arith.constant 5 : i32
      %mul3A_347 = arith.muli %scan3A_155, %mul3A_346 : i32
      %add3A_348 = arith.constant 3 : i32
      %add3A_349 = arith.addi %mul3A_347, %add3A_348 : i32
      %add3A_350 = arith.constant 3 : i32
      %add3A_351 = arith.addi %mul3A_158, %add3A_350 : i32
      %dma_wait3A_352 = arith.constant 0 : i32
      %dma_wait3A_353 = tpu.memref_slice %arg5[%add3A_351, %dma_wait3A_352] : memref<10x100xi32, #tpu.memory_space<vmem>> -> memref<1x100xi32, #tpu.memory_space<vmem>>
      %dma_wait3A_354 = tpu.memref_squeeze %dma_wait3A_353 : memref<1x100xi32, #tpu.memory_space<vmem>> -> memref<100xi32, #tpu.memory_space<vmem>>
      %dma_wait3A_355 = arith.constant 0 : i32
      %dma_wait3A_356 = tpu.memref_slice %arg3[%add3A, %add3A_349, %dma_wait3A_355] : memref<32x50x100xi32, #tpu.memory_space<hbm>> -> memref<1x1x100xi32, #tpu.memory_space<hbm>>
      %dma_wait3A_357 = tpu.memref_squeeze %dma_wait3A_356 : memref<1x1x100xi32, #tpu.memory_space<hbm>> -> memref<100xi32, #tpu.memory_space<hbm>>
      %dma_wait3A_358 = arith.constant 0 : i32
      %dma_wait3A_359 = tpu.memref_slice %arg5[%add3A_351, %dma_wait3A_358] : memref<10x100xi32, #tpu.memory_space<vmem>> -> memref<1x100xi32, #tpu.memory_space<vmem>>
      %dma_wait3A_360 = tpu.memref_squeeze %dma_wait3A_359 : memref<1x100xi32, #tpu.memory_space<vmem>> -> memref<100xi32, #tpu.memory_space<vmem>>
      %dma_wait3A_361 = arith.constant 0 : i32
      %dma_wait3A_362 = tpu.memref_slice %arg3[%add3A, %add3A_349, %dma_wait3A_361] : memref<32x50x100xi32, #tpu.memory_space<hbm>> -> memref<1x1x100xi32, #tpu.memory_space<hbm>>
      %dma_wait3A_363 = tpu.memref_squeeze %dma_wait3A_362 : memref<1x1x100xi32, #tpu.memory_space<hbm>> -> memref<100xi32, #tpu.memory_space<hbm>>
      tpu.wait_dma2 semaphore(%arg7 : memref<!tpu.dma_semaphore, #tpu.memory_space<semaphore_mem>>) src(%dma_wait3A_363 : memref<100xi32, #tpu.memory_space<hbm>>) dst(%dma_wait3A_360 : memref<100xi32, #tpu.memory_space<vmem>>)
      %add3A_364 = arith.constant 3 : i32
      %add3A_365 = arith.addi %mul3A_158, %add3A_364 : i32
      %add3A_366 = arith.constant 3 : i32
      %add3A_367 = arith.addi %mul3A_158, %add3A_366 : i32
      %dma_start3A_368 = arith.constant 0 : i32
      %dma_start3A_369 = arith.constant 0 : i32
      %dma_start3A_370 = tpu.memref_slice %arg6[%add3A_367, %dma_start3A_368, %dma_start3A_369] : memref<10x100x128xf32, #tpu.memory_space<vmem>> -> memref<1x100x128xf32, #tpu.memory_space<vmem>>
      %dma_start3A_371 = tpu.memref_squeeze %dma_start3A_370 : memref<1x100x128xf32, #tpu.memory_space<vmem>> -> memref<100x128xf32, #tpu.memory_space<vmem>>
      %dma_start3A_372 = arith.constant 0 : i32
      %dma_start3A_373 = tpu.memref_slice %arg5[%add3A_365, %dma_start3A_372] : memref<10x100xi32, #tpu.memory_space<vmem>> -> memref<1x100xi32, #tpu.memory_space<vmem>>
      %dma_start3A_374 = tpu.memref_squeeze %dma_start3A_373 : memref<1x100xi32, #tpu.memory_space<vmem>> -> memref<100xi32, #tpu.memory_space<vmem>>
      %dma_start3A_375 = arith.constant 0 : i32
      %dma_start3A_376 = arith.constant 0 : i32
      %dma_start3A_377 = tpu.memref_slice %arg2[%dma_start3A_375, %dma_start3A_376] : memref<10000x128xf32, #tpu.memory_space<hbm>> -> memref<10000x128xf32, #tpu.memory_space<hbm>>
      tpu.enqueue_indirect_dma source(%dma_start3A_377 : memref<10000x128xf32, #tpu.memory_space<hbm>>) target(%dma_start3A_371 : memref<100x128xf32, #tpu.memory_space<vmem>>) offsets(%dma_start3A_374 : memref<100xi32, #tpu.memory_space<vmem>>) semaphore(%arg8 : memref<!tpu.dma_semaphore, #tpu.memory_space<semaphore_mem>>)
      %mul3A_378 = arith.constant 5 : i32
      %mul3A_379 = arith.muli %scan3A_155, %mul3A_378 : i32
      %add3A_380 = arith.constant 4 : i32
      %add3A_381 = arith.addi %mul3A_379, %add3A_380 : i32
      %add3A_382 = arith.constant 4 : i32
      %add3A_383 = arith.addi %mul3A_158, %add3A_382 : i32
      %dma_wait3A_384 = arith.constant 0 : i32
      %dma_wait3A_385 = tpu.memref_slice %arg5[%add3A_383, %dma_wait3A_384] : memref<10x100xi32, #tpu.memory_space<vmem>> -> memref<1x100xi32, #tpu.memory_space<vmem>>
      %dma_wait3A_386 = tpu.memref_squeeze %dma_wait3A_385 : memref<1x100xi32, #tpu.memory_space<vmem>> -> memref<100xi32, #tpu.memory_space<vmem>>
      %dma_wait3A_387 = arith.constant 0 : i32
      %dma_wait3A_388 = tpu.memref_slice %arg3[%add3A, %add3A_381, %dma_wait3A_387] : memref<32x50x100xi32, #tpu.memory_space<hbm>> -> memref<1x1x100xi32, #tpu.memory_space<hbm>>
      %dma_wait3A_389 = tpu.memref_squeeze %dma_wait3A_388 : memref<1x1x100xi32, #tpu.memory_space<hbm>> -> memref<100xi32, #tpu.memory_space<hbm>>
      %dma_wait3A_390 = arith.constant 0 : i32
      %dma_wait3A_391 = tpu.memref_slice %arg5[%add3A_383, %dma_wait3A_390] : memref<10x100xi32, #tpu.memory_space<vmem>> -> memref<1x100xi32, #tpu.memory_space<vmem>>
      %dma_wait3A_392 = tpu.memref_squeeze %dma_wait3A_391 : memref<1x100xi32, #tpu.memory_space<vmem>> -> memref<100xi32, #tpu.memory_space<vmem>>
      %dma_wait3A_393 = arith.constant 0 : i32
      %dma_wait3A_394 = tpu.memref_slice %arg3[%add3A, %add3A_381, %dma_wait3A_393] : memref<32x50x100xi32, #tpu.memory_space<hbm>> -> memref<1x1x100xi32, #tpu.memory_space<hbm>>
      %dma_wait3A_395 = tpu.memref_squeeze %dma_wait3A_394 : memref<1x1x100xi32, #tpu.memory_space<hbm>> -> memref<100xi32, #tpu.memory_space<hbm>>
      tpu.wait_dma2 semaphore(%arg7 : memref<!tpu.dma_semaphore, #tpu.memory_space<semaphore_mem>>) src(%dma_wait3A_395 : memref<100xi32, #tpu.memory_space<hbm>>) dst(%dma_wait3A_392 : memref<100xi32, #tpu.memory_space<vmem>>)
      %add3A_396 = arith.constant 4 : i32
      %add3A_397 = arith.addi %mul3A_158, %add3A_396 : i32
      %add3A_398 = arith.constant 4 : i32
      %add3A_399 = arith.addi %mul3A_158, %add3A_398 : i32
      %dma_start3A_400 = arith.constant 0 : i32
      %dma_start3A_401 = arith.constant 0 : i32
      %dma_start3A_402 = tpu.memref_slice %arg6[%add3A_399, %dma_start3A_400, %dma_start3A_401] : memref<10x100x128xf32, #tpu.memory_space<vmem>> -> memref<1x100x128xf32, #tpu.memory_space<vmem>>
      %dma_start3A_403 = tpu.memref_squeeze %dma_start3A_402 : memref<1x100x128xf32, #tpu.memory_space<vmem>> -> memref<100x128xf32, #tpu.memory_space<vmem>>
      %dma_start3A_404 = arith.constant 0 : i32
      %dma_start3A_405 = tpu.memref_slice %arg5[%add3A_397, %dma_start3A_404] : memref<10x100xi32, #tpu.memory_space<vmem>> -> memref<1x100xi32, #tpu.memory_space<vmem>>
      %dma_start3A_406 = tpu.memref_squeeze %dma_start3A_405 : memref<1x100xi32, #tpu.memory_space<vmem>> -> memref<100xi32, #tpu.memory_space<vmem>>
      %dma_start3A_407 = arith.constant 0 : i32
      %dma_start3A_408 = arith.constant 0 : i32
      %dma_start3A_409 = tpu.memref_slice %arg2[%dma_start3A_407, %dma_start3A_408] : memref<10000x128xf32, #tpu.memory_space<hbm>> -> memref<10000x128xf32, #tpu.memory_space<hbm>>
      tpu.enqueue_indirect_dma source(%dma_start3A_409 : memref<10000x128xf32, #tpu.memory_space<hbm>>) target(%dma_start3A_403 : memref<100x128xf32, #tpu.memory_space<vmem>>) offsets(%dma_start3A_406 : memref<100xi32, #tpu.memory_space<vmem>>) semaphore(%arg8 : memref<!tpu.dma_semaphore, #tpu.memory_space<semaphore_mem>>)
      %add3A_410 = arith.constant 0 : i32
      %add3A_411 = arith.addi %mul3A_158, %add3A_410 : i32
      %add3A_412 = arith.constant 0 : i32
      %add3A_413 = arith.addi %mul3A_158, %add3A_412 : i32
      %dma_wait3A_414 = arith.constant 0 : i32
      %dma_wait3A_415 = arith.constant 0 : i32
      %dma_wait3A_416 = tpu.memref_slice %arg6[%add3A_413, %dma_wait3A_414, %dma_wait3A_415] : memref<10x100x128xf32, #tpu.memory_space<vmem>> -> memref<1x100x128xf32, #tpu.memory_space<vmem>>
      %dma_wait3A_417 = tpu.memref_squeeze %dma_wait3A_416 : memref<1x100x128xf32, #tpu.memory_space<vmem>> -> memref<100x128xf32, #tpu.memory_space<vmem>>
      %dma_wait3A_418 = arith.constant 0 : i32
      %dma_wait3A_419 = tpu.memref_slice %arg5[%add3A_411, %dma_wait3A_418] : memref<10x100xi32, #tpu.memory_space<vmem>> -> memref<1x100xi32, #tpu.memory_space<vmem>>
      %dma_wait3A_420 = tpu.memref_squeeze %dma_wait3A_419 : memref<1x100xi32, #tpu.memory_space<vmem>> -> memref<100xi32, #tpu.memory_space<vmem>>
      %dma_wait3A_421 = arith.constant 0 : i32
      %dma_wait3A_422 = arith.constant 0 : i32
      %dma_wait3A_423 = tpu.memref_slice %arg2[%dma_wait3A_421, %dma_wait3A_422] : memref<10000x128xf32, #tpu.memory_space<hbm>> -> memref<10000x128xf32, #tpu.memory_space<hbm>>
      tpu.wait_indirect_dma semaphore(%arg8 : memref<!tpu.dma_semaphore, #tpu.memory_space<semaphore_mem>>) src(%dma_wait3A_423 : memref<10000x128xf32, #tpu.memory_space<hbm>>) dst(%dma_wait3A_417 : memref<100x128xf32, #tpu.memory_space<vmem>>)
      %add3A_424 = arith.constant 1 : i32
      %add3A_425 = arith.addi %mul3A_158, %add3A_424 : i32
      %add3A_426 = arith.constant 1 : i32
      %add3A_427 = arith.addi %mul3A_158, %add3A_426 : i32
      %dma_wait3A_428 = arith.constant 0 : i32
      %dma_wait3A_429 = arith.constant 0 : i32
      %dma_wait3A_430 = tpu.memref_slice %arg6[%add3A_427, %dma_wait3A_428, %dma_wait3A_429] : memref<10x100x128xf32, #tpu.memory_space<vmem>> -> memref<1x100x128xf32, #tpu.memory_space<vmem>>
      %dma_wait3A_431 = tpu.memref_squeeze %dma_wait3A_430 : memref<1x100x128xf32, #tpu.memory_space<vmem>> -> memref<100x128xf32, #tpu.memory_space<vmem>>
      %dma_wait3A_432 = arith.constant 0 : i32
      %dma_wait3A_433 = tpu.memref_slice %arg5[%add3A_425, %dma_wait3A_432] : memref<10x100xi32, #tpu.memory_space<vmem>> -> memref<1x100xi32, #tpu.memory_space<vmem>>
      %dma_wait3A_434 = tpu.memref_squeeze %dma_wait3A_433 : memref<1x100xi32, #tpu.memory_space<vmem>> -> memref<100xi32, #tpu.memory_space<vmem>>
      %dma_wait3A_435 = arith.constant 0 : i32
      %dma_wait3A_436 = arith.constant 0 : i32
      %dma_wait3A_437 = tpu.memref_slice %arg2[%dma_wait3A_435, %dma_wait3A_436] : memref<10000x128xf32, #tpu.memory_space<hbm>> -> memref<10000x128xf32, #tpu.memory_space<hbm>>
      tpu.wait_indirect_dma semaphore(%arg8 : memref<!tpu.dma_semaphore, #tpu.memory_space<semaphore_mem>>) src(%dma_wait3A_437 : memref<10000x128xf32, #tpu.memory_space<hbm>>) dst(%dma_wait3A_431 : memref<100x128xf32, #tpu.memory_space<vmem>>)
      %add3A_438 = arith.constant 2 : i32
      %add3A_439 = arith.addi %mul3A_158, %add3A_438 : i32
      %add3A_440 = arith.constant 2 : i32
      %add3A_441 = arith.addi %mul3A_158, %add3A_440 : i32
      %dma_wait3A_442 = arith.constant 0 : i32
      %dma_wait3A_443 = arith.constant 0 : i32
      %dma_wait3A_444 = tpu.memref_slice %arg6[%add3A_441, %dma_wait3A_442, %dma_wait3A_443] : memref<10x100x128xf32, #tpu.memory_space<vmem>> -> memref<1x100x128xf32, #tpu.memory_space<vmem>>
      %dma_wait3A_445 = tpu.memref_squeeze %dma_wait3A_444 : memref<1x100x128xf32, #tpu.memory_space<vmem>> -> memref<100x128xf32, #tpu.memory_space<vmem>>
      %dma_wait3A_446 = arith.constant 0 : i32
      %dma_wait3A_447 = tpu.memref_slice %arg5[%add3A_439, %dma_wait3A_446] : memref<10x100xi32, #tpu.memory_space<vmem>> -> memref<1x100xi32, #tpu.memory_space<vmem>>
      %dma_wait3A_448 = tpu.memref_squeeze %dma_wait3A_447 : memref<1x100xi32, #tpu.memory_space<vmem>> -> memref<100xi32, #tpu.memory_space<vmem>>
      %dma_wait3A_449 = arith.constant 0 : i32
      %dma_wait3A_450 = arith.constant 0 : i32
      %dma_wait3A_451 = tpu.memref_slice %arg2[%dma_wait3A_449, %dma_wait3A_450] : memref<10000x128xf32, #tpu.memory_space<hbm>> -> memref<10000x128xf32, #tpu.memory_space<hbm>>
      tpu.wait_indirect_dma semaphore(%arg8 : memref<!tpu.dma_semaphore, #tpu.memory_space<semaphore_mem>>) src(%dma_wait3A_451 : memref<10000x128xf32, #tpu.memory_space<hbm>>) dst(%dma_wait3A_445 : memref<100x128xf32, #tpu.memory_space<vmem>>)
      %add3A_452 = arith.constant 3 : i32
      %add3A_453 = arith.addi %mul3A_158, %add3A_452 : i32
      %add3A_454 = arith.constant 3 : i32
      %add3A_455 = arith.addi %mul3A_158, %add3A_454 : i32
      %dma_wait3A_456 = arith.constant 0 : i32
      %dma_wait3A_457 = arith.constant 0 : i32
      %dma_wait3A_458 = tpu.memref_slice %arg6[%add3A_455, %dma_wait3A_456, %dma_wait3A_457] : memref<10x100x128xf32, #tpu.memory_space<vmem>> -> memref<1x100x128xf32, #tpu.memory_space<vmem>>
      %dma_wait3A_459 = tpu.memref_squeeze %dma_wait3A_458 : memref<1x100x128xf32, #tpu.memory_space<vmem>> -> memref<100x128xf32, #tpu.memory_space<vmem>>
      %dma_wait3A_460 = arith.constant 0 : i32
      %dma_wait3A_461 = tpu.memref_slice %arg5[%add3A_453, %dma_wait3A_460] : memref<10x100xi32, #tpu.memory_space<vmem>> -> memref<1x100xi32, #tpu.memory_space<vmem>>
      %dma_wait3A_462 = tpu.memref_squeeze %dma_wait3A_461 : memref<1x100xi32, #tpu.memory_space<vmem>> -> memref<100xi32, #tpu.memory_space<vmem>>
      %dma_wait3A_463 = arith.constant 0 : i32
      %dma_wait3A_464 = arith.constant 0 : i32
      %dma_wait3A_465 = tpu.memref_slice %arg2[%dma_wait3A_463, %dma_wait3A_464] : memref<10000x128xf32, #tpu.memory_space<hbm>> -> memref<10000x128xf32, #tpu.memory_space<hbm>>
      tpu.wait_indirect_dma semaphore(%arg8 : memref<!tpu.dma_semaphore, #tpu.memory_space<semaphore_mem>>) src(%dma_wait3A_465 : memref<10000x128xf32, #tpu.memory_space<hbm>>) dst(%dma_wait3A_459 : memref<100x128xf32, #tpu.memory_space<vmem>>)
      %add3A_466 = arith.constant 4 : i32
      %add3A_467 = arith.addi %mul3A_158, %add3A_466 : i32
      %add3A_468 = arith.constant 4 : i32
      %add3A_469 = arith.addi %mul3A_158, %add3A_468 : i32
      %dma_wait3A_470 = arith.constant 0 : i32
      %dma_wait3A_471 = arith.constant 0 : i32
      %dma_wait3A_472 = tpu.memref_slice %arg6[%add3A_469, %dma_wait3A_470, %dma_wait3A_471] : memref<10x100x128xf32, #tpu.memory_space<vmem>> -> memref<1x100x128xf32, #tpu.memory_space<vmem>>
      %dma_wait3A_473 = tpu.memref_squeeze %dma_wait3A_472 : memref<1x100x128xf32, #tpu.memory_space<vmem>> -> memref<100x128xf32, #tpu.memory_space<vmem>>
      %dma_wait3A_474 = arith.constant 0 : i32
      %dma_wait3A_475 = tpu.memref_slice %arg5[%add3A_467, %dma_wait3A_474] : memref<10x100xi32, #tpu.memory_space<vmem>> -> memref<1x100xi32, #tpu.memory_space<vmem>>
      %dma_wait3A_476 = tpu.memref_squeeze %dma_wait3A_475 : memref<1x100xi32, #tpu.memory_space<vmem>> -> memref<100xi32, #tpu.memory_space<vmem>>
      %dma_wait3A_477 = arith.constant 0 : i32
      %dma_wait3A_478 = arith.constant 0 : i32
      %dma_wait3A_479 = tpu.memref_slice %arg2[%dma_wait3A_477, %dma_wait3A_478] : memref<10000x128xf32, #tpu.memory_space<hbm>> -> memref<10000x128xf32, #tpu.memory_space<hbm>>
      tpu.wait_indirect_dma semaphore(%arg8 : memref<!tpu.dma_semaphore, #tpu.memory_space<semaphore_mem>>) src(%dma_wait3A_479 : memref<10000x128xf32, #tpu.memory_space<hbm>>) dst(%dma_wait3A_473 : memref<100x128xf32, #tpu.memory_space<vmem>>)
      %mul3A_480 = arith.constant 5 : i32
      %mul3A_481 = arith.muli %scan3A_155, %mul3A_480 : i32
      %add3A_482 = arith.constant 0 : i32
      %add3A_483 = arith.addi %mul3A_481, %add3A_482 : i32
      %add3A_484 = arith.constant 0 : i32
      %add3A_485 = arith.addi %mul3A_158, %add3A_484 : i32
      %mul3A_486 = arith.constant 5000 : i32
      %mul3A_487 = arith.muli %add3A, %mul3A_486 : i32
      %mul3A_488 = arith.constant 100 : i32
      %mul3A_489 = arith.muli %add3A_483, %mul3A_488 : i32
      %add3A_490 = arith.addi %mul3A_487, %mul3A_489 : i32
      %dma_start3A_491 = arith.constant 0 : i32
      %dma_start3A_492 = arith.constant 0 : i32
      %dma_start3A_493 = tpu.memref_slice %arg6[%add3A_485, %dma_start3A_491, %dma_start3A_492] : memref<10x100x128xf32, #tpu.memory_space<vmem>> -> memref<1x100x128xf32, #tpu.memory_space<vmem>>
      %dma_start3A_494 = tpu.memref_squeeze %dma_start3A_493 : memref<1x100x128xf32, #tpu.memory_space<vmem>> -> memref<100x128xf32, #tpu.memory_space<vmem>>
      %dma_start3A_495 = arith.constant 0 : i32
      %dma_start3A_496 = tpu.memref_slice %arg4[%add3A_490, %dma_start3A_495] : memref<160000x128xf32, #tpu.memory_space<hbm>> -> memref<100x128xf32, #tpu.memory_space<hbm>>
      %dma_start3A_497 = arith.constant 0 : i32
      %dma_start3A_498 = tpu.memref_slice %arg4[%add3A_490, %dma_start3A_497] : memref<160000x128xf32, #tpu.memory_space<hbm>> -> memref<100x128xf32, #tpu.memory_space<hbm>>
      %dma_start3A_499 = arith.constant 0 : i32
      %dma_start3A_500 = arith.constant 0 : i32
      %dma_start3A_501 = tpu.memref_slice %arg6[%add3A_485, %dma_start3A_499, %dma_start3A_500] : memref<10x100x128xf32, #tpu.memory_space<vmem>> -> memref<1x100x128xf32, #tpu.memory_space<vmem>>
      %dma_start3A_502 = tpu.memref_squeeze %dma_start3A_501 : memref<1x100x128xf32, #tpu.memory_space<vmem>> -> memref<100x128xf32, #tpu.memory_space<vmem>>
      tpu.enqueue_dma source(%dma_start3A_502 : memref<100x128xf32, #tpu.memory_space<vmem>>) target(%dma_start3A_498 : memref<100x128xf32, #tpu.memory_space<hbm>>) target_semaphore(%arg9 : memref<!tpu.dma_semaphore, #tpu.memory_space<semaphore_mem>>)
      %mul3A_503 = arith.constant 5 : i32
      %mul3A_504 = arith.muli %scan3A_155, %mul3A_503 : i32
      %add3A_505 = arith.constant 1 : i32
      %add3A_506 = arith.addi %mul3A_504, %add3A_505 : i32
      %add3A_507 = arith.constant 1 : i32
      %add3A_508 = arith.addi %mul3A_158, %add3A_507 : i32
      %mul3A_509 = arith.constant 5000 : i32
      %mul3A_510 = arith.muli %add3A, %mul3A_509 : i32
      %mul3A_511 = arith.constant 100 : i32
      %mul3A_512 = arith.muli %add3A_506, %mul3A_511 : i32
      %add3A_513 = arith.addi %mul3A_510, %mul3A_512 : i32
      %dma_start3A_514 = arith.constant 0 : i32
      %dma_start3A_515 = arith.constant 0 : i32
      %dma_start3A_516 = tpu.memref_slice %arg6[%add3A_508, %dma_start3A_514, %dma_start3A_515] : memref<10x100x128xf32, #tpu.memory_space<vmem>> -> memref<1x100x128xf32, #tpu.memory_space<vmem>>
      %dma_start3A_517 = tpu.memref_squeeze %dma_start3A_516 : memref<1x100x128xf32, #tpu.memory_space<vmem>> -> memref<100x128xf32, #tpu.memory_space<vmem>>
      %dma_start3A_518 = arith.constant 0 : i32
      %dma_start3A_519 = tpu.memref_slice %arg4[%add3A_513, %dma_start3A_518] : memref<160000x128xf32, #tpu.memory_space<hbm>> -> memref<100x128xf32, #tpu.memory_space<hbm>>
      %dma_start3A_520 = arith.constant 0 : i32
      %dma_start3A_521 = tpu.memref_slice %arg4[%add3A_513, %dma_start3A_520] : memref<160000x128xf32, #tpu.memory_space<hbm>> -> memref<100x128xf32, #tpu.memory_space<hbm>>
      %dma_start3A_522 = arith.constant 0 : i32
      %dma_start3A_523 = arith.constant 0 : i32
      %dma_start3A_524 = tpu.memref_slice %arg6[%add3A_508, %dma_start3A_522, %dma_start3A_523] : memref<10x100x128xf32, #tpu.memory_space<vmem>> -> memref<1x100x128xf32, #tpu.memory_space<vmem>>
      %dma_start3A_525 = tpu.memref_squeeze %dma_start3A_524 : memref<1x100x128xf32, #tpu.memory_space<vmem>> -> memref<100x128xf32, #tpu.memory_space<vmem>>
      tpu.enqueue_dma source(%dma_start3A_525 : memref<100x128xf32, #tpu.memory_space<vmem>>) target(%dma_start3A_521 : memref<100x128xf32, #tpu.memory_space<hbm>>) target_semaphore(%arg9 : memref<!tpu.dma_semaphore, #tpu.memory_space<semaphore_mem>>)
      %mul3A_526 = arith.constant 5 : i32
      %mul3A_527 = arith.muli %scan3A_155, %mul3A_526 : i32
      %add3A_528 = arith.constant 2 : i32
      %add3A_529 = arith.addi %mul3A_527, %add3A_528 : i32
      %add3A_530 = arith.constant 2 : i32
      %add3A_531 = arith.addi %mul3A_158, %add3A_530 : i32
      %mul3A_532 = arith.constant 5000 : i32
      %mul3A_533 = arith.muli %add3A, %mul3A_532 : i32
      %mul3A_534 = arith.constant 100 : i32
      %mul3A_535 = arith.muli %add3A_529, %mul3A_534 : i32
      %add3A_536 = arith.addi %mul3A_533, %mul3A_535 : i32
      %dma_start3A_537 = arith.constant 0 : i32
      %dma_start3A_538 = arith.constant 0 : i32
      %dma_start3A_539 = tpu.memref_slice %arg6[%add3A_531, %dma_start3A_537, %dma_start3A_538] : memref<10x100x128xf32, #tpu.memory_space<vmem>> -> memref<1x100x128xf32, #tpu.memory_space<vmem>>
      %dma_start3A_540 = tpu.memref_squeeze %dma_start3A_539 : memref<1x100x128xf32, #tpu.memory_space<vmem>> -> memref<100x128xf32, #tpu.memory_space<vmem>>
      %dma_start3A_541 = arith.constant 0 : i32
      %dma_start3A_542 = tpu.memref_slice %arg4[%add3A_536, %dma_start3A_541] : memref<160000x128xf32, #tpu.memory_space<hbm>> -> memref<100x128xf32, #tpu.memory_space<hbm>>
      %dma_start3A_543 = arith.constant 0 : i32
      %dma_start3A_544 = tpu.memref_slice %arg4[%add3A_536, %dma_start3A_543] : memref<160000x128xf32, #tpu.memory_space<hbm>> -> memref<100x128xf32, #tpu.memory_space<hbm>>
      %dma_start3A_545 = arith.constant 0 : i32
      %dma_start3A_546 = arith.constant 0 : i32
      %dma_start3A_547 = tpu.memref_slice %arg6[%add3A_531, %dma_start3A_545, %dma_start3A_546] : memref<10x100x128xf32, #tpu.memory_space<vmem>> -> memref<1x100x128xf32, #tpu.memory_space<vmem>>
      %dma_start3A_548 = tpu.memref_squeeze %dma_start3A_547 : memref<1x100x128xf32, #tpu.memory_space<vmem>> -> memref<100x128xf32, #tpu.memory_space<vmem>>
      tpu.enqueue_dma source(%dma_start3A_548 : memref<100x128xf32, #tpu.memory_space<vmem>>) target(%dma_start3A_544 : memref<100x128xf32, #tpu.memory_space<hbm>>) target_semaphore(%arg9 : memref<!tpu.dma_semaphore, #tpu.memory_space<semaphore_mem>>)
      %mul3A_549 = arith.constant 5 : i32
      %mul3A_550 = arith.muli %scan3A_155, %mul3A_549 : i32
      %add3A_551 = arith.constant 3 : i32
      %add3A_552 = arith.addi %mul3A_550, %add3A_551 : i32
      %add3A_553 = arith.constant 3 : i32
      %add3A_554 = arith.addi %mul3A_158, %add3A_553 : i32
      %mul3A_555 = arith.constant 5000 : i32
      %mul3A_556 = arith.muli %add3A, %mul3A_555 : i32
      %mul3A_557 = arith.constant 100 : i32
      %mul3A_558 = arith.muli %add3A_552, %mul3A_557 : i32
      %add3A_559 = arith.addi %mul3A_556, %mul3A_558 : i32
      %dma_start3A_560 = arith.constant 0 : i32
      %dma_start3A_561 = arith.constant 0 : i32
      %dma_start3A_562 = tpu.memref_slice %arg6[%add3A_554, %dma_start3A_560, %dma_start3A_561] : memref<10x100x128xf32, #tpu.memory_space<vmem>> -> memref<1x100x128xf32, #tpu.memory_space<vmem>>
      %dma_start3A_563 = tpu.memref_squeeze %dma_start3A_562 : memref<1x100x128xf32, #tpu.memory_space<vmem>> -> memref<100x128xf32, #tpu.memory_space<vmem>>
      %dma_start3A_564 = arith.constant 0 : i32
      %dma_start3A_565 = tpu.memref_slice %arg4[%add3A_559, %dma_start3A_564] : memref<160000x128xf32, #tpu.memory_space<hbm>> -> memref<100x128xf32, #tpu.memory_space<hbm>>
      %dma_start3A_566 = arith.constant 0 : i32
      %dma_start3A_567 = tpu.memref_slice %arg4[%add3A_559, %dma_start3A_566] : memref<160000x128xf32, #tpu.memory_space<hbm>> -> memref<100x128xf32, #tpu.memory_space<hbm>>
      %dma_start3A_568 = arith.constant 0 : i32
      %dma_start3A_569 = arith.constant 0 : i32
      %dma_start3A_570 = tpu.memref_slice %arg6[%add3A_554, %dma_start3A_568, %dma_start3A_569] : memref<10x100x128xf32, #tpu.memory_space<vmem>> -> memref<1x100x128xf32, #tpu.memory_space<vmem>>
      %dma_start3A_571 = tpu.memref_squeeze %dma_start3A_570 : memref<1x100x128xf32, #tpu.memory_space<vmem>> -> memref<100x128xf32, #tpu.memory_space<vmem>>
      tpu.enqueue_dma source(%dma_start3A_571 : memref<100x128xf32, #tpu.memory_space<vmem>>) target(%dma_start3A_567 : memref<100x128xf32, #tpu.memory_space<hbm>>) target_semaphore(%arg9 : memref<!tpu.dma_semaphore, #tpu.memory_space<semaphore_mem>>)
      %mul3A_572 = arith.constant 5 : i32
      %mul3A_573 = arith.muli %scan3A_155, %mul3A_572 : i32
      %add3A_574 = arith.constant 4 : i32
      %add3A_575 = arith.addi %mul3A_573, %add3A_574 : i32
      %add3A_576 = arith.constant 4 : i32
      %add3A_577 = arith.addi %mul3A_158, %add3A_576 : i32
      %mul3A_578 = arith.constant 5000 : i32
      %mul3A_579 = arith.muli %add3A, %mul3A_578 : i32
      %mul3A_580 = arith.constant 100 : i32
      %mul3A_581 = arith.muli %add3A_575, %mul3A_580 : i32
      %add3A_582 = arith.addi %mul3A_579, %mul3A_581 : i32
      %dma_start3A_583 = arith.constant 0 : i32
      %dma_start3A_584 = arith.constant 0 : i32
      %dma_start3A_585 = tpu.memref_slice %arg6[%add3A_577, %dma_start3A_583, %dma_start3A_584] : memref<10x100x128xf32, #tpu.memory_space<vmem>> -> memref<1x100x128xf32, #tpu.memory_space<vmem>>
      %dma_start3A_586 = tpu.memref_squeeze %dma_start3A_585 : memref<1x100x128xf32, #tpu.memory_space<vmem>> -> memref<100x128xf32, #tpu.memory_space<vmem>>
      %dma_start3A_587 = arith.constant 0 : i32
      %dma_start3A_588 = tpu.memref_slice %arg4[%add3A_582, %dma_start3A_587] : memref<160000x128xf32, #tpu.memory_space<hbm>> -> memref<100x128xf32, #tpu.memory_space<hbm>>
      %dma_start3A_589 = arith.constant 0 : i32
      %dma_start3A_590 = tpu.memref_slice %arg4[%add3A_582, %dma_start3A_589] : memref<160000x128xf32, #tpu.memory_space<hbm>> -> memref<100x128xf32, #tpu.memory_space<hbm>>
      %dma_start3A_591 = arith.constant 0 : i32
      %dma_start3A_592 = arith.constant 0 : i32
      %dma_start3A_593 = tpu.memref_slice %arg6[%add3A_577, %dma_start3A_591, %dma_start3A_592] : memref<10x100x128xf32, #tpu.memory_space<vmem>> -> memref<1x100x128xf32, #tpu.memory_space<vmem>>
      %dma_start3A_594 = tpu.memref_squeeze %dma_start3A_593 : memref<1x100x128xf32, #tpu.memory_space<vmem>> -> memref<100x128xf32, #tpu.memory_space<vmem>>
      tpu.enqueue_dma source(%dma_start3A_594 : memref<100x128xf32, #tpu.memory_space<vmem>>) target(%dma_start3A_590 : memref<100x128xf32, #tpu.memory_space<hbm>>) target_semaphore(%arg9 : memref<!tpu.dma_semaphore, #tpu.memory_space<semaphore_mem>>)
    }
    %scan3A_5 = arith.constant 10 : i32
    %dma_wait3A = arith.constant 0 : i32
    %dma_wait3A_6 = arith.constant 0 : i32
    %dma_wait3A_7 = arith.constant 0 : i32
    %dma_wait3A_8 = tpu.memref_slice %arg6[%dma_wait3A, %dma_wait3A_6, %dma_wait3A_7] : memref<10x100x128xf32, #tpu.memory_space<vmem>> -> memref<1x100x128xf32, #tpu.memory_space<vmem>>
    %dma_wait3A_9 = tpu.memref_squeeze %dma_wait3A_8 : memref<1x100x128xf32, #tpu.memory_space<vmem>> -> memref<100x128xf32, #tpu.memory_space<vmem>>
    %dma_wait3A_10 = arith.constant 0 : i32
    %dma_wait3A_11 = arith.constant 0 : i32
    %dma_wait3A_12 = tpu.memref_slice %arg4[%dma_wait3A_10, %dma_wait3A_11] : memref<160000x128xf32, #tpu.memory_space<hbm>> -> memref<100x128xf32, #tpu.memory_space<hbm>>
    %dma_wait3A_13 = arith.constant 0 : i32
    %dma_wait3A_14 = arith.constant 0 : i32
    %dma_wait3A_15 = tpu.memref_slice %arg4[%dma_wait3A_13, %dma_wait3A_14] : memref<160000x128xf32, #tpu.memory_space<hbm>> -> memref<100x128xf32, #tpu.memory_space<hbm>>
    %dma_wait3A_16 = arith.constant 0 : i32
    %dma_wait3A_17 = arith.constant 0 : i32
    %dma_wait3A_18 = tpu.memref_slice %arg6[%dma_wait3A, %dma_wait3A_16, %dma_wait3A_17] : memref<10x100x128xf32, #tpu.memory_space<vmem>> -> memref<1x100x128xf32, #tpu.memory_space<vmem>>
    %dma_wait3A_19 = tpu.memref_squeeze %dma_wait3A_18 : memref<1x100x128xf32, #tpu.memory_space<vmem>> -> memref<100x128xf32, #tpu.memory_space<vmem>>
    tpu.wait_dma2 semaphore(%arg9 : memref<!tpu.dma_semaphore, #tpu.memory_space<semaphore_mem>>) src(%dma_wait3A_19 : memref<100x128xf32, #tpu.memory_space<vmem>>) dst(%dma_wait3A_15 : memref<100x128xf32, #tpu.memory_space<hbm>>)
    %dma_wait3A_20 = arith.constant 1 : i32
    %dma_wait3A_21 = arith.constant 0 : i32
    %dma_wait3A_22 = arith.constant 0 : i32
    %dma_wait3A_23 = tpu.memref_slice %arg6[%dma_wait3A_20, %dma_wait3A_21, %dma_wait3A_22] : memref<10x100x128xf32, #tpu.memory_space<vmem>> -> memref<1x100x128xf32, #tpu.memory_space<vmem>>
    %dma_wait3A_24 = tpu.memref_squeeze %dma_wait3A_23 : memref<1x100x128xf32, #tpu.memory_space<vmem>> -> memref<100x128xf32, #tpu.memory_space<vmem>>
    %dma_wait3A_25 = arith.constant 0 : i32
    %dma_wait3A_26 = arith.constant 0 : i32
    %dma_wait3A_27 = tpu.memref_slice %arg4[%dma_wait3A_25, %dma_wait3A_26] : memref<160000x128xf32, #tpu.memory_space<hbm>> -> memref<100x128xf32, #tpu.memory_space<hbm>>
    %dma_wait3A_28 = arith.constant 0 : i32
    %dma_wait3A_29 = arith.constant 0 : i32
    %dma_wait3A_30 = tpu.memref_slice %arg4[%dma_wait3A_28, %dma_wait3A_29] : memref<160000x128xf32, #tpu.memory_space<hbm>> -> memref<100x128xf32, #tpu.memory_space<hbm>>
    %dma_wait3A_31 = arith.constant 0 : i32
    %dma_wait3A_32 = arith.constant 0 : i32
    %dma_wait3A_33 = tpu.memref_slice %arg6[%dma_wait3A_20, %dma_wait3A_31, %dma_wait3A_32] : memref<10x100x128xf32, #tpu.memory_space<vmem>> -> memref<1x100x128xf32, #tpu.memory_space<vmem>>
    %dma_wait3A_34 = tpu.memref_squeeze %dma_wait3A_33 : memref<1x100x128xf32, #tpu.memory_space<vmem>> -> memref<100x128xf32, #tpu.memory_space<vmem>>
    tpu.wait_dma2 semaphore(%arg9 : memref<!tpu.dma_semaphore, #tpu.memory_space<semaphore_mem>>) src(%dma_wait3A_34 : memref<100x128xf32, #tpu.memory_space<vmem>>) dst(%dma_wait3A_30 : memref<100x128xf32, #tpu.memory_space<hbm>>)
    %dma_wait3A_35 = arith.constant 2 : i32
    %dma_wait3A_36 = arith.constant 0 : i32
    %dma_wait3A_37 = arith.constant 0 : i32
    %dma_wait3A_38 = tpu.memref_slice %arg6[%dma_wait3A_35, %dma_wait3A_36, %dma_wait3A_37] : memref<10x100x128xf32, #tpu.memory_space<vmem>> -> memref<1x100x128xf32, #tpu.memory_space<vmem>>
    %dma_wait3A_39 = tpu.memref_squeeze %dma_wait3A_38 : memref<1x100x128xf32, #tpu.memory_space<vmem>> -> memref<100x128xf32, #tpu.memory_space<vmem>>
    %dma_wait3A_40 = arith.constant 0 : i32
    %dma_wait3A_41 = arith.constant 0 : i32
    %dma_wait3A_42 = tpu.memref_slice %arg4[%dma_wait3A_40, %dma_wait3A_41] : memref<160000x128xf32, #tpu.memory_space<hbm>> -> memref<100x128xf32, #tpu.memory_space<hbm>>
    %dma_wait3A_43 = arith.constant 0 : i32
    %dma_wait3A_44 = arith.constant 0 : i32
    %dma_wait3A_45 = tpu.memref_slice %arg4[%dma_wait3A_43, %dma_wait3A_44] : memref<160000x128xf32, #tpu.memory_space<hbm>> -> memref<100x128xf32, #tpu.memory_space<hbm>>
    %dma_wait3A_46 = arith.constant 0 : i32
    %dma_wait3A_47 = arith.constant 0 : i32
    %dma_wait3A_48 = tpu.memref_slice %arg6[%dma_wait3A_35, %dma_wait3A_46, %dma_wait3A_47] : memref<10x100x128xf32, #tpu.memory_space<vmem>> -> memref<1x100x128xf32, #tpu.memory_space<vmem>>
    %dma_wait3A_49 = tpu.memref_squeeze %dma_wait3A_48 : memref<1x100x128xf32, #tpu.memory_space<vmem>> -> memref<100x128xf32, #tpu.memory_space<vmem>>
    tpu.wait_dma2 semaphore(%arg9 : memref<!tpu.dma_semaphore, #tpu.memory_space<semaphore_mem>>) src(%dma_wait3A_49 : memref<100x128xf32, #tpu.memory_space<vmem>>) dst(%dma_wait3A_45 : memref<100x128xf32, #tpu.memory_space<hbm>>)
    %dma_wait3A_50 = arith.constant 3 : i32
    %dma_wait3A_51 = arith.constant 0 : i32
    %dma_wait3A_52 = arith.constant 0 : i32
    %dma_wait3A_53 = tpu.memref_slice %arg6[%dma_wait3A_50, %dma_wait3A_51, %dma_wait3A_52] : memref<10x100x128xf32, #tpu.memory_space<vmem>> -> memref<1x100x128xf32, #tpu.memory_space<vmem>>
    %dma_wait3A_54 = tpu.memref_squeeze %dma_wait3A_53 : memref<1x100x128xf32, #tpu.memory_space<vmem>> -> memref<100x128xf32, #tpu.memory_space<vmem>>
    %dma_wait3A_55 = arith.constant 0 : i32
    %dma_wait3A_56 = arith.constant 0 : i32
    %dma_wait3A_57 = tpu.memref_slice %arg4[%dma_wait3A_55, %dma_wait3A_56] : memref<160000x128xf32, #tpu.memory_space<hbm>> -> memref<100x128xf32, #tpu.memory_space<hbm>>
    %dma_wait3A_58 = arith.constant 0 : i32
    %dma_wait3A_59 = arith.constant 0 : i32
    %dma_wait3A_60 = tpu.memref_slice %arg4[%dma_wait3A_58, %dma_wait3A_59] : memref<160000x128xf32, #tpu.memory_space<hbm>> -> memref<100x128xf32, #tpu.memory_space<hbm>>
    %dma_wait3A_61 = arith.constant 0 : i32
    %dma_wait3A_62 = arith.constant 0 : i32
    %dma_wait3A_63 = tpu.memref_slice %arg6[%dma_wait3A_50, %dma_wait3A_61, %dma_wait3A_62] : memref<10x100x128xf32, #tpu.memory_space<vmem>> -> memref<1x100x128xf32, #tpu.memory_space<vmem>>
    %dma_wait3A_64 = tpu.memref_squeeze %dma_wait3A_63 : memref<1x100x128xf32, #tpu.memory_space<vmem>> -> memref<100x128xf32, #tpu.memory_space<vmem>>
    tpu.wait_dma2 semaphore(%arg9 : memref<!tpu.dma_semaphore, #tpu.memory_space<semaphore_mem>>) src(%dma_wait3A_64 : memref<100x128xf32, #tpu.memory_space<vmem>>) dst(%dma_wait3A_60 : memref<100x128xf32, #tpu.memory_space<hbm>>)
    %dma_wait3A_65 = arith.constant 4 : i32
    %dma_wait3A_66 = arith.constant 0 : i32
    %dma_wait3A_67 = arith.constant 0 : i32
    %dma_wait3A_68 = tpu.memref_slice %arg6[%dma_wait3A_65, %dma_wait3A_66, %dma_wait3A_67] : memref<10x100x128xf32, #tpu.memory_space<vmem>> -> memref<1x100x128xf32, #tpu.memory_space<vmem>>
    %dma_wait3A_69 = tpu.memref_squeeze %dma_wait3A_68 : memref<1x100x128xf32, #tpu.memory_space<vmem>> -> memref<100x128xf32, #tpu.memory_space<vmem>>
    %dma_wait3A_70 = arith.constant 0 : i32
    %dma_wait3A_71 = arith.constant 0 : i32
    %dma_wait3A_72 = tpu.memref_slice %arg4[%dma_wait3A_70, %dma_wait3A_71] : memref<160000x128xf32, #tpu.memory_space<hbm>> -> memref<100x128xf32, #tpu.memory_space<hbm>>
    %dma_wait3A_73 = arith.constant 0 : i32
    %dma_wait3A_74 = arith.constant 0 : i32
    %dma_wait3A_75 = tpu.memref_slice %arg4[%dma_wait3A_73, %dma_wait3A_74] : memref<160000x128xf32, #tpu.memory_space<hbm>> -> memref<100x128xf32, #tpu.memory_space<hbm>>
    %dma_wait3A_76 = arith.constant 0 : i32
    %dma_wait3A_77 = arith.constant 0 : i32
    %dma_wait3A_78 = tpu.memref_slice %arg6[%dma_wait3A_65, %dma_wait3A_76, %dma_wait3A_77] : memref<10x100x128xf32, #tpu.memory_space<vmem>> -> memref<1x100x128xf32, #tpu.memory_space<vmem>>
    %dma_wait3A_79 = tpu.memref_squeeze %dma_wait3A_78 : memref<1x100x128xf32, #tpu.memory_space<vmem>> -> memref<100x128xf32, #tpu.memory_space<vmem>>
    tpu.wait_dma2 semaphore(%arg9 : memref<!tpu.dma_semaphore, #tpu.memory_space<semaphore_mem>>) src(%dma_wait3A_79 : memref<100x128xf32, #tpu.memory_space<vmem>>) dst(%dma_wait3A_75 : memref<100x128xf32, #tpu.memory_space<hbm>>)
    %dma_wait3A_80 = arith.constant 5 : i32
    %dma_wait3A_81 = arith.constant 0 : i32
    %dma_wait3A_82 = arith.constant 0 : i32
    %dma_wait3A_83 = tpu.memref_slice %arg6[%dma_wait3A_80, %dma_wait3A_81, %dma_wait3A_82] : memref<10x100x128xf32, #tpu.memory_space<vmem>> -> memref<1x100x128xf32, #tpu.memory_space<vmem>>
    %dma_wait3A_84 = tpu.memref_squeeze %dma_wait3A_83 : memref<1x100x128xf32, #tpu.memory_space<vmem>> -> memref<100x128xf32, #tpu.memory_space<vmem>>
    %dma_wait3A_85 = arith.constant 0 : i32
    %dma_wait3A_86 = arith.constant 0 : i32
    %dma_wait3A_87 = tpu.memref_slice %arg4[%dma_wait3A_85, %dma_wait3A_86] : memref<160000x128xf32, #tpu.memory_space<hbm>> -> memref<100x128xf32, #tpu.memory_space<hbm>>
    %dma_wait3A_88 = arith.constant 0 : i32
    %dma_wait3A_89 = arith.constant 0 : i32
    %dma_wait3A_90 = tpu.memref_slice %arg4[%dma_wait3A_88, %dma_wait3A_89] : memref<160000x128xf32, #tpu.memory_space<hbm>> -> memref<100x128xf32, #tpu.memory_space<hbm>>
    %dma_wait3A_91 = arith.constant 0 : i32
    %dma_wait3A_92 = arith.constant 0 : i32
    %dma_wait3A_93 = tpu.memref_slice %arg6[%dma_wait3A_80, %dma_wait3A_91, %dma_wait3A_92] : memref<10x100x128xf32, #tpu.memory_space<vmem>> -> memref<1x100x128xf32, #tpu.memory_space<vmem>>
    %dma_wait3A_94 = tpu.memref_squeeze %dma_wait3A_93 : memref<1x100x128xf32, #tpu.memory_space<vmem>> -> memref<100x128xf32, #tpu.memory_space<vmem>>
    tpu.wait_dma2 semaphore(%arg9 : memref<!tpu.dma_semaphore, #tpu.memory_space<semaphore_mem>>) src(%dma_wait3A_94 : memref<100x128xf32, #tpu.memory_space<vmem>>) dst(%dma_wait3A_90 : memref<100x128xf32, #tpu.memory_space<hbm>>)
    %dma_wait3A_95 = arith.constant 6 : i32
    %dma_wait3A_96 = arith.constant 0 : i32
    %dma_wait3A_97 = arith.constant 0 : i32
    %dma_wait3A_98 = tpu.memref_slice %arg6[%dma_wait3A_95, %dma_wait3A_96, %dma_wait3A_97] : memref<10x100x128xf32, #tpu.memory_space<vmem>> -> memref<1x100x128xf32, #tpu.memory_space<vmem>>
    %dma_wait3A_99 = tpu.memref_squeeze %dma_wait3A_98 : memref<1x100x128xf32, #tpu.memory_space<vmem>> -> memref<100x128xf32, #tpu.memory_space<vmem>>
    %dma_wait3A_100 = arith.constant 0 : i32
    %dma_wait3A_101 = arith.constant 0 : i32
    %dma_wait3A_102 = tpu.memref_slice %arg4[%dma_wait3A_100, %dma_wait3A_101] : memref<160000x128xf32, #tpu.memory_space<hbm>> -> memref<100x128xf32, #tpu.memory_space<hbm>>
    %dma_wait3A_103 = arith.constant 0 : i32
    %dma_wait3A_104 = arith.constant 0 : i32
    %dma_wait3A_105 = tpu.memref_slice %arg4[%dma_wait3A_103, %dma_wait3A_104] : memref<160000x128xf32, #tpu.memory_space<hbm>> -> memref<100x128xf32, #tpu.memory_space<hbm>>
    %dma_wait3A_106 = arith.constant 0 : i32
    %dma_wait3A_107 = arith.constant 0 : i32
    %dma_wait3A_108 = tpu.memref_slice %arg6[%dma_wait3A_95, %dma_wait3A_106, %dma_wait3A_107] : memref<10x100x128xf32, #tpu.memory_space<vmem>> -> memref<1x100x128xf32, #tpu.memory_space<vmem>>
    %dma_wait3A_109 = tpu.memref_squeeze %dma_wait3A_108 : memref<1x100x128xf32, #tpu.memory_space<vmem>> -> memref<100x128xf32, #tpu.memory_space<vmem>>
    tpu.wait_dma2 semaphore(%arg9 : memref<!tpu.dma_semaphore, #tpu.memory_space<semaphore_mem>>) src(%dma_wait3A_109 : memref<100x128xf32, #tpu.memory_space<vmem>>) dst(%dma_wait3A_105 : memref<100x128xf32, #tpu.memory_space<hbm>>)
    %dma_wait3A_110 = arith.constant 7 : i32
    %dma_wait3A_111 = arith.constant 0 : i32
    %dma_wait3A_112 = arith.constant 0 : i32
    %dma_wait3A_113 = tpu.memref_slice %arg6[%dma_wait3A_110, %dma_wait3A_111, %dma_wait3A_112] : memref<10x100x128xf32, #tpu.memory_space<vmem>> -> memref<1x100x128xf32, #tpu.memory_space<vmem>>
    %dma_wait3A_114 = tpu.memref_squeeze %dma_wait3A_113 : memref<1x100x128xf32, #tpu.memory_space<vmem>> -> memref<100x128xf32, #tpu.memory_space<vmem>>
    %dma_wait3A_115 = arith.constant 0 : i32
    %dma_wait3A_116 = arith.constant 0 : i32
    %dma_wait3A_117 = tpu.memref_slice %arg4[%dma_wait3A_115, %dma_wait3A_116] : memref<160000x128xf32, #tpu.memory_space<hbm>> -> memref<100x128xf32, #tpu.memory_space<hbm>>
    %dma_wait3A_118 = arith.constant 0 : i32
    %dma_wait3A_119 = arith.constant 0 : i32
    %dma_wait3A_120 = tpu.memref_slice %arg4[%dma_wait3A_118, %dma_wait3A_119] : memref<160000x128xf32, #tpu.memory_space<hbm>> -> memref<100x128xf32, #tpu.memory_space<hbm>>
    %dma_wait3A_121 = arith.constant 0 : i32
    %dma_wait3A_122 = arith.constant 0 : i32
    %dma_wait3A_123 = tpu.memref_slice %arg6[%dma_wait3A_110, %dma_wait3A_121, %dma_wait3A_122] : memref<10x100x128xf32, #tpu.memory_space<vmem>> -> memref<1x100x128xf32, #tpu.memory_space<vmem>>
    %dma_wait3A_124 = tpu.memref_squeeze %dma_wait3A_123 : memref<1x100x128xf32, #tpu.memory_space<vmem>> -> memref<100x128xf32, #tpu.memory_space<vmem>>
    tpu.wait_dma2 semaphore(%arg9 : memref<!tpu.dma_semaphore, #tpu.memory_space<semaphore_mem>>) src(%dma_wait3A_124 : memref<100x128xf32, #tpu.memory_space<vmem>>) dst(%dma_wait3A_120 : memref<100x128xf32, #tpu.memory_space<hbm>>)
    %dma_wait3A_125 = arith.constant 8 : i32
    %dma_wait3A_126 = arith.constant 0 : i32
    %dma_wait3A_127 = arith.constant 0 : i32
    %dma_wait3A_128 = tpu.memref_slice %arg6[%dma_wait3A_125, %dma_wait3A_126, %dma_wait3A_127] : memref<10x100x128xf32, #tpu.memory_space<vmem>> -> memref<1x100x128xf32, #tpu.memory_space<vmem>>
    %dma_wait3A_129 = tpu.memref_squeeze %dma_wait3A_128 : memref<1x100x128xf32, #tpu.memory_space<vmem>> -> memref<100x128xf32, #tpu.memory_space<vmem>>
    %dma_wait3A_130 = arith.constant 0 : i32
    %dma_wait3A_131 = arith.constant 0 : i32
    %dma_wait3A_132 = tpu.memref_slice %arg4[%dma_wait3A_130, %dma_wait3A_131] : memref<160000x128xf32, #tpu.memory_space<hbm>> -> memref<100x128xf32, #tpu.memory_space<hbm>>
    %dma_wait3A_133 = arith.constant 0 : i32
    %dma_wait3A_134 = arith.constant 0 : i32
    %dma_wait3A_135 = tpu.memref_slice %arg4[%dma_wait3A_133, %dma_wait3A_134] : memref<160000x128xf32, #tpu.memory_space<hbm>> -> memref<100x128xf32, #tpu.memory_space<hbm>>
    %dma_wait3A_136 = arith.constant 0 : i32
    %dma_wait3A_137 = arith.constant 0 : i32
    %dma_wait3A_138 = tpu.memref_slice %arg6[%dma_wait3A_125, %dma_wait3A_136, %dma_wait3A_137] : memref<10x100x128xf32, #tpu.memory_space<vmem>> -> memref<1x100x128xf32, #tpu.memory_space<vmem>>
    %dma_wait3A_139 = tpu.memref_squeeze %dma_wait3A_138 : memref<1x100x128xf32, #tpu.memory_space<vmem>> -> memref<100x128xf32, #tpu.memory_space<vmem>>
    tpu.wait_dma2 semaphore(%arg9 : memref<!tpu.dma_semaphore, #tpu.memory_space<semaphore_mem>>) src(%dma_wait3A_139 : memref<100x128xf32, #tpu.memory_space<vmem>>) dst(%dma_wait3A_135 : memref<100x128xf32, #tpu.memory_space<hbm>>)
    %dma_wait3A_140 = arith.constant 9 : i32
    %dma_wait3A_141 = arith.constant 0 : i32
    %dma_wait3A_142 = arith.constant 0 : i32
    %dma_wait3A_143 = tpu.memref_slice %arg6[%dma_wait3A_140, %dma_wait3A_141, %dma_wait3A_142] : memref<10x100x128xf32, #tpu.memory_space<vmem>> -> memref<1x100x128xf32, #tpu.memory_space<vmem>>
    %dma_wait3A_144 = tpu.memref_squeeze %dma_wait3A_143 : memref<1x100x128xf32, #tpu.memory_space<vmem>> -> memref<100x128xf32, #tpu.memory_space<vmem>>
    %dma_wait3A_145 = arith.constant 0 : i32
    %dma_wait3A_146 = arith.constant 0 : i32
    %dma_wait3A_147 = tpu.memref_slice %arg4[%dma_wait3A_145, %dma_wait3A_146] : memref<160000x128xf32, #tpu.memory_space<hbm>> -> memref<100x128xf32, #tpu.memory_space<hbm>>
    %dma_wait3A_148 = arith.constant 0 : i32
    %dma_wait3A_149 = arith.constant 0 : i32
    %dma_wait3A_150 = tpu.memref_slice %arg4[%dma_wait3A_148, %dma_wait3A_149] : memref<160000x128xf32, #tpu.memory_space<hbm>> -> memref<100x128xf32, #tpu.memory_space<hbm>>
    %dma_wait3A_151 = arith.constant 0 : i32
    %dma_wait3A_152 = arith.constant 0 : i32
    %dma_wait3A_153 = tpu.memref_slice %arg6[%dma_wait3A_140, %dma_wait3A_151, %dma_wait3A_152] : memref<10x100x128xf32, #tpu.memory_space<vmem>> -> memref<1x100x128xf32, #tpu.memory_space<vmem>>
    %dma_wait3A_154 = tpu.memref_squeeze %dma_wait3A_153 : memref<1x100x128xf32, #tpu.memory_space<vmem>> -> memref<100x128xf32, #tpu.memory_space<vmem>>
    tpu.wait_dma2 semaphore(%arg9 : memref<!tpu.dma_semaphore, #tpu.memory_space<semaphore_mem>>) src(%dma_wait3A_154 : memref<100x128xf32, #tpu.memory_space<vmem>>) dst(%dma_wait3A_150 : memref<100x128xf32, #tpu.memory_space<hbm>>)
    return
  }
}

#map = affine_map<(d0, d1) -> (0, 0)>
#map1 = affine_map<(d0, d1) -> (0, 0, 0)>
module attributes {stable_mosaic.version = 14 : i64} {
  func.func @_scatter_body(%arg0: i32, %arg1: i32, %arg2: memref<160000x128xf32, #tpu.memory_space<hbm>>, %arg3: memref<160000x128xf32, #tpu.memory_space<hbm>>, %arg4: memref<16x250x40xi32, #tpu.memory_space<hbm>>, %arg5: memref<625x128xf32, #tpu.memory_space<hbm>>, %arg6: memref<20000x128xf32, #tpu.memory_space<hbm>>, %arg7: memref<8x40xi32, #tpu.memory_space<vmem>>, %arg8: memref<8x40x128xf32, #tpu.memory_space<vmem>>, %arg9: memref<10000x128xf32, #tpu.memory_space<vmem_shared>>, %arg10: memref<!tpu.dma_semaphore, #tpu.memory_space<semaphore_mem>>, %arg11: memref<!tpu.dma_semaphore, #tpu.memory_space<semaphore_mem>>, %arg12: memref<!tpu.dma_semaphore, #tpu.memory_space<semaphore_mem>>) attributes {dimension_semantics = [#tpu.dimension_semantics<core_parallel>, #tpu.dimension_semantics<subcore_parallel>], iteration_bounds = array<i64: 2, 16>, scalar_prefetch = 0 : i64, scratch_operands = 6 : i64, tpu.core_type = #tpu.core_type<sc_vector_subcore>, window_params = [{transform_indices = #map}, {transform_indices = #map}, {transform_indices = #map1}, {transform_indices = #map}, {transform_indices = #map}]} {
    %mul3A = arith.constant 625 : i32
    %mul3A_0 = arith.muli %arg1, %mul3A : i32
    "tpu.region"() ({
      %run_scoped3A = tpu.sem_alloc : memref<!tpu.dma_semaphore, #tpu.memory_space<semaphore_mem>>
      %dma_start3A = arith.constant 0 : i32
      %dma_start3A_108 = tpu.memref_slice %arg9[%mul3A_0, %dma_start3A] : memref<10000x128xf32, #tpu.memory_space<vmem_shared>> -> memref<625x128xf32, #tpu.memory_space<vmem_shared>>
      tpu.enqueue_dma source(%arg5 : memref<625x128xf32, #tpu.memory_space<hbm>>) target(%dma_start3A_108 : memref<625x128xf32, #tpu.memory_space<vmem_shared>>) target_semaphore(%run_scoped3A : memref<!tpu.dma_semaphore, #tpu.memory_space<semaphore_mem>>)
      %dma_wait3A_109 = arith.constant 0 : i32
      %dma_wait3A_110 = tpu.memref_slice %arg9[%mul3A_0, %dma_wait3A_109] : memref<10000x128xf32, #tpu.memory_space<vmem_shared>> -> memref<625x128xf32, #tpu.memory_space<vmem_shared>>
      tpu.wait_dma2 semaphore(%run_scoped3A : memref<!tpu.dma_semaphore, #tpu.memory_space<semaphore_mem>>) src(%arg5 : memref<625x128xf32, #tpu.memory_space<hbm>>) dst(%dma_wait3A_110 : memref<625x128xf32, #tpu.memory_space<vmem_shared>>)
      tpu.yield
    }) : () -> ()
    %barrier3A = arith.constant 0 : index
    tpu.barrier barrier_id(%barrier3A)
    %scan3A = arith.constant 0 : i32
    %scan3A_1 = arith.constant 0 : i32
    %scan3A_2 = arith.constant 125 : i32
    %scan3A_3 = arith.addi %scan3A_1, %scan3A_2 : i32
    %scan3A_4 = arith.constant 1 : i32
    scf.for %scan3A_108 = %scan3A_1 to %scan3A_3 step %scan3A_4  : i32 {
      %rem3A = arith.constant 4 : i32
      %rem3A_109 = arith.remsi %scan3A_108, %rem3A : i32
      %mul3A_110 = arith.constant 2 : i32
      %mul3A_111 = arith.muli %rem3A_109, %mul3A_110 : i32
      %ge3A = arith.constant 4 : i32
      %ge3A_112 = arith.cmpi sge, %scan3A_108, %ge3A : i32
      %convert_element_type3A = arith.extui %ge3A_112 : i1 to i32
      %cond3A = arith.constant 0 : i32
      %cond3A_113 = arith.cmpi ne, %convert_element_type3A, %cond3A : i32
      scf.if %cond3A_113 {
        %add3A_270 = arith.constant 0 : i32
        %add3A_271 = arith.addi %mul3A_111, %add3A_270 : i32
        %dma_wait3A_272 = arith.constant 0 : i32
        %dma_wait3A_273 = arith.constant 0 : i32
        %dma_wait3A_274 = arith.constant 0 : i32
        %dma_wait3A_275 = tpu.memref_slice %arg8[%add3A_271, %dma_wait3A_273, %dma_wait3A_274] : memref<8x40x128xf32, #tpu.memory_space<vmem>> -> memref<1x40x128xf32, #tpu.memory_space<vmem>>
        %dma_wait3A_276 = tpu.memref_squeeze %dma_wait3A_275 : memref<1x40x128xf32, #tpu.memory_space<vmem>> -> memref<40x128xf32, #tpu.memory_space<vmem>>
        %dma_wait3A_277 = arith.constant 0 : i32
        %dma_wait3A_278 = tpu.memref_slice %arg7[%dma_wait3A_272, %dma_wait3A_277] : memref<8x40xi32, #tpu.memory_space<vmem>> -> memref<1x40xi32, #tpu.memory_space<vmem>>
        %dma_wait3A_279 = tpu.memref_squeeze %dma_wait3A_278 : memref<1x40xi32, #tpu.memory_space<vmem>> -> memref<40xi32, #tpu.memory_space<vmem>>
        %dma_wait3A_280 = arith.constant 0 : i32
        %dma_wait3A_281 = arith.constant 0 : i32
        %dma_wait3A_282 = tpu.memref_slice %arg9[%dma_wait3A_280, %dma_wait3A_281] : memref<10000x128xf32, #tpu.memory_space<vmem_shared>> -> memref<10000x128xf32, #tpu.memory_space<vmem_shared>>
        tpu.wait_indirect_dma semaphore(%arg12 : memref<!tpu.dma_semaphore, #tpu.memory_space<semaphore_mem>>) src(%dma_wait3A_276 : memref<40x128xf32, #tpu.memory_space<vmem>>) dst(%dma_wait3A_282 : memref<10000x128xf32, #tpu.memory_space<vmem_shared>>)
        %add3A_283 = arith.constant 1 : i32
        %add3A_284 = arith.addi %mul3A_111, %add3A_283 : i32
        %dma_wait3A_285 = arith.constant 0 : i32
        %dma_wait3A_286 = arith.constant 0 : i32
        %dma_wait3A_287 = arith.constant 0 : i32
        %dma_wait3A_288 = tpu.memref_slice %arg8[%add3A_284, %dma_wait3A_286, %dma_wait3A_287] : memref<8x40x128xf32, #tpu.memory_space<vmem>> -> memref<1x40x128xf32, #tpu.memory_space<vmem>>
        %dma_wait3A_289 = tpu.memref_squeeze %dma_wait3A_288 : memref<1x40x128xf32, #tpu.memory_space<vmem>> -> memref<40x128xf32, #tpu.memory_space<vmem>>
        %dma_wait3A_290 = arith.constant 0 : i32
        %dma_wait3A_291 = tpu.memref_slice %arg7[%dma_wait3A_285, %dma_wait3A_290] : memref<8x40xi32, #tpu.memory_space<vmem>> -> memref<1x40xi32, #tpu.memory_space<vmem>>
        %dma_wait3A_292 = tpu.memref_squeeze %dma_wait3A_291 : memref<1x40xi32, #tpu.memory_space<vmem>> -> memref<40xi32, #tpu.memory_space<vmem>>
        %dma_wait3A_293 = arith.constant 0 : i32
        %dma_wait3A_294 = arith.constant 0 : i32
        %dma_wait3A_295 = tpu.memref_slice %arg9[%dma_wait3A_293, %dma_wait3A_294] : memref<10000x128xf32, #tpu.memory_space<vmem_shared>> -> memref<10000x128xf32, #tpu.memory_space<vmem_shared>>
        tpu.wait_indirect_dma semaphore(%arg12 : memref<!tpu.dma_semaphore, #tpu.memory_space<semaphore_mem>>) src(%dma_wait3A_289 : memref<40x128xf32, #tpu.memory_space<vmem>>) dst(%dma_wait3A_295 : memref<10000x128xf32, #tpu.memory_space<vmem_shared>>)
      } else {
      }
      %mul3A_114 = arith.constant 2 : i32
      %mul3A_115 = arith.muli %scan3A_108, %mul3A_114 : i32
      %add3A_116 = arith.constant 0 : i32
      %add3A_117 = arith.addi %mul3A_115, %add3A_116 : i32
      %add3A_118 = arith.constant 0 : i32
      %add3A_119 = arith.addi %mul3A_111, %add3A_118 : i32
      %dma_start3A = arith.constant 0 : i32
      %dma_start3A_120 = tpu.memref_slice %arg7[%add3A_119, %dma_start3A] : memref<8x40xi32, #tpu.memory_space<vmem>> -> memref<1x40xi32, #tpu.memory_space<vmem>>
      %dma_start3A_121 = tpu.memref_squeeze %dma_start3A_120 : memref<1x40xi32, #tpu.memory_space<vmem>> -> memref<40xi32, #tpu.memory_space<vmem>>
      %dma_start3A_122 = arith.constant 0 : i32
      %dma_start3A_123 = tpu.memref_slice %arg4[%arg1, %add3A_117, %dma_start3A_122] : memref<16x250x40xi32, #tpu.memory_space<hbm>> -> memref<1x1x40xi32, #tpu.memory_space<hbm>>
      %dma_start3A_124 = tpu.memref_squeeze %dma_start3A_123 : memref<1x1x40xi32, #tpu.memory_space<hbm>> -> memref<40xi32, #tpu.memory_space<hbm>>
      %dma_start3A_125 = arith.constant 0 : i32
      %dma_start3A_126 = tpu.memref_slice %arg7[%add3A_119, %dma_start3A_125] : memref<8x40xi32, #tpu.memory_space<vmem>> -> memref<1x40xi32, #tpu.memory_space<vmem>>
      %dma_start3A_127 = tpu.memref_squeeze %dma_start3A_126 : memref<1x40xi32, #tpu.memory_space<vmem>> -> memref<40xi32, #tpu.memory_space<vmem>>
      %dma_start3A_128 = arith.constant 0 : i32
      %dma_start3A_129 = tpu.memref_slice %arg4[%arg1, %add3A_117, %dma_start3A_128] : memref<16x250x40xi32, #tpu.memory_space<hbm>> -> memref<1x1x40xi32, #tpu.memory_space<hbm>>
      %dma_start3A_130 = tpu.memref_squeeze %dma_start3A_129 : memref<1x1x40xi32, #tpu.memory_space<hbm>> -> memref<40xi32, #tpu.memory_space<hbm>>
      tpu.enqueue_dma source(%dma_start3A_130 : memref<40xi32, #tpu.memory_space<hbm>>) target(%dma_start3A_127 : memref<40xi32, #tpu.memory_space<vmem>>) target_semaphore(%arg10 : memref<!tpu.dma_semaphore, #tpu.memory_space<semaphore_mem>>)
      %eq3A = arith.constant 0 : i32
      %eq3A_131 = arith.cmpi eq, %arg0, %eq3A : i32
      %convert_element_type3A_132 = arith.extui %eq3A_131 : i1 to i32
      %cond3A_133 = arith.constant 0 : i32
      %cond3A_134 = arith.cmpi ne, %convert_element_type3A_132, %cond3A_133 : i32
      scf.if %cond3A_134 {
        %mul3A_270 = arith.constant 10000 : i32
        %mul3A_271 = arith.muli %arg1, %mul3A_270 : i32
        %mul3A_272 = arith.constant 40 : i32
        %mul3A_273 = arith.muli %add3A_117, %mul3A_272 : i32
        %add3A_274 = arith.addi %mul3A_271, %mul3A_273 : i32
        %add3A_275 = arith.constant 0 : i32
        %add3A_276 = arith.addi %mul3A_111, %add3A_275 : i32
        %dma_start3A_277 = arith.constant 0 : i32
        %dma_start3A_278 = arith.constant 0 : i32
        %dma_start3A_279 = tpu.memref_slice %arg8[%add3A_276, %dma_start3A_277, %dma_start3A_278] : memref<8x40x128xf32, #tpu.memory_space<vmem>> -> memref<1x40x128xf32, #tpu.memory_space<vmem>>
        %dma_start3A_280 = tpu.memref_squeeze %dma_start3A_279 : memref<1x40x128xf32, #tpu.memory_space<vmem>> -> memref<40x128xf32, #tpu.memory_space<vmem>>
        %dma_start3A_281 = arith.constant 0 : i32
        %dma_start3A_282 = tpu.memref_slice %arg2[%add3A_274, %dma_start3A_281] : memref<160000x128xf32, #tpu.memory_space<hbm>> -> memref<40x128xf32, #tpu.memory_space<hbm>>
        %dma_start3A_283 = arith.constant 0 : i32
        %dma_start3A_284 = arith.constant 0 : i32
        %dma_start3A_285 = tpu.memref_slice %arg8[%add3A_276, %dma_start3A_283, %dma_start3A_284] : memref<8x40x128xf32, #tpu.memory_space<vmem>> -> memref<1x40x128xf32, #tpu.memory_space<vmem>>
        %dma_start3A_286 = tpu.memref_squeeze %dma_start3A_285 : memref<1x40x128xf32, #tpu.memory_space<vmem>> -> memref<40x128xf32, #tpu.memory_space<vmem>>
        %dma_start3A_287 = arith.constant 0 : i32
        %dma_start3A_288 = tpu.memref_slice %arg2[%add3A_274, %dma_start3A_287] : memref<160000x128xf32, #tpu.memory_space<hbm>> -> memref<40x128xf32, #tpu.memory_space<hbm>>
        tpu.enqueue_dma source(%dma_start3A_288 : memref<40x128xf32, #tpu.memory_space<hbm>>) target(%dma_start3A_286 : memref<40x128xf32, #tpu.memory_space<vmem>>) target_semaphore(%arg11 : memref<!tpu.dma_semaphore, #tpu.memory_space<semaphore_mem>>)
      } else {
      }
      %eq3A_135 = arith.constant 1 : i32
      %eq3A_136 = arith.cmpi eq, %arg0, %eq3A_135 : i32
      %convert_element_type3A_137 = arith.extui %eq3A_136 : i1 to i32
      %cond3A_138 = arith.constant 0 : i32
      %cond3A_139 = arith.cmpi ne, %convert_element_type3A_137, %cond3A_138 : i32
      scf.if %cond3A_139 {
        %mul3A_270 = arith.constant 10000 : i32
        %mul3A_271 = arith.muli %arg1, %mul3A_270 : i32
        %mul3A_272 = arith.constant 40 : i32
        %mul3A_273 = arith.muli %add3A_117, %mul3A_272 : i32
        %add3A_274 = arith.addi %mul3A_271, %mul3A_273 : i32
        %add3A_275 = arith.constant 0 : i32
        %add3A_276 = arith.addi %mul3A_111, %add3A_275 : i32
        %dma_start3A_277 = arith.constant 0 : i32
        %dma_start3A_278 = arith.constant 0 : i32
        %dma_start3A_279 = tpu.memref_slice %arg8[%add3A_276, %dma_start3A_277, %dma_start3A_278] : memref<8x40x128xf32, #tpu.memory_space<vmem>> -> memref<1x40x128xf32, #tpu.memory_space<vmem>>
        %dma_start3A_280 = tpu.memref_squeeze %dma_start3A_279 : memref<1x40x128xf32, #tpu.memory_space<vmem>> -> memref<40x128xf32, #tpu.memory_space<vmem>>
        %dma_start3A_281 = arith.constant 0 : i32
        %dma_start3A_282 = tpu.memref_slice %arg3[%add3A_274, %dma_start3A_281] : memref<160000x128xf32, #tpu.memory_space<hbm>> -> memref<40x128xf32, #tpu.memory_space<hbm>>
        %dma_start3A_283 = arith.constant 0 : i32
        %dma_start3A_284 = arith.constant 0 : i32
        %dma_start3A_285 = tpu.memref_slice %arg8[%add3A_276, %dma_start3A_283, %dma_start3A_284] : memref<8x40x128xf32, #tpu.memory_space<vmem>> -> memref<1x40x128xf32, #tpu.memory_space<vmem>>
        %dma_start3A_286 = tpu.memref_squeeze %dma_start3A_285 : memref<1x40x128xf32, #tpu.memory_space<vmem>> -> memref<40x128xf32, #tpu.memory_space<vmem>>
        %dma_start3A_287 = arith.constant 0 : i32
        %dma_start3A_288 = tpu.memref_slice %arg3[%add3A_274, %dma_start3A_287] : memref<160000x128xf32, #tpu.memory_space<hbm>> -> memref<40x128xf32, #tpu.memory_space<hbm>>
        tpu.enqueue_dma source(%dma_start3A_288 : memref<40x128xf32, #tpu.memory_space<hbm>>) target(%dma_start3A_286 : memref<40x128xf32, #tpu.memory_space<vmem>>) target_semaphore(%arg11 : memref<!tpu.dma_semaphore, #tpu.memory_space<semaphore_mem>>)
      } else {
      }
      %mul3A_140 = arith.constant 2 : i32
      %mul3A_141 = arith.muli %scan3A_108, %mul3A_140 : i32
      %add3A_142 = arith.constant 1 : i32
      %add3A_143 = arith.addi %mul3A_141, %add3A_142 : i32
      %add3A_144 = arith.constant 1 : i32
      %add3A_145 = arith.addi %mul3A_111, %add3A_144 : i32
      %dma_start3A_146 = arith.constant 0 : i32
      %dma_start3A_147 = tpu.memref_slice %arg7[%add3A_145, %dma_start3A_146] : memref<8x40xi32, #tpu.memory_space<vmem>> -> memref<1x40xi32, #tpu.memory_space<vmem>>
      %dma_start3A_148 = tpu.memref_squeeze %dma_start3A_147 : memref<1x40xi32, #tpu.memory_space<vmem>> -> memref<40xi32, #tpu.memory_space<vmem>>
      %dma_start3A_149 = arith.constant 0 : i32
      %dma_start3A_150 = tpu.memref_slice %arg4[%arg1, %add3A_143, %dma_start3A_149] : memref<16x250x40xi32, #tpu.memory_space<hbm>> -> memref<1x1x40xi32, #tpu.memory_space<hbm>>
      %dma_start3A_151 = tpu.memref_squeeze %dma_start3A_150 : memref<1x1x40xi32, #tpu.memory_space<hbm>> -> memref<40xi32, #tpu.memory_space<hbm>>
      %dma_start3A_152 = arith.constant 0 : i32
      %dma_start3A_153 = tpu.memref_slice %arg7[%add3A_145, %dma_start3A_152] : memref<8x40xi32, #tpu.memory_space<vmem>> -> memref<1x40xi32, #tpu.memory_space<vmem>>
      %dma_start3A_154 = tpu.memref_squeeze %dma_start3A_153 : memref<1x40xi32, #tpu.memory_space<vmem>> -> memref<40xi32, #tpu.memory_space<vmem>>
      %dma_start3A_155 = arith.constant 0 : i32
      %dma_start3A_156 = tpu.memref_slice %arg4[%arg1, %add3A_143, %dma_start3A_155] : memref<16x250x40xi32, #tpu.memory_space<hbm>> -> memref<1x1x40xi32, #tpu.memory_space<hbm>>
      %dma_start3A_157 = tpu.memref_squeeze %dma_start3A_156 : memref<1x1x40xi32, #tpu.memory_space<hbm>> -> memref<40xi32, #tpu.memory_space<hbm>>
      tpu.enqueue_dma source(%dma_start3A_157 : memref<40xi32, #tpu.memory_space<hbm>>) target(%dma_start3A_154 : memref<40xi32, #tpu.memory_space<vmem>>) target_semaphore(%arg10 : memref<!tpu.dma_semaphore, #tpu.memory_space<semaphore_mem>>)
      %eq3A_158 = arith.constant 0 : i32
      %eq3A_159 = arith.cmpi eq, %arg0, %eq3A_158 : i32
      %convert_element_type3A_160 = arith.extui %eq3A_159 : i1 to i32
      %cond3A_161 = arith.constant 0 : i32
      %cond3A_162 = arith.cmpi ne, %convert_element_type3A_160, %cond3A_161 : i32
      scf.if %cond3A_162 {
        %mul3A_270 = arith.constant 10000 : i32
        %mul3A_271 = arith.muli %arg1, %mul3A_270 : i32
        %mul3A_272 = arith.constant 40 : i32
        %mul3A_273 = arith.muli %add3A_143, %mul3A_272 : i32
        %add3A_274 = arith.addi %mul3A_271, %mul3A_273 : i32
        %add3A_275 = arith.constant 1 : i32
        %add3A_276 = arith.addi %mul3A_111, %add3A_275 : i32
        %dma_start3A_277 = arith.constant 0 : i32
        %dma_start3A_278 = arith.constant 0 : i32
        %dma_start3A_279 = tpu.memref_slice %arg8[%add3A_276, %dma_start3A_277, %dma_start3A_278] : memref<8x40x128xf32, #tpu.memory_space<vmem>> -> memref<1x40x128xf32, #tpu.memory_space<vmem>>
        %dma_start3A_280 = tpu.memref_squeeze %dma_start3A_279 : memref<1x40x128xf32, #tpu.memory_space<vmem>> -> memref<40x128xf32, #tpu.memory_space<vmem>>
        %dma_start3A_281 = arith.constant 0 : i32
        %dma_start3A_282 = tpu.memref_slice %arg2[%add3A_274, %dma_start3A_281] : memref<160000x128xf32, #tpu.memory_space<hbm>> -> memref<40x128xf32, #tpu.memory_space<hbm>>
        %dma_start3A_283 = arith.constant 0 : i32
        %dma_start3A_284 = arith.constant 0 : i32
        %dma_start3A_285 = tpu.memref_slice %arg8[%add3A_276, %dma_start3A_283, %dma_start3A_284] : memref<8x40x128xf32, #tpu.memory_space<vmem>> -> memref<1x40x128xf32, #tpu.memory_space<vmem>>
        %dma_start3A_286 = tpu.memref_squeeze %dma_start3A_285 : memref<1x40x128xf32, #tpu.memory_space<vmem>> -> memref<40x128xf32, #tpu.memory_space<vmem>>
        %dma_start3A_287 = arith.constant 0 : i32
        %dma_start3A_288 = tpu.memref_slice %arg2[%add3A_274, %dma_start3A_287] : memref<160000x128xf32, #tpu.memory_space<hbm>> -> memref<40x128xf32, #tpu.memory_space<hbm>>
        tpu.enqueue_dma source(%dma_start3A_288 : memref<40x128xf32, #tpu.memory_space<hbm>>) target(%dma_start3A_286 : memref<40x128xf32, #tpu.memory_space<vmem>>) target_semaphore(%arg11 : memref<!tpu.dma_semaphore, #tpu.memory_space<semaphore_mem>>)
      } else {
      }
      %eq3A_163 = arith.constant 1 : i32
      %eq3A_164 = arith.cmpi eq, %arg0, %eq3A_163 : i32
      %convert_element_type3A_165 = arith.extui %eq3A_164 : i1 to i32
      %cond3A_166 = arith.constant 0 : i32
      %cond3A_167 = arith.cmpi ne, %convert_element_type3A_165, %cond3A_166 : i32
      scf.if %cond3A_167 {
        %mul3A_270 = arith.constant 10000 : i32
        %mul3A_271 = arith.muli %arg1, %mul3A_270 : i32
        %mul3A_272 = arith.constant 40 : i32
        %mul3A_273 = arith.muli %add3A_143, %mul3A_272 : i32
        %add3A_274 = arith.addi %mul3A_271, %mul3A_273 : i32
        %add3A_275 = arith.constant 1 : i32
        %add3A_276 = arith.addi %mul3A_111, %add3A_275 : i32
        %dma_start3A_277 = arith.constant 0 : i32
        %dma_start3A_278 = arith.constant 0 : i32
        %dma_start3A_279 = tpu.memref_slice %arg8[%add3A_276, %dma_start3A_277, %dma_start3A_278] : memref<8x40x128xf32, #tpu.memory_space<vmem>> -> memref<1x40x128xf32, #tpu.memory_space<vmem>>
        %dma_start3A_280 = tpu.memref_squeeze %dma_start3A_279 : memref<1x40x128xf32, #tpu.memory_space<vmem>> -> memref<40x128xf32, #tpu.memory_space<vmem>>
        %dma_start3A_281 = arith.constant 0 : i32
        %dma_start3A_282 = tpu.memref_slice %arg3[%add3A_274, %dma_start3A_281] : memref<160000x128xf32, #tpu.memory_space<hbm>> -> memref<40x128xf32, #tpu.memory_space<hbm>>
        %dma_start3A_283 = arith.constant 0 : i32
        %dma_start3A_284 = arith.constant 0 : i32
        %dma_start3A_285 = tpu.memref_slice %arg8[%add3A_276, %dma_start3A_283, %dma_start3A_284] : memref<8x40x128xf32, #tpu.memory_space<vmem>> -> memref<1x40x128xf32, #tpu.memory_space<vmem>>
        %dma_start3A_286 = tpu.memref_squeeze %dma_start3A_285 : memref<1x40x128xf32, #tpu.memory_space<vmem>> -> memref<40x128xf32, #tpu.memory_space<vmem>>
        %dma_start3A_287 = arith.constant 0 : i32
        %dma_start3A_288 = tpu.memref_slice %arg3[%add3A_274, %dma_start3A_287] : memref<160000x128xf32, #tpu.memory_space<hbm>> -> memref<40x128xf32, #tpu.memory_space<hbm>>
        tpu.enqueue_dma source(%dma_start3A_288 : memref<40x128xf32, #tpu.memory_space<hbm>>) target(%dma_start3A_286 : memref<40x128xf32, #tpu.memory_space<vmem>>) target_semaphore(%arg11 : memref<!tpu.dma_semaphore, #tpu.memory_space<semaphore_mem>>)
      } else {
      }
      %mul3A_168 = arith.constant 2 : i32
      %mul3A_169 = arith.muli %scan3A_108, %mul3A_168 : i32
      %add3A_170 = arith.constant 0 : i32
      %add3A_171 = arith.addi %mul3A_169, %add3A_170 : i32
      %add3A_172 = arith.constant 0 : i32
      %add3A_173 = arith.addi %mul3A_111, %add3A_172 : i32
      %dma_wait3A_174 = arith.constant 0 : i32
      %dma_wait3A_175 = tpu.memref_slice %arg7[%add3A_173, %dma_wait3A_174] : memref<8x40xi32, #tpu.memory_space<vmem>> -> memref<1x40xi32, #tpu.memory_space<vmem>>
      %dma_wait3A_176 = tpu.memref_squeeze %dma_wait3A_175 : memref<1x40xi32, #tpu.memory_space<vmem>> -> memref<40xi32, #tpu.memory_space<vmem>>
      %dma_wait3A_177 = arith.constant 0 : i32
      %dma_wait3A_178 = tpu.memref_slice %arg4[%arg1, %add3A_171, %dma_wait3A_177] : memref<16x250x40xi32, #tpu.memory_space<hbm>> -> memref<1x1x40xi32, #tpu.memory_space<hbm>>
      %dma_wait3A_179 = tpu.memref_squeeze %dma_wait3A_178 : memref<1x1x40xi32, #tpu.memory_space<hbm>> -> memref<40xi32, #tpu.memory_space<hbm>>
      %dma_wait3A_180 = arith.constant 0 : i32
      %dma_wait3A_181 = tpu.memref_slice %arg7[%add3A_173, %dma_wait3A_180] : memref<8x40xi32, #tpu.memory_space<vmem>> -> memref<1x40xi32, #tpu.memory_space<vmem>>
      %dma_wait3A_182 = tpu.memref_squeeze %dma_wait3A_181 : memref<1x40xi32, #tpu.memory_space<vmem>> -> memref<40xi32, #tpu.memory_space<vmem>>
      %dma_wait3A_183 = arith.constant 0 : i32
      %dma_wait3A_184 = tpu.memref_slice %arg4[%arg1, %add3A_171, %dma_wait3A_183] : memref<16x250x40xi32, #tpu.memory_space<hbm>> -> memref<1x1x40xi32, #tpu.memory_space<hbm>>
      %dma_wait3A_185 = tpu.memref_squeeze %dma_wait3A_184 : memref<1x1x40xi32, #tpu.memory_space<hbm>> -> memref<40xi32, #tpu.memory_space<hbm>>
      tpu.wait_dma2 semaphore(%arg10 : memref<!tpu.dma_semaphore, #tpu.memory_space<semaphore_mem>>) src(%dma_wait3A_185 : memref<40xi32, #tpu.memory_space<hbm>>) dst(%dma_wait3A_182 : memref<40xi32, #tpu.memory_space<vmem>>)
      %mul3A_186 = arith.constant 10000 : i32
      %mul3A_187 = arith.muli %arg1, %mul3A_186 : i32
      %mul3A_188 = arith.constant 40 : i32
      %mul3A_189 = arith.muli %add3A_171, %mul3A_188 : i32
      %add3A_190 = arith.addi %mul3A_187, %mul3A_189 : i32
      %add3A_191 = arith.constant 0 : i32
      %add3A_192 = arith.addi %mul3A_111, %add3A_191 : i32
      %dma_wait3A_193 = arith.constant 0 : i32
      %dma_wait3A_194 = arith.constant 0 : i32
      %dma_wait3A_195 = tpu.memref_slice %arg8[%add3A_192, %dma_wait3A_193, %dma_wait3A_194] : memref<8x40x128xf32, #tpu.memory_space<vmem>> -> memref<1x40x128xf32, #tpu.memory_space<vmem>>
      %dma_wait3A_196 = tpu.memref_squeeze %dma_wait3A_195 : memref<1x40x128xf32, #tpu.memory_space<vmem>> -> memref<40x128xf32, #tpu.memory_space<vmem>>
      %dma_wait3A_197 = arith.constant 0 : i32
      %dma_wait3A_198 = tpu.memref_slice %arg2[%add3A_190, %dma_wait3A_197] : memref<160000x128xf32, #tpu.memory_space<hbm>> -> memref<40x128xf32, #tpu.memory_space<hbm>>
      %dma_wait3A_199 = arith.constant 0 : i32
      %dma_wait3A_200 = arith.constant 0 : i32
      %dma_wait3A_201 = tpu.memref_slice %arg8[%add3A_192, %dma_wait3A_199, %dma_wait3A_200] : memref<8x40x128xf32, #tpu.memory_space<vmem>> -> memref<1x40x128xf32, #tpu.memory_space<vmem>>
      %dma_wait3A_202 = tpu.memref_squeeze %dma_wait3A_201 : memref<1x40x128xf32, #tpu.memory_space<vmem>> -> memref<40x128xf32, #tpu.memory_space<vmem>>
      %dma_wait3A_203 = arith.constant 0 : i32
      %dma_wait3A_204 = tpu.memref_slice %arg2[%add3A_190, %dma_wait3A_203] : memref<160000x128xf32, #tpu.memory_space<hbm>> -> memref<40x128xf32, #tpu.memory_space<hbm>>
      tpu.wait_dma2 semaphore(%arg11 : memref<!tpu.dma_semaphore, #tpu.memory_space<semaphore_mem>>) src(%dma_wait3A_204 : memref<40x128xf32, #tpu.memory_space<hbm>>) dst(%dma_wait3A_202 : memref<40x128xf32, #tpu.memory_space<vmem>>)
      %mul3A_205 = arith.constant 2 : i32
      %mul3A_206 = arith.muli %scan3A_108, %mul3A_205 : i32
      %add3A_207 = arith.constant 1 : i32
      %add3A_208 = arith.addi %mul3A_206, %add3A_207 : i32
      %add3A_209 = arith.constant 1 : i32
      %add3A_210 = arith.addi %mul3A_111, %add3A_209 : i32
      %dma_wait3A_211 = arith.constant 0 : i32
      %dma_wait3A_212 = tpu.memref_slice %arg7[%add3A_210, %dma_wait3A_211] : memref<8x40xi32, #tpu.memory_space<vmem>> -> memref<1x40xi32, #tpu.memory_space<vmem>>
      %dma_wait3A_213 = tpu.memref_squeeze %dma_wait3A_212 : memref<1x40xi32, #tpu.memory_space<vmem>> -> memref<40xi32, #tpu.memory_space<vmem>>
      %dma_wait3A_214 = arith.constant 0 : i32
      %dma_wait3A_215 = tpu.memref_slice %arg4[%arg1, %add3A_208, %dma_wait3A_214] : memref<16x250x40xi32, #tpu.memory_space<hbm>> -> memref<1x1x40xi32, #tpu.memory_space<hbm>>
      %dma_wait3A_216 = tpu.memref_squeeze %dma_wait3A_215 : memref<1x1x40xi32, #tpu.memory_space<hbm>> -> memref<40xi32, #tpu.memory_space<hbm>>
      %dma_wait3A_217 = arith.constant 0 : i32
      %dma_wait3A_218 = tpu.memref_slice %arg7[%add3A_210, %dma_wait3A_217] : memref<8x40xi32, #tpu.memory_space<vmem>> -> memref<1x40xi32, #tpu.memory_space<vmem>>
      %dma_wait3A_219 = tpu.memref_squeeze %dma_wait3A_218 : memref<1x40xi32, #tpu.memory_space<vmem>> -> memref<40xi32, #tpu.memory_space<vmem>>
      %dma_wait3A_220 = arith.constant 0 : i32
      %dma_wait3A_221 = tpu.memref_slice %arg4[%arg1, %add3A_208, %dma_wait3A_220] : memref<16x250x40xi32, #tpu.memory_space<hbm>> -> memref<1x1x40xi32, #tpu.memory_space<hbm>>
      %dma_wait3A_222 = tpu.memref_squeeze %dma_wait3A_221 : memref<1x1x40xi32, #tpu.memory_space<hbm>> -> memref<40xi32, #tpu.memory_space<hbm>>
      tpu.wait_dma2 semaphore(%arg10 : memref<!tpu.dma_semaphore, #tpu.memory_space<semaphore_mem>>) src(%dma_wait3A_222 : memref<40xi32, #tpu.memory_space<hbm>>) dst(%dma_wait3A_219 : memref<40xi32, #tpu.memory_space<vmem>>)
      %mul3A_223 = arith.constant 10000 : i32
      %mul3A_224 = arith.muli %arg1, %mul3A_223 : i32
      %mul3A_225 = arith.constant 40 : i32
      %mul3A_226 = arith.muli %add3A_208, %mul3A_225 : i32
      %add3A_227 = arith.addi %mul3A_224, %mul3A_226 : i32
      %add3A_228 = arith.constant 1 : i32
      %add3A_229 = arith.addi %mul3A_111, %add3A_228 : i32
      %dma_wait3A_230 = arith.constant 0 : i32
      %dma_wait3A_231 = arith.constant 0 : i32
      %dma_wait3A_232 = tpu.memref_slice %arg8[%add3A_229, %dma_wait3A_230, %dma_wait3A_231] : memref<8x40x128xf32, #tpu.memory_space<vmem>> -> memref<1x40x128xf32, #tpu.memory_space<vmem>>
      %dma_wait3A_233 = tpu.memref_squeeze %dma_wait3A_232 : memref<1x40x128xf32, #tpu.memory_space<vmem>> -> memref<40x128xf32, #tpu.memory_space<vmem>>
      %dma_wait3A_234 = arith.constant 0 : i32
      %dma_wait3A_235 = tpu.memref_slice %arg2[%add3A_227, %dma_wait3A_234] : memref<160000x128xf32, #tpu.memory_space<hbm>> -> memref<40x128xf32, #tpu.memory_space<hbm>>
      %dma_wait3A_236 = arith.constant 0 : i32
      %dma_wait3A_237 = arith.constant 0 : i32
      %dma_wait3A_238 = tpu.memref_slice %arg8[%add3A_229, %dma_wait3A_236, %dma_wait3A_237] : memref<8x40x128xf32, #tpu.memory_space<vmem>> -> memref<1x40x128xf32, #tpu.memory_space<vmem>>
      %dma_wait3A_239 = tpu.memref_squeeze %dma_wait3A_238 : memref<1x40x128xf32, #tpu.memory_space<vmem>> -> memref<40x128xf32, #tpu.memory_space<vmem>>
      %dma_wait3A_240 = arith.constant 0 : i32
      %dma_wait3A_241 = tpu.memref_slice %arg2[%add3A_227, %dma_wait3A_240] : memref<160000x128xf32, #tpu.memory_space<hbm>> -> memref<40x128xf32, #tpu.memory_space<hbm>>
      tpu.wait_dma2 semaphore(%arg11 : memref<!tpu.dma_semaphore, #tpu.memory_space<semaphore_mem>>) src(%dma_wait3A_241 : memref<40x128xf32, #tpu.memory_space<hbm>>) dst(%dma_wait3A_239 : memref<40x128xf32, #tpu.memory_space<vmem>>)
      %add3A_242 = arith.constant 0 : i32
      %add3A_243 = arith.addi %mul3A_111, %add3A_242 : i32
      %add3A_244 = arith.constant 0 : i32
      %add3A_245 = arith.addi %mul3A_111, %add3A_244 : i32
      %dma_start3A_246 = arith.constant 0 : i32
      %dma_start3A_247 = arith.constant 0 : i32
      %dma_start3A_248 = tpu.memref_slice %arg8[%add3A_243, %dma_start3A_246, %dma_start3A_247] : memref<8x40x128xf32, #tpu.memory_space<vmem>> -> memref<1x40x128xf32, #tpu.memory_space<vmem>>
      %dma_start3A_249 = tpu.memref_squeeze %dma_start3A_248 : memref<1x40x128xf32, #tpu.memory_space<vmem>> -> memref<40x128xf32, #tpu.memory_space<vmem>>
      %dma_start3A_250 = arith.constant 0 : i32
      %dma_start3A_251 = tpu.memref_slice %arg7[%add3A_245, %dma_start3A_250] : memref<8x40xi32, #tpu.memory_space<vmem>> -> memref<1x40xi32, #tpu.memory_space<vmem>>
      %dma_start3A_252 = tpu.memref_squeeze %dma_start3A_251 : memref<1x40xi32, #tpu.memory_space<vmem>> -> memref<40xi32, #tpu.memory_space<vmem>>
      %dma_start3A_253 = arith.constant 0 : i32
      %dma_start3A_254 = arith.constant 0 : i32
      %dma_start3A_255 = tpu.memref_slice %arg9[%dma_start3A_253, %dma_start3A_254] : memref<10000x128xf32, #tpu.memory_space<vmem_shared>> -> memref<10000x128xf32, #tpu.memory_space<vmem_shared>>
      tpu.enqueue_indirect_dma source(%dma_start3A_249 : memref<40x128xf32, #tpu.memory_space<vmem>>) target(%dma_start3A_255 : memref<10000x128xf32, #tpu.memory_space<vmem_shared>>) offsets(%dma_start3A_252 : memref<40xi32, #tpu.memory_space<vmem>>) semaphore(%arg12 : memref<!tpu.dma_semaphore, #tpu.memory_space<semaphore_mem>>) {add = true}
      %add3A_256 = arith.constant 1 : i32
      %add3A_257 = arith.addi %mul3A_111, %add3A_256 : i32
      %add3A_258 = arith.constant 1 : i32
      %add3A_259 = arith.addi %mul3A_111, %add3A_258 : i32
      %dma_start3A_260 = arith.constant 0 : i32
      %dma_start3A_261 = arith.constant 0 : i32
      %dma_start3A_262 = tpu.memref_slice %arg8[%add3A_257, %dma_start3A_260, %dma_start3A_261] : memref<8x40x128xf32, #tpu.memory_space<vmem>> -> memref<1x40x128xf32, #tpu.memory_space<vmem>>
      %dma_start3A_263 = tpu.memref_squeeze %dma_start3A_262 : memref<1x40x128xf32, #tpu.memory_space<vmem>> -> memref<40x128xf32, #tpu.memory_space<vmem>>
      %dma_start3A_264 = arith.constant 0 : i32
      %dma_start3A_265 = tpu.memref_slice %arg7[%add3A_259, %dma_start3A_264] : memref<8x40xi32, #tpu.memory_space<vmem>> -> memref<1x40xi32, #tpu.memory_space<vmem>>
      %dma_start3A_266 = tpu.memref_squeeze %dma_start3A_265 : memref<1x40xi32, #tpu.memory_space<vmem>> -> memref<40xi32, #tpu.memory_space<vmem>>
      %dma_start3A_267 = arith.constant 0 : i32
      %dma_start3A_268 = arith.constant 0 : i32
      %dma_start3A_269 = tpu.memref_slice %arg9[%dma_start3A_267, %dma_start3A_268] : memref<10000x128xf32, #tpu.memory_space<vmem_shared>> -> memref<10000x128xf32, #tpu.memory_space<vmem_shared>>
      tpu.enqueue_indirect_dma source(%dma_start3A_263 : memref<40x128xf32, #tpu.memory_space<vmem>>) target(%dma_start3A_269 : memref<10000x128xf32, #tpu.memory_space<vmem_shared>>) offsets(%dma_start3A_266 : memref<40xi32, #tpu.memory_space<vmem>>) semaphore(%arg12 : memref<!tpu.dma_semaphore, #tpu.memory_space<semaphore_mem>>) {add = true}
    }
    %scan3A_5 = arith.constant 125 : i32
    %dma_wait3A = arith.constant 0 : i32
    %dma_wait3A_6 = arith.constant 0 : i32
    %dma_wait3A_7 = arith.constant 0 : i32
    %dma_wait3A_8 = arith.constant 0 : i32
    %dma_wait3A_9 = tpu.memref_slice %arg8[%dma_wait3A, %dma_wait3A_7, %dma_wait3A_8] : memref<8x40x128xf32, #tpu.memory_space<vmem>> -> memref<1x40x128xf32, #tpu.memory_space<vmem>>
    %dma_wait3A_10 = tpu.memref_squeeze %dma_wait3A_9 : memref<1x40x128xf32, #tpu.memory_space<vmem>> -> memref<40x128xf32, #tpu.memory_space<vmem>>
    %dma_wait3A_11 = arith.constant 0 : i32
    %dma_wait3A_12 = tpu.memref_slice %arg7[%dma_wait3A_6, %dma_wait3A_11] : memref<8x40xi32, #tpu.memory_space<vmem>> -> memref<1x40xi32, #tpu.memory_space<vmem>>
    %dma_wait3A_13 = tpu.memref_squeeze %dma_wait3A_12 : memref<1x40xi32, #tpu.memory_space<vmem>> -> memref<40xi32, #tpu.memory_space<vmem>>
    %dma_wait3A_14 = arith.constant 0 : i32
    %dma_wait3A_15 = arith.constant 0 : i32
    %dma_wait3A_16 = tpu.memref_slice %arg9[%dma_wait3A_14, %dma_wait3A_15] : memref<10000x128xf32, #tpu.memory_space<vmem_shared>> -> memref<10000x128xf32, #tpu.memory_space<vmem_shared>>
    tpu.wait_indirect_dma semaphore(%arg12 : memref<!tpu.dma_semaphore, #tpu.memory_space<semaphore_mem>>) src(%dma_wait3A_10 : memref<40x128xf32, #tpu.memory_space<vmem>>) dst(%dma_wait3A_16 : memref<10000x128xf32, #tpu.memory_space<vmem_shared>>)
    %dma_wait3A_17 = arith.constant 1 : i32
    %dma_wait3A_18 = arith.constant 0 : i32
    %dma_wait3A_19 = arith.constant 0 : i32
    %dma_wait3A_20 = arith.constant 0 : i32
    %dma_wait3A_21 = tpu.memref_slice %arg8[%dma_wait3A_17, %dma_wait3A_19, %dma_wait3A_20] : memref<8x40x128xf32, #tpu.memory_space<vmem>> -> memref<1x40x128xf32, #tpu.memory_space<vmem>>
    %dma_wait3A_22 = tpu.memref_squeeze %dma_wait3A_21 : memref<1x40x128xf32, #tpu.memory_space<vmem>> -> memref<40x128xf32, #tpu.memory_space<vmem>>
    %dma_wait3A_23 = arith.constant 0 : i32
    %dma_wait3A_24 = tpu.memref_slice %arg7[%dma_wait3A_18, %dma_wait3A_23] : memref<8x40xi32, #tpu.memory_space<vmem>> -> memref<1x40xi32, #tpu.memory_space<vmem>>
    %dma_wait3A_25 = tpu.memref_squeeze %dma_wait3A_24 : memref<1x40xi32, #tpu.memory_space<vmem>> -> memref<40xi32, #tpu.memory_space<vmem>>
    %dma_wait3A_26 = arith.constant 0 : i32
    %dma_wait3A_27 = arith.constant 0 : i32
    %dma_wait3A_28 = tpu.memref_slice %arg9[%dma_wait3A_26, %dma_wait3A_27] : memref<10000x128xf32, #tpu.memory_space<vmem_shared>> -> memref<10000x128xf32, #tpu.memory_space<vmem_shared>>
    tpu.wait_indirect_dma semaphore(%arg12 : memref<!tpu.dma_semaphore, #tpu.memory_space<semaphore_mem>>) src(%dma_wait3A_22 : memref<40x128xf32, #tpu.memory_space<vmem>>) dst(%dma_wait3A_28 : memref<10000x128xf32, #tpu.memory_space<vmem_shared>>)
    %dma_wait3A_29 = arith.constant 2 : i32
    %dma_wait3A_30 = arith.constant 0 : i32
    %dma_wait3A_31 = arith.constant 0 : i32
    %dma_wait3A_32 = arith.constant 0 : i32
    %dma_wait3A_33 = tpu.memref_slice %arg8[%dma_wait3A_29, %dma_wait3A_31, %dma_wait3A_32] : memref<8x40x128xf32, #tpu.memory_space<vmem>> -> memref<1x40x128xf32, #tpu.memory_space<vmem>>
    %dma_wait3A_34 = tpu.memref_squeeze %dma_wait3A_33 : memref<1x40x128xf32, #tpu.memory_space<vmem>> -> memref<40x128xf32, #tpu.memory_space<vmem>>
    %dma_wait3A_35 = arith.constant 0 : i32
    %dma_wait3A_36 = tpu.memref_slice %arg7[%dma_wait3A_30, %dma_wait3A_35] : memref<8x40xi32, #tpu.memory_space<vmem>> -> memref<1x40xi32, #tpu.memory_space<vmem>>
    %dma_wait3A_37 = tpu.memref_squeeze %dma_wait3A_36 : memref<1x40xi32, #tpu.memory_space<vmem>> -> memref<40xi32, #tpu.memory_space<vmem>>
    %dma_wait3A_38 = arith.constant 0 : i32
    %dma_wait3A_39 = arith.constant 0 : i32
    %dma_wait3A_40 = tpu.memref_slice %arg9[%dma_wait3A_38, %dma_wait3A_39] : memref<10000x128xf32, #tpu.memory_space<vmem_shared>> -> memref<10000x128xf32, #tpu.memory_space<vmem_shared>>
    tpu.wait_indirect_dma semaphore(%arg12 : memref<!tpu.dma_semaphore, #tpu.memory_space<semaphore_mem>>) src(%dma_wait3A_34 : memref<40x128xf32, #tpu.memory_space<vmem>>) dst(%dma_wait3A_40 : memref<10000x128xf32, #tpu.memory_space<vmem_shared>>)
    %dma_wait3A_41 = arith.constant 3 : i32
    %dma_wait3A_42 = arith.constant 0 : i32
    %dma_wait3A_43 = arith.constant 0 : i32
    %dma_wait3A_44 = arith.constant 0 : i32
    %dma_wait3A_45 = tpu.memref_slice %arg8[%dma_wait3A_41, %dma_wait3A_43, %dma_wait3A_44] : memref<8x40x128xf32, #tpu.memory_space<vmem>> -> memref<1x40x128xf32, #tpu.memory_space<vmem>>
    %dma_wait3A_46 = tpu.memref_squeeze %dma_wait3A_45 : memref<1x40x128xf32, #tpu.memory_space<vmem>> -> memref<40x128xf32, #tpu.memory_space<vmem>>
    %dma_wait3A_47 = arith.constant 0 : i32
    %dma_wait3A_48 = tpu.memref_slice %arg7[%dma_wait3A_42, %dma_wait3A_47] : memref<8x40xi32, #tpu.memory_space<vmem>> -> memref<1x40xi32, #tpu.memory_space<vmem>>
    %dma_wait3A_49 = tpu.memref_squeeze %dma_wait3A_48 : memref<1x40xi32, #tpu.memory_space<vmem>> -> memref<40xi32, #tpu.memory_space<vmem>>
    %dma_wait3A_50 = arith.constant 0 : i32
    %dma_wait3A_51 = arith.constant 0 : i32
    %dma_wait3A_52 = tpu.memref_slice %arg9[%dma_wait3A_50, %dma_wait3A_51] : memref<10000x128xf32, #tpu.memory_space<vmem_shared>> -> memref<10000x128xf32, #tpu.memory_space<vmem_shared>>
    tpu.wait_indirect_dma semaphore(%arg12 : memref<!tpu.dma_semaphore, #tpu.memory_space<semaphore_mem>>) src(%dma_wait3A_46 : memref<40x128xf32, #tpu.memory_space<vmem>>) dst(%dma_wait3A_52 : memref<10000x128xf32, #tpu.memory_space<vmem_shared>>)
    %dma_wait3A_53 = arith.constant 4 : i32
    %dma_wait3A_54 = arith.constant 0 : i32
    %dma_wait3A_55 = arith.constant 0 : i32
    %dma_wait3A_56 = arith.constant 0 : i32
    %dma_wait3A_57 = tpu.memref_slice %arg8[%dma_wait3A_53, %dma_wait3A_55, %dma_wait3A_56] : memref<8x40x128xf32, #tpu.memory_space<vmem>> -> memref<1x40x128xf32, #tpu.memory_space<vmem>>
    %dma_wait3A_58 = tpu.memref_squeeze %dma_wait3A_57 : memref<1x40x128xf32, #tpu.memory_space<vmem>> -> memref<40x128xf32, #tpu.memory_space<vmem>>
    %dma_wait3A_59 = arith.constant 0 : i32
    %dma_wait3A_60 = tpu.memref_slice %arg7[%dma_wait3A_54, %dma_wait3A_59] : memref<8x40xi32, #tpu.memory_space<vmem>> -> memref<1x40xi32, #tpu.memory_space<vmem>>
    %dma_wait3A_61 = tpu.memref_squeeze %dma_wait3A_60 : memref<1x40xi32, #tpu.memory_space<vmem>> -> memref<40xi32, #tpu.memory_space<vmem>>
    %dma_wait3A_62 = arith.constant 0 : i32
    %dma_wait3A_63 = arith.constant 0 : i32
    %dma_wait3A_64 = tpu.memref_slice %arg9[%dma_wait3A_62, %dma_wait3A_63] : memref<10000x128xf32, #tpu.memory_space<vmem_shared>> -> memref<10000x128xf32, #tpu.memory_space<vmem_shared>>
    tpu.wait_indirect_dma semaphore(%arg12 : memref<!tpu.dma_semaphore, #tpu.memory_space<semaphore_mem>>) src(%dma_wait3A_58 : memref<40x128xf32, #tpu.memory_space<vmem>>) dst(%dma_wait3A_64 : memref<10000x128xf32, #tpu.memory_space<vmem_shared>>)
    %dma_wait3A_65 = arith.constant 5 : i32
    %dma_wait3A_66 = arith.constant 0 : i32
    %dma_wait3A_67 = arith.constant 0 : i32
    %dma_wait3A_68 = arith.constant 0 : i32
    %dma_wait3A_69 = tpu.memref_slice %arg8[%dma_wait3A_65, %dma_wait3A_67, %dma_wait3A_68] : memref<8x40x128xf32, #tpu.memory_space<vmem>> -> memref<1x40x128xf32, #tpu.memory_space<vmem>>
    %dma_wait3A_70 = tpu.memref_squeeze %dma_wait3A_69 : memref<1x40x128xf32, #tpu.memory_space<vmem>> -> memref<40x128xf32, #tpu.memory_space<vmem>>
    %dma_wait3A_71 = arith.constant 0 : i32
    %dma_wait3A_72 = tpu.memref_slice %arg7[%dma_wait3A_66, %dma_wait3A_71] : memref<8x40xi32, #tpu.memory_space<vmem>> -> memref<1x40xi32, #tpu.memory_space<vmem>>
    %dma_wait3A_73 = tpu.memref_squeeze %dma_wait3A_72 : memref<1x40xi32, #tpu.memory_space<vmem>> -> memref<40xi32, #tpu.memory_space<vmem>>
    %dma_wait3A_74 = arith.constant 0 : i32
    %dma_wait3A_75 = arith.constant 0 : i32
    %dma_wait3A_76 = tpu.memref_slice %arg9[%dma_wait3A_74, %dma_wait3A_75] : memref<10000x128xf32, #tpu.memory_space<vmem_shared>> -> memref<10000x128xf32, #tpu.memory_space<vmem_shared>>
    tpu.wait_indirect_dma semaphore(%arg12 : memref<!tpu.dma_semaphore, #tpu.memory_space<semaphore_mem>>) src(%dma_wait3A_70 : memref<40x128xf32, #tpu.memory_space<vmem>>) dst(%dma_wait3A_76 : memref<10000x128xf32, #tpu.memory_space<vmem_shared>>)
    %dma_wait3A_77 = arith.constant 6 : i32
    %dma_wait3A_78 = arith.constant 0 : i32
    %dma_wait3A_79 = arith.constant 0 : i32
    %dma_wait3A_80 = arith.constant 0 : i32
    %dma_wait3A_81 = tpu.memref_slice %arg8[%dma_wait3A_77, %dma_wait3A_79, %dma_wait3A_80] : memref<8x40x128xf32, #tpu.memory_space<vmem>> -> memref<1x40x128xf32, #tpu.memory_space<vmem>>
    %dma_wait3A_82 = tpu.memref_squeeze %dma_wait3A_81 : memref<1x40x128xf32, #tpu.memory_space<vmem>> -> memref<40x128xf32, #tpu.memory_space<vmem>>
    %dma_wait3A_83 = arith.constant 0 : i32
    %dma_wait3A_84 = tpu.memref_slice %arg7[%dma_wait3A_78, %dma_wait3A_83] : memref<8x40xi32, #tpu.memory_space<vmem>> -> memref<1x40xi32, #tpu.memory_space<vmem>>
    %dma_wait3A_85 = tpu.memref_squeeze %dma_wait3A_84 : memref<1x40xi32, #tpu.memory_space<vmem>> -> memref<40xi32, #tpu.memory_space<vmem>>
    %dma_wait3A_86 = arith.constant 0 : i32
    %dma_wait3A_87 = arith.constant 0 : i32
    %dma_wait3A_88 = tpu.memref_slice %arg9[%dma_wait3A_86, %dma_wait3A_87] : memref<10000x128xf32, #tpu.memory_space<vmem_shared>> -> memref<10000x128xf32, #tpu.memory_space<vmem_shared>>
    tpu.wait_indirect_dma semaphore(%arg12 : memref<!tpu.dma_semaphore, #tpu.memory_space<semaphore_mem>>) src(%dma_wait3A_82 : memref<40x128xf32, #tpu.memory_space<vmem>>) dst(%dma_wait3A_88 : memref<10000x128xf32, #tpu.memory_space<vmem_shared>>)
    %dma_wait3A_89 = arith.constant 7 : i32
    %dma_wait3A_90 = arith.constant 0 : i32
    %dma_wait3A_91 = arith.constant 0 : i32
    %dma_wait3A_92 = arith.constant 0 : i32
    %dma_wait3A_93 = tpu.memref_slice %arg8[%dma_wait3A_89, %dma_wait3A_91, %dma_wait3A_92] : memref<8x40x128xf32, #tpu.memory_space<vmem>> -> memref<1x40x128xf32, #tpu.memory_space<vmem>>
    %dma_wait3A_94 = tpu.memref_squeeze %dma_wait3A_93 : memref<1x40x128xf32, #tpu.memory_space<vmem>> -> memref<40x128xf32, #tpu.memory_space<vmem>>
    %dma_wait3A_95 = arith.constant 0 : i32
    %dma_wait3A_96 = tpu.memref_slice %arg7[%dma_wait3A_90, %dma_wait3A_95] : memref<8x40xi32, #tpu.memory_space<vmem>> -> memref<1x40xi32, #tpu.memory_space<vmem>>
    %dma_wait3A_97 = tpu.memref_squeeze %dma_wait3A_96 : memref<1x40xi32, #tpu.memory_space<vmem>> -> memref<40xi32, #tpu.memory_space<vmem>>
    %dma_wait3A_98 = arith.constant 0 : i32
    %dma_wait3A_99 = arith.constant 0 : i32
    %dma_wait3A_100 = tpu.memref_slice %arg9[%dma_wait3A_98, %dma_wait3A_99] : memref<10000x128xf32, #tpu.memory_space<vmem_shared>> -> memref<10000x128xf32, #tpu.memory_space<vmem_shared>>
    tpu.wait_indirect_dma semaphore(%arg12 : memref<!tpu.dma_semaphore, #tpu.memory_space<semaphore_mem>>) src(%dma_wait3A_94 : memref<40x128xf32, #tpu.memory_space<vmem>>) dst(%dma_wait3A_100 : memref<10000x128xf32, #tpu.memory_space<vmem_shared>>)
    %barrier3A_101 = arith.constant 0 : index
    tpu.barrier barrier_id(%barrier3A_101)
    %mul3A_102 = arith.constant 625 : i32
    %mul3A_103 = arith.muli %arg1, %mul3A_102 : i32
    %mul3A_104 = arith.constant 10000 : i32
    %mul3A_105 = arith.muli %arg0, %mul3A_104 : i32
    %mul3A_106 = arith.constant 625 : i32
    %mul3A_107 = arith.muli %arg1, %mul3A_106 : i32
    %add3A = arith.addi %mul3A_105, %mul3A_107 : i32
    "tpu.region"() ({
      %run_scoped3A = tpu.sem_alloc : memref<!tpu.dma_semaphore, #tpu.memory_space<semaphore_mem>>
      %dma_start3A = arith.constant 0 : i32
      %dma_start3A_108 = tpu.memref_slice %arg6[%add3A, %dma_start3A] : memref<20000x128xf32, #tpu.memory_space<hbm>> -> memref<625x128xf32, #tpu.memory_space<hbm>>
      %dma_start3A_109 = arith.constant 0 : i32
      %dma_start3A_110 = tpu.memref_slice %arg9[%mul3A_103, %dma_start3A_109] : memref<10000x128xf32, #tpu.memory_space<vmem_shared>> -> memref<625x128xf32, #tpu.memory_space<vmem_shared>>
      tpu.enqueue_dma source(%dma_start3A_110 : memref<625x128xf32, #tpu.memory_space<vmem_shared>>) target(%dma_start3A_108 : memref<625x128xf32, #tpu.memory_space<hbm>>) target_semaphore(%run_scoped3A : memref<!tpu.dma_semaphore, #tpu.memory_space<semaphore_mem>>)
      %dma_wait3A_111 = arith.constant 0 : i32
      %dma_wait3A_112 = tpu.memref_slice %arg6[%add3A, %dma_wait3A_111] : memref<20000x128xf32, #tpu.memory_space<hbm>> -> memref<625x128xf32, #tpu.memory_space<hbm>>
      %dma_wait3A_113 = arith.constant 0 : i32
      %dma_wait3A_114 = tpu.memref_slice %arg9[%mul3A_103, %dma_wait3A_113] : memref<10000x128xf32, #tpu.memory_space<vmem_shared>> -> memref<625x128xf32, #tpu.memory_space<vmem_shared>>
      tpu.wait_dma2 semaphore(%run_scoped3A : memref<!tpu.dma_semaphore, #tpu.memory_space<semaphore_mem>>) src(%dma_wait3A_114 : memref<625x128xf32, #tpu.memory_space<vmem_shared>>) dst(%dma_wait3A_112 : memref<625x128xf32, #tpu.memory_space<hbm>>)
      tpu.yield
    }) : () -> ()
    return
  }
}

#map = affine_map<(d0, d1) -> (0, 0)>
#map1 = affine_map<(d0, d1) -> (0, 0, 0)>
module attributes {stable_mosaic.version = 14 : i64} {
  func.func @_gather_body(%arg0: i32, %arg1: i32, %arg2: memref<10000x128xf32, #tpu.memory_space<hbm>>, %arg3: memref<32x50x100xi32, #tpu.memory_space<hbm>>, %arg4: memref<160000x128xf32, #tpu.memory_space<hbm>>, %arg5: memref<10x100xi32, #tpu.memory_space<vmem>>, %arg6: memref<10x100x128xf32, #tpu.memory_space<vmem>>, %arg7: memref<!tpu.dma_semaphore, #tpu.memory_space<semaphore_mem>>, %arg8: memref<!tpu.dma_semaphore, #tpu.memory_space<semaphore_mem>>, %arg9: memref<!tpu.dma_semaphore, #tpu.memory_space<semaphore_mem>>) attributes {dimension_semantics = [#tpu.dimension_semantics<core_parallel>, #tpu.dimension_semantics<subcore_parallel>], iteration_bounds = array<i64: 2, 16>, scalar_prefetch = 0 : i64, scratch_operands = 5 : i64, tpu.core_type = #tpu.core_type<sc_vector_subcore>, window_params = [{transform_indices = #map}, {transform_indices = #map1}, {transform_indices = #map}]} {
    %mul3A = arith.constant 16 : i32
    %mul3A_0 = arith.muli %arg0, %mul3A : i32
    %add3A = arith.addi %mul3A_0, %arg1 : i32
    %scan3A = arith.constant 0 : i32
    %scan3A_1 = arith.constant 0 : i32
    %scan3A_2 = arith.constant 10 : i32
    %scan3A_3 = arith.addi %scan3A_1, %scan3A_2 : i32
    %scan3A_4 = arith.constant 1 : i32
    scf.for %scan3A_155 = %scan3A_1 to %scan3A_3 step %scan3A_4  : i32 {
      %rem3A = arith.constant 2 : i32
      %rem3A_156 = arith.remsi %scan3A_155, %rem3A : i32
      %mul3A_157 = arith.constant 5 : i32
      %mul3A_158 = arith.muli %rem3A_156, %mul3A_157 : i32
      %ge3A = arith.constant 2 : i32
      %ge3A_159 = arith.cmpi sge, %scan3A_155, %ge3A : i32
      %convert_element_type3A = arith.extui %ge3A_159 : i1 to i32
      %cond3A = arith.constant 0 : i32
      %cond3A_160 = arith.cmpi ne, %convert_element_type3A, %cond3A : i32
      scf.if %cond3A_160 {
        %add3A_595 = arith.constant 0 : i32
        %add3A_596 = arith.addi %mul3A_158, %add3A_595 : i32
        %dma_wait3A_597 = arith.constant 0 : i32
        %dma_wait3A_598 = arith.constant 0 : i32
        %dma_wait3A_599 = tpu.memref_slice %arg6[%add3A_596, %dma_wait3A_597, %dma_wait3A_598] : memref<10x100x128xf32, #tpu.memory_space<vmem>> -> memref<1x100x128xf32, #tpu.memory_space<vmem>>
        %dma_wait3A_600 = tpu.memref_squeeze %dma_wait3A_599 : memref<1x100x128xf32, #tpu.memory_space<vmem>> -> memref<100x128xf32, #tpu.memory_space<vmem>>
        %dma_wait3A_601 = arith.constant 0 : i32
        %dma_wait3A_602 = arith.constant 0 : i32
        %dma_wait3A_603 = tpu.memref_slice %arg4[%dma_wait3A_601, %dma_wait3A_602] : memref<160000x128xf32, #tpu.memory_space<hbm>> -> memref<100x128xf32, #tpu.memory_space<hbm>>
        %dma_wait3A_604 = arith.constant 0 : i32
        %dma_wait3A_605 = arith.constant 0 : i32
        %dma_wait3A_606 = tpu.memref_slice %arg4[%dma_wait3A_604, %dma_wait3A_605] : memref<160000x128xf32, #tpu.memory_space<hbm>> -> memref<100x128xf32, #tpu.memory_space<hbm>>
        %dma_wait3A_607 = arith.constant 0 : i32
        %dma_wait3A_608 = arith.constant 0 : i32
        %dma_wait3A_609 = tpu.memref_slice %arg6[%add3A_596, %dma_wait3A_607, %dma_wait3A_608] : memref<10x100x128xf32, #tpu.memory_space<vmem>> -> memref<1x100x128xf32, #tpu.memory_space<vmem>>
        %dma_wait3A_610 = tpu.memref_squeeze %dma_wait3A_609 : memref<1x100x128xf32, #tpu.memory_space<vmem>> -> memref<100x128xf32, #tpu.memory_space<vmem>>
        tpu.wait_dma2 semaphore(%arg9 : memref<!tpu.dma_semaphore, #tpu.memory_space<semaphore_mem>>) src(%dma_wait3A_610 : memref<100x128xf32, #tpu.memory_space<vmem>>) dst(%dma_wait3A_606 : memref<100x128xf32, #tpu.memory_space<hbm>>)
        %add3A_611 = arith.constant 1 : i32
        %add3A_612 = arith.addi %mul3A_158, %add3A_611 : i32
        %dma_wait3A_613 = arith.constant 0 : i32
        %dma_wait3A_614 = arith.constant 0 : i32
        %dma_wait3A_615 = tpu.memref_slice %arg6[%add3A_612, %dma_wait3A_613, %dma_wait3A_614] : memref<10x100x128xf32, #tpu.memory_space<vmem>> -> memref<1x100x128xf32, #tpu.memory_space<vmem>>
        %dma_wait3A_616 = tpu.memref_squeeze %dma_wait3A_615 : memref<1x100x128xf32, #tpu.memory_space<vmem>> -> memref<100x128xf32, #tpu.memory_space<vmem>>
        %dma_wait3A_617 = arith.constant 0 : i32
        %dma_wait3A_618 = arith.constant 0 : i32
        %dma_wait3A_619 = tpu.memref_slice %arg4[%dma_wait3A_617, %dma_wait3A_618] : memref<160000x128xf32, #tpu.memory_space<hbm>> -> memref<100x128xf32, #tpu.memory_space<hbm>>
        %dma_wait3A_620 = arith.constant 0 : i32
        %dma_wait3A_621 = arith.constant 0 : i32
        %dma_wait3A_622 = tpu.memref_slice %arg4[%dma_wait3A_620, %dma_wait3A_621] : memref<160000x128xf32, #tpu.memory_space<hbm>> -> memref<100x128xf32, #tpu.memory_space<hbm>>
        %dma_wait3A_623 = arith.constant 0 : i32
        %dma_wait3A_624 = arith.constant 0 : i32
        %dma_wait3A_625 = tpu.memref_slice %arg6[%add3A_612, %dma_wait3A_623, %dma_wait3A_624] : memref<10x100x128xf32, #tpu.memory_space<vmem>> -> memref<1x100x128xf32, #tpu.memory_space<vmem>>
        %dma_wait3A_626 = tpu.memref_squeeze %dma_wait3A_625 : memref<1x100x128xf32, #tpu.memory_space<vmem>> -> memref<100x128xf32, #tpu.memory_space<vmem>>
        tpu.wait_dma2 semaphore(%arg9 : memref<!tpu.dma_semaphore, #tpu.memory_space<semaphore_mem>>) src(%dma_wait3A_626 : memref<100x128xf32, #tpu.memory_space<vmem>>) dst(%dma_wait3A_622 : memref<100x128xf32, #tpu.memory_space<hbm>>)
        %add3A_627 = arith.constant 2 : i32
        %add3A_628 = arith.addi %mul3A_158, %add3A_627 : i32
        %dma_wait3A_629 = arith.constant 0 : i32
        %dma_wait3A_630 = arith.constant 0 : i32
        %dma_wait3A_631 = tpu.memref_slice %arg6[%add3A_628, %dma_wait3A_629, %dma_wait3A_630] : memref<10x100x128xf32, #tpu.memory_space<vmem>> -> memref<1x100x128xf32, #tpu.memory_space<vmem>>
        %dma_wait3A_632 = tpu.memref_squeeze %dma_wait3A_631 : memref<1x100x128xf32, #tpu.memory_space<vmem>> -> memref<100x128xf32, #tpu.memory_space<vmem>>
        %dma_wait3A_633 = arith.constant 0 : i32
        %dma_wait3A_634 = arith.constant 0 : i32
        %dma_wait3A_635 = tpu.memref_slice %arg4[%dma_wait3A_633, %dma_wait3A_634] : memref<160000x128xf32, #tpu.memory_space<hbm>> -> memref<100x128xf32, #tpu.memory_space<hbm>>
        %dma_wait3A_636 = arith.constant 0 : i32
        %dma_wait3A_637 = arith.constant 0 : i32
        %dma_wait3A_638 = tpu.memref_slice %arg4[%dma_wait3A_636, %dma_wait3A_637] : memref<160000x128xf32, #tpu.memory_space<hbm>> -> memref<100x128xf32, #tpu.memory_space<hbm>>
        %dma_wait3A_639 = arith.constant 0 : i32
        %dma_wait3A_640 = arith.constant 0 : i32
        %dma_wait3A_641 = tpu.memref_slice %arg6[%add3A_628, %dma_wait3A_639, %dma_wait3A_640] : memref<10x100x128xf32, #tpu.memory_space<vmem>> -> memref<1x100x128xf32, #tpu.memory_space<vmem>>
        %dma_wait3A_642 = tpu.memref_squeeze %dma_wait3A_641 : memref<1x100x128xf32, #tpu.memory_space<vmem>> -> memref<100x128xf32, #tpu.memory_space<vmem>>
        tpu.wait_dma2 semaphore(%arg9 : memref<!tpu.dma_semaphore, #tpu.memory_space<semaphore_mem>>) src(%dma_wait3A_642 : memref<100x128xf32, #tpu.memory_space<vmem>>) dst(%dma_wait3A_638 : memref<100x128xf32, #tpu.memory_space<hbm>>)
        %add3A_643 = arith.constant 3 : i32
        %add3A_644 = arith.addi %mul3A_158, %add3A_643 : i32
        %dma_wait3A_645 = arith.constant 0 : i32
        %dma_wait3A_646 = arith.constant 0 : i32
        %dma_wait3A_647 = tpu.memref_slice %arg6[%add3A_644, %dma_wait3A_645, %dma_wait3A_646] : memref<10x100x128xf32, #tpu.memory_space<vmem>> -> memref<1x100x128xf32, #tpu.memory_space<vmem>>
        %dma_wait3A_648 = tpu.memref_squeeze %dma_wait3A_647 : memref<1x100x128xf32, #tpu.memory_space<vmem>> -> memref<100x128xf32, #tpu.memory_space<vmem>>
        %dma_wait3A_649 = arith.constant 0 : i32
        %dma_wait3A_650 = arith.constant 0 : i32
        %dma_wait3A_651 = tpu.memref_slice %arg4[%dma_wait3A_649, %dma_wait3A_650] : memref<160000x128xf32, #tpu.memory_space<hbm>> -> memref<100x128xf32, #tpu.memory_space<hbm>>
        %dma_wait3A_652 = arith.constant 0 : i32
        %dma_wait3A_653 = arith.constant 0 : i32
        %dma_wait3A_654 = tpu.memref_slice %arg4[%dma_wait3A_652, %dma_wait3A_653] : memref<160000x128xf32, #tpu.memory_space<hbm>> -> memref<100x128xf32, #tpu.memory_space<hbm>>
        %dma_wait3A_655 = arith.constant 0 : i32
        %dma_wait3A_656 = arith.constant 0 : i32
        %dma_wait3A_657 = tpu.memref_slice %arg6[%add3A_644, %dma_wait3A_655, %dma_wait3A_656] : memref<10x100x128xf32, #tpu.memory_space<vmem>> -> memref<1x100x128xf32, #tpu.memory_space<vmem>>
        %dma_wait3A_658 = tpu.memref_squeeze %dma_wait3A_657 : memref<1x100x128xf32, #tpu.memory_space<vmem>> -> memref<100x128xf32, #tpu.memory_space<vmem>>
        tpu.wait_dma2 semaphore(%arg9 : memref<!tpu.dma_semaphore, #tpu.memory_space<semaphore_mem>>) src(%dma_wait3A_658 : memref<100x128xf32, #tpu.memory_space<vmem>>) dst(%dma_wait3A_654 : memref<100x128xf32, #tpu.memory_space<hbm>>)
        %add3A_659 = arith.constant 4 : i32
        %add3A_660 = arith.addi %mul3A_158, %add3A_659 : i32
        %dma_wait3A_661 = arith.constant 0 : i32
        %dma_wait3A_662 = arith.constant 0 : i32
        %dma_wait3A_663 = tpu.memref_slice %arg6[%add3A_660, %dma_wait3A_661, %dma_wait3A_662] : memref<10x100x128xf32, #tpu.memory_space<vmem>> -> memref<1x100x128xf32, #tpu.memory_space<vmem>>
        %dma_wait3A_664 = tpu.memref_squeeze %dma_wait3A_663 : memref<1x100x128xf32, #tpu.memory_space<vmem>> -> memref<100x128xf32, #tpu.memory_space<vmem>>
        %dma_wait3A_665 = arith.constant 0 : i32
        %dma_wait3A_666 = arith.constant 0 : i32
        %dma_wait3A_667 = tpu.memref_slice %arg4[%dma_wait3A_665, %dma_wait3A_666] : memref<160000x128xf32, #tpu.memory_space<hbm>> -> memref<100x128xf32, #tpu.memory_space<hbm>>
        %dma_wait3A_668 = arith.constant 0 : i32
        %dma_wait3A_669 = arith.constant 0 : i32
        %dma_wait3A_670 = tpu.memref_slice %arg4[%dma_wait3A_668, %dma_wait3A_669] : memref<160000x128xf32, #tpu.memory_space<hbm>> -> memref<100x128xf32, #tpu.memory_space<hbm>>
        %dma_wait3A_671 = arith.constant 0 : i32
        %dma_wait3A_672 = arith.constant 0 : i32
        %dma_wait3A_673 = tpu.memref_slice %arg6[%add3A_660, %dma_wait3A_671, %dma_wait3A_672] : memref<10x100x128xf32, #tpu.memory_space<vmem>> -> memref<1x100x128xf32, #tpu.memory_space<vmem>>
        %dma_wait3A_674 = tpu.memref_squeeze %dma_wait3A_673 : memref<1x100x128xf32, #tpu.memory_space<vmem>> -> memref<100x128xf32, #tpu.memory_space<vmem>>
        tpu.wait_dma2 semaphore(%arg9 : memref<!tpu.dma_semaphore, #tpu.memory_space<semaphore_mem>>) src(%dma_wait3A_674 : memref<100x128xf32, #tpu.memory_space<vmem>>) dst(%dma_wait3A_670 : memref<100x128xf32, #tpu.memory_space<hbm>>)
      } else {
      }
      %mul3A_161 = arith.constant 5 : i32
      %mul3A_162 = arith.muli %scan3A_155, %mul3A_161 : i32
      %add3A_163 = arith.constant 0 : i32
      %add3A_164 = arith.addi %mul3A_162, %add3A_163 : i32
      %add3A_165 = arith.constant 0 : i32
      %add3A_166 = arith.addi %mul3A_158, %add3A_165 : i32
      %dma_start3A = arith.constant 0 : i32
      %dma_start3A_167 = tpu.memref_slice %arg5[%add3A_166, %dma_start3A] : memref<10x100xi32, #tpu.memory_space<vmem>> -> memref<1x100xi32, #tpu.memory_space<vmem>>
      %dma_start3A_168 = tpu.memref_squeeze %dma_start3A_167 : memref<1x100xi32, #tpu.memory_space<vmem>> -> memref<100xi32, #tpu.memory_space<vmem>>
      %dma_start3A_169 = arith.constant 0 : i32
      %dma_start3A_170 = tpu.memref_slice %arg3[%add3A, %add3A_164, %dma_start3A_169] : memref<32x50x100xi32, #tpu.memory_space<hbm>> -> memref<1x1x100xi32, #tpu.memory_space<hbm>>
      %dma_start3A_171 = tpu.memref_squeeze %dma_start3A_170 : memref<1x1x100xi32, #tpu.memory_space<hbm>> -> memref<100xi32, #tpu.memory_space<hbm>>
      %dma_start3A_172 = arith.constant 0 : i32
      %dma_start3A_173 = tpu.memref_slice %arg5[%add3A_166, %dma_start3A_172] : memref<10x100xi32, #tpu.memory_space<vmem>> -> memref<1x100xi32, #tpu.memory_space<vmem>>
      %dma_start3A_174 = tpu.memref_squeeze %dma_start3A_173 : memref<1x100xi32, #tpu.memory_space<vmem>> -> memref<100xi32, #tpu.memory_space<vmem>>
      %dma_start3A_175 = arith.constant 0 : i32
      %dma_start3A_176 = tpu.memref_slice %arg3[%add3A, %add3A_164, %dma_start3A_175] : memref<32x50x100xi32, #tpu.memory_space<hbm>> -> memref<1x1x100xi32, #tpu.memory_space<hbm>>
      %dma_start3A_177 = tpu.memref_squeeze %dma_start3A_176 : memref<1x1x100xi32, #tpu.memory_space<hbm>> -> memref<100xi32, #tpu.memory_space<hbm>>
      tpu.enqueue_dma source(%dma_start3A_177 : memref<100xi32, #tpu.memory_space<hbm>>) target(%dma_start3A_174 : memref<100xi32, #tpu.memory_space<vmem>>) target_semaphore(%arg7 : memref<!tpu.dma_semaphore, #tpu.memory_space<semaphore_mem>>)
      %mul3A_178 = arith.constant 5 : i32
      %mul3A_179 = arith.muli %scan3A_155, %mul3A_178 : i32
      %add3A_180 = arith.constant 1 : i32
      %add3A_181 = arith.addi %mul3A_179, %add3A_180 : i32
      %add3A_182 = arith.constant 1 : i32
      %add3A_183 = arith.addi %mul3A_158, %add3A_182 : i32
      %dma_start3A_184 = arith.constant 0 : i32
      %dma_start3A_185 = tpu.memref_slice %arg5[%add3A_183, %dma_start3A_184] : memref<10x100xi32, #tpu.memory_space<vmem>> -> memref<1x100xi32, #tpu.memory_space<vmem>>
      %dma_start3A_186 = tpu.memref_squeeze %dma_start3A_185 : memref<1x100xi32, #tpu.memory_space<vmem>> -> memref<100xi32, #tpu.memory_space<vmem>>
      %dma_start3A_187 = arith.constant 0 : i32
      %dma_start3A_188 = tpu.memref_slice %arg3[%add3A, %add3A_181, %dma_start3A_187] : memref<32x50x100xi32, #tpu.memory_space<hbm>> -> memref<1x1x100xi32, #tpu.memory_space<hbm>>
      %dma_start3A_189 = tpu.memref_squeeze %dma_start3A_188 : memref<1x1x100xi32, #tpu.memory_space<hbm>> -> memref<100xi32, #tpu.memory_space<hbm>>
      %dma_start3A_190 = arith.constant 0 : i32
      %dma_start3A_191 = tpu.memref_slice %arg5[%add3A_183, %dma_start3A_190] : memref<10x100xi32, #tpu.memory_space<vmem>> -> memref<1x100xi32, #tpu.memory_space<vmem>>
      %dma_start3A_192 = tpu.memref_squeeze %dma_start3A_191 : memref<1x100xi32, #tpu.memory_space<vmem>> -> memref<100xi32, #tpu.memory_space<vmem>>
      %dma_start3A_193 = arith.constant 0 : i32
      %dma_start3A_194 = tpu.memref_slice %arg3[%add3A, %add3A_181, %dma_start3A_193] : memref<32x50x100xi32, #tpu.memory_space<hbm>> -> memref<1x1x100xi32, #tpu.memory_space<hbm>>
      %dma_start3A_195 = tpu.memref_squeeze %dma_start3A_194 : memref<1x1x100xi32, #tpu.memory_space<hbm>> -> memref<100xi32, #tpu.memory_space<hbm>>
      tpu.enqueue_dma source(%dma_start3A_195 : memref<100xi32, #tpu.memory_space<hbm>>) target(%dma_start3A_192 : memref<100xi32, #tpu.memory_space<vmem>>) target_semaphore(%arg7 : memref<!tpu.dma_semaphore, #tpu.memory_space<semaphore_mem>>)
      %mul3A_196 = arith.constant 5 : i32
      %mul3A_197 = arith.muli %scan3A_155, %mul3A_196 : i32
      %add3A_198 = arith.constant 2 : i32
      %add3A_199 = arith.addi %mul3A_197, %add3A_198 : i32
      %add3A_200 = arith.constant 2 : i32
      %add3A_201 = arith.addi %mul3A_158, %add3A_200 : i32
      %dma_start3A_202 = arith.constant 0 : i32
      %dma_start3A_203 = tpu.memref_slice %arg5[%add3A_201, %dma_start3A_202] : memref<10x100xi32, #tpu.memory_space<vmem>> -> memref<1x100xi32, #tpu.memory_space<vmem>>
      %dma_start3A_204 = tpu.memref_squeeze %dma_start3A_203 : memref<1x100xi32, #tpu.memory_space<vmem>> -> memref<100xi32, #tpu.memory_space<vmem>>
      %dma_start3A_205 = arith.constant 0 : i32
      %dma_start3A_206 = tpu.memref_slice %arg3[%add3A, %add3A_199, %dma_start3A_205] : memref<32x50x100xi32, #tpu.memory_space<hbm>> -> memref<1x1x100xi32, #tpu.memory_space<hbm>>
      %dma_start3A_207 = tpu.memref_squeeze %dma_start3A_206 : memref<1x1x100xi32, #tpu.memory_space<hbm>> -> memref<100xi32, #tpu.memory_space<hbm>>
      %dma_start3A_208 = arith.constant 0 : i32
      %dma_start3A_209 = tpu.memref_slice %arg5[%add3A_201, %dma_start3A_208] : memref<10x100xi32, #tpu.memory_space<vmem>> -> memref<1x100xi32, #tpu.memory_space<vmem>>
      %dma_start3A_210 = tpu.memref_squeeze %dma_start3A_209 : memref<1x100xi32, #tpu.memory_space<vmem>> -> memref<100xi32, #tpu.memory_space<vmem>>
      %dma_start3A_211 = arith.constant 0 : i32
      %dma_start3A_212 = tpu.memref_slice %arg3[%add3A, %add3A_199, %dma_start3A_211] : memref<32x50x100xi32, #tpu.memory_space<hbm>> -> memref<1x1x100xi32, #tpu.memory_space<hbm>>
      %dma_start3A_213 = tpu.memref_squeeze %dma_start3A_212 : memref<1x1x100xi32, #tpu.memory_space<hbm>> -> memref<100xi32, #tpu.memory_space<hbm>>
      tpu.enqueue_dma source(%dma_start3A_213 : memref<100xi32, #tpu.memory_space<hbm>>) target(%dma_start3A_210 : memref<100xi32, #tpu.memory_space<vmem>>) target_semaphore(%arg7 : memref<!tpu.dma_semaphore, #tpu.memory_space<semaphore_mem>>)
      %mul3A_214 = arith.constant 5 : i32
      %mul3A_215 = arith.muli %scan3A_155, %mul3A_214 : i32
      %add3A_216 = arith.constant 3 : i32
      %add3A_217 = arith.addi %mul3A_215, %add3A_216 : i32
      %add3A_218 = arith.constant 3 : i32
      %add3A_219 = arith.addi %mul3A_158, %add3A_218 : i32
      %dma_start3A_220 = arith.constant 0 : i32
      %dma_start3A_221 = tpu.memref_slice %arg5[%add3A_219, %dma_start3A_220] : memref<10x100xi32, #tpu.memory_space<vmem>> -> memref<1x100xi32, #tpu.memory_space<vmem>>
      %dma_start3A_222 = tpu.memref_squeeze %dma_start3A_221 : memref<1x100xi32, #tpu.memory_space<vmem>> -> memref<100xi32, #tpu.memory_space<vmem>>
      %dma_start3A_223 = arith.constant 0 : i32
      %dma_start3A_224 = tpu.memref_slice %arg3[%add3A, %add3A_217, %dma_start3A_223] : memref<32x50x100xi32, #tpu.memory_space<hbm>> -> memref<1x1x100xi32, #tpu.memory_space<hbm>>
      %dma_start3A_225 = tpu.memref_squeeze %dma_start3A_224 : memref<1x1x100xi32, #tpu.memory_space<hbm>> -> memref<100xi32, #tpu.memory_space<hbm>>
      %dma_start3A_226 = arith.constant 0 : i32
      %dma_start3A_227 = tpu.memref_slice %arg5[%add3A_219, %dma_start3A_226] : memref<10x100xi32, #tpu.memory_space<vmem>> -> memref<1x100xi32, #tpu.memory_space<vmem>>
      %dma_start3A_228 = tpu.memref_squeeze %dma_start3A_227 : memref<1x100xi32, #tpu.memory_space<vmem>> -> memref<100xi32, #tpu.memory_space<vmem>>
      %dma_start3A_229 = arith.constant 0 : i32
      %dma_start3A_230 = tpu.memref_slice %arg3[%add3A, %add3A_217, %dma_start3A_229] : memref<32x50x100xi32, #tpu.memory_space<hbm>> -> memref<1x1x100xi32, #tpu.memory_space<hbm>>
      %dma_start3A_231 = tpu.memref_squeeze %dma_start3A_230 : memref<1x1x100xi32, #tpu.memory_space<hbm>> -> memref<100xi32, #tpu.memory_space<hbm>>
      tpu.enqueue_dma source(%dma_start3A_231 : memref<100xi32, #tpu.memory_space<hbm>>) target(%dma_start3A_228 : memref<100xi32, #tpu.memory_space<vmem>>) target_semaphore(%arg7 : memref<!tpu.dma_semaphore, #tpu.memory_space<semaphore_mem>>)
      %mul3A_232 = arith.constant 5 : i32
      %mul3A_233 = arith.muli %scan3A_155, %mul3A_232 : i32
      %add3A_234 = arith.constant 4 : i32
      %add3A_235 = arith.addi %mul3A_233, %add3A_234 : i32
      %add3A_236 = arith.constant 4 : i32
      %add3A_237 = arith.addi %mul3A_158, %add3A_236 : i32
      %dma_start3A_238 = arith.constant 0 : i32
      %dma_start3A_239 = tpu.memref_slice %arg5[%add3A_237, %dma_start3A_238] : memref<10x100xi32, #tpu.memory_space<vmem>> -> memref<1x100xi32, #tpu.memory_space<vmem>>
      %dma_start3A_240 = tpu.memref_squeeze %dma_start3A_239 : memref<1x100xi32, #tpu.memory_space<vmem>> -> memref<100xi32, #tpu.memory_space<vmem>>
      %dma_start3A_241 = arith.constant 0 : i32
      %dma_start3A_242 = tpu.memref_slice %arg3[%add3A, %add3A_235, %dma_start3A_241] : memref<32x50x100xi32, #tpu.memory_space<hbm>> -> memref<1x1x100xi32, #tpu.memory_space<hbm>>
      %dma_start3A_243 = tpu.memref_squeeze %dma_start3A_242 : memref<1x1x100xi32, #tpu.memory_space<hbm>> -> memref<100xi32, #tpu.memory_space<hbm>>
      %dma_start3A_244 = arith.constant 0 : i32
      %dma_start3A_245 = tpu.memref_slice %arg5[%add3A_237, %dma_start3A_244] : memref<10x100xi32, #tpu.memory_space<vmem>> -> memref<1x100xi32, #tpu.memory_space<vmem>>
      %dma_start3A_246 = tpu.memref_squeeze %dma_start3A_245 : memref<1x100xi32, #tpu.memory_space<vmem>> -> memref<100xi32, #tpu.memory_space<vmem>>
      %dma_start3A_247 = arith.constant 0 : i32
      %dma_start3A_248 = tpu.memref_slice %arg3[%add3A, %add3A_235, %dma_start3A_247] : memref<32x50x100xi32, #tpu.memory_space<hbm>> -> memref<1x1x100xi32, #tpu.memory_space<hbm>>
      %dma_start3A_249 = tpu.memref_squeeze %dma_start3A_248 : memref<1x1x100xi32, #tpu.memory_space<hbm>> -> memref<100xi32, #tpu.memory_space<hbm>>
      tpu.enqueue_dma source(%dma_start3A_249 : memref<100xi32, #tpu.memory_space<hbm>>) target(%dma_start3A_246 : memref<100xi32, #tpu.memory_space<vmem>>) target_semaphore(%arg7 : memref<!tpu.dma_semaphore, #tpu.memory_space<semaphore_mem>>)
      %mul3A_250 = arith.constant 5 : i32
      %mul3A_251 = arith.muli %scan3A_155, %mul3A_250 : i32
      %add3A_252 = arith.constant 0 : i32
      %add3A_253 = arith.addi %mul3A_251, %add3A_252 : i32
      %add3A_254 = arith.constant 0 : i32
      %add3A_255 = arith.addi %mul3A_158, %add3A_254 : i32
      %dma_wait3A_256 = arith.constant 0 : i32
      %dma_wait3A_257 = tpu.memref_slice %arg5[%add3A_255, %dma_wait3A_256] : memref<10x100xi32, #tpu.memory_space<vmem>> -> memref<1x100xi32, #tpu.memory_space<vmem>>
      %dma_wait3A_258 = tpu.memref_squeeze %dma_wait3A_257 : memref<1x100xi32, #tpu.memory_space<vmem>> -> memref<100xi32, #tpu.memory_space<vmem>>
      %dma_wait3A_259 = arith.constant 0 : i32
      %dma_wait3A_260 = tpu.memref_slice %arg3[%add3A, %add3A_253, %dma_wait3A_259] : memref<32x50x100xi32, #tpu.memory_space<hbm>> -> memref<1x1x100xi32, #tpu.memory_space<hbm>>
      %dma_wait3A_261 = tpu.memref_squeeze %dma_wait3A_260 : memref<1x1x100xi32, #tpu.memory_space<hbm>> -> memref<100xi32, #tpu.memory_space<hbm>>
      %dma_wait3A_262 = arith.constant 0 : i32
      %dma_wait3A_263 = tpu.memref_slice %arg5[%add3A_255, %dma_wait3A_262] : memref<10x100xi32, #tpu.memory_space<vmem>> -> memref<1x100xi32, #tpu.memory_space<vmem>>
      %dma_wait3A_264 = tpu.memref_squeeze %dma_wait3A_263 : memref<1x100xi32, #tpu.memory_space<vmem>> -> memref<100xi32, #tpu.memory_space<vmem>>
      %dma_wait3A_265 = arith.constant 0 : i32
      %dma_wait3A_266 = tpu.memref_slice %arg3[%add3A, %add3A_253, %dma_wait3A_265] : memref<32x50x100xi32, #tpu.memory_space<hbm>> -> memref<1x1x100xi32, #tpu.memory_space<hbm>>
      %dma_wait3A_267 = tpu.memref_squeeze %dma_wait3A_266 : memref<1x1x100xi32, #tpu.memory_space<hbm>> -> memref<100xi32, #tpu.memory_space<hbm>>
      tpu.wait_dma2 semaphore(%arg7 : memref<!tpu.dma_semaphore, #tpu.memory_space<semaphore_mem>>) src(%dma_wait3A_267 : memref<100xi32, #tpu.memory_space<hbm>>) dst(%dma_wait3A_264 : memref<100xi32, #tpu.memory_space<vmem>>)
      %add3A_268 = arith.constant 0 : i32
      %add3A_269 = arith.addi %mul3A_158, %add3A_268 : i32
      %add3A_270 = arith.constant 0 : i32
      %add3A_271 = arith.addi %mul3A_158, %add3A_270 : i32
      %dma_start3A_272 = arith.constant 0 : i32
      %dma_start3A_273 = arith.constant 0 : i32
      %dma_start3A_274 = tpu.memref_slice %arg6[%add3A_271, %dma_start3A_272, %dma_start3A_273] : memref<10x100x128xf32, #tpu.memory_space<vmem>> -> memref<1x100x128xf32, #tpu.memory_space<vmem>>
      %dma_start3A_275 = tpu.memref_squeeze %dma_start3A_274 : memref<1x100x128xf32, #tpu.memory_space<vmem>> -> memref<100x128xf32, #tpu.memory_space<vmem>>
      %dma_start3A_276 = arith.constant 0 : i32
      %dma_start3A_277 = tpu.memref_slice %arg5[%add3A_269, %dma_start3A_276] : memref<10x100xi32, #tpu.memory_space<vmem>> -> memref<1x100xi32, #tpu.memory_space<vmem>>
      %dma_start3A_278 = tpu.memref_squeeze %dma_start3A_277 : memref<1x100xi32, #tpu.memory_space<vmem>> -> memref<100xi32, #tpu.memory_space<vmem>>
      %dma_start3A_279 = arith.constant 0 : i32
      %dma_start3A_280 = arith.constant 0 : i32
      %dma_start3A_281 = tpu.memref_slice %arg2[%dma_start3A_279, %dma_start3A_280] : memref<10000x128xf32, #tpu.memory_space<hbm>> -> memref<10000x128xf32, #tpu.memory_space<hbm>>
      tpu.enqueue_indirect_dma source(%dma_start3A_281 : memref<10000x128xf32, #tpu.memory_space<hbm>>) target(%dma_start3A_275 : memref<100x128xf32, #tpu.memory_space<vmem>>) offsets(%dma_start3A_278 : memref<100xi32, #tpu.memory_space<vmem>>) semaphore(%arg8 : memref<!tpu.dma_semaphore, #tpu.memory_space<semaphore_mem>>)
      %mul3A_282 = arith.constant 5 : i32
      %mul3A_283 = arith.muli %scan3A_155, %mul3A_282 : i32
      %add3A_284 = arith.constant 1 : i32
      %add3A_285 = arith.addi %mul3A_283, %add3A_284 : i32
      %add3A_286 = arith.constant 1 : i32
      %add3A_287 = arith.addi %mul3A_158, %add3A_286 : i32
      %dma_wait3A_288 = arith.constant 0 : i32
      %dma_wait3A_289 = tpu.memref_slice %arg5[%add3A_287, %dma_wait3A_288] : memref<10x100xi32, #tpu.memory_space<vmem>> -> memref<1x100xi32, #tpu.memory_space<vmem>>
      %dma_wait3A_290 = tpu.memref_squeeze %dma_wait3A_289 : memref<1x100xi32, #tpu.memory_space<vmem>> -> memref<100xi32, #tpu.memory_space<vmem>>
      %dma_wait3A_291 = arith.constant 0 : i32
      %dma_wait3A_292 = tpu.memref_slice %arg3[%add3A, %add3A_285, %dma_wait3A_291] : memref<32x50x100xi32, #tpu.memory_space<hbm>> -> memref<1x1x100xi32, #tpu.memory_space<hbm>>
      %dma_wait3A_293 = tpu.memref_squeeze %dma_wait3A_292 : memref<1x1x100xi32, #tpu.memory_space<hbm>> -> memref<100xi32, #tpu.memory_space<hbm>>
      %dma_wait3A_294 = arith.constant 0 : i32
      %dma_wait3A_295 = tpu.memref_slice %arg5[%add3A_287, %dma_wait3A_294] : memref<10x100xi32, #tpu.memory_space<vmem>> -> memref<1x100xi32, #tpu.memory_space<vmem>>
      %dma_wait3A_296 = tpu.memref_squeeze %dma_wait3A_295 : memref<1x100xi32, #tpu.memory_space<vmem>> -> memref<100xi32, #tpu.memory_space<vmem>>
      %dma_wait3A_297 = arith.constant 0 : i32
      %dma_wait3A_298 = tpu.memref_slice %arg3[%add3A, %add3A_285, %dma_wait3A_297] : memref<32x50x100xi32, #tpu.memory_space<hbm>> -> memref<1x1x100xi32, #tpu.memory_space<hbm>>
      %dma_wait3A_299 = tpu.memref_squeeze %dma_wait3A_298 : memref<1x1x100xi32, #tpu.memory_space<hbm>> -> memref<100xi32, #tpu.memory_space<hbm>>
      tpu.wait_dma2 semaphore(%arg7 : memref<!tpu.dma_semaphore, #tpu.memory_space<semaphore_mem>>) src(%dma_wait3A_299 : memref<100xi32, #tpu.memory_space<hbm>>) dst(%dma_wait3A_296 : memref<100xi32, #tpu.memory_space<vmem>>)
      %add3A_300 = arith.constant 1 : i32
      %add3A_301 = arith.addi %mul3A_158, %add3A_300 : i32
      %add3A_302 = arith.constant 1 : i32
      %add3A_303 = arith.addi %mul3A_158, %add3A_302 : i32
      %dma_start3A_304 = arith.constant 0 : i32
      %dma_start3A_305 = arith.constant 0 : i32
      %dma_start3A_306 = tpu.memref_slice %arg6[%add3A_303, %dma_start3A_304, %dma_start3A_305] : memref<10x100x128xf32, #tpu.memory_space<vmem>> -> memref<1x100x128xf32, #tpu.memory_space<vmem>>
      %dma_start3A_307 = tpu.memref_squeeze %dma_start3A_306 : memref<1x100x128xf32, #tpu.memory_space<vmem>> -> memref<100x128xf32, #tpu.memory_space<vmem>>
      %dma_start3A_308 = arith.constant 0 : i32
      %dma_start3A_309 = tpu.memref_slice %arg5[%add3A_301, %dma_start3A_308] : memref<10x100xi32, #tpu.memory_space<vmem>> -> memref<1x100xi32, #tpu.memory_space<vmem>>
      %dma_start3A_310 = tpu.memref_squeeze %dma_start3A_309 : memref<1x100xi32, #tpu.memory_space<vmem>> -> memref<100xi32, #tpu.memory_space<vmem>>
      %dma_start3A_311 = arith.constant 0 : i32
      %dma_start3A_312 = arith.constant 0 : i32
      %dma_start3A_313 = tpu.memref_slice %arg2[%dma_start3A_311, %dma_start3A_312] : memref<10000x128xf32, #tpu.memory_space<hbm>> -> memref<10000x128xf32, #tpu.memory_space<hbm>>
      tpu.enqueue_indirect_dma source(%dma_start3A_313 : memref<10000x128xf32, #tpu.memory_space<hbm>>) target(%dma_start3A_307 : memref<100x128xf32, #tpu.memory_space<vmem>>) offsets(%dma_start3A_310 : memref<100xi32, #tpu.memory_space<vmem>>) semaphore(%arg8 : memref<!tpu.dma_semaphore, #tpu.memory_space<semaphore_mem>>)
      %mul3A_314 = arith.constant 5 : i32
      %mul3A_315 = arith.muli %scan3A_155, %mul3A_314 : i32
      %add3A_316 = arith.constant 2 : i32
      %add3A_317 = arith.addi %mul3A_315, %add3A_316 : i32
      %add3A_318 = arith.constant 2 : i32
      %add3A_319 = arith.addi %mul3A_158, %add3A_318 : i32
      %dma_wait3A_320 = arith.constant 0 : i32
      %dma_wait3A_321 = tpu.memref_slice %arg5[%add3A_319, %dma_wait3A_320] : memref<10x100xi32, #tpu.memory_space<vmem>> -> memref<1x100xi32, #tpu.memory_space<vmem>>
      %dma_wait3A_322 = tpu.memref_squeeze %dma_wait3A_321 : memref<1x100xi32, #tpu.memory_space<vmem>> -> memref<100xi32, #tpu.memory_space<vmem>>
      %dma_wait3A_323 = arith.constant 0 : i32
      %dma_wait3A_324 = tpu.memref_slice %arg3[%add3A, %add3A_317, %dma_wait3A_323] : memref<32x50x100xi32, #tpu.memory_space<hbm>> -> memref<1x1x100xi32, #tpu.memory_space<hbm>>
      %dma_wait3A_325 = tpu.memref_squeeze %dma_wait3A_324 : memref<1x1x100xi32, #tpu.memory_space<hbm>> -> memref<100xi32, #tpu.memory_space<hbm>>
      %dma_wait3A_326 = arith.constant 0 : i32
      %dma_wait3A_327 = tpu.memref_slice %arg5[%add3A_319, %dma_wait3A_326] : memref<10x100xi32, #tpu.memory_space<vmem>> -> memref<1x100xi32, #tpu.memory_space<vmem>>
      %dma_wait3A_328 = tpu.memref_squeeze %dma_wait3A_327 : memref<1x100xi32, #tpu.memory_space<vmem>> -> memref<100xi32, #tpu.memory_space<vmem>>
      %dma_wait3A_329 = arith.constant 0 : i32
      %dma_wait3A_330 = tpu.memref_slice %arg3[%add3A, %add3A_317, %dma_wait3A_329] : memref<32x50x100xi32, #tpu.memory_space<hbm>> -> memref<1x1x100xi32, #tpu.memory_space<hbm>>
      %dma_wait3A_331 = tpu.memref_squeeze %dma_wait3A_330 : memref<1x1x100xi32, #tpu.memory_space<hbm>> -> memref<100xi32, #tpu.memory_space<hbm>>
      tpu.wait_dma2 semaphore(%arg7 : memref<!tpu.dma_semaphore, #tpu.memory_space<semaphore_mem>>) src(%dma_wait3A_331 : memref<100xi32, #tpu.memory_space<hbm>>) dst(%dma_wait3A_328 : memref<100xi32, #tpu.memory_space<vmem>>)
      %add3A_332 = arith.constant 2 : i32
      %add3A_333 = arith.addi %mul3A_158, %add3A_332 : i32
      %add3A_334 = arith.constant 2 : i32
      %add3A_335 = arith.addi %mul3A_158, %add3A_334 : i32
      %dma_start3A_336 = arith.constant 0 : i32
      %dma_start3A_337 = arith.constant 0 : i32
      %dma_start3A_338 = tpu.memref_slice %arg6[%add3A_335, %dma_start3A_336, %dma_start3A_337] : memref<10x100x128xf32, #tpu.memory_space<vmem>> -> memref<1x100x128xf32, #tpu.memory_space<vmem>>
      %dma_start3A_339 = tpu.memref_squeeze %dma_start3A_338 : memref<1x100x128xf32, #tpu.memory_space<vmem>> -> memref<100x128xf32, #tpu.memory_space<vmem>>
      %dma_start3A_340 = arith.constant 0 : i32
      %dma_start3A_341 = tpu.memref_slice %arg5[%add3A_333, %dma_start3A_340] : memref<10x100xi32, #tpu.memory_space<vmem>> -> memref<1x100xi32, #tpu.memory_space<vmem>>
      %dma_start3A_342 = tpu.memref_squeeze %dma_start3A_341 : memref<1x100xi32, #tpu.memory_space<vmem>> -> memref<100xi32, #tpu.memory_space<vmem>>
      %dma_start3A_343 = arith.constant 0 : i32
      %dma_start3A_344 = arith.constant 0 : i32
      %dma_start3A_345 = tpu.memref_slice %arg2[%dma_start3A_343, %dma_start3A_344] : memref<10000x128xf32, #tpu.memory_space<hbm>> -> memref<10000x128xf32, #tpu.memory_space<hbm>>
      tpu.enqueue_indirect_dma source(%dma_start3A_345 : memref<10000x128xf32, #tpu.memory_space<hbm>>) target(%dma_start3A_339 : memref<100x128xf32, #tpu.memory_space<vmem>>) offsets(%dma_start3A_342 : memref<100xi32, #tpu.memory_space<vmem>>) semaphore(%arg8 : memref<!tpu.dma_semaphore, #tpu.memory_space<semaphore_mem>>)
      %mul3A_346 = arith.constant 5 : i32
      %mul3A_347 = arith.muli %scan3A_155, %mul3A_346 : i32
      %add3A_348 = arith.constant 3 : i32
      %add3A_349 = arith.addi %mul3A_347, %add3A_348 : i32
      %add3A_350 = arith.constant 3 : i32
      %add3A_351 = arith.addi %mul3A_158, %add3A_350 : i32
      %dma_wait3A_352 = arith.constant 0 : i32
      %dma_wait3A_353 = tpu.memref_slice %arg5[%add3A_351, %dma_wait3A_352] : memref<10x100xi32, #tpu.memory_space<vmem>> -> memref<1x100xi32, #tpu.memory_space<vmem>>
      %dma_wait3A_354 = tpu.memref_squeeze %dma_wait3A_353 : memref<1x100xi32, #tpu.memory_space<vmem>> -> memref<100xi32, #tpu.memory_space<vmem>>
      %dma_wait3A_355 = arith.constant 0 : i32
      %dma_wait3A_356 = tpu.memref_slice %arg3[%add3A, %add3A_349, %dma_wait3A_355] : memref<32x50x100xi32, #tpu.memory_space<hbm>> -> memref<1x1x100xi32, #tpu.memory_space<hbm>>
      %dma_wait3A_357 = tpu.memref_squeeze %dma_wait3A_356 : memref<1x1x100xi32, #tpu.memory_space<hbm>> -> memref<100xi32, #tpu.memory_space<hbm>>
      %dma_wait3A_358 = arith.constant 0 : i32
      %dma_wait3A_359 = tpu.memref_slice %arg5[%add3A_351, %dma_wait3A_358] : memref<10x100xi32, #tpu.memory_space<vmem>> -> memref<1x100xi32, #tpu.memory_space<vmem>>
      %dma_wait3A_360 = tpu.memref_squeeze %dma_wait3A_359 : memref<1x100xi32, #tpu.memory_space<vmem>> -> memref<100xi32, #tpu.memory_space<vmem>>
      %dma_wait3A_361 = arith.constant 0 : i32
      %dma_wait3A_362 = tpu.memref_slice %arg3[%add3A, %add3A_349, %dma_wait3A_361] : memref<32x50x100xi32, #tpu.memory_space<hbm>> -> memref<1x1x100xi32, #tpu.memory_space<hbm>>
      %dma_wait3A_363 = tpu.memref_squeeze %dma_wait3A_362 : memref<1x1x100xi32, #tpu.memory_space<hbm>> -> memref<100xi32, #tpu.memory_space<hbm>>
      tpu.wait_dma2 semaphore(%arg7 : memref<!tpu.dma_semaphore, #tpu.memory_space<semaphore_mem>>) src(%dma_wait3A_363 : memref<100xi32, #tpu.memory_space<hbm>>) dst(%dma_wait3A_360 : memref<100xi32, #tpu.memory_space<vmem>>)
      %add3A_364 = arith.constant 3 : i32
      %add3A_365 = arith.addi %mul3A_158, %add3A_364 : i32
      %add3A_366 = arith.constant 3 : i32
      %add3A_367 = arith.addi %mul3A_158, %add3A_366 : i32
      %dma_start3A_368 = arith.constant 0 : i32
      %dma_start3A_369 = arith.constant 0 : i32
      %dma_start3A_370 = tpu.memref_slice %arg6[%add3A_367, %dma_start3A_368, %dma_start3A_369] : memref<10x100x128xf32, #tpu.memory_space<vmem>> -> memref<1x100x128xf32, #tpu.memory_space<vmem>>
      %dma_start3A_371 = tpu.memref_squeeze %dma_start3A_370 : memref<1x100x128xf32, #tpu.memory_space<vmem>> -> memref<100x128xf32, #tpu.memory_space<vmem>>
      %dma_start3A_372 = arith.constant 0 : i32
      %dma_start3A_373 = tpu.memref_slice %arg5[%add3A_365, %dma_start3A_372] : memref<10x100xi32, #tpu.memory_space<vmem>> -> memref<1x100xi32, #tpu.memory_space<vmem>>
      %dma_start3A_374 = tpu.memref_squeeze %dma_start3A_373 : memref<1x100xi32, #tpu.memory_space<vmem>> -> memref<100xi32, #tpu.memory_space<vmem>>
      %dma_start3A_375 = arith.constant 0 : i32
      %dma_start3A_376 = arith.constant 0 : i32
      %dma_start3A_377 = tpu.memref_slice %arg2[%dma_start3A_375, %dma_start3A_376] : memref<10000x128xf32, #tpu.memory_space<hbm>> -> memref<10000x128xf32, #tpu.memory_space<hbm>>
      tpu.enqueue_indirect_dma source(%dma_start3A_377 : memref<10000x128xf32, #tpu.memory_space<hbm>>) target(%dma_start3A_371 : memref<100x128xf32, #tpu.memory_space<vmem>>) offsets(%dma_start3A_374 : memref<100xi32, #tpu.memory_space<vmem>>) semaphore(%arg8 : memref<!tpu.dma_semaphore, #tpu.memory_space<semaphore_mem>>)
      %mul3A_378 = arith.constant 5 : i32
      %mul3A_379 = arith.muli %scan3A_155, %mul3A_378 : i32
      %add3A_380 = arith.constant 4 : i32
      %add3A_381 = arith.addi %mul3A_379, %add3A_380 : i32
      %add3A_382 = arith.constant 4 : i32
      %add3A_383 = arith.addi %mul3A_158, %add3A_382 : i32
      %dma_wait3A_384 = arith.constant 0 : i32
      %dma_wait3A_385 = tpu.memref_slice %arg5[%add3A_383, %dma_wait3A_384] : memref<10x100xi32, #tpu.memory_space<vmem>> -> memref<1x100xi32, #tpu.memory_space<vmem>>
      %dma_wait3A_386 = tpu.memref_squeeze %dma_wait3A_385 : memref<1x100xi32, #tpu.memory_space<vmem>> -> memref<100xi32, #tpu.memory_space<vmem>>
      %dma_wait3A_387 = arith.constant 0 : i32
      %dma_wait3A_388 = tpu.memref_slice %arg3[%add3A, %add3A_381, %dma_wait3A_387] : memref<32x50x100xi32, #tpu.memory_space<hbm>> -> memref<1x1x100xi32, #tpu.memory_space<hbm>>
      %dma_wait3A_389 = tpu.memref_squeeze %dma_wait3A_388 : memref<1x1x100xi32, #tpu.memory_space<hbm>> -> memref<100xi32, #tpu.memory_space<hbm>>
      %dma_wait3A_390 = arith.constant 0 : i32
      %dma_wait3A_391 = tpu.memref_slice %arg5[%add3A_383, %dma_wait3A_390] : memref<10x100xi32, #tpu.memory_space<vmem>> -> memref<1x100xi32, #tpu.memory_space<vmem>>
      %dma_wait3A_392 = tpu.memref_squeeze %dma_wait3A_391 : memref<1x100xi32, #tpu.memory_space<vmem>> -> memref<100xi32, #tpu.memory_space<vmem>>
      %dma_wait3A_393 = arith.constant 0 : i32
      %dma_wait3A_394 = tpu.memref_slice %arg3[%add3A, %add3A_381, %dma_wait3A_393] : memref<32x50x100xi32, #tpu.memory_space<hbm>> -> memref<1x1x100xi32, #tpu.memory_space<hbm>>
      %dma_wait3A_395 = tpu.memref_squeeze %dma_wait3A_394 : memref<1x1x100xi32, #tpu.memory_space<hbm>> -> memref<100xi32, #tpu.memory_space<hbm>>
      tpu.wait_dma2 semaphore(%arg7 : memref<!tpu.dma_semaphore, #tpu.memory_space<semaphore_mem>>) src(%dma_wait3A_395 : memref<100xi32, #tpu.memory_space<hbm>>) dst(%dma_wait3A_392 : memref<100xi32, #tpu.memory_space<vmem>>)
      %add3A_396 = arith.constant 4 : i32
      %add3A_397 = arith.addi %mul3A_158, %add3A_396 : i32
      %add3A_398 = arith.constant 4 : i32
      %add3A_399 = arith.addi %mul3A_158, %add3A_398 : i32
      %dma_start3A_400 = arith.constant 0 : i32
      %dma_start3A_401 = arith.constant 0 : i32
      %dma_start3A_402 = tpu.memref_slice %arg6[%add3A_399, %dma_start3A_400, %dma_start3A_401] : memref<10x100x128xf32, #tpu.memory_space<vmem>> -> memref<1x100x128xf32, #tpu.memory_space<vmem>>
      %dma_start3A_403 = tpu.memref_squeeze %dma_start3A_402 : memref<1x100x128xf32, #tpu.memory_space<vmem>> -> memref<100x128xf32, #tpu.memory_space<vmem>>
      %dma_start3A_404 = arith.constant 0 : i32
      %dma_start3A_405 = tpu.memref_slice %arg5[%add3A_397, %dma_start3A_404] : memref<10x100xi32, #tpu.memory_space<vmem>> -> memref<1x100xi32, #tpu.memory_space<vmem>>
      %dma_start3A_406 = tpu.memref_squeeze %dma_start3A_405 : memref<1x100xi32, #tpu.memory_space<vmem>> -> memref<100xi32, #tpu.memory_space<vmem>>
      %dma_start3A_407 = arith.constant 0 : i32
      %dma_start3A_408 = arith.constant 0 : i32
      %dma_start3A_409 = tpu.memref_slice %arg2[%dma_start3A_407, %dma_start3A_408] : memref<10000x128xf32, #tpu.memory_space<hbm>> -> memref<10000x128xf32, #tpu.memory_space<hbm>>
      tpu.enqueue_indirect_dma source(%dma_start3A_409 : memref<10000x128xf32, #tpu.memory_space<hbm>>) target(%dma_start3A_403 : memref<100x128xf32, #tpu.memory_space<vmem>>) offsets(%dma_start3A_406 : memref<100xi32, #tpu.memory_space<vmem>>) semaphore(%arg8 : memref<!tpu.dma_semaphore, #tpu.memory_space<semaphore_mem>>)
      %add3A_410 = arith.constant 0 : i32
      %add3A_411 = arith.addi %mul3A_158, %add3A_410 : i32
      %add3A_412 = arith.constant 0 : i32
      %add3A_413 = arith.addi %mul3A_158, %add3A_412 : i32
      %dma_wait3A_414 = arith.constant 0 : i32
      %dma_wait3A_415 = arith.constant 0 : i32
      %dma_wait3A_416 = tpu.memref_slice %arg6[%add3A_413, %dma_wait3A_414, %dma_wait3A_415] : memref<10x100x128xf32, #tpu.memory_space<vmem>> -> memref<1x100x128xf32, #tpu.memory_space<vmem>>
      %dma_wait3A_417 = tpu.memref_squeeze %dma_wait3A_416 : memref<1x100x128xf32, #tpu.memory_space<vmem>> -> memref<100x128xf32, #tpu.memory_space<vmem>>
      %dma_wait3A_418 = arith.constant 0 : i32
      %dma_wait3A_419 = tpu.memref_slice %arg5[%add3A_411, %dma_wait3A_418] : memref<10x100xi32, #tpu.memory_space<vmem>> -> memref<1x100xi32, #tpu.memory_space<vmem>>
      %dma_wait3A_420 = tpu.memref_squeeze %dma_wait3A_419 : memref<1x100xi32, #tpu.memory_space<vmem>> -> memref<100xi32, #tpu.memory_space<vmem>>
      %dma_wait3A_421 = arith.constant 0 : i32
      %dma_wait3A_422 = arith.constant 0 : i32
      %dma_wait3A_423 = tpu.memref_slice %arg2[%dma_wait3A_421, %dma_wait3A_422] : memref<10000x128xf32, #tpu.memory_space<hbm>> -> memref<10000x128xf32, #tpu.memory_space<hbm>>
      tpu.wait_indirect_dma semaphore(%arg8 : memref<!tpu.dma_semaphore, #tpu.memory_space<semaphore_mem>>) src(%dma_wait3A_423 : memref<10000x128xf32, #tpu.memory_space<hbm>>) dst(%dma_wait3A_417 : memref<100x128xf32, #tpu.memory_space<vmem>>)
      %add3A_424 = arith.constant 1 : i32
      %add3A_425 = arith.addi %mul3A_158, %add3A_424 : i32
      %add3A_426 = arith.constant 1 : i32
      %add3A_427 = arith.addi %mul3A_158, %add3A_426 : i32
      %dma_wait3A_428 = arith.constant 0 : i32
      %dma_wait3A_429 = arith.constant 0 : i32
      %dma_wait3A_430 = tpu.memref_slice %arg6[%add3A_427, %dma_wait3A_428, %dma_wait3A_429] : memref<10x100x128xf32, #tpu.memory_space<vmem>> -> memref<1x100x128xf32, #tpu.memory_space<vmem>>
      %dma_wait3A_431 = tpu.memref_squeeze %dma_wait3A_430 : memref<1x100x128xf32, #tpu.memory_space<vmem>> -> memref<100x128xf32, #tpu.memory_space<vmem>>
      %dma_wait3A_432 = arith.constant 0 : i32
      %dma_wait3A_433 = tpu.memref_slice %arg5[%add3A_425, %dma_wait3A_432] : memref<10x100xi32, #tpu.memory_space<vmem>> -> memref<1x100xi32, #tpu.memory_space<vmem>>
      %dma_wait3A_434 = tpu.memref_squeeze %dma_wait3A_433 : memref<1x100xi32, #tpu.memory_space<vmem>> -> memref<100xi32, #tpu.memory_space<vmem>>
      %dma_wait3A_435 = arith.constant 0 : i32
      %dma_wait3A_436 = arith.constant 0 : i32
      %dma_wait3A_437 = tpu.memref_slice %arg2[%dma_wait3A_435, %dma_wait3A_436] : memref<10000x128xf32, #tpu.memory_space<hbm>> -> memref<10000x128xf32, #tpu.memory_space<hbm>>
      tpu.wait_indirect_dma semaphore(%arg8 : memref<!tpu.dma_semaphore, #tpu.memory_space<semaphore_mem>>) src(%dma_wait3A_437 : memref<10000x128xf32, #tpu.memory_space<hbm>>) dst(%dma_wait3A_431 : memref<100x128xf32, #tpu.memory_space<vmem>>)
      %add3A_438 = arith.constant 2 : i32
      %add3A_439 = arith.addi %mul3A_158, %add3A_438 : i32
      %add3A_440 = arith.constant 2 : i32
      %add3A_441 = arith.addi %mul3A_158, %add3A_440 : i32
      %dma_wait3A_442 = arith.constant 0 : i32
      %dma_wait3A_443 = arith.constant 0 : i32
      %dma_wait3A_444 = tpu.memref_slice %arg6[%add3A_441, %dma_wait3A_442, %dma_wait3A_443] : memref<10x100x128xf32, #tpu.memory_space<vmem>> -> memref<1x100x128xf32, #tpu.memory_space<vmem>>
      %dma_wait3A_445 = tpu.memref_squeeze %dma_wait3A_444 : memref<1x100x128xf32, #tpu.memory_space<vmem>> -> memref<100x128xf32, #tpu.memory_space<vmem>>
      %dma_wait3A_446 = arith.constant 0 : i32
      %dma_wait3A_447 = tpu.memref_slice %arg5[%add3A_439, %dma_wait3A_446] : memref<10x100xi32, #tpu.memory_space<vmem>> -> memref<1x100xi32, #tpu.memory_space<vmem>>
      %dma_wait3A_448 = tpu.memref_squeeze %dma_wait3A_447 : memref<1x100xi32, #tpu.memory_space<vmem>> -> memref<100xi32, #tpu.memory_space<vmem>>
      %dma_wait3A_449 = arith.constant 0 : i32
      %dma_wait3A_450 = arith.constant 0 : i32
      %dma_wait3A_451 = tpu.memref_slice %arg2[%dma_wait3A_449, %dma_wait3A_450] : memref<10000x128xf32, #tpu.memory_space<hbm>> -> memref<10000x128xf32, #tpu.memory_space<hbm>>
      tpu.wait_indirect_dma semaphore(%arg8 : memref<!tpu.dma_semaphore, #tpu.memory_space<semaphore_mem>>) src(%dma_wait3A_451 : memref<10000x128xf32, #tpu.memory_space<hbm>>) dst(%dma_wait3A_445 : memref<100x128xf32, #tpu.memory_space<vmem>>)
      %add3A_452 = arith.constant 3 : i32
      %add3A_453 = arith.addi %mul3A_158, %add3A_452 : i32
      %add3A_454 = arith.constant 3 : i32
      %add3A_455 = arith.addi %mul3A_158, %add3A_454 : i32
      %dma_wait3A_456 = arith.constant 0 : i32
      %dma_wait3A_457 = arith.constant 0 : i32
      %dma_wait3A_458 = tpu.memref_slice %arg6[%add3A_455, %dma_wait3A_456, %dma_wait3A_457] : memref<10x100x128xf32, #tpu.memory_space<vmem>> -> memref<1x100x128xf32, #tpu.memory_space<vmem>>
      %dma_wait3A_459 = tpu.memref_squeeze %dma_wait3A_458 : memref<1x100x128xf32, #tpu.memory_space<vmem>> -> memref<100x128xf32, #tpu.memory_space<vmem>>
      %dma_wait3A_460 = arith.constant 0 : i32
      %dma_wait3A_461 = tpu.memref_slice %arg5[%add3A_453, %dma_wait3A_460] : memref<10x100xi32, #tpu.memory_space<vmem>> -> memref<1x100xi32, #tpu.memory_space<vmem>>
      %dma_wait3A_462 = tpu.memref_squeeze %dma_wait3A_461 : memref<1x100xi32, #tpu.memory_space<vmem>> -> memref<100xi32, #tpu.memory_space<vmem>>
      %dma_wait3A_463 = arith.constant 0 : i32
      %dma_wait3A_464 = arith.constant 0 : i32
      %dma_wait3A_465 = tpu.memref_slice %arg2[%dma_wait3A_463, %dma_wait3A_464] : memref<10000x128xf32, #tpu.memory_space<hbm>> -> memref<10000x128xf32, #tpu.memory_space<hbm>>
      tpu.wait_indirect_dma semaphore(%arg8 : memref<!tpu.dma_semaphore, #tpu.memory_space<semaphore_mem>>) src(%dma_wait3A_465 : memref<10000x128xf32, #tpu.memory_space<hbm>>) dst(%dma_wait3A_459 : memref<100x128xf32, #tpu.memory_space<vmem>>)
      %add3A_466 = arith.constant 4 : i32
      %add3A_467 = arith.addi %mul3A_158, %add3A_466 : i32
      %add3A_468 = arith.constant 4 : i32
      %add3A_469 = arith.addi %mul3A_158, %add3A_468 : i32
      %dma_wait3A_470 = arith.constant 0 : i32
      %dma_wait3A_471 = arith.constant 0 : i32
      %dma_wait3A_472 = tpu.memref_slice %arg6[%add3A_469, %dma_wait3A_470, %dma_wait3A_471] : memref<10x100x128xf32, #tpu.memory_space<vmem>> -> memref<1x100x128xf32, #tpu.memory_space<vmem>>
      %dma_wait3A_473 = tpu.memref_squeeze %dma_wait3A_472 : memref<1x100x128xf32, #tpu.memory_space<vmem>> -> memref<100x128xf32, #tpu.memory_space<vmem>>
      %dma_wait3A_474 = arith.constant 0 : i32
      %dma_wait3A_475 = tpu.memref_slice %arg5[%add3A_467, %dma_wait3A_474] : memref<10x100xi32, #tpu.memory_space<vmem>> -> memref<1x100xi32, #tpu.memory_space<vmem>>
      %dma_wait3A_476 = tpu.memref_squeeze %dma_wait3A_475 : memref<1x100xi32, #tpu.memory_space<vmem>> -> memref<100xi32, #tpu.memory_space<vmem>>
      %dma_wait3A_477 = arith.constant 0 : i32
      %dma_wait3A_478 = arith.constant 0 : i32
      %dma_wait3A_479 = tpu.memref_slice %arg2[%dma_wait3A_477, %dma_wait3A_478] : memref<10000x128xf32, #tpu.memory_space<hbm>> -> memref<10000x128xf32, #tpu.memory_space<hbm>>
      tpu.wait_indirect_dma semaphore(%arg8 : memref<!tpu.dma_semaphore, #tpu.memory_space<semaphore_mem>>) src(%dma_wait3A_479 : memref<10000x128xf32, #tpu.memory_space<hbm>>) dst(%dma_wait3A_473 : memref<100x128xf32, #tpu.memory_space<vmem>>)
      %mul3A_480 = arith.constant 5 : i32
      %mul3A_481 = arith.muli %scan3A_155, %mul3A_480 : i32
      %add3A_482 = arith.constant 0 : i32
      %add3A_483 = arith.addi %mul3A_481, %add3A_482 : i32
      %add3A_484 = arith.constant 0 : i32
      %add3A_485 = arith.addi %mul3A_158, %add3A_484 : i32
      %mul3A_486 = arith.constant 5000 : i32
      %mul3A_487 = arith.muli %add3A, %mul3A_486 : i32
      %mul3A_488 = arith.constant 100 : i32
      %mul3A_489 = arith.muli %add3A_483, %mul3A_488 : i32
      %add3A_490 = arith.addi %mul3A_487, %mul3A_489 : i32
      %dma_start3A_491 = arith.constant 0 : i32
      %dma_start3A_492 = arith.constant 0 : i32
      %dma_start3A_493 = tpu.memref_slice %arg6[%add3A_485, %dma_start3A_491, %dma_start3A_492] : memref<10x100x128xf32, #tpu.memory_space<vmem>> -> memref<1x100x128xf32, #tpu.memory_space<vmem>>
      %dma_start3A_494 = tpu.memref_squeeze %dma_start3A_493 : memref<1x100x128xf32, #tpu.memory_space<vmem>> -> memref<100x128xf32, #tpu.memory_space<vmem>>
      %dma_start3A_495 = arith.constant 0 : i32
      %dma_start3A_496 = tpu.memref_slice %arg4[%add3A_490, %dma_start3A_495] : memref<160000x128xf32, #tpu.memory_space<hbm>> -> memref<100x128xf32, #tpu.memory_space<hbm>>
      %dma_start3A_497 = arith.constant 0 : i32
      %dma_start3A_498 = tpu.memref_slice %arg4[%add3A_490, %dma_start3A_497] : memref<160000x128xf32, #tpu.memory_space<hbm>> -> memref<100x128xf32, #tpu.memory_space<hbm>>
      %dma_start3A_499 = arith.constant 0 : i32
      %dma_start3A_500 = arith.constant 0 : i32
      %dma_start3A_501 = tpu.memref_slice %arg6[%add3A_485, %dma_start3A_499, %dma_start3A_500] : memref<10x100x128xf32, #tpu.memory_space<vmem>> -> memref<1x100x128xf32, #tpu.memory_space<vmem>>
      %dma_start3A_502 = tpu.memref_squeeze %dma_start3A_501 : memref<1x100x128xf32, #tpu.memory_space<vmem>> -> memref<100x128xf32, #tpu.memory_space<vmem>>
      tpu.enqueue_dma source(%dma_start3A_502 : memref<100x128xf32, #tpu.memory_space<vmem>>) target(%dma_start3A_498 : memref<100x128xf32, #tpu.memory_space<hbm>>) target_semaphore(%arg9 : memref<!tpu.dma_semaphore, #tpu.memory_space<semaphore_mem>>)
      %mul3A_503 = arith.constant 5 : i32
      %mul3A_504 = arith.muli %scan3A_155, %mul3A_503 : i32
      %add3A_505 = arith.constant 1 : i32
      %add3A_506 = arith.addi %mul3A_504, %add3A_505 : i32
      %add3A_507 = arith.constant 1 : i32
      %add3A_508 = arith.addi %mul3A_158, %add3A_507 : i32
      %mul3A_509 = arith.constant 5000 : i32
      %mul3A_510 = arith.muli %add3A, %mul3A_509 : i32
      %mul3A_511 = arith.constant 100 : i32
      %mul3A_512 = arith.muli %add3A_506, %mul3A_511 : i32
      %add3A_513 = arith.addi %mul3A_510, %mul3A_512 : i32
      %dma_start3A_514 = arith.constant 0 : i32
      %dma_start3A_515 = arith.constant 0 : i32
      %dma_start3A_516 = tpu.memref_slice %arg6[%add3A_508, %dma_start3A_514, %dma_start3A_515] : memref<10x100x128xf32, #tpu.memory_space<vmem>> -> memref<1x100x128xf32, #tpu.memory_space<vmem>>
      %dma_start3A_517 = tpu.memref_squeeze %dma_start3A_516 : memref<1x100x128xf32, #tpu.memory_space<vmem>> -> memref<100x128xf32, #tpu.memory_space<vmem>>
      %dma_start3A_518 = arith.constant 0 : i32
      %dma_start3A_519 = tpu.memref_slice %arg4[%add3A_513, %dma_start3A_518] : memref<160000x128xf32, #tpu.memory_space<hbm>> -> memref<100x128xf32, #tpu.memory_space<hbm>>
      %dma_start3A_520 = arith.constant 0 : i32
      %dma_start3A_521 = tpu.memref_slice %arg4[%add3A_513, %dma_start3A_520] : memref<160000x128xf32, #tpu.memory_space<hbm>> -> memref<100x128xf32, #tpu.memory_space<hbm>>
      %dma_start3A_522 = arith.constant 0 : i32
      %dma_start3A_523 = arith.constant 0 : i32
      %dma_start3A_524 = tpu.memref_slice %arg6[%add3A_508, %dma_start3A_522, %dma_start3A_523] : memref<10x100x128xf32, #tpu.memory_space<vmem>> -> memref<1x100x128xf32, #tpu.memory_space<vmem>>
      %dma_start3A_525 = tpu.memref_squeeze %dma_start3A_524 : memref<1x100x128xf32, #tpu.memory_space<vmem>> -> memref<100x128xf32, #tpu.memory_space<vmem>>
      tpu.enqueue_dma source(%dma_start3A_525 : memref<100x128xf32, #tpu.memory_space<vmem>>) target(%dma_start3A_521 : memref<100x128xf32, #tpu.memory_space<hbm>>) target_semaphore(%arg9 : memref<!tpu.dma_semaphore, #tpu.memory_space<semaphore_mem>>)
      %mul3A_526 = arith.constant 5 : i32
      %mul3A_527 = arith.muli %scan3A_155, %mul3A_526 : i32
      %add3A_528 = arith.constant 2 : i32
      %add3A_529 = arith.addi %mul3A_527, %add3A_528 : i32
      %add3A_530 = arith.constant 2 : i32
      %add3A_531 = arith.addi %mul3A_158, %add3A_530 : i32
      %mul3A_532 = arith.constant 5000 : i32
      %mul3A_533 = arith.muli %add3A, %mul3A_532 : i32
      %mul3A_534 = arith.constant 100 : i32
      %mul3A_535 = arith.muli %add3A_529, %mul3A_534 : i32
      %add3A_536 = arith.addi %mul3A_533, %mul3A_535 : i32
      %dma_start3A_537 = arith.constant 0 : i32
      %dma_start3A_538 = arith.constant 0 : i32
      %dma_start3A_539 = tpu.memref_slice %arg6[%add3A_531, %dma_start3A_537, %dma_start3A_538] : memref<10x100x128xf32, #tpu.memory_space<vmem>> -> memref<1x100x128xf32, #tpu.memory_space<vmem>>
      %dma_start3A_540 = tpu.memref_squeeze %dma_start3A_539 : memref<1x100x128xf32, #tpu.memory_space<vmem>> -> memref<100x128xf32, #tpu.memory_space<vmem>>
      %dma_start3A_541 = arith.constant 0 : i32
      %dma_start3A_542 = tpu.memref_slice %arg4[%add3A_536, %dma_start3A_541] : memref<160000x128xf32, #tpu.memory_space<hbm>> -> memref<100x128xf32, #tpu.memory_space<hbm>>
      %dma_start3A_543 = arith.constant 0 : i32
      %dma_start3A_544 = tpu.memref_slice %arg4[%add3A_536, %dma_start3A_543] : memref<160000x128xf32, #tpu.memory_space<hbm>> -> memref<100x128xf32, #tpu.memory_space<hbm>>
      %dma_start3A_545 = arith.constant 0 : i32
      %dma_start3A_546 = arith.constant 0 : i32
      %dma_start3A_547 = tpu.memref_slice %arg6[%add3A_531, %dma_start3A_545, %dma_start3A_546] : memref<10x100x128xf32, #tpu.memory_space<vmem>> -> memref<1x100x128xf32, #tpu.memory_space<vmem>>
      %dma_start3A_548 = tpu.memref_squeeze %dma_start3A_547 : memref<1x100x128xf32, #tpu.memory_space<vmem>> -> memref<100x128xf32, #tpu.memory_space<vmem>>
      tpu.enqueue_dma source(%dma_start3A_548 : memref<100x128xf32, #tpu.memory_space<vmem>>) target(%dma_start3A_544 : memref<100x128xf32, #tpu.memory_space<hbm>>) target_semaphore(%arg9 : memref<!tpu.dma_semaphore, #tpu.memory_space<semaphore_mem>>)
      %mul3A_549 = arith.constant 5 : i32
      %mul3A_550 = arith.muli %scan3A_155, %mul3A_549 : i32
      %add3A_551 = arith.constant 3 : i32
      %add3A_552 = arith.addi %mul3A_550, %add3A_551 : i32
      %add3A_553 = arith.constant 3 : i32
      %add3A_554 = arith.addi %mul3A_158, %add3A_553 : i32
      %mul3A_555 = arith.constant 5000 : i32
      %mul3A_556 = arith.muli %add3A, %mul3A_555 : i32
      %mul3A_557 = arith.constant 100 : i32
      %mul3A_558 = arith.muli %add3A_552, %mul3A_557 : i32
      %add3A_559 = arith.addi %mul3A_556, %mul3A_558 : i32
      %dma_start3A_560 = arith.constant 0 : i32
      %dma_start3A_561 = arith.constant 0 : i32
      %dma_start3A_562 = tpu.memref_slice %arg6[%add3A_554, %dma_start3A_560, %dma_start3A_561] : memref<10x100x128xf32, #tpu.memory_space<vmem>> -> memref<1x100x128xf32, #tpu.memory_space<vmem>>
      %dma_start3A_563 = tpu.memref_squeeze %dma_start3A_562 : memref<1x100x128xf32, #tpu.memory_space<vmem>> -> memref<100x128xf32, #tpu.memory_space<vmem>>
      %dma_start3A_564 = arith.constant 0 : i32
      %dma_start3A_565 = tpu.memref_slice %arg4[%add3A_559, %dma_start3A_564] : memref<160000x128xf32, #tpu.memory_space<hbm>> -> memref<100x128xf32, #tpu.memory_space<hbm>>
      %dma_start3A_566 = arith.constant 0 : i32
      %dma_start3A_567 = tpu.memref_slice %arg4[%add3A_559, %dma_start3A_566] : memref<160000x128xf32, #tpu.memory_space<hbm>> -> memref<100x128xf32, #tpu.memory_space<hbm>>
      %dma_start3A_568 = arith.constant 0 : i32
      %dma_start3A_569 = arith.constant 0 : i32
      %dma_start3A_570 = tpu.memref_slice %arg6[%add3A_554, %dma_start3A_568, %dma_start3A_569] : memref<10x100x128xf32, #tpu.memory_space<vmem>> -> memref<1x100x128xf32, #tpu.memory_space<vmem>>
      %dma_start3A_571 = tpu.memref_squeeze %dma_start3A_570 : memref<1x100x128xf32, #tpu.memory_space<vmem>> -> memref<100x128xf32, #tpu.memory_space<vmem>>
      tpu.enqueue_dma source(%dma_start3A_571 : memref<100x128xf32, #tpu.memory_space<vmem>>) target(%dma_start3A_567 : memref<100x128xf32, #tpu.memory_space<hbm>>) target_semaphore(%arg9 : memref<!tpu.dma_semaphore, #tpu.memory_space<semaphore_mem>>)
      %mul3A_572 = arith.constant 5 : i32
      %mul3A_573 = arith.muli %scan3A_155, %mul3A_572 : i32
      %add3A_574 = arith.constant 4 : i32
      %add3A_575 = arith.addi %mul3A_573, %add3A_574 : i32
      %add3A_576 = arith.constant 4 : i32
      %add3A_577 = arith.addi %mul3A_158, %add3A_576 : i32
      %mul3A_578 = arith.constant 5000 : i32
      %mul3A_579 = arith.muli %add3A, %mul3A_578 : i32
      %mul3A_580 = arith.constant 100 : i32
      %mul3A_581 = arith.muli %add3A_575, %mul3A_580 : i32
      %add3A_582 = arith.addi %mul3A_579, %mul3A_581 : i32
      %dma_start3A_583 = arith.constant 0 : i32
      %dma_start3A_584 = arith.constant 0 : i32
      %dma_start3A_585 = tpu.memref_slice %arg6[%add3A_577, %dma_start3A_583, %dma_start3A_584] : memref<10x100x128xf32, #tpu.memory_space<vmem>> -> memref<1x100x128xf32, #tpu.memory_space<vmem>>
      %dma_start3A_586 = tpu.memref_squeeze %dma_start3A_585 : memref<1x100x128xf32, #tpu.memory_space<vmem>> -> memref<100x128xf32, #tpu.memory_space<vmem>>
      %dma_start3A_587 = arith.constant 0 : i32
      %dma_start3A_588 = tpu.memref_slice %arg4[%add3A_582, %dma_start3A_587] : memref<160000x128xf32, #tpu.memory_space<hbm>> -> memref<100x128xf32, #tpu.memory_space<hbm>>
      %dma_start3A_589 = arith.constant 0 : i32
      %dma_start3A_590 = tpu.memref_slice %arg4[%add3A_582, %dma_start3A_589] : memref<160000x128xf32, #tpu.memory_space<hbm>> -> memref<100x128xf32, #tpu.memory_space<hbm>>
      %dma_start3A_591 = arith.constant 0 : i32
      %dma_start3A_592 = arith.constant 0 : i32
      %dma_start3A_593 = tpu.memref_slice %arg6[%add3A_577, %dma_start3A_591, %dma_start3A_592] : memref<10x100x128xf32, #tpu.memory_space<vmem>> -> memref<1x100x128xf32, #tpu.memory_space<vmem>>
      %dma_start3A_594 = tpu.memref_squeeze %dma_start3A_593 : memref<1x100x128xf32, #tpu.memory_space<vmem>> -> memref<100x128xf32, #tpu.memory_space<vmem>>
      tpu.enqueue_dma source(%dma_start3A_594 : memref<100x128xf32, #tpu.memory_space<vmem>>) target(%dma_start3A_590 : memref<100x128xf32, #tpu.memory_space<hbm>>) target_semaphore(%arg9 : memref<!tpu.dma_semaphore, #tpu.memory_space<semaphore_mem>>)
    }
    %scan3A_5 = arith.constant 10 : i32
    %dma_wait3A = arith.constant 0 : i32
    %dma_wait3A_6 = arith.constant 0 : i32
    %dma_wait3A_7 = arith.constant 0 : i32
    %dma_wait3A_8 = tpu.memref_slice %arg6[%dma_wait3A, %dma_wait3A_6, %dma_wait3A_7] : memref<10x100x128xf32, #tpu.memory_space<vmem>> -> memref<1x100x128xf32, #tpu.memory_space<vmem>>
    %dma_wait3A_9 = tpu.memref_squeeze %dma_wait3A_8 : memref<1x100x128xf32, #tpu.memory_space<vmem>> -> memref<100x128xf32, #tpu.memory_space<vmem>>
    %dma_wait3A_10 = arith.constant 0 : i32
    %dma_wait3A_11 = arith.constant 0 : i32
    %dma_wait3A_12 = tpu.memref_slice %arg4[%dma_wait3A_10, %dma_wait3A_11] : memref<160000x128xf32, #tpu.memory_space<hbm>> -> memref<100x128xf32, #tpu.memory_space<hbm>>
    %dma_wait3A_13 = arith.constant 0 : i32
    %dma_wait3A_14 = arith.constant 0 : i32
    %dma_wait3A_15 = tpu.memref_slice %arg4[%dma_wait3A_13, %dma_wait3A_14] : memref<160000x128xf32, #tpu.memory_space<hbm>> -> memref<100x128xf32, #tpu.memory_space<hbm>>
    %dma_wait3A_16 = arith.constant 0 : i32
    %dma_wait3A_17 = arith.constant 0 : i32
    %dma_wait3A_18 = tpu.memref_slice %arg6[%dma_wait3A, %dma_wait3A_16, %dma_wait3A_17] : memref<10x100x128xf32, #tpu.memory_space<vmem>> -> memref<1x100x128xf32, #tpu.memory_space<vmem>>
    %dma_wait3A_19 = tpu.memref_squeeze %dma_wait3A_18 : memref<1x100x128xf32, #tpu.memory_space<vmem>> -> memref<100x128xf32, #tpu.memory_space<vmem>>
    tpu.wait_dma2 semaphore(%arg9 : memref<!tpu.dma_semaphore, #tpu.memory_space<semaphore_mem>>) src(%dma_wait3A_19 : memref<100x128xf32, #tpu.memory_space<vmem>>) dst(%dma_wait3A_15 : memref<100x128xf32, #tpu.memory_space<hbm>>)
    %dma_wait3A_20 = arith.constant 1 : i32
    %dma_wait3A_21 = arith.constant 0 : i32
    %dma_wait3A_22 = arith.constant 0 : i32
    %dma_wait3A_23 = tpu.memref_slice %arg6[%dma_wait3A_20, %dma_wait3A_21, %dma_wait3A_22] : memref<10x100x128xf32, #tpu.memory_space<vmem>> -> memref<1x100x128xf32, #tpu.memory_space<vmem>>
    %dma_wait3A_24 = tpu.memref_squeeze %dma_wait3A_23 : memref<1x100x128xf32, #tpu.memory_space<vmem>> -> memref<100x128xf32, #tpu.memory_space<vmem>>
    %dma_wait3A_25 = arith.constant 0 : i32
    %dma_wait3A_26 = arith.constant 0 : i32
    %dma_wait3A_27 = tpu.memref_slice %arg4[%dma_wait3A_25, %dma_wait3A_26] : memref<160000x128xf32, #tpu.memory_space<hbm>> -> memref<100x128xf32, #tpu.memory_space<hbm>>
    %dma_wait3A_28 = arith.constant 0 : i32
    %dma_wait3A_29 = arith.constant 0 : i32
    %dma_wait3A_30 = tpu.memref_slice %arg4[%dma_wait3A_28, %dma_wait3A_29] : memref<160000x128xf32, #tpu.memory_space<hbm>> -> memref<100x128xf32, #tpu.memory_space<hbm>>
    %dma_wait3A_31 = arith.constant 0 : i32
    %dma_wait3A_32 = arith.constant 0 : i32
    %dma_wait3A_33 = tpu.memref_slice %arg6[%dma_wait3A_20, %dma_wait3A_31, %dma_wait3A_32] : memref<10x100x128xf32, #tpu.memory_space<vmem>> -> memref<1x100x128xf32, #tpu.memory_space<vmem>>
    %dma_wait3A_34 = tpu.memref_squeeze %dma_wait3A_33 : memref<1x100x128xf32, #tpu.memory_space<vmem>> -> memref<100x128xf32, #tpu.memory_space<vmem>>
    tpu.wait_dma2 semaphore(%arg9 : memref<!tpu.dma_semaphore, #tpu.memory_space<semaphore_mem>>) src(%dma_wait3A_34 : memref<100x128xf32, #tpu.memory_space<vmem>>) dst(%dma_wait3A_30 : memref<100x128xf32, #tpu.memory_space<hbm>>)
    %dma_wait3A_35 = arith.constant 2 : i32
    %dma_wait3A_36 = arith.constant 0 : i32
    %dma_wait3A_37 = arith.constant 0 : i32
    %dma_wait3A_38 = tpu.memref_slice %arg6[%dma_wait3A_35, %dma_wait3A_36, %dma_wait3A_37] : memref<10x100x128xf32, #tpu.memory_space<vmem>> -> memref<1x100x128xf32, #tpu.memory_space<vmem>>
    %dma_wait3A_39 = tpu.memref_squeeze %dma_wait3A_38 : memref<1x100x128xf32, #tpu.memory_space<vmem>> -> memref<100x128xf32, #tpu.memory_space<vmem>>
    %dma_wait3A_40 = arith.constant 0 : i32
    %dma_wait3A_41 = arith.constant 0 : i32
    %dma_wait3A_42 = tpu.memref_slice %arg4[%dma_wait3A_40, %dma_wait3A_41] : memref<160000x128xf32, #tpu.memory_space<hbm>> -> memref<100x128xf32, #tpu.memory_space<hbm>>
    %dma_wait3A_43 = arith.constant 0 : i32
    %dma_wait3A_44 = arith.constant 0 : i32
    %dma_wait3A_45 = tpu.memref_slice %arg4[%dma_wait3A_43, %dma_wait3A_44] : memref<160000x128xf32, #tpu.memory_space<hbm>> -> memref<100x128xf32, #tpu.memory_space<hbm>>
    %dma_wait3A_46 = arith.constant 0 : i32
    %dma_wait3A_47 = arith.constant 0 : i32
    %dma_wait3A_48 = tpu.memref_slice %arg6[%dma_wait3A_35, %dma_wait3A_46, %dma_wait3A_47] : memref<10x100x128xf32, #tpu.memory_space<vmem>> -> memref<1x100x128xf32, #tpu.memory_space<vmem>>
    %dma_wait3A_49 = tpu.memref_squeeze %dma_wait3A_48 : memref<1x100x128xf32, #tpu.memory_space<vmem>> -> memref<100x128xf32, #tpu.memory_space<vmem>>
    tpu.wait_dma2 semaphore(%arg9 : memref<!tpu.dma_semaphore, #tpu.memory_space<semaphore_mem>>) src(%dma_wait3A_49 : memref<100x128xf32, #tpu.memory_space<vmem>>) dst(%dma_wait3A_45 : memref<100x128xf32, #tpu.memory_space<hbm>>)
    %dma_wait3A_50 = arith.constant 3 : i32
    %dma_wait3A_51 = arith.constant 0 : i32
    %dma_wait3A_52 = arith.constant 0 : i32
    %dma_wait3A_53 = tpu.memref_slice %arg6[%dma_wait3A_50, %dma_wait3A_51, %dma_wait3A_52] : memref<10x100x128xf32, #tpu.memory_space<vmem>> -> memref<1x100x128xf32, #tpu.memory_space<vmem>>
    %dma_wait3A_54 = tpu.memref_squeeze %dma_wait3A_53 : memref<1x100x128xf32, #tpu.memory_space<vmem>> -> memref<100x128xf32, #tpu.memory_space<vmem>>
    %dma_wait3A_55 = arith.constant 0 : i32
    %dma_wait3A_56 = arith.constant 0 : i32
    %dma_wait3A_57 = tpu.memref_slice %arg4[%dma_wait3A_55, %dma_wait3A_56] : memref<160000x128xf32, #tpu.memory_space<hbm>> -> memref<100x128xf32, #tpu.memory_space<hbm>>
    %dma_wait3A_58 = arith.constant 0 : i32
    %dma_wait3A_59 = arith.constant 0 : i32
    %dma_wait3A_60 = tpu.memref_slice %arg4[%dma_wait3A_58, %dma_wait3A_59] : memref<160000x128xf32, #tpu.memory_space<hbm>> -> memref<100x128xf32, #tpu.memory_space<hbm>>
    %dma_wait3A_61 = arith.constant 0 : i32
    %dma_wait3A_62 = arith.constant 0 : i32
    %dma_wait3A_63 = tpu.memref_slice %arg6[%dma_wait3A_50, %dma_wait3A_61, %dma_wait3A_62] : memref<10x100x128xf32, #tpu.memory_space<vmem>> -> memref<1x100x128xf32, #tpu.memory_space<vmem>>
    %dma_wait3A_64 = tpu.memref_squeeze %dma_wait3A_63 : memref<1x100x128xf32, #tpu.memory_space<vmem>> -> memref<100x128xf32, #tpu.memory_space<vmem>>
    tpu.wait_dma2 semaphore(%arg9 : memref<!tpu.dma_semaphore, #tpu.memory_space<semaphore_mem>>) src(%dma_wait3A_64 : memref<100x128xf32, #tpu.memory_space<vmem>>) dst(%dma_wait3A_60 : memref<100x128xf32, #tpu.memory_space<hbm>>)
    %dma_wait3A_65 = arith.constant 4 : i32
    %dma_wait3A_66 = arith.constant 0 : i32
    %dma_wait3A_67 = arith.constant 0 : i32
    %dma_wait3A_68 = tpu.memref_slice %arg6[%dma_wait3A_65, %dma_wait3A_66, %dma_wait3A_67] : memref<10x100x128xf32, #tpu.memory_space<vmem>> -> memref<1x100x128xf32, #tpu.memory_space<vmem>>
    %dma_wait3A_69 = tpu.memref_squeeze %dma_wait3A_68 : memref<1x100x128xf32, #tpu.memory_space<vmem>> -> memref<100x128xf32, #tpu.memory_space<vmem>>
    %dma_wait3A_70 = arith.constant 0 : i32
    %dma_wait3A_71 = arith.constant 0 : i32
    %dma_wait3A_72 = tpu.memref_slice %arg4[%dma_wait3A_70, %dma_wait3A_71] : memref<160000x128xf32, #tpu.memory_space<hbm>> -> memref<100x128xf32, #tpu.memory_space<hbm>>
    %dma_wait3A_73 = arith.constant 0 : i32
    %dma_wait3A_74 = arith.constant 0 : i32
    %dma_wait3A_75 = tpu.memref_slice %arg4[%dma_wait3A_73, %dma_wait3A_74] : memref<160000x128xf32, #tpu.memory_space<hbm>> -> memref<100x128xf32, #tpu.memory_space<hbm>>
    %dma_wait3A_76 = arith.constant 0 : i32
    %dma_wait3A_77 = arith.constant 0 : i32
    %dma_wait3A_78 = tpu.memref_slice %arg6[%dma_wait3A_65, %dma_wait3A_76, %dma_wait3A_77] : memref<10x100x128xf32, #tpu.memory_space<vmem>> -> memref<1x100x128xf32, #tpu.memory_space<vmem>>
    %dma_wait3A_79 = tpu.memref_squeeze %dma_wait3A_78 : memref<1x100x128xf32, #tpu.memory_space<vmem>> -> memref<100x128xf32, #tpu.memory_space<vmem>>
    tpu.wait_dma2 semaphore(%arg9 : memref<!tpu.dma_semaphore, #tpu.memory_space<semaphore_mem>>) src(%dma_wait3A_79 : memref<100x128xf32, #tpu.memory_space<vmem>>) dst(%dma_wait3A_75 : memref<100x128xf32, #tpu.memory_space<hbm>>)
    %dma_wait3A_80 = arith.constant 5 : i32
    %dma_wait3A_81 = arith.constant 0 : i32
    %dma_wait3A_82 = arith.constant 0 : i32
    %dma_wait3A_83 = tpu.memref_slice %arg6[%dma_wait3A_80, %dma_wait3A_81, %dma_wait3A_82] : memref<10x100x128xf32, #tpu.memory_space<vmem>> -> memref<1x100x128xf32, #tpu.memory_space<vmem>>
    %dma_wait3A_84 = tpu.memref_squeeze %dma_wait3A_83 : memref<1x100x128xf32, #tpu.memory_space<vmem>> -> memref<100x128xf32, #tpu.memory_space<vmem>>
    %dma_wait3A_85 = arith.constant 0 : i32
    %dma_wait3A_86 = arith.constant 0 : i32
    %dma_wait3A_87 = tpu.memref_slice %arg4[%dma_wait3A_85, %dma_wait3A_86] : memref<160000x128xf32, #tpu.memory_space<hbm>> -> memref<100x128xf32, #tpu.memory_space<hbm>>
    %dma_wait3A_88 = arith.constant 0 : i32
    %dma_wait3A_89 = arith.constant 0 : i32
    %dma_wait3A_90 = tpu.memref_slice %arg4[%dma_wait3A_88, %dma_wait3A_89] : memref<160000x128xf32, #tpu.memory_space<hbm>> -> memref<100x128xf32, #tpu.memory_space<hbm>>
    %dma_wait3A_91 = arith.constant 0 : i32
    %dma_wait3A_92 = arith.constant 0 : i32
    %dma_wait3A_93 = tpu.memref_slice %arg6[%dma_wait3A_80, %dma_wait3A_91, %dma_wait3A_92] : memref<10x100x128xf32, #tpu.memory_space<vmem>> -> memref<1x100x128xf32, #tpu.memory_space<vmem>>
    %dma_wait3A_94 = tpu.memref_squeeze %dma_wait3A_93 : memref<1x100x128xf32, #tpu.memory_space<vmem>> -> memref<100x128xf32, #tpu.memory_space<vmem>>
    tpu.wait_dma2 semaphore(%arg9 : memref<!tpu.dma_semaphore, #tpu.memory_space<semaphore_mem>>) src(%dma_wait3A_94 : memref<100x128xf32, #tpu.memory_space<vmem>>) dst(%dma_wait3A_90 : memref<100x128xf32, #tpu.memory_space<hbm>>)
    %dma_wait3A_95 = arith.constant 6 : i32
    %dma_wait3A_96 = arith.constant 0 : i32
    %dma_wait3A_97 = arith.constant 0 : i32
    %dma_wait3A_98 = tpu.memref_slice %arg6[%dma_wait3A_95, %dma_wait3A_96, %dma_wait3A_97] : memref<10x100x128xf32, #tpu.memory_space<vmem>> -> memref<1x100x128xf32, #tpu.memory_space<vmem>>
    %dma_wait3A_99 = tpu.memref_squeeze %dma_wait3A_98 : memref<1x100x128xf32, #tpu.memory_space<vmem>> -> memref<100x128xf32, #tpu.memory_space<vmem>>
    %dma_wait3A_100 = arith.constant 0 : i32
    %dma_wait3A_101 = arith.constant 0 : i32
    %dma_wait3A_102 = tpu.memref_slice %arg4[%dma_wait3A_100, %dma_wait3A_101] : memref<160000x128xf32, #tpu.memory_space<hbm>> -> memref<100x128xf32, #tpu.memory_space<hbm>>
    %dma_wait3A_103 = arith.constant 0 : i32
    %dma_wait3A_104 = arith.constant 0 : i32
    %dma_wait3A_105 = tpu.memref_slice %arg4[%dma_wait3A_103, %dma_wait3A_104] : memref<160000x128xf32, #tpu.memory_space<hbm>> -> memref<100x128xf32, #tpu.memory_space<hbm>>
    %dma_wait3A_106 = arith.constant 0 : i32
    %dma_wait3A_107 = arith.constant 0 : i32
    %dma_wait3A_108 = tpu.memref_slice %arg6[%dma_wait3A_95, %dma_wait3A_106, %dma_wait3A_107] : memref<10x100x128xf32, #tpu.memory_space<vmem>> -> memref<1x100x128xf32, #tpu.memory_space<vmem>>
    %dma_wait3A_109 = tpu.memref_squeeze %dma_wait3A_108 : memref<1x100x128xf32, #tpu.memory_space<vmem>> -> memref<100x128xf32, #tpu.memory_space<vmem>>
    tpu.wait_dma2 semaphore(%arg9 : memref<!tpu.dma_semaphore, #tpu.memory_space<semaphore_mem>>) src(%dma_wait3A_109 : memref<100x128xf32, #tpu.memory_space<vmem>>) dst(%dma_wait3A_105 : memref<100x128xf32, #tpu.memory_space<hbm>>)
    %dma_wait3A_110 = arith.constant 7 : i32
    %dma_wait3A_111 = arith.constant 0 : i32
    %dma_wait3A_112 = arith.constant 0 : i32
    %dma_wait3A_113 = tpu.memref_slice %arg6[%dma_wait3A_110, %dma_wait3A_111, %dma_wait3A_112] : memref<10x100x128xf32, #tpu.memory_space<vmem>> -> memref<1x100x128xf32, #tpu.memory_space<vmem>>
    %dma_wait3A_114 = tpu.memref_squeeze %dma_wait3A_113 : memref<1x100x128xf32, #tpu.memory_space<vmem>> -> memref<100x128xf32, #tpu.memory_space<vmem>>
    %dma_wait3A_115 = arith.constant 0 : i32
    %dma_wait3A_116 = arith.constant 0 : i32
    %dma_wait3A_117 = tpu.memref_slice %arg4[%dma_wait3A_115, %dma_wait3A_116] : memref<160000x128xf32, #tpu.memory_space<hbm>> -> memref<100x128xf32, #tpu.memory_space<hbm>>
    %dma_wait3A_118 = arith.constant 0 : i32
    %dma_wait3A_119 = arith.constant 0 : i32
    %dma_wait3A_120 = tpu.memref_slice %arg4[%dma_wait3A_118, %dma_wait3A_119] : memref<160000x128xf32, #tpu.memory_space<hbm>> -> memref<100x128xf32, #tpu.memory_space<hbm>>
    %dma_wait3A_121 = arith.constant 0 : i32
    %dma_wait3A_122 = arith.constant 0 : i32
    %dma_wait3A_123 = tpu.memref_slice %arg6[%dma_wait3A_110, %dma_wait3A_121, %dma_wait3A_122] : memref<10x100x128xf32, #tpu.memory_space<vmem>> -> memref<1x100x128xf32, #tpu.memory_space<vmem>>
    %dma_wait3A_124 = tpu.memref_squeeze %dma_wait3A_123 : memref<1x100x128xf32, #tpu.memory_space<vmem>> -> memref<100x128xf32, #tpu.memory_space<vmem>>
    tpu.wait_dma2 semaphore(%arg9 : memref<!tpu.dma_semaphore, #tpu.memory_space<semaphore_mem>>) src(%dma_wait3A_124 : memref<100x128xf32, #tpu.memory_space<vmem>>) dst(%dma_wait3A_120 : memref<100x128xf32, #tpu.memory_space<hbm>>)
    %dma_wait3A_125 = arith.constant 8 : i32
    %dma_wait3A_126 = arith.constant 0 : i32
    %dma_wait3A_127 = arith.constant 0 : i32
    %dma_wait3A_128 = tpu.memref_slice %arg6[%dma_wait3A_125, %dma_wait3A_126, %dma_wait3A_127] : memref<10x100x128xf32, #tpu.memory_space<vmem>> -> memref<1x100x128xf32, #tpu.memory_space<vmem>>
    %dma_wait3A_129 = tpu.memref_squeeze %dma_wait3A_128 : memref<1x100x128xf32, #tpu.memory_space<vmem>> -> memref<100x128xf32, #tpu.memory_space<vmem>>
    %dma_wait3A_130 = arith.constant 0 : i32
    %dma_wait3A_131 = arith.constant 0 : i32
    %dma_wait3A_132 = tpu.memref_slice %arg4[%dma_wait3A_130, %dma_wait3A_131] : memref<160000x128xf32, #tpu.memory_space<hbm>> -> memref<100x128xf32, #tpu.memory_space<hbm>>
    %dma_wait3A_133 = arith.constant 0 : i32
    %dma_wait3A_134 = arith.constant 0 : i32
    %dma_wait3A_135 = tpu.memref_slice %arg4[%dma_wait3A_133, %dma_wait3A_134] : memref<160000x128xf32, #tpu.memory_space<hbm>> -> memref<100x128xf32, #tpu.memory_space<hbm>>
    %dma_wait3A_136 = arith.constant 0 : i32
    %dma_wait3A_137 = arith.constant 0 : i32
    %dma_wait3A_138 = tpu.memref_slice %arg6[%dma_wait3A_125, %dma_wait3A_136, %dma_wait3A_137] : memref<10x100x128xf32, #tpu.memory_space<vmem>> -> memref<1x100x128xf32, #tpu.memory_space<vmem>>
    %dma_wait3A_139 = tpu.memref_squeeze %dma_wait3A_138 : memref<1x100x128xf32, #tpu.memory_space<vmem>> -> memref<100x128xf32, #tpu.memory_space<vmem>>
    tpu.wait_dma2 semaphore(%arg9 : memref<!tpu.dma_semaphore, #tpu.memory_space<semaphore_mem>>) src(%dma_wait3A_139 : memref<100x128xf32, #tpu.memory_space<vmem>>) dst(%dma_wait3A_135 : memref<100x128xf32, #tpu.memory_space<hbm>>)
    %dma_wait3A_140 = arith.constant 9 : i32
    %dma_wait3A_141 = arith.constant 0 : i32
    %dma_wait3A_142 = arith.constant 0 : i32
    %dma_wait3A_143 = tpu.memref_slice %arg6[%dma_wait3A_140, %dma_wait3A_141, %dma_wait3A_142] : memref<10x100x128xf32, #tpu.memory_space<vmem>> -> memref<1x100x128xf32, #tpu.memory_space<vmem>>
    %dma_wait3A_144 = tpu.memref_squeeze %dma_wait3A_143 : memref<1x100x128xf32, #tpu.memory_space<vmem>> -> memref<100x128xf32, #tpu.memory_space<vmem>>
    %dma_wait3A_145 = arith.constant 0 : i32
    %dma_wait3A_146 = arith.constant 0 : i32
    %dma_wait3A_147 = tpu.memref_slice %arg4[%dma_wait3A_145, %dma_wait3A_146] : memref<160000x128xf32, #tpu.memory_space<hbm>> -> memref<100x128xf32, #tpu.memory_space<hbm>>
    %dma_wait3A_148 = arith.constant 0 : i32
    %dma_wait3A_149 = arith.constant 0 : i32
    %dma_wait3A_150 = tpu.memref_slice %arg4[%dma_wait3A_148, %dma_wait3A_149] : memref<160000x128xf32, #tpu.memory_space<hbm>> -> memref<100x128xf32, #tpu.memory_space<hbm>>
    %dma_wait3A_151 = arith.constant 0 : i32
    %dma_wait3A_152 = arith.constant 0 : i32
    %dma_wait3A_153 = tpu.memref_slice %arg6[%dma_wait3A_140, %dma_wait3A_151, %dma_wait3A_152] : memref<10x100x128xf32, #tpu.memory_space<vmem>> -> memref<1x100x128xf32, #tpu.memory_space<vmem>>
    %dma_wait3A_154 = tpu.memref_squeeze %dma_wait3A_153 : memref<1x100x128xf32, #tpu.memory_space<vmem>> -> memref<100x128xf32, #tpu.memory_space<vmem>>
    tpu.wait_dma2 semaphore(%arg9 : memref<!tpu.dma_semaphore, #tpu.memory_space<semaphore_mem>>) src(%dma_wait3A_154 : memref<100x128xf32, #tpu.memory_space<vmem>>) dst(%dma_wait3A_150 : memref<100x128xf32, #tpu.memory_space<hbm>>)
    return
  }
}

module attributes {stable_mosaic.version = 14 : i64} {
  func.func @_up_kernel(%arg0: i32, %arg1: memref<1000x128xf32, #tpu.memory_space<vmem>>, %arg2: memref<128x128xf32, #tpu.memory_space<vmem>>, %arg3: memref<1000x128xf32, #tpu.memory_space<vmem>>) attributes {dimension_semantics = [#tpu.dimension_semantics<arbitrary>], iteration_bounds = array<i64: 10>, scalar_prefetch = 0 : i64, scratch_operands = 0 : i64, tpu.core_type = #tpu.core_type<tc>, window_params = [{transform_indices = @transform_0, window_bounds = array<i64: 1000, 128>}, {pipeline_mode = #tpu.pipeline_mode<synchronous>, transform_indices = @transform_1, window_bounds = array<i64: 128, 128>}, {transform_indices = @transform_2, window_bounds = array<i64: 1000, 128>}]} {
    %get3A = arith.constant 0 : index
    %get3A_0 = arith.constant 0 : index
    %get3A_1 = vector.load %arg1[%get3A, %get3A_0] : memref<1000x128xf32, #tpu.memory_space<vmem>>, vector<1000x128xf32>
    %get3A_2 = arith.constant 0 : index
    %get3A_3 = arith.constant 0 : index
    %get3A_4 = vector.load %arg2[%get3A_2, %get3A_3] : memref<128x128xf32, #tpu.memory_space<vmem>>, vector<128x128xf32>
    %dot_general3A = arith.constant dense<0.000000e+00> : vector<1000x128xf32>
    %dot_general3A_5 = tpu.matmul %get3A_1, %get3A_4, %dot_general3A {dimension_numbers = #tpu.dot_dimension_numbers<[1], [0], [0], [1], [0, 0, 1, 1], [], []>, transpose_lhs_hint = false} : vector<1000x128xf32>, vector<128x128xf32>, vector<1000x128xf32> -> vector<1000x128xf32>
    %swap3A = arith.constant 0 : index
    %swap3A_6 = arith.constant 0 : index
    %swap3A_7 = vector.load %arg3[%swap3A, %swap3A_6] : memref<1000x128xf32, #tpu.memory_space<vmem>>, vector<1000x128xf32>
    tpu.vector_store %arg3[%swap3A, %swap3A_6], %dot_general3A_5 {strides = array<i32>} : memref<1000x128xf32, #tpu.memory_space<vmem>>, vector<1000x128xf32>,
    return
  }
  func.func @transform_0(%arg0: i32) -> (i32, i32) {
    %c0_i32 = arith.constant 0 : i32
    %c0_i32_0 = arith.constant 0 : i32
    return %arg0, %c0_i32 : i32, i32
  }
  func.func @transform_1(%arg0: i32) -> (i32, i32) {
    %c0_i32 = arith.constant 0 : i32
    %c0_i32_0 = arith.constant 0 : i32
    %c0_i32_1 = arith.constant 0 : i32
    return %c0_i32, %c0_i32_0 : i32, i32
  }
  func.func @transform_2(%arg0: i32) -> (i32, i32) {
    %c0_i32 = arith.constant 0 : i32
    %c0_i32_0 = arith.constant 0 : i32
    return %arg0, %c0_i32 : i32, i32
  }
}

module attributes {stable_mosaic.version = 14 : i64} {
  func.func @_edge_kernel(%arg0: i32, %arg1: memref<3x6400xf32, #tpu.memory_space<vmem>>, %arg2: memref<6400x128xf32, #tpu.memory_space<vmem>>, %arg3: memref<8x64xf32, #tpu.memory_space<vmem>>, %arg4: memref<64x64xf32, #tpu.memory_space<vmem>>, %arg5: memref<64x248xf32, #tpu.memory_space<vmem>>, %arg6: memref<248x128xf32, #tpu.memory_space<vmem>>, %arg7: memref<248x128xf32, #tpu.memory_space<vmem>>, %arg8: memref<6400x128xf32, #tpu.memory_space<vmem>>, %arg9: memref<6400x128xf32, #tpu.memory_space<vmem>>) attributes {dimension_semantics = [#tpu.dimension_semantics<arbitrary>], iteration_bounds = array<i64: 25>, scalar_prefetch = 0 : i64, scratch_operands = 0 : i64, tpu.core_type = #tpu.core_type<tc>, window_params = [{transform_indices = @transform_0, window_bounds = array<i64: 3, 6400>}, {transform_indices = @transform_1, window_bounds = array<i64: 6400, 128>}, {pipeline_mode = #tpu.pipeline_mode<synchronous>, transform_indices = @transform_2, window_bounds = array<i64: 8, 64>}, {pipeline_mode = #tpu.pipeline_mode<synchronous>, transform_indices = @transform_3, window_bounds = array<i64: 64, 64>}, {pipeline_mode = #tpu.pipeline_mode<synchronous>, transform_indices = @transform_4, window_bounds = array<i64: 64, 248>}, {pipeline_mode = #tpu.pipeline_mode<synchronous>, transform_indices = @transform_5, window_bounds = array<i64: 248, 128>}, {pipeline_mode = #tpu.pipeline_mode<synchronous>, transform_indices = @transform_6, window_bounds = array<i64: 248, 128>}, {transform_indices = @transform_7, window_bounds = array<i64: 6400, 128>}, {transform_indices = @transform_8, window_bounds = array<i64: 6400, 128>}]} {
    %get3A = arith.constant 0 : index
    %get3A_0 = arith.constant 0 : index
    %get3A_1 = vector.load %arg1[%get3A, %get3A_0] : memref<3x6400xf32, #tpu.memory_space<vmem>>, vector<3x6400xf32>
    %slice3A = vector.extract_strided_slice %get3A_1 {offsets = [0, 0], sizes = [1, 6400], strides = [1, 1]} : vector<3x6400xf32> to vector<1x6400xf32>
    %slice3A_2 = vector.extract_strided_slice %get3A_1 {offsets = [1, 0], sizes = [1, 6400], strides = [1, 1]} : vector<3x6400xf32> to vector<1x6400xf32>
    %slice3A_3 = vector.extract_strided_slice %get3A_1 {offsets = [2, 0], sizes = [1, 6400], strides = [1, 1]} : vector<3x6400xf32> to vector<1x6400xf32>
    %mul3A = arith.mulf %slice3A, %slice3A : vector<1x6400xf32>
    %mul3A_4 = arith.mulf %slice3A_2, %slice3A_2 : vector<1x6400xf32>
    %add3A = arith.addf %mul3A, %mul3A_4 : vector<1x6400xf32>
    %mul3A_5 = arith.mulf %slice3A_3, %slice3A_3 : vector<1x6400xf32>
    %add3A_6 = arith.addf %add3A, %mul3A_5 : vector<1x6400xf32>
    %sqrt3A = math.sqrt %add3A_6 : vector<1x6400xf32>
    %eq3A = arith.constant 0.000000e+00 : f32
    %eq3A_7 = vector.broadcast %eq3A : f32 to vector<1x6400xf32>
    %eq3A_8 = arith.cmpf oeq, %sqrt3A, %eq3A_7 : vector<1x6400xf32>
    %jit3A = arith.constant 1.000000e+00 : f32
    %broadcast_in_dim3A = vector.broadcast %jit3A : f32 to vector<1x6400xf32>
    %select_n3A = arith.select %eq3A_8, %broadcast_in_dim3A, %sqrt3A : vector<1x6400xi1>, vector<1x6400xf32>
    %div3A = arith.constant 1.000000e+00 : f32
    %div3A_9 = vector.broadcast %div3A : f32 to vector<1x6400xf32>
    %div3A_10 = arith.divf %div3A_9, %select_n3A : vector<1x6400xf32>
    %mul3A_11 = arith.mulf %slice3A, %div3A_10 : vector<1x6400xf32>
    %mul3A_12 = arith.mulf %slice3A_2, %div3A_10 : vector<1x6400xf32>
    %mul3A_13 = arith.mulf %slice3A_3, %div3A_10 : vector<1x6400xf32>
    %mul3A_14 = arith.mulf %mul3A_13, %mul3A_13 : vector<1x6400xf32>
    %mul3A_15 = arith.constant 1.73205078 : f32
    %mul3A_16 = vector.broadcast %mul3A_15 : f32 to vector<1x6400xf32>
    %mul3A_17 = arith.mulf %mul3A_16, %mul3A_11 : vector<1x6400xf32>
    %mul3A_18 = arith.constant 1.73205078 : f32
    %mul3A_19 = vector.broadcast %mul3A_18 : f32 to vector<1x6400xf32>
    %mul3A_20 = arith.mulf %mul3A_19, %mul3A_12 : vector<1x6400xf32>
    %mul3A_21 = arith.constant 1.73205078 : f32
    %mul3A_22 = vector.broadcast %mul3A_21 : f32 to vector<1x6400xf32>
    %mul3A_23 = arith.mulf %mul3A_22, %mul3A_13 : vector<1x6400xf32>
    %mul3A_24 = arith.constant 3.87298346 : f32
    %mul3A_25 = vector.broadcast %mul3A_24 : f32 to vector<1x6400xf32>
    %mul3A_26 = arith.mulf %mul3A_25, %mul3A_11 : vector<1x6400xf32>
    %mul3A_27 = arith.mulf %mul3A_26, %mul3A_12 : vector<1x6400xf32>
    %mul3A_28 = arith.constant 3.87298346 : f32
    %mul3A_29 = vector.broadcast %mul3A_28 : f32 to vector<1x6400xf32>
    %mul3A_30 = arith.mulf %mul3A_29, %mul3A_12 : vector<1x6400xf32>
    %mul3A_31 = arith.mulf %mul3A_30, %mul3A_13 : vector<1x6400xf32>
    %mul3A_32 = arith.constant 3.000000e+00 : f32
    %mul3A_33 = vector.broadcast %mul3A_32 : f32 to vector<1x6400xf32>
    %mul3A_34 = arith.mulf %mul3A_33, %mul3A_14 : vector<1x6400xf32>
    %sub3A = arith.constant 1.000000e+00 : f32
    %sub3A_35 = vector.broadcast %sub3A : f32 to vector<1x6400xf32>
    %sub3A_36 = arith.subf %mul3A_34, %sub3A_35 : vector<1x6400xf32>
    %mul3A_37 = arith.constant 1.11803401 : f32
    %mul3A_38 = vector.broadcast %mul3A_37 : f32 to vector<1x6400xf32>
    %mul3A_39 = arith.mulf %mul3A_38, %sub3A_36 : vector<1x6400xf32>
    %mul3A_40 = arith.constant 3.87298346 : f32
    %mul3A_41 = vector.broadcast %mul3A_40 : f32 to vector<1x6400xf32>
    %mul3A_42 = arith.mulf %mul3A_41, %mul3A_11 : vector<1x6400xf32>
    %mul3A_43 = arith.mulf %mul3A_42, %mul3A_13 : vector<1x6400xf32>
    %mul3A_44 = arith.mulf %mul3A_11, %mul3A_11 : vector<1x6400xf32>
    %mul3A_45 = arith.mulf %mul3A_12, %mul3A_12 : vector<1x6400xf32>
    %sub3A_46 = arith.subf %mul3A_44, %mul3A_45 : vector<1x6400xf32>
    %mul3A_47 = arith.constant 1.93649173 : f32
    %mul3A_48 = vector.broadcast %mul3A_47 : f32 to vector<1x6400xf32>
    %mul3A_49 = arith.mulf %mul3A_48, %sub3A_46 : vector<1x6400xf32>
    %mul3A_50 = arith.constant 2.091650e+00 : f32
    %mul3A_51 = vector.broadcast %mul3A_50 : f32 to vector<1x6400xf32>
    %mul3A_52 = arith.mulf %mul3A_51, %mul3A_12 : vector<1x6400xf32>
    %mul3A_53 = arith.constant 3.000000e+00 : f32
    %mul3A_54 = vector.broadcast %mul3A_53 : f32 to vector<1x6400xf32>
    %mul3A_55 = arith.mulf %mul3A_54, %mul3A_11 : vector<1x6400xf32>
    %mul3A_56 = arith.mulf %mul3A_55, %mul3A_11 : vector<1x6400xf32>
    %mul3A_57 = arith.mulf %mul3A_12, %mul3A_12 : vector<1x6400xf32>
    %sub3A_58 = arith.subf %mul3A_56, %mul3A_57 : vector<1x6400xf32>
    %mul3A_59 = arith.mulf %mul3A_52, %sub3A_58 : vector<1x6400xf32>
    %mul3A_60 = arith.constant 10.2469511 : f32
    %mul3A_61 = vector.broadcast %mul3A_60 : f32 to vector<1x6400xf32>
    %mul3A_62 = arith.mulf %mul3A_61, %mul3A_11 : vector<1x6400xf32>
    %mul3A_63 = arith.mulf %mul3A_62, %mul3A_12 : vector<1x6400xf32>
    %mul3A_64 = arith.mulf %mul3A_63, %mul3A_13 : vector<1x6400xf32>
    %mul3A_65 = arith.constant 1.62018514 : f32
    %mul3A_66 = vector.broadcast %mul3A_65 : f32 to vector<1x6400xf32>
    %mul3A_67 = arith.mulf %mul3A_66, %mul3A_12 : vector<1x6400xf32>
    %mul3A_68 = arith.constant 5.000000e+00 : f32
    %mul3A_69 = vector.broadcast %mul3A_68 : f32 to vector<1x6400xf32>
    %mul3A_70 = arith.mulf %mul3A_69, %mul3A_14 : vector<1x6400xf32>
    %sub3A_71 = arith.constant 1.000000e+00 : f32
    %sub3A_72 = vector.broadcast %sub3A_71 : f32 to vector<1x6400xf32>
    %sub3A_73 = arith.subf %mul3A_70, %sub3A_72 : vector<1x6400xf32>
    %mul3A_74 = arith.mulf %mul3A_67, %sub3A_73 : vector<1x6400xf32>
    %mul3A_75 = arith.constant 1.32287562 : f32
    %mul3A_76 = vector.broadcast %mul3A_75 : f32 to vector<1x6400xf32>
    %mul3A_77 = arith.mulf %mul3A_76, %mul3A_13 : vector<1x6400xf32>
    %mul3A_78 = arith.constant 5.000000e+00 : f32
    %mul3A_79 = vector.broadcast %mul3A_78 : f32 to vector<1x6400xf32>
    %mul3A_80 = arith.mulf %mul3A_79, %mul3A_14 : vector<1x6400xf32>
    %sub3A_81 = arith.constant 3.000000e+00 : f32
    %sub3A_82 = vector.broadcast %sub3A_81 : f32 to vector<1x6400xf32>
    %sub3A_83 = arith.subf %mul3A_80, %sub3A_82 : vector<1x6400xf32>
    %mul3A_84 = arith.mulf %mul3A_77, %sub3A_83 : vector<1x6400xf32>
    %mul3A_85 = arith.constant 1.62018514 : f32
    %mul3A_86 = vector.broadcast %mul3A_85 : f32 to vector<1x6400xf32>
    %mul3A_87 = arith.mulf %mul3A_86, %mul3A_11 : vector<1x6400xf32>
    %mul3A_88 = arith.constant 5.000000e+00 : f32
    %mul3A_89 = vector.broadcast %mul3A_88 : f32 to vector<1x6400xf32>
    %mul3A_90 = arith.mulf %mul3A_89, %mul3A_14 : vector<1x6400xf32>
    %sub3A_91 = arith.constant 1.000000e+00 : f32
    %sub3A_92 = vector.broadcast %sub3A_91 : f32 to vector<1x6400xf32>
    %sub3A_93 = arith.subf %mul3A_90, %sub3A_92 : vector<1x6400xf32>
    %mul3A_94 = arith.mulf %mul3A_87, %sub3A_93 : vector<1x6400xf32>
    %mul3A_95 = arith.constant 5.12347555 : f32
    %mul3A_96 = vector.broadcast %mul3A_95 : f32 to vector<1x6400xf32>
    %mul3A_97 = arith.mulf %mul3A_96, %mul3A_13 : vector<1x6400xf32>
    %mul3A_98 = arith.mulf %mul3A_11, %mul3A_11 : vector<1x6400xf32>
    %mul3A_99 = arith.mulf %mul3A_12, %mul3A_12 : vector<1x6400xf32>
    %sub3A_100 = arith.subf %mul3A_98, %mul3A_99 : vector<1x6400xf32>
    %mul3A_101 = arith.mulf %mul3A_97, %sub3A_100 : vector<1x6400xf32>
    %mul3A_102 = arith.constant 2.091650e+00 : f32
    %mul3A_103 = vector.broadcast %mul3A_102 : f32 to vector<1x6400xf32>
    %mul3A_104 = arith.mulf %mul3A_103, %mul3A_11 : vector<1x6400xf32>
    %mul3A_105 = arith.mulf %mul3A_11, %mul3A_11 : vector<1x6400xf32>
    %mul3A_106 = arith.constant 3.000000e+00 : f32
    %mul3A_107 = vector.broadcast %mul3A_106 : f32 to vector<1x6400xf32>
    %mul3A_108 = arith.mulf %mul3A_107, %mul3A_12 : vector<1x6400xf32>
    %mul3A_109 = arith.mulf %mul3A_108, %mul3A_12 : vector<1x6400xf32>
    %sub3A_110 = arith.subf %mul3A_105, %mul3A_109 : vector<1x6400xf32>
    %mul3A_111 = arith.mulf %mul3A_104, %sub3A_110 : vector<1x6400xf32>
    %concatenate3A = tpu.concatenate %mul3A_17, %mul3A_20, %mul3A_23, %mul3A_27, %mul3A_31, %mul3A_39, %mul3A_43, %mul3A_49, %mul3A_59, %mul3A_64, %mul3A_74, %mul3A_84, %mul3A_94, %mul3A_101, %mul3A_111 in 0 : vector<1x6400xf32>, vector<1x6400xf32>, vector<1x6400xf32>, vector<1x6400xf32>, vector<1x6400xf32>, vector<1x6400xf32>, vector<1x6400xf32>, vector<1x6400xf32>, vector<1x6400xf32>, vector<1x6400xf32>, vector<1x6400xf32>, vector<1x6400xf32>, vector<1x6400xf32>, vector<1x6400xf32>, vector<1x6400xf32> -> vector<15x6400xf32>
    %iota3A = tpu.iota {dimensions = array<i32: 0>} : vector<8x1xi32>
    %add3A_112 = arith.constant 1 : i32
    %add3A_113 = vector.broadcast %add3A_112 : i32 to vector<8x1xi32>
    %add3A_114 = arith.addi %iota3A, %add3A_113 : vector<8x1xi32>
    %convert_element_type3A = arith.sitofp %add3A_114 : vector<8x1xi32> to vector<8x1xf32>
    %mul3A_115 = arith.constant 3.14159274 : f32
    %mul3A_116 = vector.broadcast %mul3A_115 : f32 to vector<8x1xf32>
    %mul3A_117 = arith.mulf %mul3A_116, %convert_element_type3A : vector<8x1xf32>
    %mul3A_118 = vector.broadcast %mul3A_117 : vector<8x1xf32> to vector<8x6400xf32>
    %mul3A_119 = vector.broadcast %sqrt3A : vector<1x6400xf32> to vector<8x6400xf32>
    %mul3A_120 = arith.mulf %mul3A_118, %mul3A_119 : vector<8x6400xf32>
    %sin3A = math.sin %mul3A_120 : vector<8x6400xf32>
    %mul3A_121 = arith.constant 1.41421354 : f32
    %mul3A_122 = vector.broadcast %mul3A_121 : f32 to vector<8x6400xf32>
    %mul3A_123 = arith.mulf %mul3A_122, %sin3A : vector<8x6400xf32>
    %mul3A_124 = vector.broadcast %div3A_10 : vector<1x6400xf32> to vector<8x6400xf32>
    %mul3A_125 = arith.mulf %mul3A_123, %mul3A_124 : vector<8x6400xf32>
    %broadcast_in_dim3A_126 = arith.constant 0.000000e+00 : f32
    %broadcast_in_dim3A_127 = vector.broadcast %broadcast_in_dim3A_126 : f32 to vector<1x6400xf32>
    %concatenate3A_128 = tpu.concatenate %concatenate3A, %mul3A_125, %broadcast_in_dim3A_127 in 0 : vector<15x6400xf32>, vector<8x6400xf32>, vector<1x6400xf32> -> vector<24x6400xf32>
    %transpose3A = tpu.transpose %concatenate3A_128, [1, 0] : vector<24x6400xf32> -> vector<6400x24xf32>
    %slice3A_129 = vector.extract_strided_slice %transpose3A {offsets = [0, 0], sizes = [6400, 15], strides = [1, 1]} : vector<6400x24xf32> to vector<6400x15xf32>
    %slice3A_130 = vector.extract_strided_slice %transpose3A {offsets = [0, 15], sizes = [6400, 8], strides = [1, 1]} : vector<6400x24xf32> to vector<6400x8xf32>
    %get3A_131 = arith.constant 0 : index
    %get3A_132 = arith.constant 0 : index
    %get3A_133 = vector.load %arg3[%get3A_131, %get3A_132] : memref<8x64xf32, #tpu.memory_space<vmem>>, vector<8x64xf32>
    %dot_general3A = arith.constant dense<0.000000e+00> : vector<6400x64xf32>
    %dot_general3A_134 = tpu.matmul %slice3A_130, %get3A_133, %dot_general3A {dimension_numbers = #tpu.dot_dimension_numbers<[1], [0], [0], [1], [0, 0, 1, 1], [], []>, transpose_lhs_hint = false} : vector<6400x8xf32>, vector<8x64xf32>, vector<6400x64xf32> -> vector<6400x64xf32>
    %logistic3A = arith.negf %dot_general3A_134 : vector<6400x64xf32>
    %logistic3A_135 = math.exp %logistic3A : vector<6400x64xf32>
    %logistic3A_136 = arith.constant 1.000000e+00 : f32
    %logistic3A_137 = vector.broadcast %logistic3A_136 : f32 to vector<6400x64xf32>
    %logistic3A_138 = arith.addf %logistic3A_137, %logistic3A_135 : vector<6400x64xf32>
    %logistic3A_139 = arith.divf %logistic3A_137, %logistic3A_138 : vector<6400x64xf32>
    %mul3A_140 = arith.mulf %dot_general3A_134, %logistic3A_139 : vector<6400x64xf32>
    %get3A_141 = arith.constant 0 : index
    %get3A_142 = arith.constant 0 : index
    %get3A_143 = vector.load %arg4[%get3A_141, %get3A_142] : memref<64x64xf32, #tpu.memory_space<vmem>>, vector<64x64xf32>
    %dot_general3A_144 = arith.constant dense<0.000000e+00> : vector<6400x64xf32>
    %dot_general3A_145 = tpu.matmul %mul3A_140, %get3A_143, %dot_general3A_144 {dimension_numbers = #tpu.dot_dimension_numbers<[1], [0], [0], [1], [0, 0, 1, 1], [], []>, transpose_lhs_hint = false} : vector<6400x64xf32>, vector<64x64xf32>, vector<6400x64xf32> -> vector<6400x64xf32>
    %logistic3A_146 = arith.negf %dot_general3A_145 : vector<6400x64xf32>
    %logistic3A_147 = math.exp %logistic3A_146 : vector<6400x64xf32>
    %logistic3A_148 = arith.constant 1.000000e+00 : f32
    %logistic3A_149 = vector.broadcast %logistic3A_148 : f32 to vector<6400x64xf32>
    %logistic3A_150 = arith.addf %logistic3A_149, %logistic3A_147 : vector<6400x64xf32>
    %logistic3A_151 = arith.divf %logistic3A_149, %logistic3A_150 : vector<6400x64xf32>
    %mul3A_152 = arith.mulf %dot_general3A_145, %logistic3A_151 : vector<6400x64xf32>
    %convert_element_type3A_153 = arith.truncf %mul3A_152 : vector<6400x64xf32> to vector<6400x64xbf16>
    %get3A_154 = arith.constant 0 : index
    %get3A_155 = arith.constant 0 : index
    %get3A_156 = vector.load %arg5[%get3A_154, %get3A_155] : memref<64x248xf32, #tpu.memory_space<vmem>>, vector<64x248xf32>
    %convert_element_type3A_157 = arith.truncf %get3A_156 : vector<64x248xf32> to vector<64x248xbf16>
    %dot_general3A_158 = arith.constant dense<0.000000e+00> : vector<6400x248xf32>
    %dot_general3A_159 = tpu.matmul %convert_element_type3A_153, %convert_element_type3A_157, %dot_general3A_158 {dimension_numbers = #tpu.dot_dimension_numbers<[1], [0], [0], [1], [0, 0, 1, 1], [], []>, transpose_lhs_hint = false} : vector<6400x64xbf16>, vector<64x248xbf16>, vector<6400x248xf32> -> vector<6400x248xf32>
    %get3A_160 = arith.constant 0 : index
    %get3A_161 = arith.constant 0 : index
    %get3A_162 = vector.load %arg2[%get3A_160, %get3A_161] : memref<6400x128xf32, #tpu.memory_space<vmem>>, vector<6400x128xf32>
    %iota3A_163 = tpu.iota {dimensions = array<i32: 0>} : vector<8x120xi32>
    %iota3A_164 = tpu.iota {dimensions = array<i32: 1>} : vector<8x120xi32>
    %jit3A_165 = arith.constant 15 : i32
    %div3A_166 = vector.broadcast %jit3A_165 : i32 to vector<8x120xi32>
    %div3A_167 = arith.divsi %iota3A_164, %div3A_166 : vector<8x120xi32>
    %sign3A = arith.constant 0 : i32
    %sign3A_168 = vector.broadcast %sign3A : i32 to vector<8x120xi32>
    %sign3A_169 = arith.cmpi sgt, %iota3A_164, %sign3A_168 : vector<8x120xi32>
    %sign3A_170 = arith.extui %sign3A_169 : vector<8x120xi1> to vector<8x120xi32>
    %sign3A_171 = arith.constant 0 : i32
    %sign3A_172 = vector.broadcast %sign3A_171 : i32 to vector<8x120xi32>
    %sign3A_173 = arith.cmpi slt, %iota3A_164, %sign3A_172 : vector<8x120xi32>
    %sign3A_174 = arith.extui %sign3A_173 : vector<8x120xi1> to vector<8x120xi32>
    %sign3A_175 = arith.subi %sign3A_170, %sign3A_174 : vector<8x120xi32>
    %sign3A_176 = arith.constant 0 : i32
    %sign3A_177 = arith.cmpi sgt, %jit3A_165, %sign3A_176 : i32
    %sign3A_178 = arith.extui %sign3A_177 : i1 to i32
    %sign3A_179 = arith.constant 0 : i32
    %sign3A_180 = arith.cmpi slt, %jit3A_165, %sign3A_179 : i32
    %sign3A_181 = arith.extui %sign3A_180 : i1 to i32
    %sign3A_182 = arith.subi %sign3A_178, %sign3A_181 : i32
    %ne3A = vector.broadcast %sign3A_182 : i32 to vector<8x120xi32>
    %ne3A_183 = arith.cmpi ne, %sign3A_175, %ne3A : vector<8x120xi32>
    %rem3A = vector.broadcast %jit3A_165 : i32 to vector<8x120xi32>
    %rem3A_184 = arith.remsi %iota3A_164, %rem3A : vector<8x120xi32>
    %ne3A_185 = arith.constant 0 : i32
    %ne3A_186 = vector.broadcast %ne3A_185 : i32 to vector<8x120xi32>
    %ne3A_187 = arith.cmpi ne, %rem3A_184, %ne3A_186 : vector<8x120xi32>
    %and3A = arith.andi %ne3A_183, %ne3A_187 : vector<8x120xi1>
    %sub3A_188 = arith.constant 1 : i32
    %sub3A_189 = vector.broadcast %sub3A_188 : i32 to vector<8x120xi32>
    %sub3A_190 = arith.subi %div3A_167, %sub3A_189 : vector<8x120xi32>
    %select_n3A_191 = arith.select %and3A, %sub3A_190, %div3A_167 : vector<8x120xi1>, vector<8x120xi32>
    %eq3A_192 = arith.cmpi eq, %select_n3A_191, %iota3A_163 : vector<8x120xi32>
    %convert_element_type3A_193 = arith.extui %eq3A_192 : vector<8x120xi1> to vector<8x120xi32>
    %convert_element_type3A_194 = arith.sitofp %convert_element_type3A_193 : vector<8x120xi32> to vector<8x120xf32>
    %iota3A_195 = tpu.iota {dimensions = array<i32: 0>} : vector<15x120xi32>
    %iota3A_196 = tpu.iota {dimensions = array<i32: 1>} : vector<15x120xi32>
    %jit3A_197 = arith.constant 15 : i32
    %eq3A_198 = arith.constant 0 : i32
    %eq3A_199 = arith.cmpi eq, %jit3A_197, %eq3A_198 : i32
    %jit3A_200 = arith.constant 1 : i32
    %select_n3A_201 = arith.select %eq3A_199, %jit3A_200, %jit3A_197 : i32
    %rem3A_202 = vector.broadcast %select_n3A_201 : i32 to vector<15x120xi32>
    %rem3A_203 = arith.remsi %iota3A_196, %rem3A_202 : vector<15x120xi32>
    %ne3A_204 = arith.constant 0 : i32
    %ne3A_205 = vector.broadcast %ne3A_204 : i32 to vector<15x120xi32>
    %ne3A_206 = arith.cmpi ne, %rem3A_203, %ne3A_205 : vector<15x120xi32>
    %lt3A = arith.constant 0 : i32
    %lt3A_207 = vector.broadcast %lt3A : i32 to vector<15x120xi32>
    %lt3A_208 = arith.cmpi slt, %rem3A_203, %lt3A_207 : vector<15x120xi32>
    %lt3A_209 = arith.constant 0 : i32
    %lt3A_210 = arith.cmpi slt, %select_n3A_201, %lt3A_209 : i32
    %ne3A_211 = vector.broadcast %lt3A_210 : i1 to vector<15x120xi1>
    %ne3A_212 = vector.broadcast %ne3A_211 : vector<15x120xi1> to vector<15x120xi1>
    %ne3A_213 = arith.xori %lt3A_208, %ne3A_212 : vector<15x120xi1>
    %and3A_214 = arith.andi %ne3A_213, %ne3A_206 : vector<15x120xi1>
    %add3A_215 = vector.broadcast %select_n3A_201 : i32 to vector<15x120xi32>
    %add3A_216 = arith.addi %rem3A_203, %add3A_215 : vector<15x120xi32>
    %select_n3A_217 = arith.select %and3A_214, %add3A_216, %rem3A_203 : vector<15x120xi1>, vector<15x120xi32>
    %eq3A_218 = arith.cmpi eq, %select_n3A_217, %iota3A_195 : vector<15x120xi32>
    %convert_element_type3A_219 = arith.extui %eq3A_218 : vector<15x120xi1> to vector<15x120xi32>
    %convert_element_type3A_220 = arith.sitofp %convert_element_type3A_219 : vector<15x120xi32> to vector<15x120xf32>
    %slice3A_221 = vector.extract_strided_slice %get3A_162 {offsets = [0, 0], sizes = [6400, 8], strides = [1, 1]} : vector<6400x128xf32> to vector<6400x8xf32>
    %dot_general3A_222 = arith.constant dense<0.000000e+00> : vector<6400x120xf32>
    %dot_general3A_223 = tpu.matmul %slice3A_221, %convert_element_type3A_194, %dot_general3A_222 {dimension_numbers = #tpu.dot_dimension_numbers<[1], [0], [0], [1], [0, 0, 1, 1], [], []>, transpose_lhs_hint = false} : vector<6400x8xf32>, vector<8x120xf32>, vector<6400x120xf32> -> vector<6400x120xf32>
    %dot_general3A_224 = arith.constant dense<0.000000e+00> : vector<6400x120xf32>
    %dot_general3A_225 = tpu.matmul %slice3A_129, %convert_element_type3A_220, %dot_general3A_224 {dimension_numbers = #tpu.dot_dimension_numbers<[1], [0], [0], [1], [0, 0, 1, 1], [], []>, transpose_lhs_hint = false} : vector<6400x15xf32>, vector<15x120xf32>, vector<6400x120xf32> -> vector<6400x120xf32>
    %mul3A_226 = arith.mulf %dot_general3A_223, %dot_general3A_225 : vector<6400x120xf32>
    %concatenate3A_227 = tpu.concatenate %get3A_162, %mul3A_226 in 1 : vector<6400x128xf32>, vector<6400x120xf32> -> vector<6400x248xf32>
    %mul3A_228 = arith.mulf %concatenate3A_227, %dot_general3A_159 : vector<6400x248xf32>
    %convert_element_type3A_229 = arith.truncf %mul3A_228 : vector<6400x248xf32> to vector<6400x248xbf16>
    %get3A_230 = arith.constant 0 : index
    %get3A_231 = arith.constant 0 : index
    %get3A_232 = vector.load %arg6[%get3A_230, %get3A_231] : memref<248x128xf32, #tpu.memory_space<vmem>>, vector<248x128xf32>
    %convert_element_type3A_233 = arith.truncf %get3A_232 : vector<248x128xf32> to vector<248x128xbf16>
    %dot_general3A_234 = arith.constant dense<0.000000e+00> : vector<6400x128xf32>
    %dot_general3A_235 = tpu.matmul %convert_element_type3A_229, %convert_element_type3A_233, %dot_general3A_234 {dimension_numbers = #tpu.dot_dimension_numbers<[1], [0], [0], [1], [0, 0, 1, 1], [], []>, transpose_lhs_hint = false} : vector<6400x248xbf16>, vector<248x128xbf16>, vector<6400x128xf32> -> vector<6400x128xf32>
    %mul3A_236 = arith.constant 0.176776692 : f32
    %mul3A_237 = vector.broadcast %mul3A_236 : f32 to vector<6400x128xf32>
    %mul3A_238 = arith.mulf %dot_general3A_235, %mul3A_237 : vector<6400x128xf32>
    %swap3A = arith.constant 0 : index
    %swap3A_239 = arith.constant 0 : index
    %swap3A_240 = vector.load %arg8[%swap3A, %swap3A_239] : memref<6400x128xf32, #tpu.memory_space<vmem>>, vector<6400x128xf32>
    tpu.vector_store %arg8[%swap3A, %swap3A_239], %mul3A_238 {strides = array<i32>} : memref<6400x128xf32, #tpu.memory_space<vmem>>, vector<6400x128xf32>,
    %get3A_241 = arith.constant 0 : index
    %get3A_242 = arith.constant 0 : index
    %get3A_243 = vector.load %arg7[%get3A_241, %get3A_242] : memref<248x128xf32, #tpu.memory_space<vmem>>, vector<248x128xf32>
    %convert_element_type3A_244 = arith.truncf %get3A_243 : vector<248x128xf32> to vector<248x128xbf16>
    %dot_general3A_245 = arith.constant dense<0.000000e+00> : vector<6400x128xf32>
    %dot_general3A_246 = tpu.matmul %convert_element_type3A_229, %convert_element_type3A_244, %dot_general3A_245 {dimension_numbers = #tpu.dot_dimension_numbers<[1], [0], [0], [1], [0, 0, 1, 1], [], []>, transpose_lhs_hint = false} : vector<6400x248xbf16>, vector<248x128xbf16>, vector<6400x128xf32> -> vector<6400x128xf32>
    %mul3A_247 = arith.constant 0.176776692 : f32
    %mul3A_248 = vector.broadcast %mul3A_247 : f32 to vector<6400x128xf32>
    %mul3A_249 = arith.mulf %dot_general3A_246, %mul3A_248 : vector<6400x128xf32>
    %swap3A_250 = arith.constant 0 : index
    %swap3A_251 = arith.constant 0 : index
    %swap3A_252 = vector.load %arg9[%swap3A_250, %swap3A_251] : memref<6400x128xf32, #tpu.memory_space<vmem>>, vector<6400x128xf32>
    tpu.vector_store %arg9[%swap3A_250, %swap3A_251], %mul3A_249 {strides = array<i32>} : memref<6400x128xf32, #tpu.memory_space<vmem>>, vector<6400x128xf32>,
    return
  }
  func.func @transform_0(%arg0: i32) -> (i32, i32) {
    %add3A = arith.constant 25 : i32
    %add3A_0 = arith.addi %arg0, %add3A : i32
    %c0_i32 = arith.constant 0 : i32
    %c0_i32_1 = arith.constant 0 : i32
    return %c0_i32, %add3A_0 : i32, i32
  }
  func.func @transform_1(%arg0: i32) -> (i32, i32) {
    %c0_i32 = arith.constant 0 : i32
    %c0_i32_0 = arith.constant 0 : i32
    return %arg0, %c0_i32 : i32, i32
  }
  func.func @transform_2(%arg0: i32) -> (i32, i32) {
    %c0_i32 = arith.constant 0 : i32
    %c0_i32_0 = arith.constant 0 : i32
    %c0_i32_1 = arith.constant 0 : i32
    return %c0_i32, %c0_i32_0 : i32, i32
  }
  func.func @transform_3(%arg0: i32) -> (i32, i32) {
    %c0_i32 = arith.constant 0 : i32
    %c0_i32_0 = arith.constant 0 : i32
    %c0_i32_1 = arith.constant 0 : i32
    return %c0_i32, %c0_i32_0 : i32, i32
  }
  func.func @transform_4(%arg0: i32) -> (i32, i32) {
    %c0_i32 = arith.constant 0 : i32
    %c0_i32_0 = arith.constant 0 : i32
    %c0_i32_1 = arith.constant 0 : i32
    return %c0_i32, %c0_i32_0 : i32, i32
  }
  func.func @transform_5(%arg0: i32) -> (i32, i32) {
    %c0_i32 = arith.constant 0 : i32
    %c0_i32_0 = arith.constant 0 : i32
    %c0_i32_1 = arith.constant 0 : i32
    return %c0_i32, %c0_i32_0 : i32, i32
  }
  func.func @transform_6(%arg0: i32) -> (i32, i32) {
    %c0_i32 = arith.constant 0 : i32
    %c0_i32_0 = arith.constant 0 : i32
    %c0_i32_1 = arith.constant 0 : i32
    return %c0_i32, %c0_i32_0 : i32, i32
  }
  func.func @transform_7(%arg0: i32) -> (i32, i32) {
    %c0_i32 = arith.constant 0 : i32
    %c0_i32_0 = arith.constant 0 : i32
    return %arg0, %c0_i32 : i32, i32
  }
  func.func @transform_8(%arg0: i32) -> (i32, i32) {
    %c0_i32 = arith.constant 0 : i32
    %c0_i32_0 = arith.constant 0 : i32
    return %arg0, %c0_i32 : i32, i32
  }
}

module attributes {stable_mosaic.version = 14 : i64} {
  func.func @_edge_kernel(%arg0: i32, %arg1: memref<3x6400xf32, #tpu.memory_space<vmem>>, %arg2: memref<6400x128xf32, #tpu.memory_space<vmem>>, %arg3: memref<8x64xf32, #tpu.memory_space<vmem>>, %arg4: memref<64x64xf32, #tpu.memory_space<vmem>>, %arg5: memref<64x248xf32, #tpu.memory_space<vmem>>, %arg6: memref<248x128xf32, #tpu.memory_space<vmem>>, %arg7: memref<248x128xf32, #tpu.memory_space<vmem>>, %arg8: memref<6400x128xf32, #tpu.memory_space<vmem>>, %arg9: memref<6400x128xf32, #tpu.memory_space<vmem>>) attributes {dimension_semantics = [#tpu.dimension_semantics<arbitrary>], iteration_bounds = array<i64: 25>, scalar_prefetch = 0 : i64, scratch_operands = 0 : i64, tpu.core_type = #tpu.core_type<tc>, window_params = [{transform_indices = @transform_0, window_bounds = array<i64: 3, 6400>}, {transform_indices = @transform_1, window_bounds = array<i64: 6400, 128>}, {pipeline_mode = #tpu.pipeline_mode<synchronous>, transform_indices = @transform_2, window_bounds = array<i64: 8, 64>}, {pipeline_mode = #tpu.pipeline_mode<synchronous>, transform_indices = @transform_3, window_bounds = array<i64: 64, 64>}, {pipeline_mode = #tpu.pipeline_mode<synchronous>, transform_indices = @transform_4, window_bounds = array<i64: 64, 248>}, {pipeline_mode = #tpu.pipeline_mode<synchronous>, transform_indices = @transform_5, window_bounds = array<i64: 248, 128>}, {pipeline_mode = #tpu.pipeline_mode<synchronous>, transform_indices = @transform_6, window_bounds = array<i64: 248, 128>}, {transform_indices = @transform_7, window_bounds = array<i64: 6400, 128>}, {transform_indices = @transform_8, window_bounds = array<i64: 6400, 128>}]} {
    %get3A = arith.constant 0 : index
    %get3A_0 = arith.constant 0 : index
    %get3A_1 = vector.load %arg1[%get3A, %get3A_0] : memref<3x6400xf32, #tpu.memory_space<vmem>>, vector<3x6400xf32>
    %slice3A = vector.extract_strided_slice %get3A_1 {offsets = [0, 0], sizes = [1, 6400], strides = [1, 1]} : vector<3x6400xf32> to vector<1x6400xf32>
    %slice3A_2 = vector.extract_strided_slice %get3A_1 {offsets = [1, 0], sizes = [1, 6400], strides = [1, 1]} : vector<3x6400xf32> to vector<1x6400xf32>
    %slice3A_3 = vector.extract_strided_slice %get3A_1 {offsets = [2, 0], sizes = [1, 6400], strides = [1, 1]} : vector<3x6400xf32> to vector<1x6400xf32>
    %mul3A = arith.mulf %slice3A, %slice3A : vector<1x6400xf32>
    %mul3A_4 = arith.mulf %slice3A_2, %slice3A_2 : vector<1x6400xf32>
    %add3A = arith.addf %mul3A, %mul3A_4 : vector<1x6400xf32>
    %mul3A_5 = arith.mulf %slice3A_3, %slice3A_3 : vector<1x6400xf32>
    %add3A_6 = arith.addf %add3A, %mul3A_5 : vector<1x6400xf32>
    %sqrt3A = math.sqrt %add3A_6 : vector<1x6400xf32>
    %eq3A = arith.constant 0.000000e+00 : f32
    %eq3A_7 = vector.broadcast %eq3A : f32 to vector<1x6400xf32>
    %eq3A_8 = arith.cmpf oeq, %sqrt3A, %eq3A_7 : vector<1x6400xf32>
    %jit3A = arith.constant 1.000000e+00 : f32
    %broadcast_in_dim3A = vector.broadcast %jit3A : f32 to vector<1x6400xf32>
    %select_n3A = arith.select %eq3A_8, %broadcast_in_dim3A, %sqrt3A : vector<1x6400xi1>, vector<1x6400xf32>
    %div3A = arith.constant 1.000000e+00 : f32
    %div3A_9 = vector.broadcast %div3A : f32 to vector<1x6400xf32>
    %div3A_10 = arith.divf %div3A_9, %select_n3A : vector<1x6400xf32>
    %mul3A_11 = arith.mulf %slice3A, %div3A_10 : vector<1x6400xf32>
    %mul3A_12 = arith.mulf %slice3A_2, %div3A_10 : vector<1x6400xf32>
    %mul3A_13 = arith.mulf %slice3A_3, %div3A_10 : vector<1x6400xf32>
    %mul3A_14 = arith.mulf %mul3A_13, %mul3A_13 : vector<1x6400xf32>
    %mul3A_15 = arith.constant 1.73205078 : f32
    %mul3A_16 = vector.broadcast %mul3A_15 : f32 to vector<1x6400xf32>
    %mul3A_17 = arith.mulf %mul3A_16, %mul3A_11 : vector<1x6400xf32>
    %mul3A_18 = arith.constant 1.73205078 : f32
    %mul3A_19 = vector.broadcast %mul3A_18 : f32 to vector<1x6400xf32>
    %mul3A_20 = arith.mulf %mul3A_19, %mul3A_12 : vector<1x6400xf32>
    %mul3A_21 = arith.constant 1.73205078 : f32
    %mul3A_22 = vector.broadcast %mul3A_21 : f32 to vector<1x6400xf32>
    %mul3A_23 = arith.mulf %mul3A_22, %mul3A_13 : vector<1x6400xf32>
    %mul3A_24 = arith.constant 3.87298346 : f32
    %mul3A_25 = vector.broadcast %mul3A_24 : f32 to vector<1x6400xf32>
    %mul3A_26 = arith.mulf %mul3A_25, %mul3A_11 : vector<1x6400xf32>
    %mul3A_27 = arith.mulf %mul3A_26, %mul3A_12 : vector<1x6400xf32>
    %mul3A_28 = arith.constant 3.87298346 : f32
    %mul3A_29 = vector.broadcast %mul3A_28 : f32 to vector<1x6400xf32>
    %mul3A_30 = arith.mulf %mul3A_29, %mul3A_12 : vector<1x6400xf32>
    %mul3A_31 = arith.mulf %mul3A_30, %mul3A_13 : vector<1x6400xf32>
    %mul3A_32 = arith.constant 3.000000e+00 : f32
    %mul3A_33 = vector.broadcast %mul3A_32 : f32 to vector<1x6400xf32>
    %mul3A_34 = arith.mulf %mul3A_33, %mul3A_14 : vector<1x6400xf32>
    %sub3A = arith.constant 1.000000e+00 : f32
    %sub3A_35 = vector.broadcast %sub3A : f32 to vector<1x6400xf32>
    %sub3A_36 = arith.subf %mul3A_34, %sub3A_35 : vector<1x6400xf32>
    %mul3A_37 = arith.constant 1.11803401 : f32
    %mul3A_38 = vector.broadcast %mul3A_37 : f32 to vector<1x6400xf32>
    %mul3A_39 = arith.mulf %mul3A_38, %sub3A_36 : vector<1x6400xf32>
    %mul3A_40 = arith.constant 3.87298346 : f32
    %mul3A_41 = vector.broadcast %mul3A_40 : f32 to vector<1x6400xf32>
    %mul3A_42 = arith.mulf %mul3A_41, %mul3A_11 : vector<1x6400xf32>
    %mul3A_43 = arith.mulf %mul3A_42, %mul3A_13 : vector<1x6400xf32>
    %mul3A_44 = arith.mulf %mul3A_11, %mul3A_11 : vector<1x6400xf32>
    %mul3A_45 = arith.mulf %mul3A_12, %mul3A_12 : vector<1x6400xf32>
    %sub3A_46 = arith.subf %mul3A_44, %mul3A_45 : vector<1x6400xf32>
    %mul3A_47 = arith.constant 1.93649173 : f32
    %mul3A_48 = vector.broadcast %mul3A_47 : f32 to vector<1x6400xf32>
    %mul3A_49 = arith.mulf %mul3A_48, %sub3A_46 : vector<1x6400xf32>
    %mul3A_50 = arith.constant 2.091650e+00 : f32
    %mul3A_51 = vector.broadcast %mul3A_50 : f32 to vector<1x6400xf32>
    %mul3A_52 = arith.mulf %mul3A_51, %mul3A_12 : vector<1x6400xf32>
    %mul3A_53 = arith.constant 3.000000e+00 : f32
    %mul3A_54 = vector.broadcast %mul3A_53 : f32 to vector<1x6400xf32>
    %mul3A_55 = arith.mulf %mul3A_54, %mul3A_11 : vector<1x6400xf32>
    %mul3A_56 = arith.mulf %mul3A_55, %mul3A_11 : vector<1x6400xf32>
    %mul3A_57 = arith.mulf %mul3A_12, %mul3A_12 : vector<1x6400xf32>
    %sub3A_58 = arith.subf %mul3A_56, %mul3A_57 : vector<1x6400xf32>
    %mul3A_59 = arith.mulf %mul3A_52, %sub3A_58 : vector<1x6400xf32>
    %mul3A_60 = arith.constant 10.2469511 : f32
    %mul3A_61 = vector.broadcast %mul3A_60 : f32 to vector<1x6400xf32>
    %mul3A_62 = arith.mulf %mul3A_61, %mul3A_11 : vector<1x6400xf32>
    %mul3A_63 = arith.mulf %mul3A_62, %mul3A_12 : vector<1x6400xf32>
    %mul3A_64 = arith.mulf %mul3A_63, %mul3A_13 : vector<1x6400xf32>
    %mul3A_65 = arith.constant 1.62018514 : f32
    %mul3A_66 = vector.broadcast %mul3A_65 : f32 to vector<1x6400xf32>
    %mul3A_67 = arith.mulf %mul3A_66, %mul3A_12 : vector<1x6400xf32>
    %mul3A_68 = arith.constant 5.000000e+00 : f32
    %mul3A_69 = vector.broadcast %mul3A_68 : f32 to vector<1x6400xf32>
    %mul3A_70 = arith.mulf %mul3A_69, %mul3A_14 : vector<1x6400xf32>
    %sub3A_71 = arith.constant 1.000000e+00 : f32
    %sub3A_72 = vector.broadcast %sub3A_71 : f32 to vector<1x6400xf32>
    %sub3A_73 = arith.subf %mul3A_70, %sub3A_72 : vector<1x6400xf32>
    %mul3A_74 = arith.mulf %mul3A_67, %sub3A_73 : vector<1x6400xf32>
    %mul3A_75 = arith.constant 1.32287562 : f32
    %mul3A_76 = vector.broadcast %mul3A_75 : f32 to vector<1x6400xf32>
    %mul3A_77 = arith.mulf %mul3A_76, %mul3A_13 : vector<1x6400xf32>
    %mul3A_78 = arith.constant 5.000000e+00 : f32
    %mul3A_79 = vector.broadcast %mul3A_78 : f32 to vector<1x6400xf32>
    %mul3A_80 = arith.mulf %mul3A_79, %mul3A_14 : vector<1x6400xf32>
    %sub3A_81 = arith.constant 3.000000e+00 : f32
    %sub3A_82 = vector.broadcast %sub3A_81 : f32 to vector<1x6400xf32>
    %sub3A_83 = arith.subf %mul3A_80, %sub3A_82 : vector<1x6400xf32>
    %mul3A_84 = arith.mulf %mul3A_77, %sub3A_83 : vector<1x6400xf32>
    %mul3A_85 = arith.constant 1.62018514 : f32
    %mul3A_86 = vector.broadcast %mul3A_85 : f32 to vector<1x6400xf32>
    %mul3A_87 = arith.mulf %mul3A_86, %mul3A_11 : vector<1x6400xf32>
    %mul3A_88 = arith.constant 5.000000e+00 : f32
    %mul3A_89 = vector.broadcast %mul3A_88 : f32 to vector<1x6400xf32>
    %mul3A_90 = arith.mulf %mul3A_89, %mul3A_14 : vector<1x6400xf32>
    %sub3A_91 = arith.constant 1.000000e+00 : f32
    %sub3A_92 = vector.broadcast %sub3A_91 : f32 to vector<1x6400xf32>
    %sub3A_93 = arith.subf %mul3A_90, %sub3A_92 : vector<1x6400xf32>
    %mul3A_94 = arith.mulf %mul3A_87, %sub3A_93 : vector<1x6400xf32>
    %mul3A_95 = arith.constant 5.12347555 : f32
    %mul3A_96 = vector.broadcast %mul3A_95 : f32 to vector<1x6400xf32>
    %mul3A_97 = arith.mulf %mul3A_96, %mul3A_13 : vector<1x6400xf32>
    %mul3A_98 = arith.mulf %mul3A_11, %mul3A_11 : vector<1x6400xf32>
    %mul3A_99 = arith.mulf %mul3A_12, %mul3A_12 : vector<1x6400xf32>
    %sub3A_100 = arith.subf %mul3A_98, %mul3A_99 : vector<1x6400xf32>
    %mul3A_101 = arith.mulf %mul3A_97, %sub3A_100 : vector<1x6400xf32>
    %mul3A_102 = arith.constant 2.091650e+00 : f32
    %mul3A_103 = vector.broadcast %mul3A_102 : f32 to vector<1x6400xf32>
    %mul3A_104 = arith.mulf %mul3A_103, %mul3A_11 : vector<1x6400xf32>
    %mul3A_105 = arith.mulf %mul3A_11, %mul3A_11 : vector<1x6400xf32>
    %mul3A_106 = arith.constant 3.000000e+00 : f32
    %mul3A_107 = vector.broadcast %mul3A_106 : f32 to vector<1x6400xf32>
    %mul3A_108 = arith.mulf %mul3A_107, %mul3A_12 : vector<1x6400xf32>
    %mul3A_109 = arith.mulf %mul3A_108, %mul3A_12 : vector<1x6400xf32>
    %sub3A_110 = arith.subf %mul3A_105, %mul3A_109 : vector<1x6400xf32>
    %mul3A_111 = arith.mulf %mul3A_104, %sub3A_110 : vector<1x6400xf32>
    %concatenate3A = tpu.concatenate %mul3A_17, %mul3A_20, %mul3A_23, %mul3A_27, %mul3A_31, %mul3A_39, %mul3A_43, %mul3A_49, %mul3A_59, %mul3A_64, %mul3A_74, %mul3A_84, %mul3A_94, %mul3A_101, %mul3A_111 in 0 : vector<1x6400xf32>, vector<1x6400xf32>, vector<1x6400xf32>, vector<1x6400xf32>, vector<1x6400xf32>, vector<1x6400xf32>, vector<1x6400xf32>, vector<1x6400xf32>, vector<1x6400xf32>, vector<1x6400xf32>, vector<1x6400xf32>, vector<1x6400xf32>, vector<1x6400xf32>, vector<1x6400xf32>, vector<1x6400xf32> -> vector<15x6400xf32>
    %iota3A = tpu.iota {dimensions = array<i32: 0>} : vector<8x1xi32>
    %add3A_112 = arith.constant 1 : i32
    %add3A_113 = vector.broadcast %add3A_112 : i32 to vector<8x1xi32>
    %add3A_114 = arith.addi %iota3A, %add3A_113 : vector<8x1xi32>
    %convert_element_type3A = arith.sitofp %add3A_114 : vector<8x1xi32> to vector<8x1xf32>
    %mul3A_115 = arith.constant 3.14159274 : f32
    %mul3A_116 = vector.broadcast %mul3A_115 : f32 to vector<8x1xf32>
    %mul3A_117 = arith.mulf %mul3A_116, %convert_element_type3A : vector<8x1xf32>
    %mul3A_118 = vector.broadcast %mul3A_117 : vector<8x1xf32> to vector<8x6400xf32>
    %mul3A_119 = vector.broadcast %sqrt3A : vector<1x6400xf32> to vector<8x6400xf32>
    %mul3A_120 = arith.mulf %mul3A_118, %mul3A_119 : vector<8x6400xf32>
    %sin3A = math.sin %mul3A_120 : vector<8x6400xf32>
    %mul3A_121 = arith.constant 1.41421354 : f32
    %mul3A_122 = vector.broadcast %mul3A_121 : f32 to vector<8x6400xf32>
    %mul3A_123 = arith.mulf %mul3A_122, %sin3A : vector<8x6400xf32>
    %mul3A_124 = vector.broadcast %div3A_10 : vector<1x6400xf32> to vector<8x6400xf32>
    %mul3A_125 = arith.mulf %mul3A_123, %mul3A_124 : vector<8x6400xf32>
    %broadcast_in_dim3A_126 = arith.constant 0.000000e+00 : f32
    %broadcast_in_dim3A_127 = vector.broadcast %broadcast_in_dim3A_126 : f32 to vector<1x6400xf32>
    %concatenate3A_128 = tpu.concatenate %concatenate3A, %mul3A_125, %broadcast_in_dim3A_127 in 0 : vector<15x6400xf32>, vector<8x6400xf32>, vector<1x6400xf32> -> vector<24x6400xf32>
    %transpose3A = tpu.transpose %concatenate3A_128, [1, 0] : vector<24x6400xf32> -> vector<6400x24xf32>
    %slice3A_129 = vector.extract_strided_slice %transpose3A {offsets = [0, 0], sizes = [6400, 15], strides = [1, 1]} : vector<6400x24xf32> to vector<6400x15xf32>
    %slice3A_130 = vector.extract_strided_slice %transpose3A {offsets = [0, 15], sizes = [6400, 8], strides = [1, 1]} : vector<6400x24xf32> to vector<6400x8xf32>
    %get3A_131 = arith.constant 0 : index
    %get3A_132 = arith.constant 0 : index
    %get3A_133 = vector.load %arg3[%get3A_131, %get3A_132] : memref<8x64xf32, #tpu.memory_space<vmem>>, vector<8x64xf32>
    %dot_general3A = arith.constant dense<0.000000e+00> : vector<6400x64xf32>
    %dot_general3A_134 = tpu.matmul %slice3A_130, %get3A_133, %dot_general3A {dimension_numbers = #tpu.dot_dimension_numbers<[1], [0], [0], [1], [0, 0, 1, 1], [], []>, transpose_lhs_hint = false} : vector<6400x8xf32>, vector<8x64xf32>, vector<6400x64xf32> -> vector<6400x64xf32>
    %logistic3A = arith.negf %dot_general3A_134 : vector<6400x64xf32>
    %logistic3A_135 = math.exp %logistic3A : vector<6400x64xf32>
    %logistic3A_136 = arith.constant 1.000000e+00 : f32
    %logistic3A_137 = vector.broadcast %logistic3A_136 : f32 to vector<6400x64xf32>
    %logistic3A_138 = arith.addf %logistic3A_137, %logistic3A_135 : vector<6400x64xf32>
    %logistic3A_139 = arith.divf %logistic3A_137, %logistic3A_138 : vector<6400x64xf32>
    %mul3A_140 = arith.mulf %dot_general3A_134, %logistic3A_139 : vector<6400x64xf32>
    %get3A_141 = arith.constant 0 : index
    %get3A_142 = arith.constant 0 : index
    %get3A_143 = vector.load %arg4[%get3A_141, %get3A_142] : memref<64x64xf32, #tpu.memory_space<vmem>>, vector<64x64xf32>
    %dot_general3A_144 = arith.constant dense<0.000000e+00> : vector<6400x64xf32>
    %dot_general3A_145 = tpu.matmul %mul3A_140, %get3A_143, %dot_general3A_144 {dimension_numbers = #tpu.dot_dimension_numbers<[1], [0], [0], [1], [0, 0, 1, 1], [], []>, transpose_lhs_hint = false} : vector<6400x64xf32>, vector<64x64xf32>, vector<6400x64xf32> -> vector<6400x64xf32>
    %logistic3A_146 = arith.negf %dot_general3A_145 : vector<6400x64xf32>
    %logistic3A_147 = math.exp %logistic3A_146 : vector<6400x64xf32>
    %logistic3A_148 = arith.constant 1.000000e+00 : f32
    %logistic3A_149 = vector.broadcast %logistic3A_148 : f32 to vector<6400x64xf32>
    %logistic3A_150 = arith.addf %logistic3A_149, %logistic3A_147 : vector<6400x64xf32>
    %logistic3A_151 = arith.divf %logistic3A_149, %logistic3A_150 : vector<6400x64xf32>
    %mul3A_152 = arith.mulf %dot_general3A_145, %logistic3A_151 : vector<6400x64xf32>
    %convert_element_type3A_153 = arith.truncf %mul3A_152 : vector<6400x64xf32> to vector<6400x64xbf16>
    %get3A_154 = arith.constant 0 : index
    %get3A_155 = arith.constant 0 : index
    %get3A_156 = vector.load %arg5[%get3A_154, %get3A_155] : memref<64x248xf32, #tpu.memory_space<vmem>>, vector<64x248xf32>
    %convert_element_type3A_157 = arith.truncf %get3A_156 : vector<64x248xf32> to vector<64x248xbf16>
    %dot_general3A_158 = arith.constant dense<0.000000e+00> : vector<6400x248xf32>
    %dot_general3A_159 = tpu.matmul %convert_element_type3A_153, %convert_element_type3A_157, %dot_general3A_158 {dimension_numbers = #tpu.dot_dimension_numbers<[1], [0], [0], [1], [0, 0, 1, 1], [], []>, transpose_lhs_hint = false} : vector<6400x64xbf16>, vector<64x248xbf16>, vector<6400x248xf32> -> vector<6400x248xf32>
    %get3A_160 = arith.constant 0 : index
    %get3A_161 = arith.constant 0 : index
    %get3A_162 = vector.load %arg2[%get3A_160, %get3A_161] : memref<6400x128xf32, #tpu.memory_space<vmem>>, vector<6400x128xf32>
    %iota3A_163 = tpu.iota {dimensions = array<i32: 0>} : vector<8x120xi32>
    %iota3A_164 = tpu.iota {dimensions = array<i32: 1>} : vector<8x120xi32>
    %jit3A_165 = arith.constant 15 : i32
    %div3A_166 = vector.broadcast %jit3A_165 : i32 to vector<8x120xi32>
    %div3A_167 = arith.divsi %iota3A_164, %div3A_166 : vector<8x120xi32>
    %sign3A = arith.constant 0 : i32
    %sign3A_168 = vector.broadcast %sign3A : i32 to vector<8x120xi32>
    %sign3A_169 = arith.cmpi sgt, %iota3A_164, %sign3A_168 : vector<8x120xi32>
    %sign3A_170 = arith.extui %sign3A_169 : vector<8x120xi1> to vector<8x120xi32>
    %sign3A_171 = arith.constant 0 : i32
    %sign3A_172 = vector.broadcast %sign3A_171 : i32 to vector<8x120xi32>
    %sign3A_173 = arith.cmpi slt, %iota3A_164, %sign3A_172 : vector<8x120xi32>
    %sign3A_174 = arith.extui %sign3A_173 : vector<8x120xi1> to vector<8x120xi32>
    %sign3A_175 = arith.subi %sign3A_170, %sign3A_174 : vector<8x120xi32>
    %sign3A_176 = arith.constant 0 : i32
    %sign3A_177 = arith.cmpi sgt, %jit3A_165, %sign3A_176 : i32
    %sign3A_178 = arith.extui %sign3A_177 : i1 to i32
    %sign3A_179 = arith.constant 0 : i32
    %sign3A_180 = arith.cmpi slt, %jit3A_165, %sign3A_179 : i32
    %sign3A_181 = arith.extui %sign3A_180 : i1 to i32
    %sign3A_182 = arith.subi %sign3A_178, %sign3A_181 : i32
    %ne3A = vector.broadcast %sign3A_182 : i32 to vector<8x120xi32>
    %ne3A_183 = arith.cmpi ne, %sign3A_175, %ne3A : vector<8x120xi32>
    %rem3A = vector.broadcast %jit3A_165 : i32 to vector<8x120xi32>
    %rem3A_184 = arith.remsi %iota3A_164, %rem3A : vector<8x120xi32>
    %ne3A_185 = arith.constant 0 : i32
    %ne3A_186 = vector.broadcast %ne3A_185 : i32 to vector<8x120xi32>
    %ne3A_187 = arith.cmpi ne, %rem3A_184, %ne3A_186 : vector<8x120xi32>
    %and3A = arith.andi %ne3A_183, %ne3A_187 : vector<8x120xi1>
    %sub3A_188 = arith.constant 1 : i32
    %sub3A_189 = vector.broadcast %sub3A_188 : i32 to vector<8x120xi32>
    %sub3A_190 = arith.subi %div3A_167, %sub3A_189 : vector<8x120xi32>
    %select_n3A_191 = arith.select %and3A, %sub3A_190, %div3A_167 : vector<8x120xi1>, vector<8x120xi32>
    %eq3A_192 = arith.cmpi eq, %select_n3A_191, %iota3A_163 : vector<8x120xi32>
    %convert_element_type3A_193 = arith.extui %eq3A_192 : vector<8x120xi1> to vector<8x120xi32>
    %convert_element_type3A_194 = arith.sitofp %convert_element_type3A_193 : vector<8x120xi32> to vector<8x120xf32>
    %iota3A_195 = tpu.iota {dimensions = array<i32: 0>} : vector<15x120xi32>
    %iota3A_196 = tpu.iota {dimensions = array<i32: 1>} : vector<15x120xi32>
    %jit3A_197 = arith.constant 15 : i32
    %eq3A_198 = arith.constant 0 : i32
    %eq3A_199 = arith.cmpi eq, %jit3A_197, %eq3A_198 : i32
    %jit3A_200 = arith.constant 1 : i32
    %select_n3A_201 = arith.select %eq3A_199, %jit3A_200, %jit3A_197 : i32
    %rem3A_202 = vector.broadcast %select_n3A_201 : i32 to vector<15x120xi32>
    %rem3A_203 = arith.remsi %iota3A_196, %rem3A_202 : vector<15x120xi32>
    %ne3A_204 = arith.constant 0 : i32
    %ne3A_205 = vector.broadcast %ne3A_204 : i32 to vector<15x120xi32>
    %ne3A_206 = arith.cmpi ne, %rem3A_203, %ne3A_205 : vector<15x120xi32>
    %lt3A = arith.constant 0 : i32
    %lt3A_207 = vector.broadcast %lt3A : i32 to vector<15x120xi32>
    %lt3A_208 = arith.cmpi slt, %rem3A_203, %lt3A_207 : vector<15x120xi32>
    %lt3A_209 = arith.constant 0 : i32
    %lt3A_210 = arith.cmpi slt, %select_n3A_201, %lt3A_209 : i32
    %ne3A_211 = vector.broadcast %lt3A_210 : i1 to vector<15x120xi1>
    %ne3A_212 = vector.broadcast %ne3A_211 : vector<15x120xi1> to vector<15x120xi1>
    %ne3A_213 = arith.xori %lt3A_208, %ne3A_212 : vector<15x120xi1>
    %and3A_214 = arith.andi %ne3A_213, %ne3A_206 : vector<15x120xi1>
    %add3A_215 = vector.broadcast %select_n3A_201 : i32 to vector<15x120xi32>
    %add3A_216 = arith.addi %rem3A_203, %add3A_215 : vector<15x120xi32>
    %select_n3A_217 = arith.select %and3A_214, %add3A_216, %rem3A_203 : vector<15x120xi1>, vector<15x120xi32>
    %eq3A_218 = arith.cmpi eq, %select_n3A_217, %iota3A_195 : vector<15x120xi32>
    %convert_element_type3A_219 = arith.extui %eq3A_218 : vector<15x120xi1> to vector<15x120xi32>
    %convert_element_type3A_220 = arith.sitofp %convert_element_type3A_219 : vector<15x120xi32> to vector<15x120xf32>
    %slice3A_221 = vector.extract_strided_slice %get3A_162 {offsets = [0, 0], sizes = [6400, 8], strides = [1, 1]} : vector<6400x128xf32> to vector<6400x8xf32>
    %dot_general3A_222 = arith.constant dense<0.000000e+00> : vector<6400x120xf32>
    %dot_general3A_223 = tpu.matmul %slice3A_221, %convert_element_type3A_194, %dot_general3A_222 {dimension_numbers = #tpu.dot_dimension_numbers<[1], [0], [0], [1], [0, 0, 1, 1], [], []>, transpose_lhs_hint = false} : vector<6400x8xf32>, vector<8x120xf32>, vector<6400x120xf32> -> vector<6400x120xf32>
    %dot_general3A_224 = arith.constant dense<0.000000e+00> : vector<6400x120xf32>
    %dot_general3A_225 = tpu.matmul %slice3A_129, %convert_element_type3A_220, %dot_general3A_224 {dimension_numbers = #tpu.dot_dimension_numbers<[1], [0], [0], [1], [0, 0, 1, 1], [], []>, transpose_lhs_hint = false} : vector<6400x15xf32>, vector<15x120xf32>, vector<6400x120xf32> -> vector<6400x120xf32>
    %mul3A_226 = arith.mulf %dot_general3A_223, %dot_general3A_225 : vector<6400x120xf32>
    %concatenate3A_227 = tpu.concatenate %get3A_162, %mul3A_226 in 1 : vector<6400x128xf32>, vector<6400x120xf32> -> vector<6400x248xf32>
    %mul3A_228 = arith.mulf %concatenate3A_227, %dot_general3A_159 : vector<6400x248xf32>
    %convert_element_type3A_229 = arith.truncf %mul3A_228 : vector<6400x248xf32> to vector<6400x248xbf16>
    %get3A_230 = arith.constant 0 : index
    %get3A_231 = arith.constant 0 : index
    %get3A_232 = vector.load %arg6[%get3A_230, %get3A_231] : memref<248x128xf32, #tpu.memory_space<vmem>>, vector<248x128xf32>
    %convert_element_type3A_233 = arith.truncf %get3A_232 : vector<248x128xf32> to vector<248x128xbf16>
    %dot_general3A_234 = arith.constant dense<0.000000e+00> : vector<6400x128xf32>
    %dot_general3A_235 = tpu.matmul %convert_element_type3A_229, %convert_element_type3A_233, %dot_general3A_234 {dimension_numbers = #tpu.dot_dimension_numbers<[1], [0], [0], [1], [0, 0, 1, 1], [], []>, transpose_lhs_hint = false} : vector<6400x248xbf16>, vector<248x128xbf16>, vector<6400x128xf32> -> vector<6400x128xf32>
    %mul3A_236 = arith.constant 0.176776692 : f32
    %mul3A_237 = vector.broadcast %mul3A_236 : f32 to vector<6400x128xf32>
    %mul3A_238 = arith.mulf %dot_general3A_235, %mul3A_237 : vector<6400x128xf32>
    %swap3A = arith.constant 0 : index
    %swap3A_239 = arith.constant 0 : index
    %swap3A_240 = vector.load %arg8[%swap3A, %swap3A_239] : memref<6400x128xf32, #tpu.memory_space<vmem>>, vector<6400x128xf32>
    tpu.vector_store %arg8[%swap3A, %swap3A_239], %mul3A_238 {strides = array<i32>} : memref<6400x128xf32, #tpu.memory_space<vmem>>, vector<6400x128xf32>,
    %get3A_241 = arith.constant 0 : index
    %get3A_242 = arith.constant 0 : index
    %get3A_243 = vector.load %arg7[%get3A_241, %get3A_242] : memref<248x128xf32, #tpu.memory_space<vmem>>, vector<248x128xf32>
    %convert_element_type3A_244 = arith.truncf %get3A_243 : vector<248x128xf32> to vector<248x128xbf16>
    %dot_general3A_245 = arith.constant dense<0.000000e+00> : vector<6400x128xf32>
    %dot_general3A_246 = tpu.matmul %convert_element_type3A_229, %convert_element_type3A_244, %dot_general3A_245 {dimension_numbers = #tpu.dot_dimension_numbers<[1], [0], [0], [1], [0, 0, 1, 1], [], []>, transpose_lhs_hint = false} : vector<6400x248xbf16>, vector<248x128xbf16>, vector<6400x128xf32> -> vector<6400x128xf32>
    %mul3A_247 = arith.constant 0.176776692 : f32
    %mul3A_248 = vector.broadcast %mul3A_247 : f32 to vector<6400x128xf32>
    %mul3A_249 = arith.mulf %dot_general3A_246, %mul3A_248 : vector<6400x128xf32>
    %swap3A_250 = arith.constant 0 : index
    %swap3A_251 = arith.constant 0 : index
    %swap3A_252 = vector.load %arg9[%swap3A_250, %swap3A_251] : memref<6400x128xf32, #tpu.memory_space<vmem>>, vector<6400x128xf32>
    tpu.vector_store %arg9[%swap3A_250, %swap3A_251], %mul3A_249 {strides = array<i32>} : memref<6400x128xf32, #tpu.memory_space<vmem>>, vector<6400x128xf32>,
    return
  }
  func.func @transform_0(%arg0: i32) -> (i32, i32) {
    %add3A = arith.constant 0 : i32
    %add3A_0 = arith.addi %arg0, %add3A : i32
    %c0_i32 = arith.constant 0 : i32
    %c0_i32_1 = arith.constant 0 : i32
    return %c0_i32, %add3A_0 : i32, i32
  }
  func.func @transform_1(%arg0: i32) -> (i32, i32) {
    %c0_i32 = arith.constant 0 : i32
    %c0_i32_0 = arith.constant 0 : i32
    return %arg0, %c0_i32 : i32, i32
  }
  func.func @transform_2(%arg0: i32) -> (i32, i32) {
    %c0_i32 = arith.constant 0 : i32
    %c0_i32_0 = arith.constant 0 : i32
    %c0_i32_1 = arith.constant 0 : i32
    return %c0_i32, %c0_i32_0 : i32, i32
  }
  func.func @transform_3(%arg0: i32) -> (i32, i32) {
    %c0_i32 = arith.constant 0 : i32
    %c0_i32_0 = arith.constant 0 : i32
    %c0_i32_1 = arith.constant 0 : i32
    return %c0_i32, %c0_i32_0 : i32, i32
  }
  func.func @transform_4(%arg0: i32) -> (i32, i32) {
    %c0_i32 = arith.constant 0 : i32
    %c0_i32_0 = arith.constant 0 : i32
    %c0_i32_1 = arith.constant 0 : i32
    return %c0_i32, %c0_i32_0 : i32, i32
  }
  func.func @transform_5(%arg0: i32) -> (i32, i32) {
    %c0_i32 = arith.constant 0 : i32
    %c0_i32_0 = arith.constant 0 : i32
    %c0_i32_1 = arith.constant 0 : i32
    return %c0_i32, %c0_i32_0 : i32, i32
  }
  func.func @transform_6(%arg0: i32) -> (i32, i32) {
    %c0_i32 = arith.constant 0 : i32
    %c0_i32_0 = arith.constant 0 : i32
    %c0_i32_1 = arith.constant 0 : i32
    return %c0_i32, %c0_i32_0 : i32, i32
  }
  func.func @transform_7(%arg0: i32) -> (i32, i32) {
    %c0_i32 = arith.constant 0 : i32
    %c0_i32_0 = arith.constant 0 : i32
    return %arg0, %c0_i32 : i32, i32
  }
  func.func @transform_8(%arg0: i32) -> (i32, i32) {
    %c0_i32 = arith.constant 0 : i32
    %c0_i32_0 = arith.constant 0 : i32
    return %arg0, %c0_i32 : i32, i32
  }
}

module attributes {stable_mosaic.version = 14 : i64} {
  func.func @_node_kernel(%arg0: i32, %arg1: memref<1000x128xf32, #tpu.memory_space<vmem>>, %arg2: memref<1000x128xf32, #tpu.memory_space<vmem>>, %arg3: memref<1000x128xf32, #tpu.memory_space<vmem>>, %arg4: memref<1000x128xf32, #tpu.memory_space<vmem>>, %arg5: memref<1000x128xf32, #tpu.memory_space<vmem>>, %arg6: memref<1000x1xi32, #tpu.memory_space<vmem>>, %arg7: memref<5x128x192xf32, #tpu.memory_space<vmem>>, %arg8: memref<1000x128xf32, #tpu.memory_space<vmem>>) attributes {dimension_semantics = [#tpu.dimension_semantics<arbitrary>], iteration_bounds = array<i64: 10>, scalar_prefetch = 0 : i64, scratch_operands = 0 : i64, tpu.core_type = #tpu.core_type<tc>, window_params = [{transform_indices = @transform_0, window_bounds = array<i64: 1000, 128>}, {transform_indices = @transform_1, window_bounds = array<i64: 1000, 128>}, {transform_indices = @transform_2, window_bounds = array<i64: 1000, 128>}, {transform_indices = @transform_3, window_bounds = array<i64: 1000, 128>}, {transform_indices = @transform_4, window_bounds = array<i64: 1000, 128>}, {transform_indices = @transform_5, window_bounds = array<i64: 1000, 1>}, {pipeline_mode = #tpu.pipeline_mode<synchronous>, transform_indices = @transform_6, window_bounds = array<i64: 5, 128, 192>}, {transform_indices = @transform_7, window_bounds = array<i64: 1000, 128>}]} {
    %get3A = arith.constant 0 : index
    %get3A_0 = arith.constant 0 : index
    %get3A_1 = vector.load %arg5[%get3A, %get3A_0] : memref<1000x128xf32, #tpu.memory_space<vmem>>, vector<1000x128xf32>
    %get3A_2 = arith.constant 0 : index
    %get3A_3 = arith.constant 0 : index
    %get3A_4 = vector.load %arg6[%get3A_2, %get3A_3] : memref<1000x1xi32, #tpu.memory_space<vmem>>, vector<1000x1xi32>
    %broadcast_in_dim3A = arith.constant 0.000000e+00 : f32
    %broadcast_in_dim3A_5 = vector.broadcast %broadcast_in_dim3A : f32 to vector<1000x192xf32>
    %eq3A = arith.constant 0 : i32
    %eq3A_6 = vector.broadcast %eq3A : i32 to vector<1000x1xi32>
    %eq3A_7 = arith.cmpi eq, %get3A_4, %eq3A_6 : vector<1000x1xi32>
    %convert_element_type3A = arith.extui %eq3A_7 : vector<1000x1xi1> to vector<1000x1xi32>
    %convert_element_type3A_8 = arith.sitofp %convert_element_type3A : vector<1000x1xi32> to vector<1000x1xf32>
    %get3A_9 = arith.constant 0 : index
    %get3A_10 = arith.constant 0 : index
    %get3A_11 = arith.constant 0 : index
    %get3A_12 = vector.load %arg7[%get3A_9, %get3A_10, %get3A_11] : memref<5x128x192xf32, #tpu.memory_space<vmem>>, vector<1x128x192xf32>
    %get3A_13 = vector.shape_cast %get3A_12 : vector<1x128x192xf32> to vector<128x192xf32>
    %dot_general3A = arith.constant dense<0.000000e+00> : vector<1000x192xf32>
    %dot_general3A_14 = tpu.matmul %get3A_1, %get3A_13, %dot_general3A {dimension_numbers = #tpu.dot_dimension_numbers<[1], [0], [0], [1], [0, 0, 1, 1], [], []>, transpose_lhs_hint = false} : vector<1000x128xf32>, vector<128x192xf32>, vector<1000x192xf32> -> vector<1000x192xf32>
    %mul3A = vector.broadcast %convert_element_type3A_8 : vector<1000x1xf32> to vector<1000x192xf32>
    %mul3A_15 = arith.mulf %mul3A, %dot_general3A_14 : vector<1000x192xf32>
    %add3A = arith.addf %broadcast_in_dim3A_5, %mul3A_15 : vector<1000x192xf32>
    %eq3A_16 = arith.constant 1 : i32
    %eq3A_17 = vector.broadcast %eq3A_16 : i32 to vector<1000x1xi32>
    %eq3A_18 = arith.cmpi eq, %get3A_4, %eq3A_17 : vector<1000x1xi32>
    %convert_element_type3A_19 = arith.extui %eq3A_18 : vector<1000x1xi1> to vector<1000x1xi32>
    %convert_element_type3A_20 = arith.sitofp %convert_element_type3A_19 : vector<1000x1xi32> to vector<1000x1xf32>
    %get3A_21 = arith.constant 1 : index
    %get3A_22 = arith.constant 0 : index
    %get3A_23 = arith.constant 0 : index
    %get3A_24 = vector.load %arg7[%get3A_21, %get3A_22, %get3A_23] : memref<5x128x192xf32, #tpu.memory_space<vmem>>, vector<1x128x192xf32>
    %get3A_25 = vector.shape_cast %get3A_24 : vector<1x128x192xf32> to vector<128x192xf32>
    %dot_general3A_26 = arith.constant dense<0.000000e+00> : vector<1000x192xf32>
    %dot_general3A_27 = tpu.matmul %get3A_1, %get3A_25, %dot_general3A_26 {dimension_numbers = #tpu.dot_dimension_numbers<[1], [0], [0], [1], [0, 0, 1, 1], [], []>, transpose_lhs_hint = false} : vector<1000x128xf32>, vector<128x192xf32>, vector<1000x192xf32> -> vector<1000x192xf32>
    %mul3A_28 = vector.broadcast %convert_element_type3A_20 : vector<1000x1xf32> to vector<1000x192xf32>
    %mul3A_29 = arith.mulf %mul3A_28, %dot_general3A_27 : vector<1000x192xf32>
    %add3A_30 = arith.addf %add3A, %mul3A_29 : vector<1000x192xf32>
    %eq3A_31 = arith.constant 2 : i32
    %eq3A_32 = vector.broadcast %eq3A_31 : i32 to vector<1000x1xi32>
    %eq3A_33 = arith.cmpi eq, %get3A_4, %eq3A_32 : vector<1000x1xi32>
    %convert_element_type3A_34 = arith.extui %eq3A_33 : vector<1000x1xi1> to vector<1000x1xi32>
    %convert_element_type3A_35 = arith.sitofp %convert_element_type3A_34 : vector<1000x1xi32> to vector<1000x1xf32>
    %get3A_36 = arith.constant 2 : index
    %get3A_37 = arith.constant 0 : index
    %get3A_38 = arith.constant 0 : index
    %get3A_39 = vector.load %arg7[%get3A_36, %get3A_37, %get3A_38] : memref<5x128x192xf32, #tpu.memory_space<vmem>>, vector<1x128x192xf32>
    %get3A_40 = vector.shape_cast %get3A_39 : vector<1x128x192xf32> to vector<128x192xf32>
    %dot_general3A_41 = arith.constant dense<0.000000e+00> : vector<1000x192xf32>
    %dot_general3A_42 = tpu.matmul %get3A_1, %get3A_40, %dot_general3A_41 {dimension_numbers = #tpu.dot_dimension_numbers<[1], [0], [0], [1], [0, 0, 1, 1], [], []>, transpose_lhs_hint = false} : vector<1000x128xf32>, vector<128x192xf32>, vector<1000x192xf32> -> vector<1000x192xf32>
    %mul3A_43 = vector.broadcast %convert_element_type3A_35 : vector<1000x1xf32> to vector<1000x192xf32>
    %mul3A_44 = arith.mulf %mul3A_43, %dot_general3A_42 : vector<1000x192xf32>
    %add3A_45 = arith.addf %add3A_30, %mul3A_44 : vector<1000x192xf32>
    %eq3A_46 = arith.constant 3 : i32
    %eq3A_47 = vector.broadcast %eq3A_46 : i32 to vector<1000x1xi32>
    %eq3A_48 = arith.cmpi eq, %get3A_4, %eq3A_47 : vector<1000x1xi32>
    %convert_element_type3A_49 = arith.extui %eq3A_48 : vector<1000x1xi1> to vector<1000x1xi32>
    %convert_element_type3A_50 = arith.sitofp %convert_element_type3A_49 : vector<1000x1xi32> to vector<1000x1xf32>
    %get3A_51 = arith.constant 3 : index
    %get3A_52 = arith.constant 0 : index
    %get3A_53 = arith.constant 0 : index
    %get3A_54 = vector.load %arg7[%get3A_51, %get3A_52, %get3A_53] : memref<5x128x192xf32, #tpu.memory_space<vmem>>, vector<1x128x192xf32>
    %get3A_55 = vector.shape_cast %get3A_54 : vector<1x128x192xf32> to vector<128x192xf32>
    %dot_general3A_56 = arith.constant dense<0.000000e+00> : vector<1000x192xf32>
    %dot_general3A_57 = tpu.matmul %get3A_1, %get3A_55, %dot_general3A_56 {dimension_numbers = #tpu.dot_dimension_numbers<[1], [0], [0], [1], [0, 0, 1, 1], [], []>, transpose_lhs_hint = false} : vector<1000x128xf32>, vector<128x192xf32>, vector<1000x192xf32> -> vector<1000x192xf32>
    %mul3A_58 = vector.broadcast %convert_element_type3A_50 : vector<1000x1xf32> to vector<1000x192xf32>
    %mul3A_59 = arith.mulf %mul3A_58, %dot_general3A_57 : vector<1000x192xf32>
    %add3A_60 = arith.addf %add3A_45, %mul3A_59 : vector<1000x192xf32>
    %eq3A_61 = arith.constant 4 : i32
    %eq3A_62 = vector.broadcast %eq3A_61 : i32 to vector<1000x1xi32>
    %eq3A_63 = arith.cmpi eq, %get3A_4, %eq3A_62 : vector<1000x1xi32>
    %convert_element_type3A_64 = arith.extui %eq3A_63 : vector<1000x1xi1> to vector<1000x1xi32>
    %convert_element_type3A_65 = arith.sitofp %convert_element_type3A_64 : vector<1000x1xi32> to vector<1000x1xf32>
    %get3A_66 = arith.constant 4 : index
    %get3A_67 = arith.constant 0 : index
    %get3A_68 = arith.constant 0 : index
    %get3A_69 = vector.load %arg7[%get3A_66, %get3A_67, %get3A_68] : memref<5x128x192xf32, #tpu.memory_space<vmem>>, vector<1x128x192xf32>
    %get3A_70 = vector.shape_cast %get3A_69 : vector<1x128x192xf32> to vector<128x192xf32>
    %dot_general3A_71 = arith.constant dense<0.000000e+00> : vector<1000x192xf32>
    %dot_general3A_72 = tpu.matmul %get3A_1, %get3A_70, %dot_general3A_71 {dimension_numbers = #tpu.dot_dimension_numbers<[1], [0], [0], [1], [0, 0, 1, 1], [], []>, transpose_lhs_hint = false} : vector<1000x128xf32>, vector<128x192xf32>, vector<1000x192xf32> -> vector<1000x192xf32>
    %mul3A_73 = vector.broadcast %convert_element_type3A_65 : vector<1000x1xf32> to vector<1000x192xf32>
    %mul3A_74 = arith.mulf %mul3A_73, %dot_general3A_72 : vector<1000x192xf32>
    %add3A_75 = arith.addf %add3A_60, %mul3A_74 : vector<1000x192xf32>
    %get3A_76 = arith.constant 0 : index
    %get3A_77 = arith.constant 0 : index
    %get3A_78 = vector.load %arg1[%get3A_76, %get3A_77] : memref<1000x128xf32, #tpu.memory_space<vmem>>, vector<1000x128xf32>
    %get3A_79 = arith.constant 0 : index
    %get3A_80 = arith.constant 0 : index
    %get3A_81 = vector.load %arg3[%get3A_79, %get3A_80] : memref<1000x128xf32, #tpu.memory_space<vmem>>, vector<1000x128xf32>
    %add3A_82 = arith.addf %get3A_78, %get3A_81 : vector<1000x128xf32>
    %get3A_83 = arith.constant 0 : index
    %get3A_84 = arith.constant 0 : index
    %get3A_85 = vector.load %arg2[%get3A_83, %get3A_84] : memref<1000x128xf32, #tpu.memory_space<vmem>>, vector<1000x128xf32>
    %get3A_86 = arith.constant 0 : index
    %get3A_87 = arith.constant 0 : index
    %get3A_88 = vector.load %arg4[%get3A_86, %get3A_87] : memref<1000x128xf32, #tpu.memory_space<vmem>>, vector<1000x128xf32>
    %add3A_89 = arith.addf %get3A_85, %get3A_88 : vector<1000x128xf32>
    %slice3A = vector.extract_strided_slice %add3A_89 {offsets = [0, 0], sizes = [1000, 64], strides = [1, 1]} : vector<1000x128xf32> to vector<1000x64xf32>
    %concatenate3A = tpu.concatenate %add3A_82, %slice3A in 1 : vector<1000x128xf32>, vector<1000x64xf32> -> vector<1000x192xf32>
    %add3A_90 = arith.addf %concatenate3A, %add3A_75 : vector<1000x192xf32>
    %slice3A_91 = vector.extract_strided_slice %add3A_90 {offsets = [0, 0], sizes = [1000, 64], strides = [1, 1]} : vector<1000x192xf32> to vector<1000x64xf32>
    %logistic3A = arith.negf %slice3A_91 : vector<1000x64xf32>
    %logistic3A_92 = math.exp %logistic3A : vector<1000x64xf32>
    %logistic3A_93 = arith.constant 1.000000e+00 : f32
    %logistic3A_94 = vector.broadcast %logistic3A_93 : f32 to vector<1000x64xf32>
    %logistic3A_95 = arith.addf %logistic3A_94, %logistic3A_92 : vector<1000x64xf32>
    %logistic3A_96 = arith.divf %logistic3A_94, %logistic3A_95 : vector<1000x64xf32>
    %mul3A_97 = arith.mulf %slice3A_91, %logistic3A_96 : vector<1000x64xf32>
    %slice3A_98 = vector.extract_strided_slice %add3A_90 {offsets = [0, 64], sizes = [1000, 64], strides = [1, 1]} : vector<1000x192xf32> to vector<1000x64xf32>
    %logistic3A_99 = arith.negf %slice3A_98 : vector<1000x64xf32>
    %logistic3A_100 = math.exp %logistic3A_99 : vector<1000x64xf32>
    %logistic3A_101 = arith.constant 1.000000e+00 : f32
    %logistic3A_102 = vector.broadcast %logistic3A_101 : f32 to vector<1000x64xf32>
    %logistic3A_103 = arith.addf %logistic3A_102, %logistic3A_100 : vector<1000x64xf32>
    %logistic3A_104 = arith.divf %logistic3A_102, %logistic3A_103 : vector<1000x64xf32>
    %mul3A_105 = arith.mulf %slice3A_98, %logistic3A_104 : vector<1000x64xf32>
    %slice3A_106 = vector.extract_strided_slice %add3A_90 {offsets = [0, 128], sizes = [1000, 64], strides = [1, 1]} : vector<1000x192xf32> to vector<1000x64xf32>
    %mul3A_107 = arith.mulf %slice3A_106, %mul3A_105 : vector<1000x64xf32>
    %concatenate3A_108 = tpu.concatenate %mul3A_97, %mul3A_107 in 1 : vector<1000x64xf32>, vector<1000x64xf32> -> vector<1000x128xf32>
    %swap3A = arith.constant 0 : index
    %swap3A_109 = arith.constant 0 : index
    %swap3A_110 = vector.load %arg8[%swap3A, %swap3A_109] : memref<1000x128xf32, #tpu.memory_space<vmem>>, vector<1000x128xf32>
    tpu.vector_store %arg8[%swap3A, %swap3A_109], %concatenate3A_108 {strides = array<i32>} : memref<1000x128xf32, #tpu.memory_space<vmem>>, vector<1000x128xf32>,
    return
  }
  func.func @transform_0(%arg0: i32) -> (i32, i32) {
    %c0_i32 = arith.constant 0 : i32
    %c0_i32_0 = arith.constant 0 : i32
    return %arg0, %c0_i32 : i32, i32
  }
  func.func @transform_1(%arg0: i32) -> (i32, i32) {
    %add3A = arith.constant 10 : i32
    %add3A_0 = arith.addi %arg0, %add3A : i32
    %c0_i32 = arith.constant 0 : i32
    %c0_i32_1 = arith.constant 0 : i32
    return %add3A_0, %c0_i32 : i32, i32
  }
  func.func @transform_2(%arg0: i32) -> (i32, i32) {
    %c0_i32 = arith.constant 0 : i32
    %c0_i32_0 = arith.constant 0 : i32
    return %arg0, %c0_i32 : i32, i32
  }
  func.func @transform_3(%arg0: i32) -> (i32, i32) {
    %add3A = arith.constant 10 : i32
    %add3A_0 = arith.addi %arg0, %add3A : i32
    %c0_i32 = arith.constant 0 : i32
    %c0_i32_1 = arith.constant 0 : i32
    return %add3A_0, %c0_i32 : i32, i32
  }
  func.func @transform_4(%arg0: i32) -> (i32, i32) {
    %c0_i32 = arith.constant 0 : i32
    %c0_i32_0 = arith.constant 0 : i32
    return %arg0, %c0_i32 : i32, i32
  }
  func.func @transform_5(%arg0: i32) -> (i32, i32) {
    %c0_i32 = arith.constant 0 : i32
    %c0_i32_0 = arith.constant 0 : i32
    return %arg0, %c0_i32 : i32, i32
  }
  func.func @transform_6(%arg0: i32) -> (i32, i32, i32) {
    %c0_i32 = arith.constant 0 : i32
    %c0_i32_0 = arith.constant 0 : i32
    %c0_i32_1 = arith.constant 0 : i32
    %c0_i32_2 = arith.constant 0 : i32
    return %c0_i32, %c0_i32_0, %c0_i32_1 : i32, i32, i32
  }
  func.func @transform_7(%arg0: i32) -> (i32, i32) {
    %c0_i32 = arith.constant 0 : i32
    %c0_i32_0 = arith.constant 0 : i32
    return %arg0, %c0_i32 : i32, i32
  }
}

</mosaic_0001>

<sc_bundles>
// kernel: kernel.10.cloned.1.call-start
scs
__scs_entry_jumppad:
0x0: {  	(pc) =	sbr.rel $0x88, $3  }
0x1: {  	(tag) =	ssettag $0x0;
	lr =	simm.s32 $0x1  }
0x2: {  	[smem:$0x3F96] =	sst lr;
	_ =	strace $0xD0000000  }
0x3: {  	_ = 	snop  }
0x4: {  	_ = 	snop  }
0x5: {  	_ = 	snop  }
0x6: {  	_ = 	snop  }
0x7: {  	_ = 	snop  }
__scs_overlays_trampoline_lowered:
0x8: {  	[smem:$0x3FA5] =	sst s0  }
0x9: {  	[smem:$0x3FA6] =	sst s1  }
0xa: {  	[smem:$0x3FA7] =	sst s2  }
0xb: {  	[smem:$0x3FA8] =	sst s3  }
0xc: {  	[smem:$0x3FA9] =	sst s4  }
0xd: {  	[smem:$0x3FAA] =	sst s5  }
0xe: {  	[smem:$0x3FAB] =	sst s6  }
0xf: {  	[smem:$0x3FAC] =	sst s7  }
0x10: {  	[smem:$0x3FAD] =	sst s8  }
0x11: {  	[smem:$0x3FAE] =	sst s9;
	s0 =	simm.s32 @!p0 $0x0  }
0x12: {  	s1 =	sld [smem:$0x3F94];
	s0 =	simm.s32 @p0 $0x1  }
0x13: {  	[smem:$0x3FAF] =	sst s0;
	s0 =	simm.s32 @!p1 $0x0  }
0x14: {  	s2 =	sld [smem:$0x3F93];
	s0 =	simm.s32 @p1 $0x1  }
0x15: {  	[smem:$0x3FB0] =	sst s0;
	s0 =	simm.s32 @!p2 $0x0  }
0x16: {  	s3 =	sld [smem:$0x3FDB];
	s0 =	simm.s32 @p2 $0x1  }
0x17: {  	s4 =	simm.s32 $0x1BF5;
	[smem:$0x3FB2] =	sst s0  }
0x18: {  	s0 =	sld [smem:$0x3F95];
	_ =	swait.ge [sflag:s4], $0x0  }
0x19: {  	s7 =	sld [smem:$0x3F96]  }
0x1a: {  	s8 =	sadd.s32 $0xFFFFE003, lr  }
0x1b: {  	s9 =	sadd.s32 $0xFFFFFEF7, lr;
	s5 =	simm.s32 $0xFFFFFFFF;
	p2 =	slt.u32 s8, $0xFFFFF086  }
0x1c: {  	p1 =	slt.u32 s9, $0xF7A;
	s5 =	simm.s32 @!p2 $0x0  }
0x1d: {  	s5 =	simm.s32 @p1 $0x1;
	p0 =	seq.s32 s7, s2  }
0x1e: {  	s7 =	smul.u32 @!p0 $0xF7A, s2;
	p2 =	seq.s32 @!p0 s5, $0x0  }
0x1f: {  	s9 =	smul.u32 $0xF7A, s1;
	s8 =	simm.s32 @!p0 $0x1BF5;
	p2 =	por !p2, p0  }
0x20: {  	[sflag:s8] =	ssyncset.s32 @!p0 $0xFFFFF086;
	s6 =	sadd.s32 @!p0 s3, s7;
	s7 =	simm.s32 @!p0 $0x108  }
0x21: {  	s3 =	sadd.s32 s3, s9;
	s6 =	sadd.s32 @!p0 $0x88, s6;
	s7 =	simm.s32 @p2 $0x1082  }
0x22: {  	[simem:s7], [sflag:s8] =	dma.local @!p0 [hbm:s6], $0xF7A  }
0x23: {  	s9 =	sor.u32 $0xD0000000, s2;
	s6 =	simm.s32 $0x108;
	_ =	swait.ge @!p0 [sflag:s8], $0x0  }
0x24: {  	s3 =	sadd.s32 $0x88, s3;
	s6 =	simm.s32 @!p1 $0x1082;
	[sflag:s4] =	ssyncset.s32 $0xFFFFF086  }
0x25: {  	[simem:s6], [sflag:s4] =	dma.local [hbm:s3], $0xF7A  }
0x26: {  	[smem:$0x3F96] =	sst s1;
	(tag) =	ssettag s2;
	_ =	strace s9  }
0x27: {  	s1 =	sld [smem:$0x3FA6]  }
0x28: {  	s2 =	sld [smem:$0x3FA7]  }
0x29: {  	s4 =	sld [smem:$0x3FA9]  }
0x2a: {  	p0 =	seq.s32 s5, $0x0;
	s5 =	sld [smem:$0x3FAA]  }
0x2b: {  	s6 =	sld [smem:$0x3FAB]  }
0x2c: {  	s7 =	sld [smem:$0x3FAC]  }
0x2d: {  	s3 =	simm.s32 $0x108;
	s8 =	sld [smem:$0x3FAD]  }
0x2e: {  	s3 =	simm.s32 @!p0 $0x1082;
	s9 =	sld [smem:$0x3FAE]  }
0x2f: {  	lr =	sadd.s32 s0, s3;
	s0 =	sld [smem:$0x3FA5]  }
0x30: {  	s3 =	sld [smem:$0x3FA8]  }
0x31: {  	[smem:$0x3FB1] =	sst s10  }
0x32: {  	s10 =	sld [smem:$0x3FAF];
	_ =	sdelay $0x3  }
0x33: {  	p0 =	seq.s32 s10, $0x1;
	s10 =	sld [smem:$0x3FB1];
	_ =	sdelay $0x3  }
0x34: {  	[smem:$0x3FB1] =	sst s10  }
0x35: {  	s10 =	sld [smem:$0x3FB0];
	_ =	sdelay $0x3  }
0x36: {  	p1 =	seq.s32 s10, $0x1;
	s10 =	sld [smem:$0x3FB1];
	_ =	sdelay $0x3  }
0x37: {  	[smem:$0x3FB1] =	sst s10  }
0x38: {  	s10 =	sld [smem:$0x3FB2]  }
0x39: {  	_ = 	snop;
	(pc) =	sbr.ind lr, $3  }
0x3a: {  	_ = 	snop  }
0x3b: {  	_ = 	snop  }
0x3c: {  	p2 =	seq.s32 s10, $0x1;
	s10 =	sld [smem:$0x3FB1]  }
0x3d: {  	_ =	shalt  }
0x3e: {  	_ =	shalt  }
0x3f: {  	_ =	shalt  }
0x40: {  	_ =	shalt  }
0x41: {  	_ =	shalt  }
0x42: {  	_ =	shalt  }
0x43: {  	_ =	shalt  }
0x44: {  	_ =	shalt  }
0x45: {  	_ =	shalt  }
0x46: {  	_ =	shalt  }
0x47: {  	_ =	shalt  }
0x48: {  	_ =	shalt  }
0x49: {  	_ =	shalt  }
0x4a: {  	_ =	shalt  }
0x4b: {  	_ =	shalt  }
0x4c: {  	_ =	shalt  }
0x4d: {  	_ =	shalt  }
0x4e: {  	_ =	shalt  }
0x4f: {  	_ =	shalt  }
0x50: {  	_ =	shalt  }
0x51: {  	_ =	shalt  }
0x52: {  	_ =	shalt  }
0x53: {  	_ =	shalt  }
0x54: {  	_ =	shalt  }
0x55: {  	_ =	shalt  }
0x56: {  	_ =	shalt  }
0x57: {  	_ =	shalt  }
0x58: {  	_ =	shalt  }
0x59: {  	_ =	shalt  }
0x5a: {  	_ =	shalt  }
0x5b: {  	_ =	shalt  }
0x5c: {  	_ =	shalt  }
0x5d: {  	_ =	shalt  }
0x5e: {  	_ =	shalt  }
0x5f: {  	_ =	shalt  }
0x60: {  	_ =	shalt  }
0x61: {  	_ =	shalt  }
0x62: {  	_ =	shalt  }
0x63: {  	_ =	shalt  }
0x64: {  	_ =	shalt  }
0x65: {  	_ =	shalt  }
0x66: {  	_ =	shalt  }
0x67: {  	_ =	shalt  }
0x68: {  	_ =	shalt  }
0x69: {  	_ =	shalt  }
0x6a: {  	_ =	shalt  }
0x6b: {  	_ =	shalt  }
0x6c: {  	_ =	shalt  }
0x6d: {  	_ =	shalt  }
0x6e: {  	_ =	shalt  }
0x6f: {  	_ =	shalt  }
0x70: {  	_ =	shalt  }
0x71: {  	_ =	shalt  }
0x72: {  	_ =	shalt  }
0x73: {  	_ =	shalt  }
0x74: {  	_ =	shalt  }
0x75: {  	_ =	shalt  }
0x76: {  	_ =	shalt  }
0x77: {  	_ =	shalt  }
0x78: {  	_ =	shalt  }
0x79: {  	_ =	shalt  }
0x7a: {  	_ =	shalt  }
0x7b: {  	_ =	shalt  }
0x7c: {  	_ =	shalt  }
0x7d: {  	_ =	shalt  }
0x7e: {  	_ =	shalt  }
0x7f: {  	_ =	shalt  }
0x80: {  	_ =	shalt  }
0x81: {  	_ =	shalt  }
0x82: {  	_ =	shalt  }
0x83: {  	_ =	shalt  }
0x84: {  	_ =	shalt  }
0x85: {  	_ =	shalt  }
0x86: {  	_ =	shalt  }
0x87: {  	_ =	shalt  }
.Lfunc_end0:
.L_simem_size_0:
called_computation_lowered:
.L_overlay_start_0:
0x88: {  	s2 =	sld [smem:$0x3FD9]  }
0x89: {  	s3 =	sld [smem:$0x3FFE];
	_ =	sdelay $0x1  }
0x8a: {  	s1 =	srdreg.scid  }
0x8b: {  	s0 =	sand.u32 $0x1, s1  }
0x8c: {  	s17 =	sshll.u32 s0, $0xA;
	s2 =	sadd.s32 s3, s2  }
0x8d: {  	s2 =	sadd.s32 s2, s17  }
0x8e: {  	[smem:$0x3FBD] =	sst s2  }
0x8f: {  	_ = 	snop  }
0x90: {  	s18 =	sld [smem:$0x3FD0];
	(tm) =	ssettm $0x1  }
0x91: {  	s19 =	sld [smem:$0x3FFB];
	_ =	sdelay $0x3  }
0x92: {  	_ =	strace s19  }
0x93: {  	s2 =	sld [smem:$0x3FFC];
	_ =	sdelay $0x3  }
0x94: {  	_ =	strace s2  }
0x95: {  	s2 =	sld [smem:$0x3FFD];
	_ =	sdelay $0x3  }
0x96: {  	_ =	strace s2  }
0x97: {  	_ =	strace $0x8FFFFFFF  }
0x98: {  	s20 =	sld [smem:$0x3FDB];
	_ =	sdelay $0x1  }
0x99: {  	s4 =	simm.s32 $_scs_section_size  }
0x9a: {  	s5 =	simm.s32 $_size__tile_overlayer_lowered;
	s6 =	simm.s32 $_tile_overlayer_lowered  }
0x9b: {  	s7 =	simm.s32 $0x1BFF;
	s21 =	sshll.u32 s6, $0x1;
	s4 =	sadd.s32 s4, s20  }
0x9c: {  	s22 =	simm.s32 $0x0;
	s5 =	sshll.u32 s5, $0x1;
	s6 =	sadd.s32 s21, s4  }
0x9d: {  	[timem:s22], [sflag:s7] =	dma.local [hbm:s6], s5  }
0x9e: {  	_ =	swait.ge [sflag:s7], s5  }
0x9f: {  	s5 =	ssub.s32 $0x0, s5;
	[sflag:s7] =	ssyncset.done $0x0  }
0xa0: {  	[sflag:s7] =	ssyncadd.s32 s5;
	_ =	sdelay $0x1  }
0xa1: {  	s23 =	simm.s32 $0x1B8B  }
0xa2: {  	_ =	swait.ge [sflag:s23], $0x1  }
0xa3: {  	[sflag:s23] =	ssyncset.done $0x0  }
0xa4: {  	[sflag:s23] =	ssyncadd.s32 $0xFFFFFFFF  }
0xa5: {  	s5 =	sld [smem:$0x0]  }
0xa6: {  	s6 =	sand.u32 $0xFFFFFFFE, s1  }
0xa7: {  	p0 =	sne.s32 s1, s6  }
0xa8: {  	s6 =	sshll.u32 @p0 s6, $0xE  }
0xa9: {  	s6 =	sadd.s32 @p0 $0x11B8D, s6;
	s7 =	sshll.u32 @p0 s5, $0x11  }
0xaa: {  	s6 =	sor.u32 @p0 s7, s6  }
0xab: {  	[sflag:s6] =	ssyncadd.remote.s32 @p0 $0x1;
	_ =	sdelay $0x1  }
0xac: {  	s6 =	simm.s32 @p0 $0x1B8D  }
0xad: {  	_ =	swait.eq @p0 [sflag:s6], $0x1  }
0xae: {  	[sflag:s6] =	ssyncadd.s32 @p0 $0xFFFFFFFF  }
0xaf: {  	s7 =	sshll.u32 @!p0 s1, $0xE  }
0xb0: {  	s7 =	sor.u32 @!p0 $0x4000, s7;
	s6 =	simm.s32 @!p0 $0x1B8D  }
0xb1: {  	s5 =	sshll.u32 @!p0 s5, $0x11;
	s7 =	sadd.s32 @!p0 $0x11B8D, s7;
	_ =	swait.eq @!p0 [sflag:s6], $0x1  }
0xb2: {  	s5 =	sor.u32 @!p0 s5, s7;
	[sflag:s6] =	ssyncadd.s32 @!p0 $0xFFFFFFFF  }
0xb3: {  	s25 =	simm.s32 $0x1B8E;
	s24 =	sld [smem:$0x3FFE];
	[sflag:s5] =	ssyncadd.remote.s32 @!p0 $0x1  }
0xb4: {  	s26 =	simm.s32 $execute0_lowered;
	[smem:$0x3FD2] =	sst s25  }
0xb5: {  	s6 =	sshll.u32 s26, $0x1;
	_ =	strace $0x80000049;
	[dreg:$0x1] =	wrdreg $0xFFFFFFFF  }
0xb6: {  	s28 =	simm.s32 $_size_execute0_lowered;
	s4 =	sadd.s32 s4, s6;
	[dreg:$0x0] =	wrdreg $0x0  }
0xb7: {  	s6 =	sshll.u32 s28, $0x1;
	[dreg:$0x2] =	wrdreg s4  }
0xb8: {  	[dreg:$0x3] =	wrdreg s6  }
0xb9: {  	[dreg:$0x4] =	wrdreg $0xC0  }
0xba: {  	_ =	task [dreg:s22], $0x5FFFF  }
0xbb: {  	[dreg:$0x1] =	wrdreg $0xFFFFFFFF  }
0xbc: {  	[dreg:$0x0] =	wrdreg $0x60  }
0xbd: {  	[dreg:$0x2] =	wrdreg s18  }
0xbe: {  	[dreg:$0x3] =	wrdreg s24  }
0xbf: {  	[dreg:$0x4] =	wrdreg $0x9  }
0xc0: {  	_ =	task.clear_ibuf [dreg:s22], $0x5FFFF;
	_ =	strace $0x90000049  }
0xc1: {  	s29 =	simm.s32 $0x9;
	_ =	strace $0x8000004B  }
0xc2: {  	_ =	swait.ge [sflag:s29], $0x1  }
0xc3: {  	[sflag:s29] =	ssyncadd.s32 $0xFFFFFFFF  }
0xc4: {  	_ =	strace $0x9000004B  }
0xc5: {  	_ =	sfence  }
0xc6: {  	s30 =	sld [smem:$0x0];
	_ =	sdelay $0x2  }
0xc7: {  	s31 =	sshll.u32 s1, $0xD;
	s1 =	sshrl.u32 s1, $0x2  }
0xc8: {  	s4 =	sand.u32 $0x4000, s31;
	s1 =	sadd.s32 s1, s30  }
0xc9: {  	s0 =	sor.u32 s4, s0;
	s1 =	sshll.u32 s1, $0x11  }
0xca: {  	s0 =	sor.u32 s1, s0  }
0xcb: {  	s0 =	sadd.s32 $0x8F2B, s0  }
0xcc: {  	[sflag:s0] =	ssyncadd.remote.s32 $0x1  }
0xcd: {  	_ =	sfence.sel $0xFFFF  }
0xce: {  	[dreg:$0x0] =	wrdreg $0xFFFFFFFF;
	(pc) =	sbr.abs _section_cstart, $3  }
0xcf: {  	[dreg:$0x1] =	wrdreg $0xFFFFFFFF  }
0xd0: {  	_ =	task.clear_ibuf [dreg:s22], $0x2FFFF;
	_ =	strace $0x9FFFFFFF  }
0xd1: {  	(tm) =	ssettm $0x7FFFFFFF  }
tec
execute0_lowered:
.L_overlay_start_1:
0x0: {  	(tag) =	ssettag $0x1  }
0x1: {  	s1 =	rddreg [dreg:$0x0];
	s0 =	stileid.u32  }
0x2: {  	s4 =	rddreg [dreg:$0x1];
	s7 =	smul.u32 $0x13880, s0  }
0x3: {  	s2 =	srdreg.scid;
	s12 =	smul.u32 $0x1388, s0  }
0x4: {  	s3 =	simm.s32 $0x0;
	s5 =	sand.u32 $0x1, s2;
	s16 =	smul.u32 $0x1450, s0  }
0x5: {  	s14 =	simm.s32 $0x0;
	[smem:$0x7FF] =	sst s3;
	s6 =	smul.u32 $0x138800, s5  }
0x6: {  	s10 =	sadd.s32 $0x27B000, s4;
	s8 =	ssub.s32 $0x2, s5;
	s9 =	smul.u32 $0x13880, s5  }
0x7: {  	s13 =	sadd.s32 $0x280200, s4;
	s5 =	smul.u32 $0x14500, s5;
	s11 =	sshrl.u32 s8, $0x1  }
0x8: {  	_ =	strace $0x8000004A;
	s15 =	ssub.s32 s8, s11;
	s6 =	sadd.s32 s6, s13  }
0x9: {  	s9 =	sadd.s32 s12, s9;
	s8 =	sadd.s32 s16, s5;
	s12 =	simm.s32 $0x2  }
0xa: {  	s17 =	smax.u32 s15, $0x1;
	s6 =	sadd.s32 s7, s6;
	s18 =	sshll.u32 s9, $0x4  }
0xb: {  	s5 =	sshrl.u32 s8, $0x3;
	s20 =	sadd.s32 $0x1A0, s8;
	s25 =	sadd.s32 $0x138, s8  }
0xc: {  	s29 =	sadd.s32 $0xD0, s8;
	s30 =	sadd.s32 $0x68, s8;
	[dreg:$0x8] =	wrdreg s17  }
0xd: {  	[dreg:$0x3] =	wrdreg s6;
	s9 =	sadd.s32 s13, s18;
	s21 =	sadd.s32 s5, s10  }
0xe: {  	s22 =	sshrl.u32 s20, $0x3;
	s26 =	sshrl.u32 s25, $0x3;
	s11 =	sshrl.u32 s29, $0x3  }
0xf: {  	s31 =	sshrl.u32 s30, $0x3;
	s19 =	sadd.s32 $0x1900, s9;
	[dreg:$0x9] =	wrdreg s21  }
0x10: {  	s13 =	simm.s32 $0x3;
	s23 =	sadd.s32 s22, s10;
	[dreg:$0x7] =	wrdreg s19  }
0x11: {  	s24 =	sadd.s32 $0x12C0, s9;
	s28 =	sadd.s32 $0xC80, s9;
	[dreg:$0xa] =	wrdreg s23  }
0x12: {  	s7 =	sadd.s32 s26, s10;
	s9 =	sadd.s32 $0x640, s9;
	[dreg:$0x6] =	wrdreg s24  }
0x13: {  	s8 =	sadd.s32 s11, s10;
	s11 =	simm.s32 $0x64;
	[dreg:$0x5] =	wrdreg s28  }
0x14: {  	[dreg:$0x4] =	wrdreg s9;
	s9 =	sadd.s32 s31, s10;
	s10 =	simm.s32 $0x1  }
.LBB2_1:
0x15: {  	p0 =	por $0x1, $0x1  }
0x16: {  	p0 =	por p0, p0  }
0x17: {  	s15 =	simm.s32 @!p0 $0x3  }
0x18: {  	_ =	swait.ge @!p0 [sflag:s15], $0x3200  }
0x19: {  	[sflag:s15] =	ssyncset.done @!p0 $0x0  }
0x1a: {  	[sflag:s15] =	ssyncadd.s32 @!p0 $0xFFFFCE00  }
0x1b: {  	_ =	swait.ge @!p0 [sflag:s15], $0x3200  }
0x1c: {  	[sflag:s15] =	ssyncset.done @!p0 $0x0  }
0x1d: {  	[sflag:s15] =	ssyncadd.s32 @!p0 $0xFFFFCE00  }
0x1e: {  	_ =	swait.ge @!p0 [sflag:s15], $0x3200  }
0x1f: {  	[sflag:s15] =	ssyncset.done @!p0 $0x0  }
0x20: {  	[sflag:s15] =	ssyncadd.s32 @!p0 $0xFFFFCE00  }
0x21: {  	s16 =	sand.u32 $0x1, s3;
	_ =	swait.ge @!p0 [sflag:s15], $0x3200  }
0x22: {  	s17 =	smul.u32 $0x5, s16;
	[sflag:s15] =	ssyncset.done @!p0 $0x0  }
0x23: {  	s18 =	smul.u32 $0x820, s16;
	[sflag:s15] =	ssyncadd.s32 @!p0 $0xFFFFCE00  }
0x24: {  	s19 =	smul.u32 $0x1A0, s17;
	_ =	swait.ge @!p0 [sflag:s15], $0x3200  }
0x25: {  	s28 =	sshrl.u32 s18, $0x2;
	[sflag:s15] =	ssyncset.done @!p0 $0x0  }
0x26: {  	s29 =	sadd.s32 $0x1A0, s19;
	s0 =	rddreg [dreg:$0x9];
	[sflag:s15] =	ssyncadd.s32 @!p0 $0xFFFFCE00  }
0x27: {  	[tilespmem:s28], [sflag:$0x1] =	stream.linear.gather [hbm4b:s0+s3], $0x68, $0x38;
	[tilespmem:$0x1F810] =	vst v63  }
0x28: {  	s20 =	sadd.s32 $0x340, s19;
	s18 =	sshrl.u32 s29, $0x2  }
0x29: {  	[tilespmem:s18], [sflag:$0x1] =	stream.linear.gather [hbm4b:s9+s3], $0x68, $0x38;
	[tilespmem:$0x1F810] =	vst v63  }
0x2a: {  	s21 =	sadd.s32 $0x4E0, s19;
	s20 =	sshrl.u32 s20, $0x2  }
0x2b: {  	[tilespmem:s20], [sflag:$0x1] =	stream.linear.gather [hbm4b:s8+s3], $0x68, $0x38;
	[tilespmem:$0x1F810] =	vst v63  }
0x2c: {  	s19 =	sadd.s32 $0x680, s19;
	s21 =	sshrl.u32 s21, $0x2  }
0x2d: {  	[tilespmem:s21], [sflag:$0x1] =	stream.linear.gather [hbm4b:s7+s3], $0x68, $0x38;
	[tilespmem:$0x1F810] =	vst v63  }
0x2e: {  	s16 =	smul.u32 $0x3E800, s16;
	s19 =	sshrl.u32 s19, $0x2;
	s2 =	rddreg [dreg:$0xa]  }
0x2f: {  	[tilespmem:s19], [sflag:$0x1] =	stream.linear.gather [hbm4b:s2+s3], $0x68, $0x38;
	[tilespmem:$0x1F810] =	vst v63  }
0x30: {  	_ =	swait.ge [sflag:s10], $0x68  }
0x31: {  	s16 =	sshrl.u32 s16, $0x2;
	[sflag:s10] =	ssyncset.done $0x0  }
0x32: {  	s17 =	smul.u32 $0xC800, s17;
	s16 =	sadd.s32 $0x410, s16;
	[sflag:s10] =	ssyncadd.s32 $0xFFFFFF98  }
0x33: {  	[tilespmem:s16], [sflag:$0x2] =	stream.indirect.gather [hbm4b:s1+s11], $0x80, s28, s11, $0xb8;
	[tilespmem:$0x1F810] =	vst v63  }
0x34: {  	s30 =	sadd.s32 $0xC800, s17;
	_ =	swait.ge [sflag:s10], $0x68  }
0x35: {  	s15 =	sshrl.u32 s30, $0x2;
	[sflag:s10] =	ssyncset.done $0x0  }
0x36: {  	s22 =	sadd.s32 $0x410, s15;
	[sflag:s10] =	ssyncadd.s32 $0xFFFFFF98  }
0x37: {  	[tilespmem:s22], [sflag:$0x2] =	stream.indirect.gather [hbm4b:s1+s11], $0x80, s18, s11, $0xb8;
	[tilespmem:$0x1F810] =	vst v63  }
0x38: {  	s31 =	sadd.s32 $0x19000, s17;
	_ =	swait.ge [sflag:s10], $0x68  }
0x39: {  	s15 =	sshrl.u32 s31, $0x2;
	[sflag:s10] =	ssyncset.done $0x0  }
0x3a: {  	s4 =	sadd.s32 $0x410, s15;
	[sflag:s10] =	ssyncadd.s32 $0xFFFFFF98  }
0x3b: {  	[tilespmem:s4], [sflag:$0x2] =	stream.indirect.gather [hbm4b:s1+s11], $0x80, s20, s11, $0xb8;
	[tilespmem:$0x1F810] =	vst v63  }
0x3c: {  	s5 =	sadd.s32 $0x25800, s17;
	_ =	swait.ge [sflag:s10], $0x68  }
0x3d: {  	s15 =	sshrl.u32 s5, $0x2;
	[sflag:s10] =	ssyncset.done $0x0  }
0x3e: {  	s6 =	sadd.s32 $0x410, s15;
	[sflag:s10] =	ssyncadd.s32 $0xFFFFFF98  }
0x3f: {  	[tilespmem:s6], [sflag:$0x2] =	stream.indirect.gather [hbm4b:s1+s11], $0x80, s21, s11, $0xb8;
	[tilespmem:$0x1F810] =	vst v63  }
0x40: {  	s23 =	sadd.s32 $0x32000, s17;
	_ =	swait.ge [sflag:s10], $0x68  }
0x41: {  	s15 =	sshrl.u32 s23, $0x2;
	[sflag:s10] =	ssyncset.done $0x0  }
0x42: {  	s25 =	sadd.s32 $0x410, s15;
	[sflag:s10] =	ssyncadd.s32 $0xFFFFFF98  }
0x43: {  	[tilespmem:s25], [sflag:$0x2] =	stream.indirect.gather [hbm4b:s1+s11], $0x80, s19, s11, $0xb8;
	[tilespmem:$0x1F810] =	vst v63  }
0x44: {  	_ =	swait.ge [sflag:s12], $0x3200  }
0x45: {  	[sflag:s12] =	ssyncset.done $0x0  }
0x46: {  	[sflag:s12] =	ssyncadd.s32 $0xFFFFCE00  }
0x47: {  	_ =	swait.ge [sflag:s12], $0x3200  }
0x48: {  	[sflag:s12] =	ssyncset.done $0x0  }
0x49: {  	[sflag:s12] =	ssyncadd.s32 $0xFFFFCE00  }
0x4a: {  	_ =	swait.ge [sflag:s12], $0x3200  }
0x4b: {  	[sflag:s12] =	ssyncset.done $0x0  }
0x4c: {  	[sflag:s12] =	ssyncadd.s32 $0xFFFFCE00  }
0x4d: {  	_ =	swait.ge [sflag:s12], $0x3200  }
0x4e: {  	[sflag:s12] =	ssyncset.done $0x0  }
0x4f: {  	p6 =	por $0x1, $0x1;
	[sflag:s12] =	ssyncadd.s32 $0xFFFFCE00  }
0x50: {  	p0 =	por p6, p6;
	_ =	swait.ge [sflag:s12], $0x3200  }
0x51: {  	s15 =	simm.s32 $0x1F40;
	s18 =	sadd.s32 $0x41, s7;
	s24 =	rddreg [dreg:$0x3]  }
0x52: {  	s20 =	sadd.s32 $0x41, s8;
	[sflag:s12] =	ssyncset.done $0x0;
	s26 =	rddreg [dreg:$0x4]  }
0x53: {  	s23 =	rddreg [dreg:$0x5];
	[sflag:s12] =	ssyncadd.s32 $0xFFFFCE00;
	s17 =	sadd.s32 $0x0, s24  }
0x54: {  	[hbm4b:s17+s3] =	stream.linear.scatter [tilespmem:s16], [sflag:$0x3], $0x3200, $0x38;
	[tilespmem:$0x1F810] =	vst v63  }
0x55: {  	s21 =	sadd.s32 $0x41, s0;
	s28 =	rddreg [dreg:$0x6];
	s29 =	sadd.s32 $0x0, s26  }
0x56: {  	[hbm4b:s29+s3] =	stream.linear.scatter [tilespmem:s22], [sflag:$0x3], $0x3200, $0x38;
	[tilespmem:$0x1F810] =	vst v63  }
0x57: {  	s19 =	simm.s32 $0x1;
	s31 =	rddreg [dreg:$0x7];
	s30 =	sadd.s32 $0x0, s23  }
0x58: {  	[hbm4b:s30+s3] =	stream.linear.scatter [tilespmem:s4], [sflag:$0x3], $0x3200, $0x38;
	[tilespmem:$0x1F810] =	vst v63  }
0x59: {  	s23 =	simm.s32 $0x2;
	s26 =	sadd.s32 $0x0, s31;
	s16 =	sadd.s32 $0x0, s28  }
0x5a: {  	[hbm4b:s16+s3] =	stream.linear.scatter [tilespmem:s6], [sflag:$0x3], $0x3200, $0x38;
	[tilespmem:$0x1F810] =	vst v63  }
0x5b: {  	s17 =	sadd.s32 $0x41, s9;
	s22 =	simm.s32 $0x3E80;
	s16 =	sadd.s32 $0x41, s2  }
.LBB2_2:
0x5c: {  	s28 =	simm.s32 @!p0 $0x3  }
0x5d: {  	[hbm4b:s26+s3] =	stream.linear.scatter [tilespmem:s25], [sflag:$0x3], $0x3200, $0x38;
	[tilespmem:$0x1F810] =	vst v63  }
0x5e: {  	_ =	swait.ge @!p0 [sflag:s28], $0x3200  }
0x5f: {  	[sflag:s28] =	ssyncset.done @!p0 $0x0  }
0x60: {  	[sflag:s28] =	ssyncadd.s32 @!p0 $0xFFFFCE00  }
0x61: {  	_ =	swait.ge @!p0 [sflag:s28], $0x3200  }
0x62: {  	[sflag:s28] =	ssyncset.done @!p0 $0x0  }
0x63: {  	[sflag:s28] =	ssyncadd.s32 @!p0 $0xFFFFCE00  }
0x64: {  	_ =	swait.ge @!p0 [sflag:s28], $0x3200  }
0x65: {  	[sflag:s28] =	ssyncset.done @!p0 $0x0  }
0x66: {  	[sflag:s28] =	ssyncadd.s32 @!p0 $0xFFFFCE00  }
0x67: {  	s2 =	sand.u32 $0x1, s19;
	_ =	swait.ge @!p0 [sflag:s28], $0x3200  }
0x68: {  	s4 =	smul.u32 $0x5, s2;
	[sflag:s28] =	ssyncset.done @!p0 $0x0  }
0x69: {  	s29 =	smul.u32 $0x820, s2;
	[sflag:s28] =	ssyncadd.s32 @!p0 $0xFFFFCE00  }
0x6a: {  	s30 =	smul.u32 $0x1A0, s4;
	_ =	swait.ge @!p0 [sflag:s28], $0x3200  }
0x6b: {  	[sflag:s28] =	ssyncset.done @!p0 $0x0  }
0x6c: {  	s5 =	sadd.s32 $0x1A0, s30;
	[sflag:s28] =	ssyncadd.s32 @!p0 $0xFFFFCE00;
	s28 =	sshrl.u32 s29, $0x2  }
0x6d: {  	[tilespmem:s28], [sflag:$0x1] =	stream.linear.gather [hbm4b:s21+s3], $0x68, $0x38;
	[tilespmem:$0x1F810] =	vst v63  }
0x6e: {  	s31 =	sadd.s32 $0x340, s30;
	s29 =	sshrl.u32 s5, $0x2  }
0x6f: {  	[tilespmem:s29], [sflag:$0x1] =	stream.linear.gather [hbm4b:s17+s3], $0x68, $0x38;
	[tilespmem:$0x1F810] =	vst v63  }
0x70: {  	s25 =	smul.u32 $0x3E800, s2;
	s0 =	sadd.s32 $0x4E0, s30;
	s31 =	sshrl.u32 s31, $0x2  }
0x71: {  	[tilespmem:s31], [sflag:$0x1] =	stream.linear.gather [hbm4b:s20+s3], $0x68, $0x38;
	[tilespmem:$0x1F810] =	vst v63  }
0x72: {  	s26 =	smul.u32 $0xC800, s4;
	s30 =	sadd.s32 $0x680, s30;
	s0 =	sshrl.u32 s0, $0x2  }
0x73: {  	[tilespmem:s0], [sflag:$0x1] =	stream.linear.gather [hbm4b:s18+s3], $0x68, $0x38;
	[tilespmem:$0x1F810] =	vst v63  }
0x74: {  	s25 =	sshrl.u32 s25, $0x2;
	s6 =	sadd.s32 $0xC800, s26;
	s2 =	sshrl.u32 s30, $0x2  }
0x75: {  	[tilespmem:s2], [sflag:$0x1] =	stream.linear.gather [hbm4b:s16+s3], $0x68, $0x38;
	[tilespmem:$0x1F810] =	vst v63  }
0x76: {  	s4 =	sadd.s32 $0x19000, s26;
	s30 =	sshrl.u32 s6, $0x2;
	_ =	swait.ge [sflag:s10], $0x68  }
0x77: {  	s5 =	sadd.s32 $0x25800, s26;
	s26 =	sadd.s32 $0x32000, s26;
	[sflag:s10] =	ssyncset.done $0x0  }
0x78: {  	s6 =	sshrl.u32 s26, $0x2;
	s26 =	sadd.s32 $0x410, s25;
	[sflag:s10] =	ssyncadd.s32 $0xFFFFFF98  }
0x79: {  	[tilespmem:s26], [sflag:$0x2] =	stream.indirect.gather [hbm4b:s1+s11], $0x80, s28, s11, $0xb8;
	[tilespmem:$0x1F810] =	vst v63  }
0x7a: {  	_ =	swait.ge [sflag:s10], $0x68  }
0x7b: {  	[sflag:s10] =	ssyncset.done $0x0  }
0x7c: {  	s28 =	sadd.s32 $0x410, s30;
	[sflag:s10] =	ssyncadd.s32 $0xFFFFFF98  }
0x7d: {  	[tilespmem:s28], [sflag:$0x2] =	stream.indirect.gather [hbm4b:s1+s11], $0x80, s29, s11, $0xb8;
	[tilespmem:$0x1F810] =	vst v63  }
0x7e: {  	_ =	swait.ge [sflag:s10], $0x68  }
0x7f: {  	s4 =	sshrl.u32 s4, $0x2;
	[sflag:s10] =	ssyncset.done $0x0  }
0x80: {  	s29 =	sadd.s32 $0x410, s4;
	[sflag:s10] =	ssyncadd.s32 $0xFFFFFF98  }
0x81: {  	[tilespmem:s29], [sflag:$0x2] =	stream.indirect.gather [hbm4b:s1+s11], $0x80, s31, s11, $0xb8;
	[tilespmem:$0x1F810] =	vst v63  }
0x82: {  	_ =	swait.ge [sflag:s10], $0x68  }
0x83: {  	s5 =	sshrl.u32 s5, $0x2;
	[sflag:s10] =	ssyncset.done $0x0  }
0x84: {  	s30 =	sadd.s32 $0x410, s5;
	[sflag:s10] =	ssyncadd.s32 $0xFFFFFF98  }
0x85: {  	[tilespmem:s30], [sflag:$0x2] =	stream.indirect.gather [hbm4b:s1+s11], $0x80, s0, s11, $0xb8;
	[tilespmem:$0x1F810] =	vst v63  }
0x86: {  	_ =	swait.ge [sflag:s10], $0x68  }
0x87: {  	[sflag:s10] =	ssyncset.done $0x0  }
0x88: {  	s25 =	sadd.s32 $0x410, s6;
	[sflag:s10] =	ssyncadd.s32 $0xFFFFFF98  }
0x89: {  	[tilespmem:s25], [sflag:$0x2] =	stream.indirect.gather [hbm4b:s1+s11], $0x80, s2, s11, $0xb8;
	[tilespmem:$0x1F810] =	vst v63  }
0x8a: {  	_ =	swait.ge [sflag:s12], $0x3200  }
0x8b: {  	[sflag:s12] =	ssyncset.done $0x0  }
0x8c: {  	[sflag:s12] =	ssyncadd.s32 $0xFFFFCE00  }
0x8d: {  	_ =	swait.ge [sflag:s12], $0x3200  }
0x8e: {  	[sflag:s12] =	ssyncset.done $0x0  }
0x8f: {  	[sflag:s12] =	ssyncadd.s32 $0xFFFFCE00  }
0x90: {  	_ =	swait.ge [sflag:s12], $0x3200  }
0x91: {  	[sflag:s12] =	ssyncset.done $0x0  }
0x92: {  	[sflag:s12] =	ssyncadd.s32 $0xFFFFCE00  }
0x93: {  	p2 =	slt.u32 s23, $0x2;
	s24 =	smov.u32 s15;
	_ =	swait.ge [sflag:s12], $0x3200  }
0x94: {  	s15 =	smov.u32 s22;
	s22 =	sadd.s32 $0x1F40, s22;
	[sflag:s12] =	ssyncset.done $0x0  }
0x95: {  	s19 =	smov.u32 s23;
	s23 =	sadd.s32 $0x1, s23;
	[sflag:s12] =	ssyncadd.s32 $0xFFFFCE00  }
0x96: {  	p1 =	sne.s32 s22, $0x13880;
	p0 =	por p2, p2;
	_ =	swait.ge [sflag:s12], $0x3200  }
0x97: {  	s21 =	sadd.s32 $0x41, s21;
	s4 =	rddreg [dreg:$0x3];
	[sflag:s12] =	ssyncset.done $0x0  }
0x98: {  	s5 =	rddreg [dreg:$0x4];
	[sflag:s12] =	ssyncadd.s32 $0xFFFFCE00;
	s0 =	sadd.s32 s24, s4  }
0x99: {  	[hbm4b:s0+s3] =	stream.linear.scatter [tilespmem:s26], [sflag:$0x3], $0x3200, $0x38;
	[tilespmem:$0x1F810] =	vst v63  }
0x9a: {  	s17 =	sadd.s32 $0x41, s17;
	s6 =	rddreg [dreg:$0x5];
	s2 =	sadd.s32 s24, s5  }
0x9b: {  	[hbm4b:s2+s3] =	stream.linear.scatter [tilespmem:s28], [sflag:$0x3], $0x3200, $0x38;
	[tilespmem:$0x1F810] =	vst v63  }
.Ltmp0:
0x9c: {  	s20 =	sadd.s32 $0x41, s20;
	s31 =	rddreg [dreg:$0x6];
	(pc) =	sbr.rel @p1 .LBB2_2-.Ltmp0, $4  }
0x9d: {  	s18 =	sadd.s32 $0x41, s18;
	s6 =	sadd.s32 s24, s6;
	s26 =	rddreg [dreg:$0x7]  }
0x9e: {  	[hbm4b:s6+s3] =	stream.linear.scatter [tilespmem:s29], [sflag:$0x3], $0x3200, $0x38;
	[tilespmem:$0x1F810] =	vst v63  }
0x9f: {  	s16 =	sadd.s32 $0x41, s16;
	s31 =	sadd.s32 s24, s31;
	s26 =	sadd.s32 s24, s26  }
0xa0: {  	[hbm4b:s31+s3] =	stream.linear.scatter [tilespmem:s30], [sflag:$0x3], $0x3200, $0x38;
	[tilespmem:$0x1F810] =	vst v63  }
0xa1: {  	s0 =	simm.s32 @!p0 $0x3  }
0xa2: {  	[hbm4b:s26+s3] =	stream.linear.scatter [tilespmem:s25], [sflag:$0x3], $0x3200, $0x38;
	[tilespmem:$0x1F810] =	vst v63  }
0xa3: {  	_ =	swait.ge @!p0 [sflag:s0], $0x3200  }
0xa4: {  	[sflag:s0] =	ssyncset.done @!p0 $0x0  }
0xa5: {  	[sflag:s0] =	ssyncadd.s32 @!p0 $0xFFFFCE00  }
0xa6: {  	_ =	swait.ge @!p0 [sflag:s0], $0x3200  }
0xa7: {  	[sflag:s0] =	ssyncset.done @!p0 $0x0  }
0xa8: {  	[sflag:s0] =	ssyncadd.s32 @!p0 $0xFFFFCE00  }
0xa9: {  	_ =	swait.ge @!p0 [sflag:s0], $0x3200  }
0xaa: {  	[sflag:s0] =	ssyncset.done @!p0 $0x0  }
0xab: {  	[sflag:s0] =	ssyncadd.s32 @!p0 $0xFFFFCE00  }
0xac: {  	s2 =	sand.u32 $0x1, s19;
	_ =	swait.ge @!p0 [sflag:s0], $0x3200  }
0xad: {  	s4 =	smul.u32 $0x5, s2;
	[sflag:s0] =	ssyncset.done @!p0 $0x0  }
0xae: {  	s5 =	smul.u32 $0x820, s2;
	[sflag:s0] =	ssyncadd.s32 @!p0 $0xFFFFCE00  }
0xaf: {  	s6 =	smul.u32 $0x1A0, s4;
	_ =	swait.ge @!p0 [sflag:s0], $0x3200  }
0xb0: {  	[sflag:s0] =	ssyncset.done @!p0 $0x0  }
0xb1: {  	s28 =	sshrl.u32 s5, $0x2;
	s29 =	sadd.s32 $0x1A0, s6;
	[sflag:s0] =	ssyncadd.s32 @!p0 $0xFFFFCE00  }
0xb2: {  	[tilespmem:s28], [sflag:$0x1] =	stream.linear.gather [hbm4b:s21+s3], $0x68, $0x38;
	[tilespmem:$0x1F810] =	vst v63  }
0xb3: {  	s30 =	sadd.s32 $0x340, s6;
	s5 =	sshrl.u32 s29, $0x2  }
0xb4: {  	[tilespmem:s5], [sflag:$0x1] =	stream.linear.gather [hbm4b:s17+s3], $0x68, $0x38;
	[tilespmem:$0x1F810] =	vst v63  }
0xb5: {  	s31 =	sadd.s32 $0x4E0, s6;
	s19 =	sshrl.u32 s30, $0x2  }
0xb6: {  	[tilespmem:s19], [sflag:$0x1] =	stream.linear.gather [hbm4b:s20+s3], $0x68, $0x38;
	[tilespmem:$0x1F810] =	vst v63  }
0xb7: {  	s6 =	sadd.s32 $0x680, s6;
	s17 =	sshrl.u32 s31, $0x2  }
0xb8: {  	[tilespmem:s17], [sflag:$0x1] =	stream.linear.gather [hbm4b:s18+s3], $0x68, $0x38;
	[tilespmem:$0x1F810] =	vst v63  }
0xb9: {  	s2 =	smul.u32 $0x3E800, s2;
	s6 =	sshrl.u32 s6, $0x2  }
0xba: {  	[tilespmem:s6], [sflag:$0x1] =	stream.linear.gather [hbm4b:s16+s3], $0x68, $0x38;
	[tilespmem:$0x1F810] =	vst v63  }
0xbb: {  	_ =	swait.ge [sflag:s10], $0x68  }
0xbc: {  	s2 =	sshrl.u32 s2, $0x2;
	[sflag:s10] =	ssyncset.done $0x0  }
0xbd: {  	s4 =	smul.u32 $0xC800, s4;
	s2 =	sadd.s32 $0x410, s2;
	[sflag:s10] =	ssyncadd.s32 $0xFFFFFF98  }
0xbe: {  	[tilespmem:s2], [sflag:$0x2] =	stream.indirect.gather [hbm4b:s1+s11], $0x80, s28, s11, $0xb8;
	[tilespmem:$0x1F810] =	vst v63  }
0xbf: {  	s16 =	sadd.s32 $0xC800, s4;
	_ =	swait.ge [sflag:s10], $0x68  }
0xc0: {  	s0 =	sshrl.u32 s16, $0x2;
	[sflag:s10] =	ssyncset.done $0x0  }
0xc1: {  	s0 =	sadd.s32 $0x410, s0;
	[sflag:s10] =	ssyncadd.s32 $0xFFFFFF98  }
0xc2: {  	[tilespmem:s0], [sflag:$0x2] =	stream.indirect.gather [hbm4b:s1+s11], $0x80, s5, s11, $0xb8;
	[tilespmem:$0x1F810] =	vst v63  }
0xc3: {  	s18 =	sadd.s32 $0x19000, s4;
	_ =	swait.ge [sflag:s10], $0x68  }
0xc4: {  	s5 =	sshrl.u32 s18, $0x2;
	[sflag:s10] =	ssyncset.done $0x0  }
0xc5: {  	s5 =	sadd.s32 $0x410, s5;
	[sflag:s10] =	ssyncadd.s32 $0xFFFFFF98  }
0xc6: {  	[tilespmem:s5], [sflag:$0x2] =	stream.indirect.gather [hbm4b:s1+s11], $0x80, s19, s11, $0xb8;
	[tilespmem:$0x1F810] =	vst v63  }
0xc7: {  	s20 =	sadd.s32 $0x25800, s4;
	_ =	swait.ge [sflag:s10], $0x68  }
0xc8: {  	s16 =	sshrl.u32 s20, $0x2;
	[sflag:s10] =	ssyncset.done $0x0  }
0xc9: {  	s16 =	sadd.s32 $0x410, s16;
	[sflag:s10] =	ssyncadd.s32 $0xFFFFFF98  }
0xca: {  	[tilespmem:s16], [sflag:$0x2] =	stream.indirect.gather [hbm4b:s1+s11], $0x80, s17, s11, $0xb8;
	[tilespmem:$0x1F810] =	vst v63  }
0xcb: {  	s4 =	sadd.s32 $0x32000, s4;
	_ =	swait.ge [sflag:s10], $0x68  }
0xcc: {  	s4 =	sshrl.u32 s4, $0x2;
	[sflag:s10] =	ssyncset.done $0x0  }
0xcd: {  	s4 =	sadd.s32 $0x410, s4;
	[sflag:s10] =	ssyncadd.s32 $0xFFFFFF98  }
0xce: {  	[tilespmem:s4], [sflag:$0x2] =	stream.indirect.gather [hbm4b:s1+s11], $0x80, s6, s11, $0xb8;
	[tilespmem:$0x1F810] =	vst v63  }
0xcf: {  	_ =	swait.ge [sflag:s12], $0x3200  }
0xd0: {  	[sflag:s12] =	ssyncset.done $0x0  }
0xd1: {  	[sflag:s12] =	ssyncadd.s32 $0xFFFFCE00  }
0xd2: {  	_ =	swait.ge [sflag:s12], $0x3200  }
0xd3: {  	[sflag:s12] =	ssyncset.done $0x0  }
0xd4: {  	[sflag:s12] =	ssyncadd.s32 $0xFFFFCE00  }
0xd5: {  	_ =	swait.ge [sflag:s12], $0x3200  }
0xd6: {  	[sflag:s12] =	ssyncset.done $0x0  }
0xd7: {  	[sflag:s12] =	ssyncadd.s32 $0xFFFFCE00  }
0xd8: {  	_ =	swait.ge [sflag:s12], $0x3200  }
0xd9: {  	[sflag:s12] =	ssyncset.done $0x0  }
0xda: {  	[sflag:s12] =	ssyncadd.s32 $0xFFFFCE00  }
0xdb: {  	_ =	swait.ge [sflag:s12], $0x3200  }
0xdc: {  	s21 =	rddreg [dreg:$0x3];
	[sflag:s12] =	ssyncset.done $0x0  }
0xdd: {  	s22 =	rddreg [dreg:$0x4];
	[sflag:s12] =	ssyncadd.s32 $0xFFFFCE00;
	s6 =	sadd.s32 s15, s21  }
0xde: {  	[hbm4b:s6+s3] =	stream.linear.scatter [tilespmem:s2], [sflag:$0x3], $0x3200, $0x38;
	[tilespmem:$0x1F810] =	vst v63  }
0xdf: {  	s23 =	rddreg [dreg:$0x5];
	s25 =	sadd.s32 s15, s22  }
0xe0: {  	[hbm4b:s25+s3] =	stream.linear.scatter [tilespmem:s0], [sflag:$0x3], $0x3200, $0x38;
	[tilespmem:$0x1F810] =	vst v63  }
0xe1: {  	s24 =	rddreg [dreg:$0x6];
	s26 =	sadd.s32 s15, s23  }
0xe2: {  	[hbm4b:s26+s3] =	stream.linear.scatter [tilespmem:s5], [sflag:$0x3], $0x3200, $0x38;
	[tilespmem:$0x1F810] =	vst v63  }
0xe3: {  	s28 =	rddreg [dreg:$0x7];
	s29 =	sadd.s32 s15, s24  }
0xe4: {  	[hbm4b:s29+s3] =	stream.linear.scatter [tilespmem:s16], [sflag:$0x3], $0x3200, $0x38;
	[tilespmem:$0x1F810] =	vst v63  }
0xe5: {  	s30 =	sadd.s32 s15, s28  }
0xe6: {  	[hbm4b:s30+s3] =	stream.linear.scatter [tilespmem:s4], [sflag:$0x3], $0x3200, $0x38;
	[tilespmem:$0x1F810] =	vst v63  }
0xe7: {  	_ =	swait.ge [sflag:s13], $0x3200  }
0xe8: {  	[sflag:s13] =	ssyncset.done $0x0  }
0xe9: {  	[sflag:s13] =	ssyncadd.s32 $0xFFFFCE00  }
0xea: {  	_ =	swait.ge [sflag:s13], $0x3200  }
0xeb: {  	[sflag:s13] =	ssyncset.done $0x0  }
0xec: {  	[sflag:s13] =	ssyncadd.s32 $0xFFFFCE00  }
0xed: {  	_ =	swait.ge [sflag:s13], $0x3200  }
0xee: {  	[sflag:s13] =	ssyncset.done $0x0  }
0xef: {  	[sflag:s13] =	ssyncadd.s32 $0xFFFFCE00  }
0xf0: {  	_ =	swait.ge [sflag:s13], $0x3200  }
0xf1: {  	[sflag:s13] =	ssyncset.done $0x0  }
0xf2: {  	[sflag:s13] =	ssyncadd.s32 $0xFFFFCE00  }
0xf3: {  	_ =	swait.ge [sflag:s13], $0x3200  }
0xf4: {  	[sflag:s13] =	ssyncset.done $0x0  }
0xf5: {  	[sflag:s13] =	ssyncadd.s32 $0xFFFFCE00  }
0xf6: {  	_ =	swait.ge [sflag:s13], $0x3200  }
0xf7: {  	[sflag:s13] =	ssyncset.done $0x0  }
0xf8: {  	[sflag:s13] =	ssyncadd.s32 $0xFFFFCE00  }
0xf9: {  	_ =	swait.ge [sflag:s13], $0x3200  }
0xfa: {  	[sflag:s13] =	ssyncset.done $0x0  }
0xfb: {  	[sflag:s13] =	ssyncadd.s32 $0xFFFFCE00  }
0xfc: {  	_ =	swait.ge [sflag:s13], $0x3200  }
0xfd: {  	[sflag:s13] =	ssyncset.done $0x0  }
0xfe: {  	[sflag:s13] =	ssyncadd.s32 $0xFFFFCE00  }
0xff: {  	_ =	swait.ge [sflag:s13], $0x3200  }
0x100: {  	[sflag:s13] =	ssyncset.done $0x0  }
0x101: {  	[sflag:s13] =	ssyncadd.s32 $0xFFFFCE00  }
0x102: {  	_ =	swait.ge [sflag:s13], $0x3200  }
0x103: {  	s14 =	sadd.s32 $0x1, s14;
	s31 =	rddreg [dreg:$0x8]  }
0x104: {  	p0 =	sne.s32 s14, s31  }
.Ltmp1:
0x105: {  	_ = 	snop;
	(pc) =	sbr.rel @p0 .LBB2_1-.Ltmp1, $3  }
0x106: {  	_ =	sdelay $0x1  }
0x107: {  	[sflag:s13] =	ssyncset.done $0x0  }
0x108: {  	[sflag:s13] =	ssyncadd.s32 $0xFFFFCE00  }
0x109: {  	_ =	sfence.sel $0x180000  }
0x10a: {  	[bflag:$0x0] =	sbarrier.arrive $0xFFFF  }
0x10b: {  	_ =	strace $0x9000004A  }
0x10c: {  	s0 =	stileid.u32;
	[bflag:$0x2] =	sbarrier.arrive $0xFFFF  }
0x10d: {  	p0 =	sne.s32 s0, $0x0;
	s0 =	rddreg [dreg:$0x2]  }
0x10e: {  	s0 =	sadd.s32 @!p0 $0x100000, s0  }
0x10f: {  	[sflag:s0] =	ssyncadd.tile.s32 @!p0 $0x1;
	_ =	shalt  }
.Lfunc_end2:
_tile_overlayer_lowered:
.L_overlay_start_2:
0x110: {  	(tag) =	ssettag $0x2  }
0x111: {  	s0 =	rddreg [dreg:$0x0];
	s2 =	stileid.u32  }
0x112: {  	s1 =	rddreg [dreg:$0x1];
	p0 =	sne.s32 s2, $0x0  }
0x113: {  	s3 =	rddreg [dreg:$0x2];
	[bflag:$0x3] =	sbarrier.arrive $0xFFFF;
	s2 =	simm.s32 @!p0 $0x1C04  }
0x114: {  	[timem:s3], [sflag:s2] =	dma.local @!p0 [hbm:s0], s1  }
0x115: {  	s0 =	simm.s32 @!p0 $0x4  }
0x116: {  	_ =	swait.ge @!p0 [sflag:s0], s1  }
0x117: {  	s1 =	ssub.s32 @!p0 $0x0, s1;
	[sflag:s0] =	ssyncset.done @!p0 $0x0  }
0x118: {  	[sflag:s0] =	ssyncadd.s32 @!p0 s1  }
0x119: {  	[bflag:$0x3] =	sbarrier.arrive $0xFFFF  }
0x11a: {  	_ =	shalt  }

// kernel: kernel.13.cloned.1.call-start
scs
__scs_entry_jumppad:
0x0: {  	(pc) =	sbr.rel $0x88, $3  }
0x1: {  	(tag) =	ssettag $0x0;
	lr =	simm.s32 $0x1  }
0x2: {  	[smem:$0x3F96] =	sst lr;
	_ =	strace $0xD0000000  }
0x3: {  	_ = 	snop  }
0x4: {  	_ = 	snop  }
0x5: {  	_ = 	snop  }
0x6: {  	_ = 	snop  }
0x7: {  	_ = 	snop  }
__scs_overlays_trampoline_lowered:
0x8: {  	[smem:$0x3FA5] =	sst s0  }
0x9: {  	[smem:$0x3FA6] =	sst s1  }
0xa: {  	[smem:$0x3FA7] =	sst s2  }
0xb: {  	[smem:$0x3FA8] =	sst s3  }
0xc: {  	[smem:$0x3FA9] =	sst s4  }
0xd: {  	[smem:$0x3FAA] =	sst s5  }
0xe: {  	[smem:$0x3FAB] =	sst s6  }
0xf: {  	[smem:$0x3FAC] =	sst s7  }
0x10: {  	[smem:$0x3FAD] =	sst s8  }
0x11: {  	[smem:$0x3FAE] =	sst s9;
	s0 =	simm.s32 @!p0 $0x0  }
0x12: {  	s1 =	sld [smem:$0x3F94];
	s0 =	simm.s32 @p0 $0x1  }
0x13: {  	[smem:$0x3FAF] =	sst s0;
	s0 =	simm.s32 @!p1 $0x0  }
0x14: {  	s2 =	sld [smem:$0x3F93];
	s0 =	simm.s32 @p1 $0x1  }
0x15: {  	[smem:$0x3FB0] =	sst s0;
	s0 =	simm.s32 @!p2 $0x0  }
0x16: {  	s3 =	sld [smem:$0x3FDB];
	s0 =	simm.s32 @p2 $0x1  }
0x17: {  	s4 =	simm.s32 $0x1BF5;
	[smem:$0x3FB2] =	sst s0  }
0x18: {  	s0 =	sld [smem:$0x3F95];
	_ =	swait.ge [sflag:s4], $0x0  }
0x19: {  	s7 =	sld [smem:$0x3F96]  }
0x1a: {  	s8 =	sadd.s32 $0xFFFFE003, lr  }
0x1b: {  	s9 =	sadd.s32 $0xFFFFFEF7, lr;
	s5 =	simm.s32 $0xFFFFFFFF;
	p2 =	slt.u32 s8, $0xFFFFF086  }
0x1c: {  	p1 =	slt.u32 s9, $0xF7A;
	s5 =	simm.s32 @!p2 $0x0  }
0x1d: {  	s5 =	simm.s32 @p1 $0x1;
	p0 =	seq.s32 s7, s2  }
0x1e: {  	s7 =	smul.u32 @!p0 $0xF7A, s2;
	p2 =	seq.s32 @!p0 s5, $0x0  }
0x1f: {  	s9 =	smul.u32 $0xF7A, s1;
	s8 =	simm.s32 @!p0 $0x1BF5;
	p2 =	por !p2, p0  }
0x20: {  	[sflag:s8] =	ssyncset.s32 @!p0 $0xFFFFF086;
	s6 =	sadd.s32 @!p0 s3, s7;
	s7 =	simm.s32 @!p0 $0x108  }
0x21: {  	s3 =	sadd.s32 s3, s9;
	s6 =	sadd.s32 @!p0 $0x88, s6;
	s7 =	simm.s32 @p2 $0x1082  }
0x22: {  	[simem:s7], [sflag:s8] =	dma.local @!p0 [hbm:s6], $0xF7A  }
0x23: {  	s9 =	sor.u32 $0xD0000000, s2;
	s6 =	simm.s32 $0x108;
	_ =	swait.ge @!p0 [sflag:s8], $0x0  }
0x24: {  	s3 =	sadd.s32 $0x88, s3;
	s6 =	simm.s32 @!p1 $0x1082;
	[sflag:s4] =	ssyncset.s32 $0xFFFFF086  }
0x25: {  	[simem:s6], [sflag:s4] =	dma.local [hbm:s3], $0xF7A  }
0x26: {  	[smem:$0x3F96] =	sst s1;
	(tag) =	ssettag s2;
	_ =	strace s9  }
0x27: {  	s1 =	sld [smem:$0x3FA6]  }
0x28: {  	s2 =	sld [smem:$0x3FA7]  }
0x29: {  	s4 =	sld [smem:$0x3FA9]  }
0x2a: {  	p0 =	seq.s32 s5, $0x0;
	s5 =	sld [smem:$0x3FAA]  }
0x2b: {  	s6 =	sld [smem:$0x3FAB]  }
0x2c: {  	s7 =	sld [smem:$0x3FAC]  }
0x2d: {  	s3 =	simm.s32 $0x108;
	s8 =	sld [smem:$0x3FAD]  }
0x2e: {  	s3 =	simm.s32 @!p0 $0x1082;
	s9 =	sld [smem:$0x3FAE]  }
0x2f: {  	lr =	sadd.s32 s0, s3;
	s0 =	sld [smem:$0x3FA5]  }
0x30: {  	s3 =	sld [smem:$0x3FA8]  }
0x31: {  	[smem:$0x3FB1] =	sst s10  }
0x32: {  	s10 =	sld [smem:$0x3FAF];
	_ =	sdelay $0x3  }
0x33: {  	p0 =	seq.s32 s10, $0x1;
	s10 =	sld [smem:$0x3FB1];
	_ =	sdelay $0x3  }
0x34: {  	[smem:$0x3FB1] =	sst s10  }
0x35: {  	s10 =	sld [smem:$0x3FB0];
	_ =	sdelay $0x3  }
0x36: {  	p1 =	seq.s32 s10, $0x1;
	s10 =	sld [smem:$0x3FB1];
	_ =	sdelay $0x3  }
0x37: {  	[smem:$0x3FB1] =	sst s10  }
0x38: {  	s10 =	sld [smem:$0x3FB2]  }
0x39: {  	_ = 	snop;
	(pc) =	sbr.ind lr, $3  }
0x3a: {  	_ = 	snop  }
0x3b: {  	_ = 	snop  }
0x3c: {  	p2 =	seq.s32 s10, $0x1;
	s10 =	sld [smem:$0x3FB1]  }
0x3d: {  	_ =	shalt  }
0x3e: {  	_ =	shalt  }
0x3f: {  	_ =	shalt  }
0x40: {  	_ =	shalt  }
0x41: {  	_ =	shalt  }
0x42: {  	_ =	shalt  }
0x43: {  	_ =	shalt  }
0x44: {  	_ =	shalt  }
0x45: {  	_ =	shalt  }
0x46: {  	_ =	shalt  }
0x47: {  	_ =	shalt  }
0x48: {  	_ =	shalt  }
0x49: {  	_ =	shalt  }
0x4a: {  	_ =	shalt  }
0x4b: {  	_ =	shalt  }
0x4c: {  	_ =	shalt  }
0x4d: {  	_ =	shalt  }
0x4e: {  	_ =	shalt  }
0x4f: {  	_ =	shalt  }
0x50: {  	_ =	shalt  }
0x51: {  	_ =	shalt  }
0x52: {  	_ =	shalt  }
0x53: {  	_ =	shalt  }
0x54: {  	_ =	shalt  }
0x55: {  	_ =	shalt  }
0x56: {  	_ =	shalt  }
0x57: {  	_ =	shalt  }
0x58: {  	_ =	shalt  }
0x59: {  	_ =	shalt  }
0x5a: {  	_ =	shalt  }
0x5b: {  	_ =	shalt  }
0x5c: {  	_ =	shalt  }
0x5d: {  	_ =	shalt  }
0x5e: {  	_ =	shalt  }
0x5f: {  	_ =	shalt  }
0x60: {  	_ =	shalt  }
0x61: {  	_ =	shalt  }
0x62: {  	_ =	shalt  }
0x63: {  	_ =	shalt  }
0x64: {  	_ =	shalt  }
0x65: {  	_ =	shalt  }
0x66: {  	_ =	shalt  }
0x67: {  	_ =	shalt  }
0x68: {  	_ =	shalt  }
0x69: {  	_ =	shalt  }
0x6a: {  	_ =	shalt  }
0x6b: {  	_ =	shalt  }
0x6c: {  	_ =	shalt  }
0x6d: {  	_ =	shalt  }
0x6e: {  	_ =	shalt  }
0x6f: {  	_ =	shalt  }
0x70: {  	_ =	shalt  }
0x71: {  	_ =	shalt  }
0x72: {  	_ =	shalt  }
0x73: {  	_ =	shalt  }
0x74: {  	_ =	shalt  }
0x75: {  	_ =	shalt  }
0x76: {  	_ =	shalt  }
0x77: {  	_ =	shalt  }
0x78: {  	_ =	shalt  }
0x79: {  	_ =	shalt  }
0x7a: {  	_ =	shalt  }
0x7b: {  	_ =	shalt  }
0x7c: {  	_ =	shalt  }
0x7d: {  	_ =	shalt  }
0x7e: {  	_ =	shalt  }
0x7f: {  	_ =	shalt  }
0x80: {  	_ =	shalt  }
0x81: {  	_ =	shalt  }
0x82: {  	_ =	shalt  }
0x83: {  	_ =	shalt  }
0x84: {  	_ =	shalt  }
0x85: {  	_ =	shalt  }
0x86: {  	_ =	shalt  }
0x87: {  	_ =	shalt  }
.Lfunc_end0:
.L_simem_size_0:
called_computation.1_lowered:
.L_overlay_start_0:
0x88: {  	s2 =	sld [smem:$0x3FD9]  }
0x89: {  	s3 =	sld [smem:$0x3FFE];
	_ =	sdelay $0x1  }
0x8a: {  	s1 =	srdreg.scid  }
0x8b: {  	s0 =	sand.u32 $0x1, s1  }
0x8c: {  	s17 =	sshll.u32 s0, $0xA;
	s2 =	sadd.s32 s3, s2  }
0x8d: {  	s2 =	sadd.s32 s2, s17  }
0x8e: {  	[smem:$0x3FBD] =	sst s2  }
0x8f: {  	_ = 	snop  }
0x90: {  	(tm) =	ssettm $0x1  }
0x91: {  	s18 =	sld [smem:$0x3FFB];
	_ =	sdelay $0x3  }
0x92: {  	_ =	strace s18  }
0x93: {  	s2 =	sld [smem:$0x3FFC];
	_ =	sdelay $0x3  }
0x94: {  	_ =	strace s2  }
0x95: {  	s2 =	sld [smem:$0x3FFD];
	_ =	sdelay $0x3  }
0x96: {  	_ =	strace s2  }
0x97: {  	_ =	strace $0x8FFFFFFF  }
0x98: {  	s19 =	sld [smem:$0x3FDB];
	_ =	sdelay $0x1  }
0x99: {  	s20 =	simm.s32 $_scs_section_size  }
0x9a: {  	s4 =	simm.s32 $_size__tile_overlayer_lowered;
	s5 =	simm.s32 $_tile_overlayer_lowered  }
0x9b: {  	s6 =	simm.s32 $0x1BFF;
	s21 =	sshll.u32 s5, $0x1;
	s3 =	sadd.s32 s20, s19  }
0x9c: {  	s22 =	simm.s32 $0x0;
	s4 =	sshll.u32 s4, $0x1;
	s5 =	sadd.s32 s21, s3  }
0x9d: {  	[timem:s22], [sflag:s6] =	dma.local [hbm:s5], s4  }
0x9e: {  	_ =	swait.ge [sflag:s6], s4  }
0x9f: {  	s4 =	ssub.s32 $0x0, s4;
	[sflag:s6] =	ssyncset.done $0x0  }
0xa0: {  	[sflag:s6] =	ssyncadd.s32 s4;
	_ =	sdelay $0x1  }
0xa1: {  	s23 =	simm.s32 $0x1B8B  }
0xa2: {  	_ =	swait.ge [sflag:s23], $0x1  }
0xa3: {  	[sflag:s23] =	ssyncset.done $0x0  }
0xa4: {  	[sflag:s23] =	ssyncadd.s32 $0xFFFFFFFF  }
0xa5: {  	s4 =	sld [smem:$0x0]  }
0xa6: {  	s5 =	sand.u32 $0xFFFFFFFE, s1  }
0xa7: {  	p0 =	sne.s32 s1, s5  }
0xa8: {  	s5 =	sshll.u32 @p0 s5, $0xE  }
0xa9: {  	s5 =	sadd.s32 @p0 $0x11B8D, s5;
	s6 =	sshll.u32 @p0 s4, $0x11  }
0xaa: {  	s5 =	sor.u32 @p0 s6, s5  }
0xab: {  	[sflag:s5] =	ssyncadd.remote.s32 @p0 $0x1;
	_ =	sdelay $0x1  }
0xac: {  	s5 =	simm.s32 @p0 $0x1B8D  }
0xad: {  	_ =	swait.eq @p0 [sflag:s5], $0x1  }
0xae: {  	[sflag:s5] =	ssyncadd.s32 @p0 $0xFFFFFFFF  }
0xaf: {  	s6 =	sshll.u32 @!p0 s1, $0xE  }
0xb0: {  	s6 =	sor.u32 @!p0 $0x4000, s6;
	s5 =	simm.s32 @!p0 $0x1B8D  }
0xb1: {  	s4 =	sshll.u32 @!p0 s4, $0x11;
	s6 =	sadd.s32 @!p0 $0x11B8D, s6;
	_ =	swait.eq @!p0 [sflag:s5], $0x1  }
0xb2: {  	s4 =	sor.u32 @!p0 s4, s6;
	[sflag:s5] =	ssyncadd.s32 @!p0 $0xFFFFFFFF  }
0xb3: {  	s25 =	simm.s32 $0x1B8E;
	s24 =	sld [smem:$0x3FFE];
	[sflag:s4] =	ssyncadd.remote.s32 @!p0 $0x1  }
0xb4: {  	s26 =	simm.s32 $execute0_lowered;
	[smem:$0x3FD2] =	sst s25  }
0xb5: {  	s5 =	sshll.u32 s26, $0x1;
	_ =	strace $0x8000004F;
	[dreg:$0x1] =	wrdreg $0xFFFFFFFF  }
0xb6: {  	s28 =	simm.s32 $_size_execute0_lowered;
	s3 =	sadd.s32 s3, s5;
	[dreg:$0x0] =	wrdreg $0x0  }
0xb7: {  	s5 =	sshll.u32 s28, $0x1;
	[dreg:$0x2] =	wrdreg s3  }
0xb8: {  	[dreg:$0x3] =	wrdreg s5  }
0xb9: {  	[dreg:$0x4] =	wrdreg $0xC0  }
0xba: {  	_ =	task [dreg:s22], $0x5FFFF  }
0xbb: {  	[dreg:$0x1] =	wrdreg $0xFFFFFFFF  }
0xbc: {  	[dreg:$0x0] =	wrdreg $0x60  }
0xbd: {  	[dreg:$0x2] =	wrdreg s24  }
0xbe: {  	[dreg:$0x3] =	wrdreg $0xA1400  }
0xbf: {  	[dreg:$0x4] =	wrdreg $0x9  }
0xc0: {  	_ =	task.clear_ibuf [dreg:s22], $0x5FFFF;
	_ =	strace $0x9000004F  }
0xc1: {  	s29 =	simm.s32 $0x9;
	_ =	strace $0x80000051  }
0xc2: {  	_ =	swait.ge [sflag:s29], $0x1  }
0xc3: {  	[sflag:s29] =	ssyncadd.s32 $0xFFFFFFFF  }
0xc4: {  	_ =	strace $0x90000051  }
0xc5: {  	_ =	sfence  }
0xc6: {  	s30 =	sld [smem:$0x0];
	_ =	sdelay $0x2  }
0xc7: {  	s31 =	sshll.u32 s1, $0xD;
	s1 =	sshrl.u32 s1, $0x2  }
0xc8: {  	s4 =	sand.u32 $0x4000, s31;
	s1 =	sadd.s32 s1, s30  }
0xc9: {  	s0 =	sor.u32 s4, s0;
	s1 =	sshll.u32 s1, $0x11  }
0xca: {  	s0 =	sor.u32 s1, s0  }
0xcb: {  	s0 =	sadd.s32 $0x8F2B, s0  }
0xcc: {  	[sflag:s0] =	ssyncadd.remote.s32 $0x1  }
0xcd: {  	_ =	sfence.sel $0xFFFF  }
0xce: {  	[dreg:$0x0] =	wrdreg $0xFFFFFFFF;
	(pc) =	sbr.abs _section_cstart, $3  }
0xcf: {  	[dreg:$0x1] =	wrdreg $0xFFFFFFFF  }
0xd0: {  	_ =	task.clear_ibuf [dreg:s22], $0x2FFFF;
	_ =	strace $0x9FFFFFFF  }
0xd1: {  	(tm) =	ssettm $0x7FFFFFFF  }
tec
execute0_lowered:
.L_overlay_start_1:
0x0: {  	(tag) =	ssettag $0x1  }
0x1: {  	s6 =	rddreg [dreg:$0x0]  }
0x2: {  	s2 =	rddreg [dreg:$0x1]  }
0x3: {  	s0 =	rddreg [dreg:$0x2]  }
0x4: {  	s1 =	stileid.u32;
	s5 =	srdreg.scid  }
0x5: {  	s3 =	simm.s32 $0x0;
	s13 =	simm.s32 $0x2;
	s4 =	smul.u32 $0x4E2, s1  }
0x6: {  	s14 =	simm.s32 $0x28;
	s15 =	simm.s32 $0x3;
	s7 =	smul.u32 $0x2710, s1  }
0x7: {  	s16 =	simm.s32 $0x0;
	s5 =	sand.u32 $0x1, s5;
	s11 =	smul.u32 $0x4E200, s1  }
0x8: {  	[smem:$0x7FF] =	sst s3;
	s30 =	sshll.u32 s1, $0x6;
	s12 =	smul.u32 $0x27100, s1  }
0x9: {  	s8 =	smul.u32 $0x27100, s5;
	_ =	strace $0x80000050;
	s10 =	ssub.s32 $0x2, s5  }
0xa: {  	p0 =	seq.s32 s5, $0x0;
	s5 =	sor.u32 $0x1C04, s30;
	s9 =	sadd.s32 s4, s6  }
0xb: {  	s28 =	sshrl.u32 s10, $0x1;
	s4 =	sadd.s32 $0x4E00, s6;
	s29 =	sshrl.u32 s11, $0x2  }
0xc: {  	s11 =	simm.s32 $0x9DA200;
	s7 =	sadd.s32 s7, s8;
	s8 =	ssub.s32 s10, s28  }
0xd: {  	s11 =	simm.s32 @!p0 $0xC4B200;
	s10 =	sadd.s32 s29, s2;
	s9 =	sadd.s32 $0x55805, s9  }
0xe: {  	s7 =	sadd.s32 s7, s6;
	s11 =	sadd.s32 s11, s6;
	s10 =	sshrl.u32 s10, $0x3  }
0xf: {  	s6 =	sadd.s32 $0x5A800, s7;
	s7 =	smax.u32 s8, $0x1;
	s31 =	sadd.s32 s12, s11  }
0x10: {  	s11 =	simm.s32 $0x4;
	s12 =	simm.s32 $0x1;
	s8 =	sadd.s32 $0x280, s31  }
.LBB2_1:
0x11: {  	[spmem:s10], [sflag:s5] =	dma.local [hbm:s4], $0x2710  }
0x12: {  	_ =	swait.ge [sflag:s11], $0x2710  }
0x13: {  	[sflag:s11] =	ssyncset.done $0x0  }
0x14: {  	p0 =	por $0x1, $0x1;
	[sflag:s11] =	ssyncadd.s32 $0xFFFFD8F0  }
0x15: {  	s17 =	simm.s32 @!p0 $0x3;
	[bflag:$0x0] =	sbarrier.arrive $0xFFFF  }
0x16: {  	_ =	swait.ge @!p0 [sflag:s17], $0x1400  }
0x17: {  	s18 =	sand.u32 $0x3, s3;
	[sflag:s17] =	ssyncset.done @!p0 $0x0  }
0x18: {  	s20 =	sadd.s32 $0xFFFFFFFB, s9;
	s19 =	smul.u32 $0x140, s18;
	[sflag:s17] =	ssyncadd.s32 @!p0 $0xFFFFEC00  }
0x19: {  	s21 =	sshll.u32 s18, $0x1;
	s18 =	smul.u32 $0xA000, s18;
	_ =	swait.ge @!p0 [sflag:s17], $0x1400  }
0x1a: {  	s21 =	sor.u32 $0x1, s21;
	s19 =	sshrl.u32 s19, $0x2;
	[sflag:s17] =	ssyncset.done @!p0 $0x0  }
0x1b: {  	s23 =	smul.u32 $0xA0, s21;
	s28 =	sshrl.u32 s18, $0x2;
	[sflag:s17] =	ssyncadd.s32 @!p0 $0xFFFFEC00  }
0x1c: {  	[tilespmem:s19], [sflag:$0x1] =	stream.linear.gather [hbm4b:s20+s3], $0x28, $0x38;
	[tilespmem:$0x1D9C0] =	vst v63  }
0x1d: {  	s29 =	sadd.s32 $0xFFFFFD80, s8;
	s30 =	smul.u32 $0x5000, s21;
	s22 =	sor.u32 $0x140, s28  }
0x1e: {  	[tilespmem:s22], [sflag:$0x2] =	stream.linear.gather [hbm4b:s29+s3], $0x1400, $0x38;
	[tilespmem:$0x1D9C0] =	vst v63  }
0x1f: {  	s21 =	sshrl.u32 s23, $0x2;
	s31 =	sshrl.u32 s30, $0x2  }
0x20: {  	[tilespmem:s21], [sflag:$0x1] =	stream.linear.gather [hbm4b:s9+s3], $0x28, $0x38;
	[tilespmem:$0x1D9C0] =	vst v63  }
0x21: {  	s23 =	sor.u32 $0x140, s31  }
0x22: {  	[tilespmem:s23], [sflag:$0x2] =	stream.linear.gather [hbm4b:s8+s3], $0x1400, $0x38;
	[tilespmem:$0x1D9C0] =	vst v63  }
0x23: {  	_ =	swait.ge [sflag:s12], $0x28  }
0x24: {  	[sflag:s12] =	ssyncset.done $0x0  }
0x25: {  	[sflag:s12] =	ssyncadd.s32 $0xFFFFFFD8  }
0x26: {  	_ =	swait.ge [sflag:s13], $0x1400  }
0x27: {  	[sflag:s13] =	ssyncset.done $0x0  }
0x28: {  	[sflag:s13] =	ssyncadd.s32 $0xFFFFEC00  }
0x29: {  	_ =	swait.ge [sflag:s12], $0x28  }
0x2a: {  	[sflag:s12] =	ssyncset.done $0x0  }
0x2b: {  	[sflag:s12] =	ssyncadd.s32 $0xFFFFFFD8  }
0x2c: {  	s24 =	simm.s32 $0x1;
	_ =	swait.ge [sflag:s13], $0x1400  }
0x2d: {  	p1 =	por $0x1, $0x1;
	s18 =	sadd.s32 $0xA, s9;
	[sflag:s13] =	ssyncset.done $0x0  }
0x2e: {  	s17 =	sadd.s32 $0x500, s8;
	s20 =	simm.s32 $0x2;
	[sflag:s13] =	ssyncadd.s32 $0xFFFFEC00  }
.LBB2_2:
0x2f: {  	[spmem:s2] =	stream.indirect.scatter.add.f32 [tilespmem:s22], [sflag:$0x3], $0x80, s19, s14, $0xb8;
	[tilespmem:$0x1D9C0] =	vst v63  }
0x30: {  	s22 =	simm.s32 @!p1 $0x3;
	s25 =	smov.u32 s20;
	s20 =	sadd.s32 $0x1, s20  }
0x31: {  	[spmem:s2] =	stream.indirect.scatter.add.f32 [tilespmem:s23], [sflag:$0x3], $0x80, s21, s14, $0xb8;
	[tilespmem:$0x1D9C0] =	vst v63  }
0x32: {  	p0 =	sne.s32 s20, $0x7D;
	s23 =	sadd.s32 $0xFFFFFD80, s17;
	_ =	swait.ge @!p1 [sflag:s22], $0x1400  }
0x33: {  	s19 =	sand.u32 $0x3, s24;
	s21 =	sadd.s32 $0xFFFFFFFB, s18;
	[sflag:s22] =	ssyncset.done @!p1 $0x0  }
0x34: {  	s24 =	sshll.u32 s19, $0x1;
	s26 =	smul.u32 $0x140, s19;
	[sflag:s22] =	ssyncadd.s32 @!p1 $0xFFFFEC00  }
0x35: {  	s28 =	smul.u32 $0xA000, s19;
	s24 =	sor.u32 $0x1, s24;
	_ =	swait.ge @!p1 [sflag:s22], $0x1400  }
0x36: {  	s19 =	sshrl.u32 s26, $0x2;
	s26 =	smul.u32 $0xA0, s24;
	[sflag:s22] =	ssyncset.done @!p1 $0x0  }
0x37: {  	s24 =	smul.u32 $0x5000, s24;
	[sflag:s22] =	ssyncadd.s32 @!p1 $0xFFFFEC00;
	s22 =	sshrl.u32 s28, $0x2  }
0x38: {  	[tilespmem:s19], [sflag:$0x1] =	stream.linear.gather [hbm4b:s21+s3], $0x28, $0x38;
	[tilespmem:$0x1D9C0] =	vst v63  }
0x39: {  	s24 =	sshrl.u32 s24, $0x2;
	s22 =	sor.u32 $0x140, s22;
	s21 =	sshrl.u32 s26, $0x2  }
0x3a: {  	[tilespmem:s22], [sflag:$0x2] =	stream.linear.gather [hbm4b:s23+s3], $0x1400, $0x38;
	[tilespmem:$0x1D9C0] =	vst v63  }
0x3b: {  	s23 =	sor.u32 $0x140, s24;
	s24 =	smov.u32 s25  }
0x3c: {  	[tilespmem:s21], [sflag:$0x1] =	stream.linear.gather [hbm4b:s18+s3], $0x28, $0x38;
	[tilespmem:$0x1D9C0] =	vst v63  }
0x3d: {  	_ = 	snop  }
0x3e: {  	[tilespmem:s23], [sflag:$0x2] =	stream.linear.gather [hbm4b:s17+s3], $0x1400, $0x38;
	[tilespmem:$0x1D9C0] =	vst v63  }
0x3f: {  	_ =	swait.ge [sflag:s12], $0x28  }
0x40: {  	[sflag:s12] =	ssyncset.done $0x0  }
0x41: {  	[sflag:s12] =	ssyncadd.s32 $0xFFFFFFD8  }
0x42: {  	_ =	swait.ge [sflag:s13], $0x1400  }
0x43: {  	[sflag:s13] =	ssyncset.done $0x0  }
0x44: {  	[sflag:s13] =	ssyncadd.s32 $0xFFFFEC00  }
0x45: {  	_ =	swait.ge [sflag:s12], $0x28  }
.Ltmp0:
0x46: {  	[sflag:s12] =	ssyncset.done $0x0;
	(pc) =	sbr.rel @p0 .LBB2_2-.Ltmp0, $4  }
0x47: {  	[sflag:s12] =	ssyncadd.s32 $0xFFFFFFD8  }
0x48: {  	_ =	swait.ge [sflag:s13], $0x1400  }
0x49: {  	p1 =	slt.u32 s24, $0x4;
	[sflag:s13] =	ssyncset.done $0x0  }
0x4a: {  	s18 =	sadd.s32 $0xA, s18;
	s17 =	sadd.s32 $0x500, s17;
	[sflag:s13] =	ssyncadd.s32 $0xFFFFEC00  }
0x4b: {  	[spmem:s2] =	stream.indirect.scatter.add.f32 [tilespmem:s22], [sflag:$0x3], $0x80, s19, s14, $0xb8;
	[tilespmem:$0x1D9C0] =	vst v63  }
0x4c: {  	s19 =	simm.s32 @!p1 $0x3  }
0x4d: {  	[spmem:s2] =	stream.indirect.scatter.add.f32 [tilespmem:s23], [sflag:$0x3], $0x80, s21, s14, $0xb8;
	[tilespmem:$0x1D9C0] =	vst v63  }
0x4e: {  	_ =	swait.ge @!p1 [sflag:s19], $0x1400  }
0x4f: {  	s20 =	sand.u32 $0x3, s24;
	[sflag:s19] =	ssyncset.done @!p1 $0x0  }
0x50: {  	s30 =	sadd.s32 $0xFFFFFFFB, s18;
	s31 =	smul.u32 $0x140, s20;
	[sflag:s19] =	ssyncadd.s32 @!p1 $0xFFFFEC00  }
0x51: {  	s24 =	sshll.u32 s20, $0x1;
	s20 =	smul.u32 $0xA000, s20;
	_ =	swait.ge @!p1 [sflag:s19], $0x1400  }
0x52: {  	s23 =	sor.u32 $0x1, s24;
	s22 =	sshrl.u32 s31, $0x2;
	[sflag:s19] =	ssyncset.done @!p1 $0x0  }
0x53: {  	s25 =	smul.u32 $0xA0, s23;
	s26 =	sshrl.u32 s20, $0x2;
	[sflag:s19] =	ssyncadd.s32 @!p1 $0xFFFFEC00  }
0x54: {  	[tilespmem:s22], [sflag:$0x1] =	stream.linear.gather [hbm4b:s30+s3], $0x28, $0x38;
	[tilespmem:$0x1D9C0] =	vst v63  }
0x55: {  	s28 =	sadd.s32 $0xFFFFFD80, s17;
	s29 =	smul.u32 $0x5000, s23;
	s19 =	sor.u32 $0x140, s26  }
0x56: {  	[tilespmem:s19], [sflag:$0x2] =	stream.linear.gather [hbm4b:s28+s3], $0x1400, $0x38;
	[tilespmem:$0x1D9C0] =	vst v63  }
0x57: {  	s21 =	sshrl.u32 s29, $0x2;
	s30 =	sshrl.u32 s25, $0x2  }
0x58: {  	[tilespmem:s30], [sflag:$0x1] =	stream.linear.gather [hbm4b:s18+s3], $0x28, $0x38;
	[tilespmem:$0x1D9C0] =	vst v63  }
0x59: {  	s31 =	sor.u32 $0x140, s21  }
0x5a: {  	[tilespmem:s31], [sflag:$0x2] =	stream.linear.gather [hbm4b:s17+s3], $0x1400, $0x38;
	[tilespmem:$0x1D9C0] =	vst v63  }
0x5b: {  	_ =	swait.ge [sflag:s12], $0x28  }
0x5c: {  	[sflag:s12] =	ssyncset.done $0x0  }
0x5d: {  	[sflag:s12] =	ssyncadd.s32 $0xFFFFFFD8  }
0x5e: {  	_ =	swait.ge [sflag:s13], $0x1400  }
0x5f: {  	[sflag:s13] =	ssyncset.done $0x0  }
0x60: {  	[sflag:s13] =	ssyncadd.s32 $0xFFFFEC00  }
0x61: {  	_ =	swait.ge [sflag:s12], $0x28  }
0x62: {  	[sflag:s12] =	ssyncset.done $0x0  }
0x63: {  	[sflag:s12] =	ssyncadd.s32 $0xFFFFFFD8  }
0x64: {  	_ =	swait.ge [sflag:s13], $0x1400  }
0x65: {  	[sflag:s13] =	ssyncset.done $0x0  }
0x66: {  	[sflag:s13] =	ssyncadd.s32 $0xFFFFEC00  }
0x67: {  	[spmem:s2] =	stream.indirect.scatter.add.f32 [tilespmem:s19], [sflag:$0x3], $0x80, s22, s14, $0xb8;
	[tilespmem:$0x1D9C0] =	vst v63  }
0x68: {  	_ = 	snop  }
0x69: {  	[spmem:s2] =	stream.indirect.scatter.add.f32 [tilespmem:s31], [sflag:$0x3], $0x80, s30, s14, $0xb8;
	[tilespmem:$0x1D9C0] =	vst v63  }
0x6a: {  	_ =	swait.ge [sflag:s15], $0x1400  }
0x6b: {  	[sflag:s15] =	ssyncset.done $0x0  }
0x6c: {  	[sflag:s15] =	ssyncadd.s32 $0xFFFFEC00  }
0x6d: {  	_ =	swait.ge [sflag:s15], $0x1400  }
0x6e: {  	[sflag:s15] =	ssyncset.done $0x0  }
0x6f: {  	[sflag:s15] =	ssyncadd.s32 $0xFFFFEC00  }
0x70: {  	_ =	swait.ge [sflag:s15], $0x1400  }
0x71: {  	[sflag:s15] =	ssyncset.done $0x0  }
0x72: {  	[sflag:s15] =	ssyncadd.s32 $0xFFFFEC00  }
0x73: {  	_ =	swait.ge [sflag:s15], $0x1400  }
0x74: {  	[sflag:s15] =	ssyncset.done $0x0  }
0x75: {  	[sflag:s15] =	ssyncadd.s32 $0xFFFFEC00  }
0x76: {  	_ =	swait.ge [sflag:s15], $0x1400  }
0x77: {  	[sflag:s15] =	ssyncset.done $0x0  }
0x78: {  	[sflag:s15] =	ssyncadd.s32 $0xFFFFEC00  }
0x79: {  	_ =	swait.ge [sflag:s15], $0x1400  }
0x7a: {  	[sflag:s15] =	ssyncset.done $0x0  }
0x7b: {  	[sflag:s15] =	ssyncadd.s32 $0xFFFFEC00  }
0x7c: {  	_ =	swait.ge [sflag:s15], $0x1400  }
0x7d: {  	[sflag:s15] =	ssyncset.done $0x0  }
0x7e: {  	[sflag:s15] =	ssyncadd.s32 $0xFFFFEC00  }
0x7f: {  	_ =	swait.ge [sflag:s15], $0x1400  }
0x80: {  	s16 =	sadd.s32 $0x1, s16;
	[sflag:s15] =	ssyncset.done $0x0  }
0x81: {  	p0 =	sne.s32 s16, s7;
	[sflag:s15] =	ssyncadd.s32 $0xFFFFEC00  }
.Ltmp1:
0x82: {  	[bflag:$0x0] =	sbarrier.arrive $0xFFFF;
	(pc) =	sbr.rel @p0 .LBB2_1-.Ltmp1, $4  }
0x83: {  	[hbm:s6], [sflag:s5] =	dma.local [spmem:s10], $0x2710  }
0x84: {  	_ =	swait.ge [sflag:s11], $0x2710  }
0x85: {  	[sflag:s11] =	ssyncset.done $0x0  }
0x86: {  	[sflag:s11] =	ssyncadd.s32 $0xFFFFD8F0  }
0x87: {  	_ =	sfence.sel $0x180000  }
0x88: {  	[bflag:$0x0] =	sbarrier.arrive $0xFFFF  }
0x89: {  	p0 =	sne.s32 s1, $0x0;
	_ =	strace $0x90000050  }
0x8a: {  	s0 =	sadd.s32 @!p0 $0x100000, s0;
	[bflag:$0x2] =	sbarrier.arrive $0xFFFF  }
0x8b: {  	[sflag:s0] =	ssyncadd.tile.s32 @!p0 $0x1;
	_ =	shalt  }
.Lfunc_end2:
_tile_overlayer_lowered:
.L_overlay_start_2:
0x8c: {  	(tag) =	ssettag $0x2  }
0x8d: {  	s0 =	rddreg [dreg:$0x0];
	s2 =	stileid.u32  }
0x8e: {  	s1 =	rddreg [dreg:$0x1];
	p0 =	sne.s32 s2, $0x0  }
0x8f: {  	s3 =	rddreg [dreg:$0x2];
	[bflag:$0x3] =	sbarrier.arrive $0xFFFF;
	s2 =	simm.s32 @!p0 $0x1C04  }
0x90: {  	[timem:s3], [sflag:s2] =	dma.local @!p0 [hbm:s0], s1  }
0x91: {  	s0 =	simm.s32 @!p0 $0x4  }
0x92: {  	_ =	swait.ge @!p0 [sflag:s0], s1  }
0x93: {  	s1 =	ssub.s32 @!p0 $0x0, s1;
	[sflag:s0] =	ssyncset.done @!p0 $0x0  }
0x94: {  	[sflag:s0] =	ssyncadd.s32 @!p0 s1  }
0x95: {  	[bflag:$0x3] =	sbarrier.arrive $0xFFFF  }
0x96: {  	_ =	shalt  }

// kernel: kernel.16.cloned.1.call-start
scs
__scs_entry_jumppad:
0x0: {  	(pc) =	sbr.rel $0x88, $3  }
0x1: {  	(tag) =	ssettag $0x0;
	lr =	simm.s32 $0x1  }
0x2: {  	[smem:$0x3F96] =	sst lr;
	_ =	strace $0xD0000000  }
0x3: {  	_ = 	snop  }
0x4: {  	_ = 	snop  }
0x5: {  	_ = 	snop  }
0x6: {  	_ = 	snop  }
0x7: {  	_ = 	snop  }
__scs_overlays_trampoline_lowered:
0x8: {  	[smem:$0x3FA5] =	sst s0  }
0x9: {  	[smem:$0x3FA6] =	sst s1  }
0xa: {  	[smem:$0x3FA7] =	sst s2  }
0xb: {  	[smem:$0x3FA8] =	sst s3  }
0xc: {  	[smem:$0x3FA9] =	sst s4  }
0xd: {  	[smem:$0x3FAA] =	sst s5  }
0xe: {  	[smem:$0x3FAB] =	sst s6  }
0xf: {  	[smem:$0x3FAC] =	sst s7  }
0x10: {  	[smem:$0x3FAD] =	sst s8  }
0x11: {  	[smem:$0x3FAE] =	sst s9;
	s0 =	simm.s32 @!p0 $0x0  }
0x12: {  	s1 =	sld [smem:$0x3F94];
	s0 =	simm.s32 @p0 $0x1  }
0x13: {  	[smem:$0x3FAF] =	sst s0;
	s0 =	simm.s32 @!p1 $0x0  }
0x14: {  	s2 =	sld [smem:$0x3F93];
	s0 =	simm.s32 @p1 $0x1  }
0x15: {  	[smem:$0x3FB0] =	sst s0;
	s0 =	simm.s32 @!p2 $0x0  }
0x16: {  	s3 =	sld [smem:$0x3FDB];
	s0 =	simm.s32 @p2 $0x1  }
0x17: {  	s4 =	simm.s32 $0x1BF5;
	[smem:$0x3FB2] =	sst s0  }
0x18: {  	s0 =	sld [smem:$0x3F95];
	_ =	swait.ge [sflag:s4], $0x0  }
0x19: {  	s7 =	sld [smem:$0x3F96]  }
0x1a: {  	s8 =	sadd.s32 $0xFFFFE003, lr  }
0x1b: {  	s9 =	sadd.s32 $0xFFFFFEF7, lr;
	s5 =	simm.s32 $0xFFFFFFFF;
	p2 =	slt.u32 s8, $0xFFFFF086  }
0x1c: {  	p1 =	slt.u32 s9, $0xF7A;
	s5 =	simm.s32 @!p2 $0x0  }
0x1d: {  	s5 =	simm.s32 @p1 $0x1;
	p0 =	seq.s32 s7, s2  }
0x1e: {  	s7 =	smul.u32 @!p0 $0xF7A, s2;
	p2 =	seq.s32 @!p0 s5, $0x0  }
0x1f: {  	s9 =	smul.u32 $0xF7A, s1;
	s8 =	simm.s32 @!p0 $0x1BF5;
	p2 =	por !p2, p0  }
0x20: {  	[sflag:s8] =	ssyncset.s32 @!p0 $0xFFFFF086;
	s6 =	sadd.s32 @!p0 s3, s7;
	s7 =	simm.s32 @!p0 $0x108  }
0x21: {  	s3 =	sadd.s32 s3, s9;
	s6 =	sadd.s32 @!p0 $0x88, s6;
	s7 =	simm.s32 @p2 $0x1082  }
0x22: {  	[simem:s7], [sflag:s8] =	dma.local @!p0 [hbm:s6], $0xF7A  }
0x23: {  	s9 =	sor.u32 $0xD0000000, s2;
	s6 =	simm.s32 $0x108;
	_ =	swait.ge @!p0 [sflag:s8], $0x0  }
0x24: {  	s3 =	sadd.s32 $0x88, s3;
	s6 =	simm.s32 @!p1 $0x1082;
	[sflag:s4] =	ssyncset.s32 $0xFFFFF086  }
0x25: {  	[simem:s6], [sflag:s4] =	dma.local [hbm:s3], $0xF7A  }
0x26: {  	[smem:$0x3F96] =	sst s1;
	(tag) =	ssettag s2;
	_ =	strace s9  }
0x27: {  	s1 =	sld [smem:$0x3FA6]  }
0x28: {  	s2 =	sld [smem:$0x3FA7]  }
0x29: {  	s4 =	sld [smem:$0x3FA9]  }
0x2a: {  	p0 =	seq.s32 s5, $0x0;
	s5 =	sld [smem:$0x3FAA]  }
0x2b: {  	s6 =	sld [smem:$0x3FAB]  }
0x2c: {  	s7 =	sld [smem:$0x3FAC]  }
0x2d: {  	s3 =	simm.s32 $0x108;
	s8 =	sld [smem:$0x3FAD]  }
0x2e: {  	s3 =	simm.s32 @!p0 $0x1082;
	s9 =	sld [smem:$0x3FAE]  }
0x2f: {  	lr =	sadd.s32 s0, s3;
	s0 =	sld [smem:$0x3FA5]  }
0x30: {  	s3 =	sld [smem:$0x3FA8]  }
0x31: {  	[smem:$0x3FB1] =	sst s10  }
0x32: {  	s10 =	sld [smem:$0x3FAF];
	_ =	sdelay $0x3  }
0x33: {  	p0 =	seq.s32 s10, $0x1;
	s10 =	sld [smem:$0x3FB1];
	_ =	sdelay $0x3  }
0x34: {  	[smem:$0x3FB1] =	sst s10  }
0x35: {  	s10 =	sld [smem:$0x3FB0];
	_ =	sdelay $0x3  }
0x36: {  	p1 =	seq.s32 s10, $0x1;
	s10 =	sld [smem:$0x3FB1];
	_ =	sdelay $0x3  }
0x37: {  	[smem:$0x3FB1] =	sst s10  }
0x38: {  	s10 =	sld [smem:$0x3FB2]  }
0x39: {  	_ = 	snop;
	(pc) =	sbr.ind lr, $3  }
0x3a: {  	_ = 	snop  }
0x3b: {  	_ = 	snop  }
0x3c: {  	p2 =	seq.s32 s10, $0x1;
	s10 =	sld [smem:$0x3FB1]  }
0x3d: {  	_ =	shalt  }
0x3e: {  	_ =	shalt  }
0x3f: {  	_ =	shalt  }
0x40: {  	_ =	shalt  }
0x41: {  	_ =	shalt  }
0x42: {  	_ =	shalt  }
0x43: {  	_ =	shalt  }
0x44: {  	_ =	shalt  }
0x45: {  	_ =	shalt  }
0x46: {  	_ =	shalt  }
0x47: {  	_ =	shalt  }
0x48: {  	_ =	shalt  }
0x49: {  	_ =	shalt  }
0x4a: {  	_ =	shalt  }
0x4b: {  	_ =	shalt  }
0x4c: {  	_ =	shalt  }
0x4d: {  	_ =	shalt  }
0x4e: {  	_ =	shalt  }
0x4f: {  	_ =	shalt  }
0x50: {  	_ =	shalt  }
0x51: {  	_ =	shalt  }
0x52: {  	_ =	shalt  }
0x53: {  	_ =	shalt  }
0x54: {  	_ =	shalt  }
0x55: {  	_ =	shalt  }
0x56: {  	_ =	shalt  }
0x57: {  	_ =	shalt  }
0x58: {  	_ =	shalt  }
0x59: {  	_ =	shalt  }
0x5a: {  	_ =	shalt  }
0x5b: {  	_ =	shalt  }
0x5c: {  	_ =	shalt  }
0x5d: {  	_ =	shalt  }
0x5e: {  	_ =	shalt  }
0x5f: {  	_ =	shalt  }
0x60: {  	_ =	shalt  }
0x61: {  	_ =	shalt  }
0x62: {  	_ =	shalt  }
0x63: {  	_ =	shalt  }
0x64: {  	_ =	shalt  }
0x65: {  	_ =	shalt  }
0x66: {  	_ =	shalt  }
0x67: {  	_ =	shalt  }
0x68: {  	_ =	shalt  }
0x69: {  	_ =	shalt  }
0x6a: {  	_ =	shalt  }
0x6b: {  	_ =	shalt  }
0x6c: {  	_ =	shalt  }
0x6d: {  	_ =	shalt  }
0x6e: {  	_ =	shalt  }
0x6f: {  	_ =	shalt  }
0x70: {  	_ =	shalt  }
0x71: {  	_ =	shalt  }
0x72: {  	_ =	shalt  }
0x73: {  	_ =	shalt  }
0x74: {  	_ =	shalt  }
0x75: {  	_ =	shalt  }
0x76: {  	_ =	shalt  }
0x77: {  	_ =	shalt  }
0x78: {  	_ =	shalt  }
0x79: {  	_ =	shalt  }
0x7a: {  	_ =	shalt  }
0x7b: {  	_ =	shalt  }
0x7c: {  	_ =	shalt  }
0x7d: {  	_ =	shalt  }
0x7e: {  	_ =	shalt  }
0x7f: {  	_ =	shalt  }
0x80: {  	_ =	shalt  }
0x81: {  	_ =	shalt  }
0x82: {  	_ =	shalt  }
0x83: {  	_ =	shalt  }
0x84: {  	_ =	shalt  }
0x85: {  	_ =	shalt  }
0x86: {  	_ =	shalt  }
0x87: {  	_ =	shalt  }
.Lfunc_end0:
.L_simem_size_0:
called_computation.2_lowered:
.L_overlay_start_0:
0x88: {  	s2 =	sld [smem:$0x3FD9]  }
0x89: {  	s3 =	sld [smem:$0x3FFE];
	_ =	sdelay $0x1  }
0x8a: {  	s1 =	srdreg.scid  }
0x8b: {  	s0 =	sand.u32 $0x1, s1  }
0x8c: {  	s17 =	sshll.u32 s0, $0xA;
	s2 =	sadd.s32 s3, s2  }
0x8d: {  	s2 =	sadd.s32 s2, s17  }
0x8e: {  	[smem:$0x3FBD] =	sst s2  }
0x8f: {  	_ = 	snop  }
0x90: {  	s2 =	sld [smem:$0x3FD0];
	(tm) =	ssettm $0x1  }
0x91: {  	s18 =	sld [smem:$0x3FFB];
	_ =	sdelay $0x3  }
0x92: {  	_ =	strace s18  }
0x93: {  	s3 =	sld [smem:$0x3FFC];
	_ =	sdelay $0x3  }
0x94: {  	_ =	strace s3  }
0x95: {  	s3 =	sld [smem:$0x3FFD];
	_ =	sdelay $0x3  }
0x96: {  	_ =	strace s3  }
0x97: {  	_ =	strace $0x8FFFFFFF  }
0x98: {  	s19 =	sld [smem:$0x3FDB];
	_ =	sdelay $0x1  }
0x99: {  	s4 =	simm.s32 $_scs_section_size  }
0x9a: {  	s5 =	simm.s32 $_size__tile_overlayer_lowered;
	s6 =	simm.s32 $_tile_overlayer_lowered  }
0x9b: {  	s22 =	simm.s32 $0x1BFF;
	s21 =	sshll.u32 s6, $0x1;
	s3 =	sadd.s32 s4, s19  }
0x9c: {  	s7 =	simm.s32 $0x0;
	s20 =	sshll.u32 s5, $0x1;
	s5 =	sadd.s32 s21, s3  }
0x9d: {  	[timem:s7], [sflag:s22] =	dma.local [hbm:s5], s20  }
0x9e: {  	_ =	swait.ge [sflag:s22], s20  }
0x9f: {  	s4 =	ssub.s32 $0x0, s20;
	[sflag:s22] =	ssyncset.done $0x0  }
0xa0: {  	[sflag:s22] =	ssyncadd.s32 s4;
	_ =	sdelay $0x1  }
0xa1: {  	s23 =	simm.s32 $0x1B8B  }
0xa2: {  	_ =	swait.ge [sflag:s23], $0x1  }
0xa3: {  	[sflag:s23] =	ssyncset.done $0x0  }
0xa4: {  	s25 =	simm.s32 $0x1B8E;
	s24 =	sld [smem:$0x3FFE];
	[sflag:s23] =	ssyncadd.s32 $0xFFFFFFFF  }
0xa5: {  	s26 =	simm.s32 $execute0_lowered;
	[smem:$0x3FD2] =	sst s25  }
0xa6: {  	s5 =	sshll.u32 s26, $0x1;
	_ =	strace $0x80000046;
	[dreg:$0x1] =	wrdreg $0xFFFFFFFF  }
0xa7: {  	s28 =	simm.s32 $_size_execute0_lowered;
	s3 =	sadd.s32 s3, s5;
	[dreg:$0x0] =	wrdreg $0x0  }
0xa8: {  	s5 =	sshll.u32 s28, $0x1;
	[dreg:$0x2] =	wrdreg s3  }
0xa9: {  	[dreg:$0x3] =	wrdreg s5  }
0xaa: {  	[dreg:$0x4] =	wrdreg $0xC0  }
0xab: {  	_ =	task [dreg:s7], $0x5FFFF  }
0xac: {  	[dreg:$0x1] =	wrdreg $0xFFFFFFFF  }
0xad: {  	[dreg:$0x0] =	wrdreg $0x60  }
0xae: {  	[dreg:$0x2] =	wrdreg s2  }
0xaf: {  	[dreg:$0x3] =	wrdreg s24  }
0xb0: {  	[dreg:$0x4] =	wrdreg $0xA  }
0xb1: {  	_ =	task.clear_ibuf [dreg:s7], $0x5FFFF;
	_ =	strace $0x90000046  }
0xb2: {  	s29 =	simm.s32 $0xA;
	_ =	strace $0x80000048  }
0xb3: {  	_ =	swait.ge [sflag:s29], $0x1  }
0xb4: {  	[sflag:s29] =	ssyncadd.s32 $0xFFFFFFFF  }
0xb5: {  	_ =	strace $0x90000048  }
0xb6: {  	_ =	sfence  }
0xb7: {  	s30 =	sld [smem:$0x0];
	_ =	sdelay $0x2  }
0xb8: {  	s31 =	sshll.u32 s1, $0xD;
	s1 =	sshrl.u32 s1, $0x2  }
0xb9: {  	s3 =	sand.u32 $0x4000, s31;
	s1 =	sadd.s32 s1, s30  }
0xba: {  	s0 =	sor.u32 s3, s0;
	s1 =	sshll.u32 s1, $0x11  }
0xbb: {  	s0 =	sor.u32 s1, s0  }
0xbc: {  	s0 =	sadd.s32 $0x8F2B, s0  }
0xbd: {  	[sflag:s0] =	ssyncadd.remote.s32 $0x1  }
0xbe: {  	_ =	sfence.sel $0xFFFF  }
0xbf: {  	[dreg:$0x0] =	wrdreg $0xFFFFFFFF;
	(pc) =	sbr.abs _section_cstart, $3  }
0xc0: {  	[dreg:$0x1] =	wrdreg $0xFFFFFFFF  }
0xc1: {  	_ =	task.clear_ibuf [dreg:s7], $0x2FFFF;
	_ =	strace $0x9FFFFFFF  }
0xc2: {  	(tm) =	ssettm $0x7FFFFFFF  }
0xc3: {  	_ =	shalt  }
tec
execute0_lowered:
.L_overlay_start_1:
0x0: {  	(tag) =	ssettag $0x1  }
0x1: {  	s1 =	rddreg [dreg:$0x0];
	s0 =	stileid.u32  }
0x2: {  	s4 =	rddreg [dreg:$0x1];
	s7 =	smul.u32 $0x13880, s0  }
0x3: {  	s2 =	srdreg.scid;
	s12 =	smul.u32 $0x1388, s0  }
0x4: {  	s3 =	simm.s32 $0x0;
	s5 =	sand.u32 $0x1, s2;
	s16 =	smul.u32 $0x1450, s0  }
0x5: {  	s14 =	simm.s32 $0x0;
	[smem:$0x7FF] =	sst s3;
	s6 =	smul.u32 $0x138800, s5  }
0x6: {  	s10 =	sadd.s32 $0x4E00, s4;
	s8 =	ssub.s32 $0x2, s5;
	s9 =	smul.u32 $0x13880, s5  }
0x7: {  	s13 =	sadd.s32 $0xA000, s4;
	s5 =	smul.u32 $0x14500, s5;
	s11 =	sshrl.u32 s8, $0x1  }
0x8: {  	_ =	strace $0x80000047;
	s15 =	ssub.s32 s8, s11;
	s6 =	sadd.s32 s6, s13  }
0x9: {  	s9 =	sadd.s32 s12, s9;
	s8 =	sadd.s32 s16, s5;
	s12 =	simm.s32 $0x2  }
0xa: {  	s17 =	smax.u32 s15, $0x1;
	s6 =	sadd.s32 s7, s6;
	s18 =	sshll.u32 s9, $0x4  }
0xb: {  	s5 =	sshrl.u32 s8, $0x3;
	s20 =	sadd.s32 $0x1A0, s8;
	s25 =	sadd.s32 $0x138, s8  }
0xc: {  	s29 =	sadd.s32 $0xD0, s8;
	s30 =	sadd.s32 $0x68, s8;
	[dreg:$0x8] =	wrdreg s17  }
0xd: {  	[dreg:$0x3] =	wrdreg s6;
	s9 =	sadd.s32 s13, s18;
	s21 =	sadd.s32 s5, s10  }
0xe: {  	s22 =	sshrl.u32 s20, $0x3;
	s26 =	sshrl.u32 s25, $0x3;
	s11 =	sshrl.u32 s29, $0x3  }
0xf: {  	s31 =	sshrl.u32 s30, $0x3;
	s19 =	sadd.s32 $0x1900, s9;
	[dreg:$0x9] =	wrdreg s21  }
0x10: {  	s13 =	simm.s32 $0x3;
	s23 =	sadd.s32 s22, s10;
	[dreg:$0x7] =	wrdreg s19  }
0x11: {  	s24 =	sadd.s32 $0x12C0, s9;
	s28 =	sadd.s32 $0xC80, s9;
	[dreg:$0xa] =	wrdreg s23  }
0x12: {  	s7 =	sadd.s32 s26, s10;
	s9 =	sadd.s32 $0x640, s9;
	[dreg:$0x6] =	wrdreg s24  }
0x13: {  	s8 =	sadd.s32 s11, s10;
	s11 =	simm.s32 $0x64;
	[dreg:$0x5] =	wrdreg s28  }
0x14: {  	[dreg:$0x4] =	wrdreg s9;
	s9 =	sadd.s32 s31, s10;
	s10 =	simm.s32 $0x1  }
.LBB2_1:
0x15: {  	p0 =	por $0x1, $0x1  }
0x16: {  	p0 =	por p0, p0  }
0x17: {  	s15 =	simm.s32 @!p0 $0x3  }
0x18: {  	_ =	swait.ge @!p0 [sflag:s15], $0x3200  }
0x19: {  	[sflag:s15] =	ssyncset.done @!p0 $0x0  }
0x1a: {  	[sflag:s15] =	ssyncadd.s32 @!p0 $0xFFFFCE00  }
0x1b: {  	_ =	swait.ge @!p0 [sflag:s15], $0x3200  }
0x1c: {  	[sflag:s15] =	ssyncset.done @!p0 $0x0  }
0x1d: {  	[sflag:s15] =	ssyncadd.s32 @!p0 $0xFFFFCE00  }
0x1e: {  	_ =	swait.ge @!p0 [sflag:s15], $0x3200  }
0x1f: {  	[sflag:s15] =	ssyncset.done @!p0 $0x0  }
0x20: {  	[sflag:s15] =	ssyncadd.s32 @!p0 $0xFFFFCE00  }
0x21: {  	s16 =	sand.u32 $0x1, s3;
	_ =	swait.ge @!p0 [sflag:s15], $0x3200  }
0x22: {  	s17 =	smul.u32 $0x5, s16;
	[sflag:s15] =	ssyncset.done @!p0 $0x0  }
0x23: {  	s18 =	smul.u32 $0x820, s16;
	[sflag:s15] =	ssyncadd.s32 @!p0 $0xFFFFCE00  }
0x24: {  	s19 =	smul.u32 $0x1A0, s17;
	_ =	swait.ge @!p0 [sflag:s15], $0x3200  }
0x25: {  	s28 =	sshrl.u32 s18, $0x2;
	[sflag:s15] =	ssyncset.done @!p0 $0x0  }
0x26: {  	s29 =	sadd.s32 $0x1A0, s19;
	s0 =	rddreg [dreg:$0x9];
	[sflag:s15] =	ssyncadd.s32 @!p0 $0xFFFFCE00  }
0x27: {  	[tilespmem:s28], [sflag:$0x1] =	stream.linear.gather [hbm4b:s0+s3], $0x68, $0x38;
	[tilespmem:$0x1F810] =	vst v63  }
0x28: {  	s20 =	sadd.s32 $0x340, s19;
	s18 =	sshrl.u32 s29, $0x2  }
0x29: {  	[tilespmem:s18], [sflag:$0x1] =	stream.linear.gather [hbm4b:s9+s3], $0x68, $0x38;
	[tilespmem:$0x1F810] =	vst v63  }
0x2a: {  	s21 =	sadd.s32 $0x4E0, s19;
	s20 =	sshrl.u32 s20, $0x2  }
0x2b: {  	[tilespmem:s20], [sflag:$0x1] =	stream.linear.gather [hbm4b:s8+s3], $0x68, $0x38;
	[tilespmem:$0x1F810] =	vst v63  }
0x2c: {  	s19 =	sadd.s32 $0x680, s19;
	s21 =	sshrl.u32 s21, $0x2  }
0x2d: {  	[tilespmem:s21], [sflag:$0x1] =	stream.linear.gather [hbm4b:s7+s3], $0x68, $0x38;
	[tilespmem:$0x1F810] =	vst v63  }
0x2e: {  	s16 =	smul.u32 $0x3E800, s16;
	s19 =	sshrl.u32 s19, $0x2;
	s2 =	rddreg [dreg:$0xa]  }
0x2f: {  	[tilespmem:s19], [sflag:$0x1] =	stream.linear.gather [hbm4b:s2+s3], $0x68, $0x38;
	[tilespmem:$0x1F810] =	vst v63  }
0x30: {  	_ =	swait.ge [sflag:s10], $0x68  }
0x31: {  	s16 =	sshrl.u32 s16, $0x2;
	[sflag:s10] =	ssyncset.done $0x0  }
0x32: {  	s17 =	smul.u32 $0xC800, s17;
	s16 =	sadd.s32 $0x410, s16;
	[sflag:s10] =	ssyncadd.s32 $0xFFFFFF98  }
0x33: {  	[tilespmem:s16], [sflag:$0x2] =	stream.indirect.gather [hbm4b:s1+s11], $0x80, s28, s11, $0xb8;
	[tilespmem:$0x1F810] =	vst v63  }
0x34: {  	s30 =	sadd.s32 $0xC800, s17;
	_ =	swait.ge [sflag:s10], $0x68  }
0x35: {  	s15 =	sshrl.u32 s30, $0x2;
	[sflag:s10] =	ssyncset.done $0x0  }
0x36: {  	s22 =	sadd.s32 $0x410, s15;
	[sflag:s10] =	ssyncadd.s32 $0xFFFFFF98  }
0x37: {  	[tilespmem:s22], [sflag:$0x2] =	stream.indirect.gather [hbm4b:s1+s11], $0x80, s18, s11, $0xb8;
	[tilespmem:$0x1F810] =	vst v63  }
0x38: {  	s31 =	sadd.s32 $0x19000, s17;
	_ =	swait.ge [sflag:s10], $0x68  }
0x39: {  	s15 =	sshrl.u32 s31, $0x2;
	[sflag:s10] =	ssyncset.done $0x0  }
0x3a: {  	s4 =	sadd.s32 $0x410, s15;
	[sflag:s10] =	ssyncadd.s32 $0xFFFFFF98  }
0x3b: {  	[tilespmem:s4], [sflag:$0x2] =	stream.indirect.gather [hbm4b:s1+s11], $0x80, s20, s11, $0xb8;
	[tilespmem:$0x1F810] =	vst v63  }
0x3c: {  	s5 =	sadd.s32 $0x25800, s17;
	_ =	swait.ge [sflag:s10], $0x68  }
0x3d: {  	s15 =	sshrl.u32 s5, $0x2;
	[sflag:s10] =	ssyncset.done $0x0  }
0x3e: {  	s6 =	sadd.s32 $0x410, s15;
	[sflag:s10] =	ssyncadd.s32 $0xFFFFFF98  }
0x3f: {  	[tilespmem:s6], [sflag:$0x2] =	stream.indirect.gather [hbm4b:s1+s11], $0x80, s21, s11, $0xb8;
	[tilespmem:$0x1F810] =	vst v63  }
0x40: {  	s23 =	sadd.s32 $0x32000, s17;
	_ =	swait.ge [sflag:s10], $0x68  }
0x41: {  	s15 =	sshrl.u32 s23, $0x2;
	[sflag:s10] =	ssyncset.done $0x0  }
0x42: {  	s25 =	sadd.s32 $0x410, s15;
	[sflag:s10] =	ssyncadd.s32 $0xFFFFFF98  }
0x43: {  	[tilespmem:s25], [sflag:$0x2] =	stream.indirect.gather [hbm4b:s1+s11], $0x80, s19, s11, $0xb8;
	[tilespmem:$0x1F810] =	vst v63  }
0x44: {  	_ =	swait.ge [sflag:s12], $0x3200  }
0x45: {  	[sflag:s12] =	ssyncset.done $0x0  }
0x46: {  	[sflag:s12] =	ssyncadd.s32 $0xFFFFCE00  }
0x47: {  	_ =	swait.ge [sflag:s12], $0x3200  }
0x48: {  	[sflag:s12] =	ssyncset.done $0x0  }
0x49: {  	[sflag:s12] =	ssyncadd.s32 $0xFFFFCE00  }
0x4a: {  	_ =	swait.ge [sflag:s12], $0x3200  }
0x4b: {  	[sflag:s12] =	ssyncset.done $0x0  }
0x4c: {  	[sflag:s12] =	ssyncadd.s32 $0xFFFFCE00  }
0x4d: {  	_ =	swait.ge [sflag:s12], $0x3200  }
0x4e: {  	[sflag:s12] =	ssyncset.done $0x0  }
0x4f: {  	p6 =	por $0x1, $0x1;
	[sflag:s12] =	ssyncadd.s32 $0xFFFFCE00  }
0x50: {  	p0 =	por p6, p6;
	_ =	swait.ge [sflag:s12], $0x3200  }
0x51: {  	s15 =	simm.s32 $0x1F40;
	s18 =	sadd.s32 $0x41, s7;
	s24 =	rddreg [dreg:$0x3]  }
0x52: {  	s20 =	sadd.s32 $0x41, s8;
	[sflag:s12] =	ssyncset.done $0x0;
	s26 =	rddreg [dreg:$0x4]  }
0x53: {  	s23 =	rddreg [dreg:$0x5];
	[sflag:s12] =	ssyncadd.s32 $0xFFFFCE00;
	s17 =	sadd.s32 $0x0, s24  }
0x54: {  	[hbm4b:s17+s3] =	stream.linear.scatter [tilespmem:s16], [sflag:$0x3], $0x3200, $0x38;
	[tilespmem:$0x1F810] =	vst v63  }
0x55: {  	s21 =	sadd.s32 $0x41, s0;
	s28 =	rddreg [dreg:$0x6];
	s29 =	sadd.s32 $0x0, s26  }
0x56: {  	[hbm4b:s29+s3] =	stream.linear.scatter [tilespmem:s22], [sflag:$0x3], $0x3200, $0x38;
	[tilespmem:$0x1F810] =	vst v63  }
0x57: {  	s19 =	simm.s32 $0x1;
	s31 =	rddreg [dreg:$0x7];
	s30 =	sadd.s32 $0x0, s23  }
0x58: {  	[hbm4b:s30+s3] =	stream.linear.scatter [tilespmem:s4], [sflag:$0x3], $0x3200, $0x38;
	[tilespmem:$0x1F810] =	vst v63  }
0x59: {  	s23 =	simm.s32 $0x2;
	s26 =	sadd.s32 $0x0, s31;
	s16 =	sadd.s32 $0x0, s28  }
0x5a: {  	[hbm4b:s16+s3] =	stream.linear.scatter [tilespmem:s6], [sflag:$0x3], $0x3200, $0x38;
	[tilespmem:$0x1F810] =	vst v63  }
0x5b: {  	s17 =	sadd.s32 $0x41, s9;
	s22 =	simm.s32 $0x3E80;
	s16 =	sadd.s32 $0x41, s2  }
.LBB2_2:
0x5c: {  	s28 =	simm.s32 @!p0 $0x3  }
0x5d: {  	[hbm4b:s26+s3] =	stream.linear.scatter [tilespmem:s25], [sflag:$0x3], $0x3200, $0x38;
	[tilespmem:$0x1F810] =	vst v63  }
0x5e: {  	_ =	swait.ge @!p0 [sflag:s28], $0x3200  }
0x5f: {  	[sflag:s28] =	ssyncset.done @!p0 $0x0  }
0x60: {  	[sflag:s28] =	ssyncadd.s32 @!p0 $0xFFFFCE00  }
0x61: {  	_ =	swait.ge @!p0 [sflag:s28], $0x3200  }
0x62: {  	[sflag:s28] =	ssyncset.done @!p0 $0x0  }
0x63: {  	[sflag:s28] =	ssyncadd.s32 @!p0 $0xFFFFCE00  }
0x64: {  	_ =	swait.ge @!p0 [sflag:s28], $0x3200  }
0x65: {  	[sflag:s28] =	ssyncset.done @!p0 $0x0  }
0x66: {  	[sflag:s28] =	ssyncadd.s32 @!p0 $0xFFFFCE00  }
0x67: {  	s2 =	sand.u32 $0x1, s19;
	_ =	swait.ge @!p0 [sflag:s28], $0x3200  }
0x68: {  	s4 =	smul.u32 $0x5, s2;
	[sflag:s28] =	ssyncset.done @!p0 $0x0  }
0x69: {  	s29 =	smul.u32 $0x820, s2;
	[sflag:s28] =	ssyncadd.s32 @!p0 $0xFFFFCE00  }
0x6a: {  	s30 =	smul.u32 $0x1A0, s4;
	_ =	swait.ge @!p0 [sflag:s28], $0x3200  }
0x6b: {  	[sflag:s28] =	ssyncset.done @!p0 $0x0  }
0x6c: {  	s5 =	sadd.s32 $0x1A0, s30;
	[sflag:s28] =	ssyncadd.s32 @!p0 $0xFFFFCE00;
	s28 =	sshrl.u32 s29, $0x2  }
0x6d: {  	[tilespmem:s28], [sflag:$0x1] =	stream.linear.gather [hbm4b:s21+s3], $0x68, $0x38;
	[tilespmem:$0x1F810] =	vst v63  }
0x6e: {  	s31 =	sadd.s32 $0x340, s30;
	s29 =	sshrl.u32 s5, $0x2  }
0x6f: {  	[tilespmem:s29], [sflag:$0x1] =	stream.linear.gather [hbm4b:s17+s3], $0x68, $0x38;
	[tilespmem:$0x1F810] =	vst v63  }
0x70: {  	s25 =	smul.u32 $0x3E800, s2;
	s0 =	sadd.s32 $0x4E0, s30;
	s31 =	sshrl.u32 s31, $0x2  }
0x71: {  	[tilespmem:s31], [sflag:$0x1] =	stream.linear.gather [hbm4b:s20+s3], $0x68, $0x38;
	[tilespmem:$0x1F810] =	vst v63  }
0x72: {  	s26 =	smul.u32 $0xC800, s4;
	s30 =	sadd.s32 $0x680, s30;
	s0 =	sshrl.u32 s0, $0x2  }
0x73: {  	[tilespmem:s0], [sflag:$0x1] =	stream.linear.gather [hbm4b:s18+s3], $0x68, $0x38;
	[tilespmem:$0x1F810] =	vst v63  }
0x74: {  	s25 =	sshrl.u32 s25, $0x2;
	s6 =	sadd.s32 $0xC800, s26;
	s2 =	sshrl.u32 s30, $0x2  }
0x75: {  	[tilespmem:s2], [sflag:$0x1] =	stream.linear.gather [hbm4b:s16+s3], $0x68, $0x38;
	[tilespmem:$0x1F810] =	vst v63  }
0x76: {  	s4 =	sadd.s32 $0x19000, s26;
	s30 =	sshrl.u32 s6, $0x2;
	_ =	swait.ge [sflag:s10], $0x68  }
0x77: {  	s5 =	sadd.s32 $0x25800, s26;
	s26 =	sadd.s32 $0x32000, s26;
	[sflag:s10] =	ssyncset.done $0x0  }
0x78: {  	s6 =	sshrl.u32 s26, $0x2;
	s26 =	sadd.s32 $0x410, s25;
	[sflag:s10] =	ssyncadd.s32 $0xFFFFFF98  }
0x79: {  	[tilespmem:s26], [sflag:$0x2] =	stream.indirect.gather [hbm4b:s1+s11], $0x80, s28, s11, $0xb8;
	[tilespmem:$0x1F810] =	vst v63  }
0x7a: {  	_ =	swait.ge [sflag:s10], $0x68  }
0x7b: {  	[sflag:s10] =	ssyncset.done $0x0  }
0x7c: {  	s28 =	sadd.s32 $0x410, s30;
	[sflag:s10] =	ssyncadd.s32 $0xFFFFFF98  }
0x7d: {  	[tilespmem:s28], [sflag:$0x2] =	stream.indirect.gather [hbm4b:s1+s11], $0x80, s29, s11, $0xb8;
	[tilespmem:$0x1F810] =	vst v63  }
0x7e: {  	_ =	swait.ge [sflag:s10], $0x68  }
0x7f: {  	s4 =	sshrl.u32 s4, $0x2;
	[sflag:s10] =	ssyncset.done $0x0  }
0x80: {  	s29 =	sadd.s32 $0x410, s4;
	[sflag:s10] =	ssyncadd.s32 $0xFFFFFF98  }
0x81: {  	[tilespmem:s29], [sflag:$0x2] =	stream.indirect.gather [hbm4b:s1+s11], $0x80, s31, s11, $0xb8;
	[tilespmem:$0x1F810] =	vst v63  }
0x82: {  	_ =	swait.ge [sflag:s10], $0x68  }
0x83: {  	s5 =	sshrl.u32 s5, $0x2;
	[sflag:s10] =	ssyncset.done $0x0  }
0x84: {  	s30 =	sadd.s32 $0x410, s5;
	[sflag:s10] =	ssyncadd.s32 $0xFFFFFF98  }
0x85: {  	[tilespmem:s30], [sflag:$0x2] =	stream.indirect.gather [hbm4b:s1+s11], $0x80, s0, s11, $0xb8;
	[tilespmem:$0x1F810] =	vst v63  }
0x86: {  	_ =	swait.ge [sflag:s10], $0x68  }
0x87: {  	[sflag:s10] =	ssyncset.done $0x0  }
0x88: {  	s25 =	sadd.s32 $0x410, s6;
	[sflag:s10] =	ssyncadd.s32 $0xFFFFFF98  }
0x89: {  	[tilespmem:s25], [sflag:$0x2] =	stream.indirect.gather [hbm4b:s1+s11], $0x80, s2, s11, $0xb8;
	[tilespmem:$0x1F810] =	vst v63  }
0x8a: {  	_ =	swait.ge [sflag:s12], $0x3200  }
0x8b: {  	[sflag:s12] =	ssyncset.done $0x0  }
0x8c: {  	[sflag:s12] =	ssyncadd.s32 $0xFFFFCE00  }
0x8d: {  	_ =	swait.ge [sflag:s12], $0x3200  }
0x8e: {  	[sflag:s12] =	ssyncset.done $0x0  }
0x8f: {  	[sflag:s12] =	ssyncadd.s32 $0xFFFFCE00  }
0x90: {  	_ =	swait.ge [sflag:s12], $0x3200  }
0x91: {  	[sflag:s12] =	ssyncset.done $0x0  }
0x92: {  	[sflag:s12] =	ssyncadd.s32 $0xFFFFCE00  }
0x93: {  	p2 =	slt.u32 s23, $0x2;
	s24 =	smov.u32 s15;
	_ =	swait.ge [sflag:s12], $0x3200  }
0x94: {  	s15 =	smov.u32 s22;
	s22 =	sadd.s32 $0x1F40, s22;
	[sflag:s12] =	ssyncset.done $0x0  }
0x95: {  	s19 =	smov.u32 s23;
	s23 =	sadd.s32 $0x1, s23;
	[sflag:s12] =	ssyncadd.s32 $0xFFFFCE00  }
0x96: {  	p1 =	sne.s32 s22, $0x13880;
	p0 =	por p2, p2;
	_ =	swait.ge [sflag:s12], $0x3200  }
0x97: {  	s21 =	sadd.s32 $0x41, s21;
	s4 =	rddreg [dreg:$0x3];
	[sflag:s12] =	ssyncset.done $0x0  }
0x98: {  	s5 =	rddreg [dreg:$0x4];
	[sflag:s12] =	ssyncadd.s32 $0xFFFFCE00;
	s0 =	sadd.s32 s24, s4  }
0x99: {  	[hbm4b:s0+s3] =	stream.linear.scatter [tilespmem:s26], [sflag:$0x3], $0x3200, $0x38;
	[tilespmem:$0x1F810] =	vst v63  }
0x9a: {  	s17 =	sadd.s32 $0x41, s17;
	s6 =	rddreg [dreg:$0x5];
	s2 =	sadd.s32 s24, s5  }
0x9b: {  	[hbm4b:s2+s3] =	stream.linear.scatter [tilespmem:s28], [sflag:$0x3], $0x3200, $0x38;
	[tilespmem:$0x1F810] =	vst v63  }
.Ltmp0:
0x9c: {  	s20 =	sadd.s32 $0x41, s20;
	s31 =	rddreg [dreg:$0x6];
	(pc) =	sbr.rel @p1 .LBB2_2-.Ltmp0, $4  }
0x9d: {  	s18 =	sadd.s32 $0x41, s18;
	s6 =	sadd.s32 s24, s6;
	s26 =	rddreg [dreg:$0x7]  }
0x9e: {  	[hbm4b:s6+s3] =	stream.linear.scatter [tilespmem:s29], [sflag:$0x3], $0x3200, $0x38;
	[tilespmem:$0x1F810] =	vst v63  }
0x9f: {  	s16 =	sadd.s32 $0x41, s16;
	s31 =	sadd.s32 s24, s31;
	s26 =	sadd.s32 s24, s26  }
0xa0: {  	[hbm4b:s31+s3] =	stream.linear.scatter [tilespmem:s30], [sflag:$0x3], $0x3200, $0x38;
	[tilespmem:$0x1F810] =	vst v63  }
0xa1: {  	s0 =	simm.s32 @!p0 $0x3  }
0xa2: {  	[hbm4b:s26+s3] =	stream.linear.scatter [tilespmem:s25], [sflag:$0x3], $0x3200, $0x38;
	[tilespmem:$0x1F810] =	vst v63  }
0xa3: {  	_ =	swait.ge @!p0 [sflag:s0], $0x3200  }
0xa4: {  	[sflag:s0] =	ssyncset.done @!p0 $0x0  }
0xa5: {  	[sflag:s0] =	ssyncadd.s32 @!p0 $0xFFFFCE00  }
0xa6: {  	_ =	swait.ge @!p0 [sflag:s0], $0x3200  }
0xa7: {  	[sflag:s0] =	ssyncset.done @!p0 $0x0  }
0xa8: {  	[sflag:s0] =	ssyncadd.s32 @!p0 $0xFFFFCE00  }
0xa9: {  	_ =	swait.ge @!p0 [sflag:s0], $0x3200  }
0xaa: {  	[sflag:s0] =	ssyncset.done @!p0 $0x0  }
0xab: {  	[sflag:s0] =	ssyncadd.s32 @!p0 $0xFFFFCE00  }
0xac: {  	s2 =	sand.u32 $0x1, s19;
	_ =	swait.ge @!p0 [sflag:s0], $0x3200  }
0xad: {  	s4 =	smul.u32 $0x5, s2;
	[sflag:s0] =	ssyncset.done @!p0 $0x0  }
0xae: {  	s5 =	smul.u32 $0x820, s2;
	[sflag:s0] =	ssyncadd.s32 @!p0 $0xFFFFCE00  }
0xaf: {  	s6 =	smul.u32 $0x1A0, s4;
	_ =	swait.ge @!p0 [sflag:s0], $0x3200  }
0xb0: {  	[sflag:s0] =	ssyncset.done @!p0 $0x0  }
0xb1: {  	s28 =	sshrl.u32 s5, $0x2;
	s29 =	sadd.s32 $0x1A0, s6;
	[sflag:s0] =	ssyncadd.s32 @!p0 $0xFFFFCE00  }
0xb2: {  	[tilespmem:s28], [sflag:$0x1] =	stream.linear.gather [hbm4b:s21+s3], $0x68, $0x38;
	[tilespmem:$0x1F810] =	vst v63  }
0xb3: {  	s30 =	sadd.s32 $0x340, s6;
	s5 =	sshrl.u32 s29, $0x2  }
0xb4: {  	[tilespmem:s5], [sflag:$0x1] =	stream.linear.gather [hbm4b:s17+s3], $0x68, $0x38;
	[tilespmem:$0x1F810] =	vst v63  }
0xb5: {  	s31 =	sadd.s32 $0x4E0, s6;
	s19 =	sshrl.u32 s30, $0x2  }
0xb6: {  	[tilespmem:s19], [sflag:$0x1] =	stream.linear.gather [hbm4b:s20+s3], $0x68, $0x38;
	[tilespmem:$0x1F810] =	vst v63  }
0xb7: {  	s6 =	sadd.s32 $0x680, s6;
	s17 =	sshrl.u32 s31, $0x2  }
0xb8: {  	[tilespmem:s17], [sflag:$0x1] =	stream.linear.gather [hbm4b:s18+s3], $0x68, $0x38;
	[tilespmem:$0x1F810] =	vst v63  }
0xb9: {  	s2 =	smul.u32 $0x3E800, s2;
	s6 =	sshrl.u32 s6, $0x2  }
0xba: {  	[tilespmem:s6], [sflag:$0x1] =	stream.linear.gather [hbm4b:s16+s3], $0x68, $0x38;
	[tilespmem:$0x1F810] =	vst v63  }
0xbb: {  	_ =	swait.ge [sflag:s10], $0x68  }
0xbc: {  	s2 =	sshrl.u32 s2, $0x2;
	[sflag:s10] =	ssyncset.done $0x0  }
0xbd: {  	s4 =	smul.u32 $0xC800, s4;
	s2 =	sadd.s32 $0x410, s2;
	[sflag:s10] =	ssyncadd.s32 $0xFFFFFF98  }
0xbe: {  	[tilespmem:s2], [sflag:$0x2] =	stream.indirect.gather [hbm4b:s1+s11], $0x80, s28, s11, $0xb8;
	[tilespmem:$0x1F810] =	vst v63  }
0xbf: {  	s16 =	sadd.s32 $0xC800, s4;
	_ =	swait.ge [sflag:s10], $0x68  }
0xc0: {  	s0 =	sshrl.u32 s16, $0x2;
	[sflag:s10] =	ssyncset.done $0x0  }
0xc1: {  	s0 =	sadd.s32 $0x410, s0;
	[sflag:s10] =	ssyncadd.s32 $0xFFFFFF98  }
0xc2: {  	[tilespmem:s0], [sflag:$0x2] =	stream.indirect.gather [hbm4b:s1+s11], $0x80, s5, s11, $0xb8;
	[tilespmem:$0x1F810] =	vst v63  }
0xc3: {  	s18 =	sadd.s32 $0x19000, s4;
	_ =	swait.ge [sflag:s10], $0x68  }
0xc4: {  	s5 =	sshrl.u32 s18, $0x2;
	[sflag:s10] =	ssyncset.done $0x0  }
0xc5: {  	s5 =	sadd.s32 $0x410, s5;
	[sflag:s10] =	ssyncadd.s32 $0xFFFFFF98  }
0xc6: {  	[tilespmem:s5], [sflag:$0x2] =	stream.indirect.gather [hbm4b:s1+s11], $0x80, s19, s11, $0xb8;
	[tilespmem:$0x1F810] =	vst v63  }
0xc7: {  	s20 =	sadd.s32 $0x25800, s4;
	_ =	swait.ge [sflag:s10], $0x68  }
0xc8: {  	s16 =	sshrl.u32 s20, $0x2;
	[sflag:s10] =	ssyncset.done $0x0  }
0xc9: {  	s16 =	sadd.s32 $0x410, s16;
	[sflag:s10] =	ssyncadd.s32 $0xFFFFFF98  }
0xca: {  	[tilespmem:s16], [sflag:$0x2] =	stream.indirect.gather [hbm4b:s1+s11], $0x80, s17, s11, $0xb8;
	[tilespmem:$0x1F810] =	vst v63  }
0xcb: {  	s4 =	sadd.s32 $0x32000, s4;
	_ =	swait.ge [sflag:s10], $0x68  }
0xcc: {  	s4 =	sshrl.u32 s4, $0x2;
	[sflag:s10] =	ssyncset.done $0x0  }
0xcd: {  	s4 =	sadd.s32 $0x410, s4;
	[sflag:s10] =	ssyncadd.s32 $0xFFFFFF98  }
0xce: {  	[tilespmem:s4], [sflag:$0x2] =	stream.indirect.gather [hbm4b:s1+s11], $0x80, s6, s11, $0xb8;
	[tilespmem:$0x1F810] =	vst v63  }
0xcf: {  	_ =	swait.ge [sflag:s12], $0x3200  }
0xd0: {  	[sflag:s12] =	ssyncset.done $0x0  }
0xd1: {  	[sflag:s12] =	ssyncadd.s32 $0xFFFFCE00  }
0xd2: {  	_ =	swait.ge [sflag:s12], $0x3200  }
0xd3: {  	[sflag:s12] =	ssyncset.done $0x0  }
0xd4: {  	[sflag:s12] =	ssyncadd.s32 $0xFFFFCE00  }
0xd5: {  	_ =	swait.ge [sflag:s12], $0x3200  }
0xd6: {  	[sflag:s12] =	ssyncset.done $0x0  }
0xd7: {  	[sflag:s12] =	ssyncadd.s32 $0xFFFFCE00  }
0xd8: {  	_ =	swait.ge [sflag:s12], $0x3200  }
0xd9: {  	[sflag:s12] =	ssyncset.done $0x0  }
0xda: {  	[sflag:s12] =	ssyncadd.s32 $0xFFFFCE00  }
0xdb: {  	_ =	swait.ge [sflag:s12], $0x3200  }
0xdc: {  	s21 =	rddreg [dreg:$0x3];
	[sflag:s12] =	ssyncset.done $0x0  }
0xdd: {  	s22 =	rddreg [dreg:$0x4];
	[sflag:s12] =	ssyncadd.s32 $0xFFFFCE00;
	s6 =	sadd.s32 s15, s21  }
0xde: {  	[hbm4b:s6+s3] =	stream.linear.scatter [tilespmem:s2], [sflag:$0x3], $0x3200, $0x38;
	[tilespmem:$0x1F810] =	vst v63  }
0xdf: {  	s23 =	rddreg [dreg:$0x5];
	s25 =	sadd.s32 s15, s22  }
0xe0: {  	[hbm4b:s25+s3] =	stream.linear.scatter [tilespmem:s0], [sflag:$0x3], $0x3200, $0x38;
	[tilespmem:$0x1F810] =	vst v63  }
0xe1: {  	s24 =	rddreg [dreg:$0x6];
	s26 =	sadd.s32 s15, s23  }
0xe2: {  	[hbm4b:s26+s3] =	stream.linear.scatter [tilespmem:s5], [sflag:$0x3], $0x3200, $0x38;
	[tilespmem:$0x1F810] =	vst v63  }
0xe3: {  	s28 =	rddreg [dreg:$0x7];
	s29 =	sadd.s32 s15, s24  }
0xe4: {  	[hbm4b:s29+s3] =	stream.linear.scatter [tilespmem:s16], [sflag:$0x3], $0x3200, $0x38;
	[tilespmem:$0x1F810] =	vst v63  }
0xe5: {  	s30 =	sadd.s32 s15, s28  }
0xe6: {  	[hbm4b:s30+s3] =	stream.linear.scatter [tilespmem:s4], [sflag:$0x3], $0x3200, $0x38;
	[tilespmem:$0x1F810] =	vst v63  }
0xe7: {  	_ =	swait.ge [sflag:s13], $0x3200  }
0xe8: {  	[sflag:s13] =	ssyncset.done $0x0  }
0xe9: {  	[sflag:s13] =	ssyncadd.s32 $0xFFFFCE00  }
0xea: {  	_ =	swait.ge [sflag:s13], $0x3200  }
0xeb: {  	[sflag:s13] =	ssyncset.done $0x0  }
0xec: {  	[sflag:s13] =	ssyncadd.s32 $0xFFFFCE00  }
0xed: {  	_ =	swait.ge [sflag:s13], $0x3200  }
0xee: {  	[sflag:s13] =	ssyncset.done $0x0  }
0xef: {  	[sflag:s13] =	ssyncadd.s32 $0xFFFFCE00  }
0xf0: {  	_ =	swait.ge [sflag:s13], $0x3200  }
0xf1: {  	[sflag:s13] =	ssyncset.done $0x0  }
0xf2: {  	[sflag:s13] =	ssyncadd.s32 $0xFFFFCE00  }
0xf3: {  	_ =	swait.ge [sflag:s13], $0x3200  }
0xf4: {  	[sflag:s13] =	ssyncset.done $0x0  }
0xf5: {  	[sflag:s13] =	ssyncadd.s32 $0xFFFFCE00  }
0xf6: {  	_ =	swait.ge [sflag:s13], $0x3200  }
0xf7: {  	[sflag:s13] =	ssyncset.done $0x0  }
0xf8: {  	[sflag:s13] =	ssyncadd.s32 $0xFFFFCE00  }
0xf9: {  	_ =	swait.ge [sflag:s13], $0x3200  }
0xfa: {  	[sflag:s13] =	ssyncset.done $0x0  }
0xfb: {  	[sflag:s13] =	ssyncadd.s32 $0xFFFFCE00  }
0xfc: {  	_ =	swait.ge [sflag:s13], $0x3200  }
0xfd: {  	[sflag:s13] =	ssyncset.done $0x0  }
0xfe: {  	[sflag:s13] =	ssyncadd.s32 $0xFFFFCE00  }
0xff: {  	_ =	swait.ge [sflag:s13], $0x3200  }
0x100: {  	[sflag:s13] =	ssyncset.done $0x0  }
0x101: {  	[sflag:s13] =	ssyncadd.s32 $0xFFFFCE00  }
0x102: {  	_ =	swait.ge [sflag:s13], $0x3200  }
0x103: {  	s14 =	sadd.s32 $0x1, s14;
	s31 =	rddreg [dreg:$0x8]  }
0x104: {  	p0 =	sne.s32 s14, s31  }
.Ltmp1:
0x105: {  	_ = 	snop;
	(pc) =	sbr.rel @p0 .LBB2_1-.Ltmp1, $3  }
0x106: {  	_ =	sdelay $0x1  }
0x107: {  	[sflag:s13] =	ssyncset.done $0x0  }
0x108: {  	[sflag:s13] =	ssyncadd.s32 $0xFFFFCE00  }
0x109: {  	_ =	sfence.sel $0x180000  }
0x10a: {  	[bflag:$0x0] =	sbarrier.arrive $0xFFFF  }
0x10b: {  	_ =	strace $0x90000047  }
0x10c: {  	s0 =	stileid.u32;
	[bflag:$0x2] =	sbarrier.arrive $0xFFFF  }
0x10d: {  	p0 =	sne.s32 s0, $0x0;
	s0 =	rddreg [dreg:$0x2]  }
0x10e: {  	s0 =	sadd.s32 @!p0 $0x100000, s0  }
0x10f: {  	[sflag:s0] =	ssyncadd.tile.s32 @!p0 $0x1;
	_ =	shalt  }
.Lfunc_end2:
_tile_overlayer_lowered:
.L_overlay_start_2:
0x110: {  	(tag) =	ssettag $0x2  }
0x111: {  	s0 =	rddreg [dreg:$0x0];
	s2 =	stileid.u32  }
0x112: {  	s1 =	rddreg [dreg:$0x1];
	p0 =	sne.s32 s2, $0x0  }
0x113: {  	s3 =	rddreg [dreg:$0x2];
	[bflag:$0x3] =	sbarrier.arrive $0xFFFF;
	s2 =	simm.s32 @!p0 $0x1C04  }
0x114: {  	[timem:s3], [sflag:s2] =	dma.local @!p0 [hbm:s0], s1  }
0x115: {  	s0 =	simm.s32 @!p0 $0x4  }
0x116: {  	_ =	swait.ge @!p0 [sflag:s0], s1  }
0x117: {  	s1 =	ssub.s32 @!p0 $0x0, s1;
	[sflag:s0] =	ssyncset.done @!p0 $0x0  }
0x118: {  	[sflag:s0] =	ssyncadd.s32 @!p0 s1  }
0x119: {  	[bflag:$0x3] =	sbarrier.arrive $0xFFFF  }
0x11a: {  	_ =	shalt  }

// kernel: kernel.19.cloned.1.call-start
scs
__scs_entry_jumppad:
0x0: {  	(pc) =	sbr.rel $0x88, $3  }
0x1: {  	(tag) =	ssettag $0x0;
	lr =	simm.s32 $0x1  }
0x2: {  	[smem:$0x3F96] =	sst lr;
	_ =	strace $0xD0000000  }
0x3: {  	_ = 	snop  }
0x4: {  	_ = 	snop  }
0x5: {  	_ = 	snop  }
0x6: {  	_ = 	snop  }
0x7: {  	_ = 	snop  }
__scs_overlays_trampoline_lowered:
0x8: {  	[smem:$0x3FA5] =	sst s0  }
0x9: {  	[smem:$0x3FA6] =	sst s1  }
0xa: {  	[smem:$0x3FA7] =	sst s2  }
0xb: {  	[smem:$0x3FA8] =	sst s3  }
0xc: {  	[smem:$0x3FA9] =	sst s4  }
0xd: {  	[smem:$0x3FAA] =	sst s5  }
0xe: {  	[smem:$0x3FAB] =	sst s6  }
0xf: {  	[smem:$0x3FAC] =	sst s7  }
0x10: {  	[smem:$0x3FAD] =	sst s8  }
0x11: {  	[smem:$0x3FAE] =	sst s9;
	s0 =	simm.s32 @!p0 $0x0  }
0x12: {  	s1 =	sld [smem:$0x3F94];
	s0 =	simm.s32 @p0 $0x1  }
0x13: {  	[smem:$0x3FAF] =	sst s0;
	s0 =	simm.s32 @!p1 $0x0  }
0x14: {  	s2 =	sld [smem:$0x3F93];
	s0 =	simm.s32 @p1 $0x1  }
0x15: {  	[smem:$0x3FB0] =	sst s0;
	s0 =	simm.s32 @!p2 $0x0  }
0x16: {  	s3 =	sld [smem:$0x3FDB];
	s0 =	simm.s32 @p2 $0x1  }
0x17: {  	s4 =	simm.s32 $0x1BF5;
	[smem:$0x3FB2] =	sst s0  }
0x18: {  	s0 =	sld [smem:$0x3F95];
	_ =	swait.ge [sflag:s4], $0x0  }
0x19: {  	s7 =	sld [smem:$0x3F96]  }
0x1a: {  	s8 =	sadd.s32 $0xFFFFE003, lr  }
0x1b: {  	s9 =	sadd.s32 $0xFFFFFEF7, lr;
	s5 =	simm.s32 $0xFFFFFFFF;
	p2 =	slt.u32 s8, $0xFFFFF086  }
0x1c: {  	p1 =	slt.u32 s9, $0xF7A;
	s5 =	simm.s32 @!p2 $0x0  }
0x1d: {  	s5 =	simm.s32 @p1 $0x1;
	p0 =	seq.s32 s7, s2  }
0x1e: {  	s7 =	smul.u32 @!p0 $0xF7A, s2;
	p2 =	seq.s32 @!p0 s5, $0x0  }
0x1f: {  	s9 =	smul.u32 $0xF7A, s1;
	s8 =	simm.s32 @!p0 $0x1BF5;
	p2 =	por !p2, p0  }
0x20: {  	[sflag:s8] =	ssyncset.s32 @!p0 $0xFFFFF086;
	s6 =	sadd.s32 @!p0 s3, s7;
	s7 =	simm.s32 @!p0 $0x108  }
0x21: {  	s3 =	sadd.s32 s3, s9;
	s6 =	sadd.s32 @!p0 $0x88, s6;
	s7 =	simm.s32 @p2 $0x1082  }
0x22: {  	[simem:s7], [sflag:s8] =	dma.local @!p0 [hbm:s6], $0xF7A  }
0x23: {  	s9 =	sor.u32 $0xD0000000, s2;
	s6 =	simm.s32 $0x108;
	_ =	swait.ge @!p0 [sflag:s8], $0x0  }
0x24: {  	s3 =	sadd.s32 $0x88, s3;
	s6 =	simm.s32 @!p1 $0x1082;
	[sflag:s4] =	ssyncset.s32 $0xFFFFF086  }
0x25: {  	[simem:s6], [sflag:s4] =	dma.local [hbm:s3], $0xF7A  }
0x26: {  	[smem:$0x3F96] =	sst s1;
	(tag) =	ssettag s2;
	_ =	strace s9  }
0x27: {  	s1 =	sld [smem:$0x3FA6]  }
0x28: {  	s2 =	sld [smem:$0x3FA7]  }
0x29: {  	s4 =	sld [smem:$0x3FA9]  }
0x2a: {  	p0 =	seq.s32 s5, $0x0;
	s5 =	sld [smem:$0x3FAA]  }
0x2b: {  	s6 =	sld [smem:$0x3FAB]  }
0x2c: {  	s7 =	sld [smem:$0x3FAC]  }
0x2d: {  	s3 =	simm.s32 $0x108;
	s8 =	sld [smem:$0x3FAD]  }
0x2e: {  	s3 =	simm.s32 @!p0 $0x1082;
	s9 =	sld [smem:$0x3FAE]  }
0x2f: {  	lr =	sadd.s32 s0, s3;
	s0 =	sld [smem:$0x3FA5]  }
0x30: {  	s3 =	sld [smem:$0x3FA8]  }
0x31: {  	[smem:$0x3FB1] =	sst s10  }
0x32: {  	s10 =	sld [smem:$0x3FAF];
	_ =	sdelay $0x3  }
0x33: {  	p0 =	seq.s32 s10, $0x1;
	s10 =	sld [smem:$0x3FB1];
	_ =	sdelay $0x3  }
0x34: {  	[smem:$0x3FB1] =	sst s10  }
0x35: {  	s10 =	sld [smem:$0x3FB0];
	_ =	sdelay $0x3  }
0x36: {  	p1 =	seq.s32 s10, $0x1;
	s10 =	sld [smem:$0x3FB1];
	_ =	sdelay $0x3  }
0x37: {  	[smem:$0x3FB1] =	sst s10  }
0x38: {  	s10 =	sld [smem:$0x3FB2]  }
0x39: {  	_ = 	snop;
	(pc) =	sbr.ind lr, $3  }
0x3a: {  	_ = 	snop  }
0x3b: {  	_ = 	snop  }
0x3c: {  	p2 =	seq.s32 s10, $0x1;
	s10 =	sld [smem:$0x3FB1]  }
0x3d: {  	_ =	shalt  }
0x3e: {  	_ =	shalt  }
0x3f: {  	_ =	shalt  }
0x40: {  	_ =	shalt  }
0x41: {  	_ =	shalt  }
0x42: {  	_ =	shalt  }
0x43: {  	_ =	shalt  }
0x44: {  	_ =	shalt  }
0x45: {  	_ =	shalt  }
0x46: {  	_ =	shalt  }
0x47: {  	_ =	shalt  }
0x48: {  	_ =	shalt  }
0x49: {  	_ =	shalt  }
0x4a: {  	_ =	shalt  }
0x4b: {  	_ =	shalt  }
0x4c: {  	_ =	shalt  }
0x4d: {  	_ =	shalt  }
0x4e: {  	_ =	shalt  }
0x4f: {  	_ =	shalt  }
0x50: {  	_ =	shalt  }
0x51: {  	_ =	shalt  }
0x52: {  	_ =	shalt  }
0x53: {  	_ =	shalt  }
0x54: {  	_ =	shalt  }
0x55: {  	_ =	shalt  }
0x56: {  	_ =	shalt  }
0x57: {  	_ =	shalt  }
0x58: {  	_ =	shalt  }
0x59: {  	_ =	shalt  }
0x5a: {  	_ =	shalt  }
0x5b: {  	_ =	shalt  }
0x5c: {  	_ =	shalt  }
0x5d: {  	_ =	shalt  }
0x5e: {  	_ =	shalt  }
0x5f: {  	_ =	shalt  }
0x60: {  	_ =	shalt  }
0x61: {  	_ =	shalt  }
0x62: {  	_ =	shalt  }
0x63: {  	_ =	shalt  }
0x64: {  	_ =	shalt  }
0x65: {  	_ =	shalt  }
0x66: {  	_ =	shalt  }
0x67: {  	_ =	shalt  }
0x68: {  	_ =	shalt  }
0x69: {  	_ =	shalt  }
0x6a: {  	_ =	shalt  }
0x6b: {  	_ =	shalt  }
0x6c: {  	_ =	shalt  }
0x6d: {  	_ =	shalt  }
0x6e: {  	_ =	shalt  }
0x6f: {  	_ =	shalt  }
0x70: {  	_ =	shalt  }
0x71: {  	_ =	shalt  }
0x72: {  	_ =	shalt  }
0x73: {  	_ =	shalt  }
0x74: {  	_ =	shalt  }
0x75: {  	_ =	shalt  }
0x76: {  	_ =	shalt  }
0x77: {  	_ =	shalt  }
0x78: {  	_ =	shalt  }
0x79: {  	_ =	shalt  }
0x7a: {  	_ =	shalt  }
0x7b: {  	_ =	shalt  }
0x7c: {  	_ =	shalt  }
0x7d: {  	_ =	shalt  }
0x7e: {  	_ =	shalt  }
0x7f: {  	_ =	shalt  }
0x80: {  	_ =	shalt  }
0x81: {  	_ =	shalt  }
0x82: {  	_ =	shalt  }
0x83: {  	_ =	shalt  }
0x84: {  	_ =	shalt  }
0x85: {  	_ =	shalt  }
0x86: {  	_ =	shalt  }
0x87: {  	_ =	shalt  }
.Lfunc_end0:
.L_simem_size_0:
called_computation.3_lowered:
.L_overlay_start_0:
0x88: {  	s2 =	sld [smem:$0x3FD9]  }
0x89: {  	s3 =	sld [smem:$0x3FFE];
	_ =	sdelay $0x1  }
0x8a: {  	s1 =	srdreg.scid  }
0x8b: {  	s0 =	sand.u32 $0x1, s1  }
0x8c: {  	s17 =	sshll.u32 s0, $0xA;
	s2 =	sadd.s32 s3, s2  }
0x8d: {  	s2 =	sadd.s32 s2, s17  }
0x8e: {  	[smem:$0x3FBD] =	sst s2  }
0x8f: {  	_ = 	snop  }
0x90: {  	(tm) =	ssettm $0x1  }
0x91: {  	s18 =	sld [smem:$0x3FFB];
	_ =	sdelay $0x3  }
0x92: {  	_ =	strace s18  }
0x93: {  	s2 =	sld [smem:$0x3FFC];
	_ =	sdelay $0x3  }
0x94: {  	_ =	strace s2  }
0x95: {  	s2 =	sld [smem:$0x3FFD];
	_ =	sdelay $0x3  }
0x96: {  	_ =	strace s2  }
0x97: {  	_ =	strace $0x8FFFFFFF  }
0x98: {  	s19 =	sld [smem:$0x3FDB];
	_ =	sdelay $0x1  }
0x99: {  	s20 =	simm.s32 $_scs_section_size  }
0x9a: {  	s4 =	simm.s32 $_size__tile_overlayer_lowered;
	s5 =	simm.s32 $_tile_overlayer_lowered  }
0x9b: {  	s6 =	simm.s32 $0x1BFF;
	s21 =	sshll.u32 s5, $0x1;
	s3 =	sadd.s32 s20, s19  }
0x9c: {  	s22 =	simm.s32 $0x0;
	s4 =	sshll.u32 s4, $0x1;
	s5 =	sadd.s32 s21, s3  }
0x9d: {  	[timem:s22], [sflag:s6] =	dma.local [hbm:s5], s4  }
0x9e: {  	_ =	swait.ge [sflag:s6], s4  }
0x9f: {  	s4 =	ssub.s32 $0x0, s4;
	[sflag:s6] =	ssyncset.done $0x0  }
0xa0: {  	[sflag:s6] =	ssyncadd.s32 s4;
	_ =	sdelay $0x1  }
0xa1: {  	s23 =	simm.s32 $0x1B8B  }
0xa2: {  	_ =	swait.ge [sflag:s23], $0x1  }
0xa3: {  	[sflag:s23] =	ssyncset.done $0x0  }
0xa4: {  	[sflag:s23] =	ssyncadd.s32 $0xFFFFFFFF  }
0xa5: {  	s4 =	sld [smem:$0x0]  }
0xa6: {  	s5 =	sand.u32 $0xFFFFFFFE, s1  }
0xa7: {  	p0 =	sne.s32 s1, s5  }
0xa8: {  	s5 =	sshll.u32 @p0 s5, $0xE  }
0xa9: {  	s5 =	sadd.s32 @p0 $0x11B8D, s5;
	s6 =	sshll.u32 @p0 s4, $0x11  }
0xaa: {  	s5 =	sor.u32 @p0 s6, s5  }
0xab: {  	[sflag:s5] =	ssyncadd.remote.s32 @p0 $0x1;
	_ =	sdelay $0x1  }
0xac: {  	s5 =	simm.s32 @p0 $0x1B8D  }
0xad: {  	_ =	swait.eq @p0 [sflag:s5], $0x1  }
0xae: {  	[sflag:s5] =	ssyncadd.s32 @p0 $0xFFFFFFFF  }
0xaf: {  	s6 =	sshll.u32 @!p0 s1, $0xE  }
0xb0: {  	s6 =	sor.u32 @!p0 $0x4000, s6;
	s5 =	simm.s32 @!p0 $0x1B8D  }
0xb1: {  	s4 =	sshll.u32 @!p0 s4, $0x11;
	s6 =	sadd.s32 @!p0 $0x11B8D, s6;
	_ =	swait.eq @!p0 [sflag:s5], $0x1  }
0xb2: {  	s4 =	sor.u32 @!p0 s4, s6;
	[sflag:s5] =	ssyncadd.s32 @!p0 $0xFFFFFFFF  }
0xb3: {  	s25 =	simm.s32 $0x1B8E;
	s24 =	sld [smem:$0x3FFE];
	[sflag:s4] =	ssyncadd.remote.s32 @!p0 $0x1  }
0xb4: {  	s26 =	simm.s32 $execute0_lowered;
	[smem:$0x3FD2] =	sst s25  }
0xb5: {  	s5 =	sshll.u32 s26, $0x1;
	_ =	strace $0x8000004C;
	[dreg:$0x1] =	wrdreg $0xFFFFFFFF  }
0xb6: {  	s28 =	simm.s32 $_size_execute0_lowered;
	s3 =	sadd.s32 s3, s5;
	[dreg:$0x0] =	wrdreg $0x0  }
0xb7: {  	s5 =	sshll.u32 s28, $0x1;
	[dreg:$0x2] =	wrdreg s3  }
0xb8: {  	[dreg:$0x3] =	wrdreg s5  }
0xb9: {  	[dreg:$0x4] =	wrdreg $0xC0  }
0xba: {  	_ =	task [dreg:s22], $0x5FFFF  }
0xbb: {  	[dreg:$0x1] =	wrdreg $0xFFFFFFFF  }
0xbc: {  	[dreg:$0x0] =	wrdreg $0x60  }
0xbd: {  	[dreg:$0x2] =	wrdreg s24  }
0xbe: {  	[dreg:$0x3] =	wrdreg $0xA1400  }
0xbf: {  	[dreg:$0x4] =	wrdreg $0xA  }
0xc0: {  	_ =	task.clear_ibuf [dreg:s22], $0x5FFFF;
	_ =	strace $0x9000004C  }
0xc1: {  	s29 =	simm.s32 $0xA;
	_ =	strace $0x8000004E  }
0xc2: {  	_ =	swait.ge [sflag:s29], $0x1  }
0xc3: {  	[sflag:s29] =	ssyncadd.s32 $0xFFFFFFFF  }
0xc4: {  	_ =	strace $0x9000004E  }
0xc5: {  	_ =	sfence  }
0xc6: {  	s30 =	sld [smem:$0x0];
	_ =	sdelay $0x2  }
0xc7: {  	s31 =	sshll.u32 s1, $0xD;
	s1 =	sshrl.u32 s1, $0x2  }
0xc8: {  	s4 =	sand.u32 $0x4000, s31;
	s1 =	sadd.s32 s1, s30  }
0xc9: {  	s0 =	sor.u32 s4, s0;
	s1 =	sshll.u32 s1, $0x11  }
0xca: {  	s0 =	sor.u32 s1, s0  }
0xcb: {  	s0 =	sadd.s32 $0x8F2B, s0  }
0xcc: {  	[sflag:s0] =	ssyncadd.remote.s32 $0x1  }
0xcd: {  	_ =	sfence.sel $0xFFFF  }
0xce: {  	[dreg:$0x0] =	wrdreg $0xFFFFFFFF;
	(pc) =	sbr.abs _section_cstart, $3  }
0xcf: {  	[dreg:$0x1] =	wrdreg $0xFFFFFFFF  }
0xd0: {  	_ =	task.clear_ibuf [dreg:s22], $0x2FFFF;
	_ =	strace $0x9FFFFFFF  }
0xd1: {  	(tm) =	ssettm $0x7FFFFFFF  }
tec
execute0_lowered:
.L_overlay_start_1:
0x0: {  	(tag) =	ssettag $0x1  }
0x1: {  	s6 =	rddreg [dreg:$0x0]  }
0x2: {  	s2 =	rddreg [dreg:$0x1]  }
0x3: {  	s0 =	rddreg [dreg:$0x2]  }
0x4: {  	s1 =	stileid.u32;
	s5 =	srdreg.scid  }
0x5: {  	s3 =	simm.s32 $0x0;
	s13 =	simm.s32 $0x2;
	s4 =	smul.u32 $0x4E2, s1  }
0x6: {  	s14 =	simm.s32 $0x28;
	s15 =	simm.s32 $0x3;
	s7 =	smul.u32 $0x2710, s1  }
0x7: {  	s16 =	simm.s32 $0x0;
	s5 =	sand.u32 $0x1, s5;
	s11 =	smul.u32 $0x4E200, s1  }
0x8: {  	[smem:$0x7FF] =	sst s3;
	s30 =	sshll.u32 s1, $0x6;
	s12 =	smul.u32 $0x27100, s1  }
0x9: {  	s8 =	smul.u32 $0x27100, s5;
	_ =	strace $0x8000004D;
	s10 =	ssub.s32 $0x2, s5  }
0xa: {  	p0 =	seq.s32 s5, $0x0;
	s5 =	sor.u32 $0x1C04, s30;
	s9 =	sadd.s32 s4, s6  }
0xb: {  	s28 =	sshrl.u32 s10, $0x1;
	s4 =	sadd.s32 $0x4E00, s6;
	s29 =	sshrl.u32 s11, $0x2  }
0xc: {  	s11 =	simm.s32 $0x4F8200;
	s7 =	sadd.s32 s7, s8;
	s8 =	ssub.s32 s10, s28  }
0xd: {  	s11 =	simm.s32 @!p0 $0x769200;
	s10 =	sadd.s32 s29, s2;
	s9 =	sadd.s32 $0x4F2205, s9  }
0xe: {  	s7 =	sadd.s32 s7, s6;
	s11 =	sadd.s32 s11, s6;
	s10 =	sshrl.u32 s10, $0x3  }
0xf: {  	s6 =	sadd.s32 $0x7600, s7;
	s7 =	smax.u32 s8, $0x1;
	s31 =	sadd.s32 s12, s11  }
0x10: {  	s11 =	simm.s32 $0x4;
	s12 =	simm.s32 $0x1;
	s8 =	sadd.s32 $0x280, s31  }
.LBB2_1:
0x11: {  	[spmem:s10], [sflag:s5] =	dma.local [hbm:s4], $0x2710  }
0x12: {  	_ =	swait.ge [sflag:s11], $0x2710  }
0x13: {  	[sflag:s11] =	ssyncset.done $0x0  }
0x14: {  	p0 =	por $0x1, $0x1;
	[sflag:s11] =	ssyncadd.s32 $0xFFFFD8F0  }
0x15: {  	s17 =	simm.s32 @!p0 $0x3;
	[bflag:$0x0] =	sbarrier.arrive $0xFFFF  }
0x16: {  	_ =	swait.ge @!p0 [sflag:s17], $0x1400  }
0x17: {  	s18 =	sand.u32 $0x3, s3;
	[sflag:s17] =	ssyncset.done @!p0 $0x0  }
0x18: {  	s20 =	sadd.s32 $0xFFFFFFFB, s9;
	s19 =	smul.u32 $0x140, s18;
	[sflag:s17] =	ssyncadd.s32 @!p0 $0xFFFFEC00  }
0x19: {  	s21 =	sshll.u32 s18, $0x1;
	s18 =	smul.u32 $0xA000, s18;
	_ =	swait.ge @!p0 [sflag:s17], $0x1400  }
0x1a: {  	s21 =	sor.u32 $0x1, s21;
	s19 =	sshrl.u32 s19, $0x2;
	[sflag:s17] =	ssyncset.done @!p0 $0x0  }
0x1b: {  	s23 =	smul.u32 $0xA0, s21;
	s28 =	sshrl.u32 s18, $0x2;
	[sflag:s17] =	ssyncadd.s32 @!p0 $0xFFFFEC00  }
0x1c: {  	[tilespmem:s19], [sflag:$0x1] =	stream.linear.gather [hbm4b:s20+s3], $0x28, $0x38;
	[tilespmem:$0x1D9C0] =	vst v63  }
0x1d: {  	s29 =	sadd.s32 $0xFFFFFD80, s8;
	s30 =	smul.u32 $0x5000, s21;
	s22 =	sor.u32 $0x140, s28  }
0x1e: {  	[tilespmem:s22], [sflag:$0x2] =	stream.linear.gather [hbm4b:s29+s3], $0x1400, $0x38;
	[tilespmem:$0x1D9C0] =	vst v63  }
0x1f: {  	s21 =	sshrl.u32 s23, $0x2;
	s31 =	sshrl.u32 s30, $0x2  }
0x20: {  	[tilespmem:s21], [sflag:$0x1] =	stream.linear.gather [hbm4b:s9+s3], $0x28, $0x38;
	[tilespmem:$0x1D9C0] =	vst v63  }
0x21: {  	s23 =	sor.u32 $0x140, s31  }
0x22: {  	[tilespmem:s23], [sflag:$0x2] =	stream.linear.gather [hbm4b:s8+s3], $0x1400, $0x38;
	[tilespmem:$0x1D9C0] =	vst v63  }
0x23: {  	_ =	swait.ge [sflag:s12], $0x28  }
0x24: {  	[sflag:s12] =	ssyncset.done $0x0  }
0x25: {  	[sflag:s12] =	ssyncadd.s32 $0xFFFFFFD8  }
0x26: {  	_ =	swait.ge [sflag:s13], $0x1400  }
0x27: {  	[sflag:s13] =	ssyncset.done $0x0  }
0x28: {  	[sflag:s13] =	ssyncadd.s32 $0xFFFFEC00  }
0x29: {  	_ =	swait.ge [sflag:s12], $0x28  }
0x2a: {  	[sflag:s12] =	ssyncset.done $0x0  }
0x2b: {  	[sflag:s12] =	ssyncadd.s32 $0xFFFFFFD8  }
0x2c: {  	s24 =	simm.s32 $0x1;
	_ =	swait.ge [sflag:s13], $0x1400  }
0x2d: {  	p1 =	por $0x1, $0x1;
	s18 =	sadd.s32 $0xA, s9;
	[sflag:s13] =	ssyncset.done $0x0  }
0x2e: {  	s17 =	sadd.s32 $0x500, s8;
	s20 =	simm.s32 $0x2;
	[sflag:s13] =	ssyncadd.s32 $0xFFFFEC00  }
.LBB2_2:
0x2f: {  	[spmem:s2] =	stream.indirect.scatter.add.f32 [tilespmem:s22], [sflag:$0x3], $0x80, s19, s14, $0xb8;
	[tilespmem:$0x1D9C0] =	vst v63  }
0x30: {  	s22 =	simm.s32 @!p1 $0x3;
	s25 =	smov.u32 s20;
	s20 =	sadd.s32 $0x1, s20  }
0x31: {  	[spmem:s2] =	stream.indirect.scatter.add.f32 [tilespmem:s23], [sflag:$0x3], $0x80, s21, s14, $0xb8;
	[tilespmem:$0x1D9C0] =	vst v63  }
0x32: {  	p0 =	sne.s32 s20, $0x7D;
	s23 =	sadd.s32 $0xFFFFFD80, s17;
	_ =	swait.ge @!p1 [sflag:s22], $0x1400  }
0x33: {  	s19 =	sand.u32 $0x3, s24;
	s21 =	sadd.s32 $0xFFFFFFFB, s18;
	[sflag:s22] =	ssyncset.done @!p1 $0x0  }
0x34: {  	s24 =	sshll.u32 s19, $0x1;
	s26 =	smul.u32 $0x140, s19;
	[sflag:s22] =	ssyncadd.s32 @!p1 $0xFFFFEC00  }
0x35: {  	s28 =	smul.u32 $0xA000, s19;
	s24 =	sor.u32 $0x1, s24;
	_ =	swait.ge @!p1 [sflag:s22], $0x1400  }
0x36: {  	s19 =	sshrl.u32 s26, $0x2;
	s26 =	smul.u32 $0xA0, s24;
	[sflag:s22] =	ssyncset.done @!p1 $0x0  }
0x37: {  	s24 =	smul.u32 $0x5000, s24;
	[sflag:s22] =	ssyncadd.s32 @!p1 $0xFFFFEC00;
	s22 =	sshrl.u32 s28, $0x2  }
0x38: {  	[tilespmem:s19], [sflag:$0x1] =	stream.linear.gather [hbm4b:s21+s3], $0x28, $0x38;
	[tilespmem:$0x1D9C0] =	vst v63  }
0x39: {  	s24 =	sshrl.u32 s24, $0x2;
	s22 =	sor.u32 $0x140, s22;
	s21 =	sshrl.u32 s26, $0x2  }
0x3a: {  	[tilespmem:s22], [sflag:$0x2] =	stream.linear.gather [hbm4b:s23+s3], $0x1400, $0x38;
	[tilespmem:$0x1D9C0] =	vst v63  }
0x3b: {  	s23 =	sor.u32 $0x140, s24;
	s24 =	smov.u32 s25  }
0x3c: {  	[tilespmem:s21], [sflag:$0x1] =	stream.linear.gather [hbm4b:s18+s3], $0x28, $0x38;
	[tilespmem:$0x1D9C0] =	vst v63  }
0x3d: {  	_ = 	snop  }
0x3e: {  	[tilespmem:s23], [sflag:$0x2] =	stream.linear.gather [hbm4b:s17+s3], $0x1400, $0x38;
	[tilespmem:$0x1D9C0] =	vst v63  }
0x3f: {  	_ =	swait.ge [sflag:s12], $0x28  }
0x40: {  	[sflag:s12] =	ssyncset.done $0x0  }
0x41: {  	[sflag:s12] =	ssyncadd.s32 $0xFFFFFFD8  }
0x42: {  	_ =	swait.ge [sflag:s13], $0x1400  }
0x43: {  	[sflag:s13] =	ssyncset.done $0x0  }
0x44: {  	[sflag:s13] =	ssyncadd.s32 $0xFFFFEC00  }
0x45: {  	_ =	swait.ge [sflag:s12], $0x28  }
.Ltmp0:
0x46: {  	[sflag:s12] =	ssyncset.done $0x0;
	(pc) =	sbr.rel @p0 .LBB2_2-.Ltmp0, $4  }
0x47: {  	[sflag:s12] =	ssyncadd.s32 $0xFFFFFFD8  }
0x48: {  	_ =	swait.ge [sflag:s13], $0x1400  }
0x49: {  	p1 =	slt.u32 s24, $0x4;
	[sflag:s13] =	ssyncset.done $0x0  }
0x4a: {  	s18 =	sadd.s32 $0xA, s18;
	s17 =	sadd.s32 $0x500, s17;
	[sflag:s13] =	ssyncadd.s32 $0xFFFFEC00  }
0x4b: {  	[spmem:s2] =	stream.indirect.scatter.add.f32 [tilespmem:s22], [sflag:$0x3], $0x80, s19, s14, $0xb8;
	[tilespmem:$0x1D9C0] =	vst v63  }
0x4c: {  	s19 =	simm.s32 @!p1 $0x3  }
0x4d: {  	[spmem:s2] =	stream.indirect.scatter.add.f32 [tilespmem:s23], [sflag:$0x3], $0x80, s21, s14, $0xb8;
	[tilespmem:$0x1D9C0] =	vst v63  }
0x4e: {  	_ =	swait.ge @!p1 [sflag:s19], $0x1400  }
0x4f: {  	s20 =	sand.u32 $0x3, s24;
	[sflag:s19] =	ssyncset.done @!p1 $0x0  }
0x50: {  	s30 =	sadd.s32 $0xFFFFFFFB, s18;
	s31 =	smul.u32 $0x140, s20;
	[sflag:s19] =	ssyncadd.s32 @!p1 $0xFFFFEC00  }
0x51: {  	s24 =	sshll.u32 s20, $0x1;
	s20 =	smul.u32 $0xA000, s20;
	_ =	swait.ge @!p1 [sflag:s19], $0x1400  }
0x52: {  	s23 =	sor.u32 $0x1, s24;
	s22 =	sshrl.u32 s31, $0x2;
	[sflag:s19] =	ssyncset.done @!p1 $0x0  }
0x53: {  	s25 =	smul.u32 $0xA0, s23;
	s26 =	sshrl.u32 s20, $0x2;
	[sflag:s19] =	ssyncadd.s32 @!p1 $0xFFFFEC00  }
0x54: {  	[tilespmem:s22], [sflag:$0x1] =	stream.linear.gather [hbm4b:s30+s3], $0x28, $0x38;
	[tilespmem:$0x1D9C0] =	vst v63  }
0x55: {  	s28 =	sadd.s32 $0xFFFFFD80, s17;
	s29 =	smul.u32 $0x5000, s23;
	s19 =	sor.u32 $0x140, s26  }
0x56: {  	[tilespmem:s19], [sflag:$0x2] =	stream.linear.gather [hbm4b:s28+s3], $0x1400, $0x38;
	[tilespmem:$0x1D9C0] =	vst v63  }
0x57: {  	s21 =	sshrl.u32 s29, $0x2;
	s30 =	sshrl.u32 s25, $0x2  }
0x58: {  	[tilespmem:s30], [sflag:$0x1] =	stream.linear.gather [hbm4b:s18+s3], $0x28, $0x38;
	[tilespmem:$0x1D9C0] =	vst v63  }
0x59: {  	s31 =	sor.u32 $0x140, s21  }
0x5a: {  	[tilespmem:s31], [sflag:$0x2] =	stream.linear.gather [hbm4b:s17+s3], $0x1400, $0x38;
	[tilespmem:$0x1D9C0] =	vst v63  }
0x5b: {  	_ =	swait.ge [sflag:s12], $0x28  }
0x5c: {  	[sflag:s12] =	ssyncset.done $0x0  }
0x5d: {  	[sflag:s12] =	ssyncadd.s32 $0xFFFFFFD8  }
0x5e: {  	_ =	swait.ge [sflag:s13], $0x1400  }
0x5f: {  	[sflag:s13] =	ssyncset.done $0x0  }
0x60: {  	[sflag:s13] =	ssyncadd.s32 $0xFFFFEC00  }
0x61: {  	_ =	swait.ge [sflag:s12], $0x28  }
0x62: {  	[sflag:s12] =	ssyncset.done $0x0  }
0x63: {  	[sflag:s12] =	ssyncadd.s32 $0xFFFFFFD8  }
0x64: {  	_ =	swait.ge [sflag:s13], $0x1400  }
0x65: {  	[sflag:s13] =	ssyncset.done $0x0  }
0x66: {  	[sflag:s13] =	ssyncadd.s32 $0xFFFFEC00  }
0x67: {  	[spmem:s2] =	stream.indirect.scatter.add.f32 [tilespmem:s19], [sflag:$0x3], $0x80, s22, s14, $0xb8;
	[tilespmem:$0x1D9C0] =	vst v63  }
0x68: {  	_ = 	snop  }
0x69: {  	[spmem:s2] =	stream.indirect.scatter.add.f32 [tilespmem:s31], [sflag:$0x3], $0x80, s30, s14, $0xb8;
	[tilespmem:$0x1D9C0] =	vst v63  }
0x6a: {  	_ =	swait.ge [sflag:s15], $0x1400  }
0x6b: {  	[sflag:s15] =	ssyncset.done $0x0  }
0x6c: {  	[sflag:s15] =	ssyncadd.s32 $0xFFFFEC00  }
0x6d: {  	_ =	swait.ge [sflag:s15], $0x1400  }
0x6e: {  	[sflag:s15] =	ssyncset.done $0x0  }
0x6f: {  	[sflag:s15] =	ssyncadd.s32 $0xFFFFEC00  }
0x70: {  	_ =	swait.ge [sflag:s15], $0x1400  }
0x71: {  	[sflag:s15] =	ssyncset.done $0x0  }
0x72: {  	[sflag:s15] =	ssyncadd.s32 $0xFFFFEC00  }
0x73: {  	_ =	swait.ge [sflag:s15], $0x1400  }
0x74: {  	[sflag:s15] =	ssyncset.done $0x0  }
0x75: {  	[sflag:s15] =	ssyncadd.s32 $0xFFFFEC00  }
0x76: {  	_ =	swait.ge [sflag:s15], $0x1400  }
0x77: {  	[sflag:s15] =	ssyncset.done $0x0  }
0x78: {  	[sflag:s15] =	ssyncadd.s32 $0xFFFFEC00  }
0x79: {  	_ =	swait.ge [sflag:s15], $0x1400  }
0x7a: {  	[sflag:s15] =	ssyncset.done $0x0  }
0x7b: {  	[sflag:s15] =	ssyncadd.s32 $0xFFFFEC00  }
0x7c: {  	_ =	swait.ge [sflag:s15], $0x1400  }
0x7d: {  	[sflag:s15] =	ssyncset.done $0x0  }
0x7e: {  	[sflag:s15] =	ssyncadd.s32 $0xFFFFEC00  }
0x7f: {  	_ =	swait.ge [sflag:s15], $0x1400  }
0x80: {  	s16 =	sadd.s32 $0x1, s16;
	[sflag:s15] =	ssyncset.done $0x0  }
0x81: {  	p0 =	sne.s32 s16, s7;
	[sflag:s15] =	ssyncadd.s32 $0xFFFFEC00  }
.Ltmp1:
0x82: {  	[bflag:$0x0] =	sbarrier.arrive $0xFFFF;
	(pc) =	sbr.rel @p0 .LBB2_1-.Ltmp1, $4  }
0x83: {  	[hbm:s6], [sflag:s5] =	dma.local [spmem:s10], $0x2710  }
0x84: {  	_ =	swait.ge [sflag:s11], $0x2710  }
0x85: {  	[sflag:s11] =	ssyncset.done $0x0  }
0x86: {  	[sflag:s11] =	ssyncadd.s32 $0xFFFFD8F0  }
0x87: {  	_ =	sfence.sel $0x180000  }
0x88: {  	[bflag:$0x0] =	sbarrier.arrive $0xFFFF  }
0x89: {  	p0 =	sne.s32 s1, $0x0;
	_ =	strace $0x9000004D  }
0x8a: {  	s0 =	sadd.s32 @!p0 $0x100000, s0;
	[bflag:$0x2] =	sbarrier.arrive $0xFFFF  }
0x8b: {  	[sflag:s0] =	ssyncadd.tile.s32 @!p0 $0x1;
	_ =	shalt  }
.Lfunc_end2:
_tile_overlayer_lowered:
.L_overlay_start_2:
0x8c: {  	(tag) =	ssettag $0x2  }
0x8d: {  	s0 =	rddreg [dreg:$0x0];
	s2 =	stileid.u32  }
0x8e: {  	s1 =	rddreg [dreg:$0x1];
	p0 =	sne.s32 s2, $0x0  }
0x8f: {  	s3 =	rddreg [dreg:$0x2];
	[bflag:$0x3] =	sbarrier.arrive $0xFFFF;
	s2 =	simm.s32 @!p0 $0x1C04  }
0x90: {  	[timem:s3], [sflag:s2] =	dma.local @!p0 [hbm:s0], s1  }
0x91: {  	s0 =	simm.s32 @!p0 $0x4  }
0x92: {  	_ =	swait.ge @!p0 [sflag:s0], s1  }
0x93: {  	s1 =	ssub.s32 @!p0 $0x0, s1;
	[sflag:s0] =	ssyncset.done @!p0 $0x0  }
0x94: {  	[sflag:s0] =	ssyncadd.s32 @!p0 s1  }
0x95: {  	[bflag:$0x3] =	sbarrier.arrive $0xFFFF  }
0x96: {  	_ =	shalt  }

</sc_bundles>
